<compile_context>
chip_gen: v7x
topology: tpu7x:2x2x1
jax: 0.10.2.dev20260603
libtpu: 0.0.44.dev20260713+nightly
codegen_flags: <defaults>
</compile_context>

<pallas_src>
import functools

import jax
import jax.numpy as jnp
from jax import lax
from jax.experimental import pallas as pl
from jax.experimental.pallas import tpu as pltpu
from jax.experimental.pallas import tpu_sc as plsc

O = 10000
T = 160000
D = 384
H = 384

NC = 2
NS = 16
NW = NC * NS

C = 128
GC = 64
GPW = T // NW
GCH = GPW // GC
GTL = GPW - GCH * GC
TPC = T // NC
SPT = TPC // NS
SCH = SPT // C
STL = SPT - SCH * C
PW = 128
NP = H // PW
CPT = 624


def _proj_table(obj, W1r):
    nO = 10
    bO = O // nO

    def body(w_ref, x_ref, o_ref):
        o_ref[...] = jnp.dot(x_ref[...], w_ref[0],
                             preferred_element_type=jnp.float32)

    return pl.pallas_call(
        body,
        grid=(2, nO),
        in_specs=[
            pl.BlockSpec((1, D, H), lambda g, j: (2 * g, 0, 0)),
            pl.BlockSpec((bO, D), lambda g, j: (j, 0)),
        ],
        out_specs=pl.BlockSpec((bO, H), lambda g, j: (g * nO + j, 0)),
        out_shape=jax.ShapeDtypeStruct((2 * O, H), jnp.float32),
    )(W1r, obj)


def _sc_gather(table, idx_main, idx_tail):
    mesh = plsc.VectorSubcoreMesh(core_axis_name="c", subcore_axis_name="s")

    @functools.partial(
        pl.kernel,
        mesh=mesh,
        out_type=(
            jax.ShapeDtypeStruct((T, H), jnp.float32),
            jax.ShapeDtypeStruct((T, H), jnp.float32),
        ),
        scratch_types=[
            pltpu.VMEM((GCH, GC), jnp.int32),
            pltpu.VMEM((GCH, GC), jnp.int32),
            pltpu.VMEM((2, GTL), jnp.int32),
            pltpu.VMEM((2, GC, H), jnp.float32),
            pltpu.VMEM((2, GC, H), jnp.float32),
            [pltpu.SemaphoreType.DMA] * 4,
            [pltpu.SemaphoreType.DMA] * 4,
        ],
    )
    def k(table_hbm, idxm_hbm, idxt_hbm, outA_hbm, outC_hbm,
          idx_va, idx_vc, idx_vt, rows_a, rows_c, sem_r, sem_w):
        wid = lax.axis_index("s") * NC + lax.axis_index("c")
        base = wid * GPW
        pltpu.sync_copy(idxm_hbm.at[0, wid], idx_va)
        pltpu.sync_copy(idxm_hbm.at[1, wid], idx_vc)
        pltpu.sync_copy(idxt_hbm.at[0, wid], idx_vt.at[0])
        pltpu.sync_copy(idxt_hbm.at[1, wid], idx_vt.at[1])

        slots = ((idx_va, rows_a, outA_hbm, 0), (idx_vc, rows_c, outC_hbm, 1))

        for b in range(2):
            for idx_v, rows, _, t in slots:
                pltpu.async_copy(table_hbm.at[idx_v.at[b]], rows.at[b],
                                 sem_r[2 * b + t])

        def body(kk, carry):
            for b in range(2):
                j = 2 * kk + b
                for idx_v, rows, out_hbm, t in slots:
                    pltpu.make_async_copy(table_hbm.at[idx_v.at[j]],
                                          rows.at[b], sem_r[2 * b + t]).wait()
                    pltpu.async_copy(rows.at[b],
                                     out_hbm.at[pl.ds(base + j * GC, GC)],
                                     sem_w[2 * b + t])
            for b in range(2):
                j2 = 2 * kk + b + 2
                for idx_v, rows, out_hbm, t in slots:
                    pltpu.make_async_copy(
                        rows.at[b],
                        out_hbm.at[pl.ds(base + (j2 - 2) * GC, GC)],
                        sem_w[2 * b + t]).wait()

                    @pl.when(j2 < GCH)
                    def _():
                        pltpu.async_copy(table_hbm.at[idx_v.at[j2]],
                                         rows.at[b], sem_r[2 * b + t])
            return carry

        lax.fori_loop(0, GCH // 2, body, 0)

        cp_a = pltpu.async_copy(table_hbm.at[idx_vt.at[0]],
                                rows_a.at[0, pl.ds(0, GTL)], sem_r[0])
        cp_c = pltpu.async_copy(table_hbm.at[idx_vt.at[1]],
                                rows_c.at[0, pl.ds(0, GTL)], sem_r[1])
        cp_a.wait()
        pltpu.sync_copy(rows_a.at[0, pl.ds(0, GTL)],
                        outA_hbm.at[pl.ds(base + GCH * GC, GTL)])
        cp_c.wait()
        pltpu.sync_copy(rows_c.at[0, pl.ds(0, GTL)],
                        outC_hbm.at[pl.ds(base + GCH * GC, GTL)])

    return k(table, idx_main, idx_tail)


def _edge_mlp(gA, gC, pred, W1b, b1r, W2, b2r):
    tile = 640
    n = T // tile

    def body(ga, gc, pr, w1, b1_, w2, b2_, os_, op_, oo_):
        h = ga[...] + gc[...] + b1_[...]
        h = h + jnp.dot(pr[...].astype(jnp.bfloat16), w1[...],
                        preferred_element_type=jnp.float32)
        h = jnp.maximum(h, 0.0)
        nt = jnp.dot(h.astype(jnp.bfloat16), w2[...],
                     preferred_element_type=jnp.float32) + b2_[...]
        nt = jnp.maximum(nt, 0.0)
        os_[...] = nt[:, :H]
        op_[...] = nt[:, H:H + D]
        oo_[...] = nt[:, H + D:]

    edge_spec = pl.BlockSpec((tile, D), lambda j: (j, 0))
    return pl.pallas_call(
        body,
        grid=(n,),
        in_specs=[
            edge_spec, edge_spec, edge_spec,
            pl.BlockSpec((D, H), lambda j: (0, 0)),
            pl.BlockSpec((1, H), lambda j: (0, 0)),
            pl.BlockSpec((H, 2 * H + D), lambda j: (0, 0)),
            pl.BlockSpec((1, 2 * H + D), lambda j: (0, 0)),
        ],
        out_specs=[edge_spec, edge_spec, edge_spec],
        out_shape=[
            jax.ShapeDtypeStruct((T, H), jnp.float32),
            jax.ShapeDtypeStruct((T, D), jnp.float32),
            jax.ShapeDtypeStruct((T, H), jnp.float32),
        ],
        compiler_params=pltpu.CompilerParams(
            dimension_semantics=("arbitrary",)),
    )(gA, gC, pred, W1b, b1r, W2, b2r)


def _sc_scatter_add(new_s, new_o, idx_main, idx_tail):
    mesh = plsc.VectorSubcoreMesh(core_axis_name="c", subcore_axis_name="s")

    @functools.partial(
        pl.kernel,
        mesh=mesh,
        out_type=jax.ShapeDtypeStruct((NC, O, H), jnp.float32),
        scratch_types=[
            pltpu.VMEM((2, SCH, C), jnp.int32),
            pltpu.VMEM((2, STL), jnp.int32),
            pltpu.VMEM((2, C, PW), jnp.float32),
            pltpu.VMEM_SHARED((O, PW), jnp.float32),
            pltpu.SemaphoreType.DMA,
            pltpu.SemaphoreType.DMA,
        ],
    )
    def k(s_hbm, o_hbm, idxm_hbm, idxt_hbm, out_hbm,
          idx_v, idx_vt, rows_v, acc, semA, semB):
        c = lax.axis_index("c")
        s = lax.axis_index("s")
        base = c * TPC + s * SPT

        pltpu.sync_copy(idxm_hbm.at[0, c, s], idx_v.at[0])
        pltpu.sync_copy(idxm_hbm.at[1, c, s], idx_v.at[1])
        pltpu.sync_copy(idxt_hbm.at[0, c, s], idx_vt.at[0])
        pltpu.sync_copy(idxt_hbm.at[1, c, s], idx_vt.at[1])

        for p in range(NP):
            col = pl.ds(p * PW, PW)

            def zrow(r, carry):
                for kk in range(PW // 16):
                    rows_v[0, r, pl.ds(kk * 16, 16)] = jnp.zeros(
                        (16,), jnp.float32)
                return carry

            lax.fori_loop(0, C, zrow, 0)
            z0 = 0
            for zr in (C, C, C, C, CPT - 4 * C):
                pltpu.sync_copy(rows_v.at[0, pl.ds(0, zr)],
                                acc.at[pl.ds(s * CPT + z0, zr)])
                z0 += zr

            @pl.when(s == NS - 1)
            def _():
                pltpu.sync_copy(rows_v.at[0, pl.ds(0, O - NS * CPT)],
                                acc.at[pl.ds(NS * CPT, O - NS * CPT)])

            plsc.subcore_barrier()

            for si, src_hbm in ((0, s_hbm), (1, o_hbm)):
                def cds(j):
                    return (pl.ds(base + j * C, C), col)

                pltpu.async_copy(src_hbm.at[cds(0)], rows_v.at[0], semA)

                def body2(kk, carry):
                    j0 = 2 * kk
                    pltpu.async_copy(src_hbm.at[cds(j0 + 1)],
                                     rows_v.at[1], semB)
                    pltpu.make_async_copy(src_hbm.at[cds(j0)],
                                          rows_v.at[0], semA).wait()
                    pltpu.sync_copy(rows_v.at[0],
                                    acc.at[idx_v.at[si, j0]], add=True)
                    pltpu.async_copy(src_hbm.at[cds(j0 + 2)],
                                     rows_v.at[0], semA)
                    pltpu.make_async_copy(src_hbm.at[cds(j0 + 1)],
                                          rows_v.at[1], semB).wait()
                    pltpu.sync_copy(rows_v.at[1],
                                    acc.at[idx_v.at[si, j0 + 1]], add=True)
                    return carry

                lax.fori_loop(0, SCH // 2, body2, 0)
                pltpu.make_async_copy(src_hbm.at[cds(SCH - 1)],
                                      rows_v.at[0], semA).wait()
                pltpu.sync_copy(rows_v.at[0],
                                acc.at[idx_v.at[si, SCH - 1]], add=True)
                pltpu.sync_copy(
                    src_hbm.at[pl.ds(base + SCH * C, STL), col],
                    rows_v.at[0, pl.ds(0, STL)])
                pltpu.sync_copy(rows_v.at[0, pl.ds(0, STL)],
                                acc.at[idx_vt.at[si]], add=True)

            plsc.subcore_barrier()

            pltpu.sync_copy(acc.at[pl.ds(s * CPT, CPT)],
                            out_hbm.at[c, pl.ds(s * CPT, CPT), col])

            @pl.when(s == NS - 1)
            def _():
                pltpu.sync_copy(
                    acc.at[pl.ds(NS * CPT, O - NS * CPT)],
                    out_hbm.at[c, pl.ds(NS * CPT, O - NS * CPT), col])

            plsc.subcore_barrier()

    return k(new_s, new_o, idx_main, idx_tail)


def _gconv2(partial, W3, b3r, W4, b4r):
    n = 25
    b = O // n

    def body(x_ref, w3, b3_, w4, b4_, o_ref, acc_ref):
        ph = pl.program_id(0)

        @pl.when((ph == 0) & (pl.program_id(1) == 0))
        def _():
            acc_ref[0] = 0.0

        @pl.when(ph == 0)
        def _():
            x = x_ref[0] + x_ref[1]
            acc_ref[0] += jnp.sum(x * x)

        @pl.when(ph == 1)
        def _():
            inv = lax.rsqrt(acc_ref[0])
            x = (x_ref[0] + x_ref[1]) * inv
            h = jnp.dot(x, w3[...],
                        preferred_element_type=jnp.float32) + b3_[...]
            h = jnp.maximum(h, 0.0)
            o = jnp.dot(h, w4[...],
                        preferred_element_type=jnp.float32) + b4_[...]
            o_ref[...] = jnp.maximum(o, 0.0)

    return pl.pallas_call(
        body,
        grid=(2, n),
        in_specs=[
            pl.BlockSpec((NC, b, H), lambda p, j: (0, j, 0)),
            pl.BlockSpec((H, H), lambda p, j: (0, 0)),
            pl.BlockSpec((1, H), lambda p, j: (0, 0)),
            pl.BlockSpec((H, D), lambda p, j: (0, 0)),
            pl.BlockSpec((1, D), lambda p, j: (0, 0)),
        ],
        out_specs=pl.BlockSpec((b, D), lambda p, j: (j, 0)),
        out_shape=jax.ShapeDtypeStruct((O, D), jnp.float32),
        scratch_shapes=[pltpu.SMEM((1,), jnp.float32)],
        compiler_params=pltpu.CompilerParams(
            dimension_semantics=("arbitrary", "arbitrary")),
    )(partial, W3, b3r, W4, b4r)


def kernel(obj_vecs, pred_vecs, edges, W1, b1, W2, b2, W3, b3, W4, b4):
    obj = obj_vecs[0]
    pred = pred_vecs[0]
    s_idx = edges[0, :, 0].astype(jnp.int32)
    o_idx = edges[0, :, 1].astype(jnp.int32)

    W1r = W1.reshape(3, D, H)

    table = _proj_table(obj, W1r)

    idx_g = jnp.stack([s_idx, o_idx + O]).reshape(2, NW, GPW)
    idx_gm = idx_g[:, :, :GCH * GC].reshape(2, NW, GCH, GC)
    idx_gt = idx_g[:, :, GCH * GC:]
    gA, gC = _sc_gather(table, idx_gm, idx_gt)

    new_s, new_pred, new_o = _edge_mlp(
        gA, gC, pred, W1r[1].astype(jnp.bfloat16), b1.reshape(1, H),
        W2.astype(jnp.bfloat16), b2.reshape(1, 2 * H + D))

    idx_sc = jnp.stack([s_idx, o_idx]).reshape(2, NC, NS, SPT)
    idx_sm = idx_sc[..., :SCH * C].reshape(2, NC, NS, SCH, C)
    idx_st = idx_sc[..., SCH * C:]
    partial = _sc_scatter_add(new_s, new_o, idx_sm, idx_st)

    new_obj = _gconv2(partial, W3, b3.reshape(1, H), W4, b4.reshape(1, D))

    return new_obj[None], new_pred[None]

# --- scband reference (transcript-rebuilt; emitter-appended) ---
"""Pipeline reference for scband-gconv-29317446763192 (READ-ONLY COPY).

The authoritative reference and input builder live on the scoring server;
editing this copy changes nothing except your own understanding.
"""

import jax, jax.numpy as jnp
import numpy as np

B, O, T, D, H = 1, 10000, 160000, 384, 384


def setup_inputs(seed: int = 0) -> dict:
    key = jax.random.key(seed)
    ks = jax.random.split(key, 12)
    obj_vecs = jax.random.normal(ks[0], (B, O, D), dtype=jnp.float32)
    pred_vecs = jax.random.normal(ks[1], (B, T, D), dtype=jnp.float32)
    edges = jax.random.randint(ks[2], (B, T, 2), 0, O)
    # gconv1: Linear(3D -> H), ReLU, Linear(H -> 2H + Dout), ReLU  (Dout = D = 384)
    W1 = jax.random.normal(ks[3], (3 * D, H), dtype=jnp.float32) * np.sqrt(2.0 / (3 * D))
    b1 = jnp.zeros((H,), dtype=jnp.float32)
    W2 = jax.random.normal(ks[4], (H, 2 * H + D), dtype=jnp.float32) * np.sqrt(2.0 / H)
    b2 = jnp.zeros((2 * H + D,), dtype=jnp.float32)
    # gconv2: Linear(H -> H), ReLU, Linear(H -> Dout), ReLU
    W3 = jax.random.normal(ks[5], (H, H), dtype=jnp.float32) * np.sqrt(2.0 / H)
    b3 = jnp.zeros((H,), dtype=jnp.float32)
    W4 = jax.random.normal(ks[6], (H, D), dtype=jnp.float32) * np.sqrt(2.0 / H)
    b4 = jnp.zeros((D,), dtype=jnp.float32)
    return {"obj_vecs": obj_vecs, "pred_vecs": pred_vecs, "edges": edges,
            "W1": W1, "b1": b1, "W2": W2, "b2": b2,
            "W3": W3, "b3": b3, "W4": W4, "b4": b4}


def reference(obj_vecs, pred_vecs, edges, W1, b1, W2, b2, W3, b3, W4, b4):
    Bv, Ov, Dv = obj_vecs.shape
    Tv = edges.shape[1]
    Hv = W1.shape[1]
    Dout = Dv
    s_idx = edges[:, :, 0]
    o_idx = edges[:, :, 1]
    # gather subject/object vectors: (B, T, D)
    s_idx_exp = jnp.broadcast_to(s_idx[:, :, None], (Bv, Tv, Dv))
    o_idx_exp = jnp.broadcast_to(o_idx[:, :, None], (Bv, Tv, Dv))
    subj = jnp.take_along_axis(obj_vecs, s_idx_exp, axis=1)
    objv = jnp.take_along_axis(obj_vecs, o_idx_exp, axis=1)
    triple = jnp.concatenate([subj, pred_vecs, objv], axis=-1)
    # gconv1 MLP (ReLU after every layer incl. final)
    h = jax.nn.relu(triple @ W1 + b1)
    new_triple = jax.nn.relu(h @ W2 + b2)
    new_s = new_triple[:, :, :Hv]
    new_pred = new_triple[:, :, Hv:Hv + Dout]
    new_o = new_triple[:, :, Hv + Dout:]
    # aggregate: scatter-add into object slots
    b_idx = jnp.arange(Bv)[:, None]
    pooled = jnp.zeros((Bv, Ov, Hv), dtype=new_s.dtype)
    pooled = pooled.at[b_idx, s_idx].add(new_s)
    pooled = pooled.at[b_idx, o_idx].add(new_o)
    pooled = pooled / jnp.linalg.norm(pooled)
    # gconv2 MLP
    h2 = jax.nn.relu(pooled @ W3 + b3)
    new_obj = jax.nn.relu(h2 @ W4 + b4)
    return (new_obj, new_pred)

if __name__ == "__main__":
    import jax
    _d = setup_inputs()
    print(jax.jit(kernel)(*tuple(_d.values())))

</pallas_src>

<mosaic_0001>
#map = affine_map<(d0, d1) -> (0, 0)>
#map1 = affine_map<(d0, d1) -> (0, 0, 0, 0)>
#map2 = affine_map<(d0, d1) -> (0, 0, 0)>
module attributes {stable_mosaic.version = 14 : i64} {
  func.func @k(%arg0: i32, %arg1: i32, %arg2: memref<20000x384xf32, #tpu.memory_space<hbm>>, %arg3: memref<2x32x78x64xi32, #tpu.memory_space<hbm>>, %arg4: memref<2x32x8xi32, #tpu.memory_space<hbm>>, %arg5: memref<160000x384xf32, #tpu.memory_space<hbm>>, %arg6: memref<160000x384xf32, #tpu.memory_space<hbm>>, %arg7: memref<78x64xi32, #tpu.memory_space<vmem>>, %arg8: memref<78x64xi32, #tpu.memory_space<vmem>>, %arg9: memref<2x8xi32, #tpu.memory_space<vmem>>, %arg10: memref<2x64x384xf32, #tpu.memory_space<vmem>>, %arg11: memref<2x64x384xf32, #tpu.memory_space<vmem>>, %arg12: memref<!tpu.dma_semaphore, #tpu.memory_space<semaphore_mem>>, %arg13: memref<!tpu.dma_semaphore, #tpu.memory_space<semaphore_mem>>, %arg14: memref<!tpu.dma_semaphore, #tpu.memory_space<semaphore_mem>>, %arg15: memref<!tpu.dma_semaphore, #tpu.memory_space<semaphore_mem>>, %arg16: memref<!tpu.dma_semaphore, #tpu.memory_space<semaphore_mem>>, %arg17: memref<!tpu.dma_semaphore, #tpu.memory_space<semaphore_mem>>, %arg18: memref<!tpu.dma_semaphore, #tpu.memory_space<semaphore_mem>>, %arg19: memref<!tpu.dma_semaphore, #tpu.memory_space<semaphore_mem>>) attributes {dimension_semantics = [#tpu.dimension_semantics<core_parallel>, #tpu.dimension_semantics<subcore_parallel>], iteration_bounds = array<i64: 2, 16>, scalar_prefetch = 0 : i64, scratch_operands = 13 : i64, tpu.core_type = #tpu.core_type<sc_vector_subcore>, window_params = [{transform_indices = #map}, {transform_indices = #map1}, {transform_indices = #map2}, {transform_indices = #map}, {transform_indices = #map}]} {
    %mul3A = arith.constant 2 : i32
    %mul3A_0 = arith.muli %arg1, %mul3A : i32
    %add3A = arith.addi %mul3A_0, %arg0 : i32
    %mul3A_1 = arith.constant 5000 : i32
    %mul3A_2 = arith.muli %add3A, %mul3A_1 : i32
    %run_scoped3A = arith.constant 0 : i32
    "tpu.region"() ({
      %run_scoped3A_113 = tpu.sem_alloc : memref<!tpu.dma_semaphore, #tpu.memory_space<semaphore_mem>>
      %dma_start3A_114 = arith.constant 0 : i32
      %dma_start3A_115 = arith.constant 0 : i32
      %dma_start3A_116 = tpu.memref_slice %arg3[%run_scoped3A, %add3A, %dma_start3A_114, %dma_start3A_115] : memref<2x32x78x64xi32, #tpu.memory_space<hbm>> -> memref<1x1x78x64xi32, #tpu.memory_space<hbm>>
      %dma_start3A_117 = tpu.memref_squeeze %dma_start3A_116 : memref<1x1x78x64xi32, #tpu.memory_space<hbm>> -> memref<78x64xi32, #tpu.memory_space<hbm>>
      %dma_start3A_118 = arith.constant 0 : i32
      %dma_start3A_119 = arith.constant 0 : i32
      %dma_start3A_120 = tpu.memref_slice %arg3[%run_scoped3A, %add3A, %dma_start3A_118, %dma_start3A_119] : memref<2x32x78x64xi32, #tpu.memory_space<hbm>> -> memref<1x1x78x64xi32, #tpu.memory_space<hbm>>
      %dma_start3A_121 = tpu.memref_squeeze %dma_start3A_120 : memref<1x1x78x64xi32, #tpu.memory_space<hbm>> -> memref<78x64xi32, #tpu.memory_space<hbm>>
      tpu.enqueue_dma source(%dma_start3A_121 : memref<78x64xi32, #tpu.memory_space<hbm>>) target(%arg7 : memref<78x64xi32, #tpu.memory_space<vmem>>) target_semaphore(%run_scoped3A_113 : memref<!tpu.dma_semaphore, #tpu.memory_space<semaphore_mem>>)
      %dma_wait3A_122 = arith.constant 0 : i32
      %dma_wait3A_123 = arith.constant 0 : i32
      %dma_wait3A_124 = tpu.memref_slice %arg3[%run_scoped3A, %add3A, %dma_wait3A_122, %dma_wait3A_123] : memref<2x32x78x64xi32, #tpu.memory_space<hbm>> -> memref<1x1x78x64xi32, #tpu.memory_space<hbm>>
      %dma_wait3A_125 = tpu.memref_squeeze %dma_wait3A_124 : memref<1x1x78x64xi32, #tpu.memory_space<hbm>> -> memref<78x64xi32, #tpu.memory_space<hbm>>
      %dma_wait3A_126 = arith.constant 0 : i32
      %dma_wait3A_127 = arith.constant 0 : i32
      %dma_wait3A_128 = tpu.memref_slice %arg3[%run_scoped3A, %add3A, %dma_wait3A_126, %dma_wait3A_127] : memref<2x32x78x64xi32, #tpu.memory_space<hbm>> -> memref<1x1x78x64xi32, #tpu.memory_space<hbm>>
      %dma_wait3A_129 = tpu.memref_squeeze %dma_wait3A_128 : memref<1x1x78x64xi32, #tpu.memory_space<hbm>> -> memref<78x64xi32, #tpu.memory_space<hbm>>
      tpu.wait_dma2 semaphore(%run_scoped3A_113 : memref<!tpu.dma_semaphore, #tpu.memory_space<semaphore_mem>>) src(%dma_wait3A_129 : memref<78x64xi32, #tpu.memory_space<hbm>>) dst(%arg7 : memref<78x64xi32, #tpu.memory_space<vmem>>)
      tpu.yield
    }) : () -> ()
    %run_scoped3A_3 = arith.constant 1 : i32
    "tpu.region"() ({
      %run_scoped3A_113 = tpu.sem_alloc : memref<!tpu.dma_semaphore, #tpu.memory_space<semaphore_mem>>
      %dma_start3A_114 = arith.constant 0 : i32
      %dma_start3A_115 = arith.constant 0 : i32
      %dma_start3A_116 = tpu.memref_slice %arg3[%run_scoped3A_3, %add3A, %dma_start3A_114, %dma_start3A_115] : memref<2x32x78x64xi32, #tpu.memory_space<hbm>> -> memref<1x1x78x64xi32, #tpu.memory_space<hbm>>
      %dma_start3A_117 = tpu.memref_squeeze %dma_start3A_116 : memref<1x1x78x64xi32, #tpu.memory_space<hbm>> -> memref<78x64xi32, #tpu.memory_space<hbm>>
      %dma_start3A_118 = arith.constant 0 : i32
      %dma_start3A_119 = arith.constant 0 : i32
      %dma_start3A_120 = tpu.memref_slice %arg3[%run_scoped3A_3, %add3A, %dma_start3A_118, %dma_start3A_119] : memref<2x32x78x64xi32, #tpu.memory_space<hbm>> -> memref<1x1x78x64xi32, #tpu.memory_space<hbm>>
      %dma_start3A_121 = tpu.memref_squeeze %dma_start3A_120 : memref<1x1x78x64xi32, #tpu.memory_space<hbm>> -> memref<78x64xi32, #tpu.memory_space<hbm>>
      tpu.enqueue_dma source(%dma_start3A_121 : memref<78x64xi32, #tpu.memory_space<hbm>>) target(%arg8 : memref<78x64xi32, #tpu.memory_space<vmem>>) target_semaphore(%run_scoped3A_113 : memref<!tpu.dma_semaphore, #tpu.memory_space<semaphore_mem>>)
      %dma_wait3A_122 = arith.constant 0 : i32
      %dma_wait3A_123 = arith.constant 0 : i32
      %dma_wait3A_124 = tpu.memref_slice %arg3[%run_scoped3A_3, %add3A, %dma_wait3A_122, %dma_wait3A_123] : memref<2x32x78x64xi32, #tpu.memory_space<hbm>> -> memref<1x1x78x64xi32, #tpu.memory_space<hbm>>
      %dma_wait3A_125 = tpu.memref_squeeze %dma_wait3A_124 : memref<1x1x78x64xi32, #tpu.memory_space<hbm>> -> memref<78x64xi32, #tpu.memory_space<hbm>>
      %dma_wait3A_126 = arith.constant 0 : i32
      %dma_wait3A_127 = arith.constant 0 : i32
      %dma_wait3A_128 = tpu.memref_slice %arg3[%run_scoped3A_3, %add3A, %dma_wait3A_126, %dma_wait3A_127] : memref<2x32x78x64xi32, #tpu.memory_space<hbm>> -> memref<1x1x78x64xi32, #tpu.memory_space<hbm>>
      %dma_wait3A_129 = tpu.memref_squeeze %dma_wait3A_128 : memref<1x1x78x64xi32, #tpu.memory_space<hbm>> -> memref<78x64xi32, #tpu.memory_space<hbm>>
      tpu.wait_dma2 semaphore(%run_scoped3A_113 : memref<!tpu.dma_semaphore, #tpu.memory_space<semaphore_mem>>) src(%dma_wait3A_129 : memref<78x64xi32, #tpu.memory_space<hbm>>) dst(%arg8 : memref<78x64xi32, #tpu.memory_space<vmem>>)
      tpu.yield
    }) : () -> ()
    %run_scoped3A_4 = arith.constant 0 : i32
    %run_scoped3A_5 = arith.constant 0 : i32
    "tpu.region"() ({
      %run_scoped3A_113 = tpu.sem_alloc : memref<!tpu.dma_semaphore, #tpu.memory_space<semaphore_mem>>
      %dma_start3A_114 = arith.constant 0 : i32
      %dma_start3A_115 = tpu.memref_slice %arg9[%run_scoped3A_5, %dma_start3A_114] : memref<2x8xi32, #tpu.memory_space<vmem>> -> memref<1x8xi32, #tpu.memory_space<vmem>>
      %dma_start3A_116 = tpu.memref_squeeze %dma_start3A_115 : memref<1x8xi32, #tpu.memory_space<vmem>> -> memref<8xi32, #tpu.memory_space<vmem>>
      %dma_start3A_117 = arith.constant 0 : i32
      %dma_start3A_118 = tpu.memref_slice %arg4[%run_scoped3A_4, %add3A, %dma_start3A_117] : memref<2x32x8xi32, #tpu.memory_space<hbm>> -> memref<1x1x8xi32, #tpu.memory_space<hbm>>
      %dma_start3A_119 = tpu.memref_squeeze %dma_start3A_118 : memref<1x1x8xi32, #tpu.memory_space<hbm>> -> memref<8xi32, #tpu.memory_space<hbm>>
      %dma_start3A_120 = arith.constant 0 : i32
      %dma_start3A_121 = tpu.memref_slice %arg9[%run_scoped3A_5, %dma_start3A_120] : memref<2x8xi32, #tpu.memory_space<vmem>> -> memref<1x8xi32, #tpu.memory_space<vmem>>
      %dma_start3A_122 = tpu.memref_squeeze %dma_start3A_121 : memref<1x8xi32, #tpu.memory_space<vmem>> -> memref<8xi32, #tpu.memory_space<vmem>>
      %dma_start3A_123 = arith.constant 0 : i32
      %dma_start3A_124 = tpu.memref_slice %arg4[%run_scoped3A_4, %add3A, %dma_start3A_123] : memref<2x32x8xi32, #tpu.memory_space<hbm>> -> memref<1x1x8xi32, #tpu.memory_space<hbm>>
      %dma_start3A_125 = tpu.memref_squeeze %dma_start3A_124 : memref<1x1x8xi32, #tpu.memory_space<hbm>> -> memref<8xi32, #tpu.memory_space<hbm>>
      tpu.enqueue_dma source(%dma_start3A_125 : memref<8xi32, #tpu.memory_space<hbm>>) target(%dma_start3A_122 : memref<8xi32, #tpu.memory_space<vmem>>) target_semaphore(%run_scoped3A_113 : memref<!tpu.dma_semaphore, #tpu.memory_space<semaphore_mem>>)
      %dma_wait3A_126 = arith.constant 0 : i32
      %dma_wait3A_127 = tpu.memref_slice %arg9[%run_scoped3A_5, %dma_wait3A_126] : memref<2x8xi32, #tpu.memory_space<vmem>> -> memref<1x8xi32, #tpu.memory_space<vmem>>
      %dma_wait3A_128 = tpu.memref_squeeze %dma_wait3A_127 : memref<1x8xi32, #tpu.memory_space<vmem>> -> memref<8xi32, #tpu.memory_space<vmem>>
      %dma_wait3A_129 = arith.constant 0 : i32
      %dma_wait3A_130 = tpu.memref_slice %arg4[%run_scoped3A_4, %add3A, %dma_wait3A_129] : memref<2x32x8xi32, #tpu.memory_space<hbm>> -> memref<1x1x8xi32, #tpu.memory_space<hbm>>
      %dma_wait3A_131 = tpu.memref_squeeze %dma_wait3A_130 : memref<1x1x8xi32, #tpu.memory_space<hbm>> -> memref<8xi32, #tpu.memory_space<hbm>>
      %dma_wait3A_132 = arith.constant 0 : i32
      %dma_wait3A_133 = tpu.memref_slice %arg9[%run_scoped3A_5, %dma_wait3A_132] : memref<2x8xi32, #tpu.memory_space<vmem>> -> memref<1x8xi32, #tpu.memory_space<vmem>>
      %dma_wait3A_134 = tpu.memref_squeeze %dma_wait3A_133 : memref<1x8xi32, #tpu.memory_space<vmem>> -> memref<8xi32, #tpu.memory_space<vmem>>
      %dma_wait3A_135 = arith.constant 0 : i32
      %dma_wait3A_136 = tpu.memref_slice %arg4[%run_scoped3A_4, %add3A, %dma_wait3A_135] : memref<2x32x8xi32, #tpu.memory_space<hbm>> -> memref<1x1x8xi32, #tpu.memory_space<hbm>>
      %dma_wait3A_137 = tpu.memref_squeeze %dma_wait3A_136 : memref<1x1x8xi32, #tpu.memory_space<hbm>> -> memref<8xi32, #tpu.memory_space<hbm>>
      tpu.wait_dma2 semaphore(%run_scoped3A_113 : memref<!tpu.dma_semaphore, #tpu.memory_space<semaphore_mem>>) src(%dma_wait3A_137 : memref<8xi32, #tpu.memory_space<hbm>>) dst(%dma_wait3A_134 : memref<8xi32, #tpu.memory_space<vmem>>)
      tpu.yield
    }) : () -> ()
    %run_scoped3A_6 = arith.constant 1 : i32
    %run_scoped3A_7 = arith.constant 1 : i32
    "tpu.region"() ({
      %run_scoped3A_113 = tpu.sem_alloc : memref<!tpu.dma_semaphore, #tpu.memory_space<semaphore_mem>>
      %dma_start3A_114 = arith.constant 0 : i32
      %dma_start3A_115 = tpu.memref_slice %arg9[%run_scoped3A_7, %dma_start3A_114] : memref<2x8xi32, #tpu.memory_space<vmem>> -> memref<1x8xi32, #tpu.memory_space<vmem>>
      %dma_start3A_116 = tpu.memref_squeeze %dma_start3A_115 : memref<1x8xi32, #tpu.memory_space<vmem>> -> memref<8xi32, #tpu.memory_space<vmem>>
      %dma_start3A_117 = arith.constant 0 : i32
      %dma_start3A_118 = tpu.memref_slice %arg4[%run_scoped3A_6, %add3A, %dma_start3A_117] : memref<2x32x8xi32, #tpu.memory_space<hbm>> -> memref<1x1x8xi32, #tpu.memory_space<hbm>>
      %dma_start3A_119 = tpu.memref_squeeze %dma_start3A_118 : memref<1x1x8xi32, #tpu.memory_space<hbm>> -> memref<8xi32, #tpu.memory_space<hbm>>
      %dma_start3A_120 = arith.constant 0 : i32
      %dma_start3A_121 = tpu.memref_slice %arg9[%run_scoped3A_7, %dma_start3A_120] : memref<2x8xi32, #tpu.memory_space<vmem>> -> memref<1x8xi32, #tpu.memory_space<vmem>>
      %dma_start3A_122 = tpu.memref_squeeze %dma_start3A_121 : memref<1x8xi32, #tpu.memory_space<vmem>> -> memref<8xi32, #tpu.memory_space<vmem>>
      %dma_start3A_123 = arith.constant 0 : i32
      %dma_start3A_124 = tpu.memref_slice %arg4[%run_scoped3A_6, %add3A, %dma_start3A_123] : memref<2x32x8xi32, #tpu.memory_space<hbm>> -> memref<1x1x8xi32, #tpu.memory_space<hbm>>
      %dma_start3A_125 = tpu.memref_squeeze %dma_start3A_124 : memref<1x1x8xi32, #tpu.memory_space<hbm>> -> memref<8xi32, #tpu.memory_space<hbm>>
      tpu.enqueue_dma source(%dma_start3A_125 : memref<8xi32, #tpu.memory_space<hbm>>) target(%dma_start3A_122 : memref<8xi32, #tpu.memory_space<vmem>>) target_semaphore(%run_scoped3A_113 : memref<!tpu.dma_semaphore, #tpu.memory_space<semaphore_mem>>)
      %dma_wait3A_126 = arith.constant 0 : i32
      %dma_wait3A_127 = tpu.memref_slice %arg9[%run_scoped3A_7, %dma_wait3A_126] : memref<2x8xi32, #tpu.memory_space<vmem>> -> memref<1x8xi32, #tpu.memory_space<vmem>>
      %dma_wait3A_128 = tpu.memref_squeeze %dma_wait3A_127 : memref<1x8xi32, #tpu.memory_space<vmem>> -> memref<8xi32, #tpu.memory_space<vmem>>
      %dma_wait3A_129 = arith.constant 0 : i32
      %dma_wait3A_130 = tpu.memref_slice %arg4[%run_scoped3A_6, %add3A, %dma_wait3A_129] : memref<2x32x8xi32, #tpu.memory_space<hbm>> -> memref<1x1x8xi32, #tpu.memory_space<hbm>>
      %dma_wait3A_131 = tpu.memref_squeeze %dma_wait3A_130 : memref<1x1x8xi32, #tpu.memory_space<hbm>> -> memref<8xi32, #tpu.memory_space<hbm>>
      %dma_wait3A_132 = arith.constant 0 : i32
      %dma_wait3A_133 = tpu.memref_slice %arg9[%run_scoped3A_7, %dma_wait3A_132] : memref<2x8xi32, #tpu.memory_space<vmem>> -> memref<1x8xi32, #tpu.memory_space<vmem>>
      %dma_wait3A_134 = tpu.memref_squeeze %dma_wait3A_133 : memref<1x8xi32, #tpu.memory_space<vmem>> -> memref<8xi32, #tpu.memory_space<vmem>>
      %dma_wait3A_135 = arith.constant 0 : i32
      %dma_wait3A_136 = tpu.memref_slice %arg4[%run_scoped3A_6, %add3A, %dma_wait3A_135] : memref<2x32x8xi32, #tpu.memory_space<hbm>> -> memref<1x1x8xi32, #tpu.memory_space<hbm>>
      %dma_wait3A_137 = tpu.memref_squeeze %dma_wait3A_136 : memref<1x1x8xi32, #tpu.memory_space<hbm>> -> memref<8xi32, #tpu.memory_space<hbm>>
      tpu.wait_dma2 semaphore(%run_scoped3A_113 : memref<!tpu.dma_semaphore, #tpu.memory_space<semaphore_mem>>) src(%dma_wait3A_137 : memref<8xi32, #tpu.memory_space<hbm>>) dst(%dma_wait3A_134 : memref<8xi32, #tpu.memory_space<vmem>>)
      tpu.yield
    }) : () -> ()
    %dma_start3A = arith.constant 0 : i32
    %dma_start3A_8 = arith.constant 0 : i32
    %dma_start3A_9 = arith.constant 0 : i32
    %dma_start3A_10 = arith.constant 0 : i32
    %dma_start3A_11 = tpu.memref_slice %arg10[%dma_start3A_8, %dma_start3A_9, %dma_start3A_10] : memref<2x64x384xf32, #tpu.memory_space<vmem>> -> memref<1x64x384xf32, #tpu.memory_space<vmem>>
    %dma_start3A_12 = tpu.memref_squeeze %dma_start3A_11 : memref<1x64x384xf32, #tpu.memory_space<vmem>> -> memref<64x384xf32, #tpu.memory_space<vmem>>
    %dma_start3A_13 = arith.constant 0 : i32
    %dma_start3A_14 = tpu.memref_slice %arg7[%dma_start3A, %dma_start3A_13] : memref<78x64xi32, #tpu.memory_space<vmem>> -> memref<1x64xi32, #tpu.memory_space<vmem>>
    %dma_start3A_15 = tpu.memref_squeeze %dma_start3A_14 : memref<1x64xi32, #tpu.memory_space<vmem>> -> memref<64xi32, #tpu.memory_space<vmem>>
    %dma_start3A_16 = arith.constant 0 : i32
    %dma_start3A_17 = arith.constant 0 : i32
    %dma_start3A_18 = tpu.memref_slice %arg2[%dma_start3A_16, %dma_start3A_17] : memref<20000x384xf32, #tpu.memory_space<hbm>> -> memref<20000x384xf32, #tpu.memory_space<hbm>>
    tpu.enqueue_indirect_dma source(%dma_start3A_18 : memref<20000x384xf32, #tpu.memory_space<hbm>>) target(%dma_start3A_12 : memref<64x384xf32, #tpu.memory_space<vmem>>) offsets(%dma_start3A_15 : memref<64xi32, #tpu.memory_space<vmem>>) semaphore(%arg12 : memref<!tpu.dma_semaphore, #tpu.memory_space<semaphore_mem>>)
    %dma_start3A_19 = arith.constant 0 : i32
    %dma_start3A_20 = arith.constant 0 : i32
    %dma_start3A_21 = arith.constant 0 : i32
    %dma_start3A_22 = arith.constant 0 : i32
    %dma_start3A_23 = tpu.memref_slice %arg11[%dma_start3A_20, %dma_start3A_21, %dma_start3A_22] : memref<2x64x384xf32, #tpu.memory_space<vmem>> -> memref<1x64x384xf32, #tpu.memory_space<vmem>>
    %dma_start3A_24 = tpu.memref_squeeze %dma_start3A_23 : memref<1x64x384xf32, #tpu.memory_space<vmem>> -> memref<64x384xf32, #tpu.memory_space<vmem>>
    %dma_start3A_25 = arith.constant 0 : i32
    %dma_start3A_26 = tpu.memref_slice %arg8[%dma_start3A_19, %dma_start3A_25] : memref<78x64xi32, #tpu.memory_space<vmem>> -> memref<1x64xi32, #tpu.memory_space<vmem>>
    %dma_start3A_27 = tpu.memref_squeeze %dma_start3A_26 : memref<1x64xi32, #tpu.memory_space<vmem>> -> memref<64xi32, #tpu.memory_space<vmem>>
    %dma_start3A_28 = arith.constant 0 : i32
    %dma_start3A_29 = arith.constant 0 : i32
    %dma_start3A_30 = tpu.memref_slice %arg2[%dma_start3A_28, %dma_start3A_29] : memref<20000x384xf32, #tpu.memory_space<hbm>> -> memref<20000x384xf32, #tpu.memory_space<hbm>>
    tpu.enqueue_indirect_dma source(%dma_start3A_30 : memref<20000x384xf32, #tpu.memory_space<hbm>>) target(%dma_start3A_24 : memref<64x384xf32, #tpu.memory_space<vmem>>) offsets(%dma_start3A_27 : memref<64xi32, #tpu.memory_space<vmem>>) semaphore(%arg13 : memref<!tpu.dma_semaphore, #tpu.memory_space<semaphore_mem>>)
    %dma_start3A_31 = arith.constant 1 : i32
    %dma_start3A_32 = arith.constant 1 : i32
    %dma_start3A_33 = arith.constant 0 : i32
    %dma_start3A_34 = arith.constant 0 : i32
    %dma_start3A_35 = tpu.memref_slice %arg10[%dma_start3A_32, %dma_start3A_33, %dma_start3A_34] : memref<2x64x384xf32, #tpu.memory_space<vmem>> -> memref<1x64x384xf32, #tpu.memory_space<vmem>>
    %dma_start3A_36 = tpu.memref_squeeze %dma_start3A_35 : memref<1x64x384xf32, #tpu.memory_space<vmem>> -> memref<64x384xf32, #tpu.memory_space<vmem>>
    %dma_start3A_37 = arith.constant 0 : i32
    %dma_start3A_38 = tpu.memref_slice %arg7[%dma_start3A_31, %dma_start3A_37] : memref<78x64xi32, #tpu.memory_space<vmem>> -> memref<1x64xi32, #tpu.memory_space<vmem>>
    %dma_start3A_39 = tpu.memref_squeeze %dma_start3A_38 : memref<1x64xi32, #tpu.memory_space<vmem>> -> memref<64xi32, #tpu.memory_space<vmem>>
    %dma_start3A_40 = arith.constant 0 : i32
    %dma_start3A_41 = arith.constant 0 : i32
    %dma_start3A_42 = tpu.memref_slice %arg2[%dma_start3A_40, %dma_start3A_41] : memref<20000x384xf32, #tpu.memory_space<hbm>> -> memref<20000x384xf32, #tpu.memory_space<hbm>>
    tpu.enqueue_indirect_dma source(%dma_start3A_42 : memref<20000x384xf32, #tpu.memory_space<hbm>>) target(%dma_start3A_36 : memref<64x384xf32, #tpu.memory_space<vmem>>) offsets(%dma_start3A_39 : memref<64xi32, #tpu.memory_space<vmem>>) semaphore(%arg14 : memref<!tpu.dma_semaphore, #tpu.memory_space<semaphore_mem>>)
    %dma_start3A_43 = arith.constant 1 : i32
    %dma_start3A_44 = arith.constant 1 : i32
    %dma_start3A_45 = arith.constant 0 : i32
    %dma_start3A_46 = arith.constant 0 : i32
    %dma_start3A_47 = tpu.memref_slice %arg11[%dma_start3A_44, %dma_start3A_45, %dma_start3A_46] : memref<2x64x384xf32, #tpu.memory_space<vmem>> -> memref<1x64x384xf32, #tpu.memory_space<vmem>>
    %dma_start3A_48 = tpu.memref_squeeze %dma_start3A_47 : memref<1x64x384xf32, #tpu.memory_space<vmem>> -> memref<64x384xf32, #tpu.memory_space<vmem>>
    %dma_start3A_49 = arith.constant 0 : i32
    %dma_start3A_50 = tpu.memref_slice %arg8[%dma_start3A_43, %dma_start3A_49] : memref<78x64xi32, #tpu.memory_space<vmem>> -> memref<1x64xi32, #tpu.memory_space<vmem>>
    %dma_start3A_51 = tpu.memref_squeeze %dma_start3A_50 : memref<1x64xi32, #tpu.memory_space<vmem>> -> memref<64xi32, #tpu.memory_space<vmem>>
    %dma_start3A_52 = arith.constant 0 : i32
    %dma_start3A_53 = arith.constant 0 : i32
    %dma_start3A_54 = tpu.memref_slice %arg2[%dma_start3A_52, %dma_start3A_53] : memref<20000x384xf32, #tpu.memory_space<hbm>> -> memref<20000x384xf32, #tpu.memory_space<hbm>>
    tpu.enqueue_indirect_dma source(%dma_start3A_54 : memref<20000x384xf32, #tpu.memory_space<hbm>>) target(%dma_start3A_48 : memref<64x384xf32, #tpu.memory_space<vmem>>) offsets(%dma_start3A_51 : memref<64xi32, #tpu.memory_space<vmem>>) semaphore(%arg15 : memref<!tpu.dma_semaphore, #tpu.memory_space<semaphore_mem>>)
    %scan3A = arith.constant 0 : i32
    %scan3A_55 = arith.constant 0 : i32
    %scan3A_56 = arith.constant 39 : i32
    %scan3A_57 = arith.addi %scan3A_55, %scan3A_56 : i32
    %scan3A_58 = arith.constant 1 : i32
    scf.for %scan3A_113 = %scan3A_55 to %scan3A_57 step %scan3A_58  : i32 {
      %mul3A_114 = arith.constant 2 : i32
      %mul3A_115 = arith.muli %mul3A_114, %scan3A_113 : i32
      %add3A_116 = arith.constant 0 : i32
      %add3A_117 = arith.addi %mul3A_115, %add3A_116 : i32
      %dma_wait3A_118 = arith.constant 0 : i32
      %dma_wait3A_119 = arith.constant 0 : i32
      %dma_wait3A_120 = arith.constant 0 : i32
      %dma_wait3A_121 = tpu.memref_slice %arg10[%dma_wait3A_118, %dma_wait3A_119, %dma_wait3A_120] : memref<2x64x384xf32, #tpu.memory_space<vmem>> -> memref<1x64x384xf32, #tpu.memory_space<vmem>>
      %dma_wait3A_122 = tpu.memref_squeeze %dma_wait3A_121 : memref<1x64x384xf32, #tpu.memory_space<vmem>> -> memref<64x384xf32, #tpu.memory_space<vmem>>
      %dma_wait3A_123 = arith.constant 0 : i32
      %dma_wait3A_124 = tpu.memref_slice %arg7[%add3A_117, %dma_wait3A_123] : memref<78x64xi32, #tpu.memory_space<vmem>> -> memref<1x64xi32, #tpu.memory_space<vmem>>
      %dma_wait3A_125 = tpu.memref_squeeze %dma_wait3A_124 : memref<1x64xi32, #tpu.memory_space<vmem>> -> memref<64xi32, #tpu.memory_space<vmem>>
      %dma_wait3A_126 = arith.constant 0 : i32
      %dma_wait3A_127 = arith.constant 0 : i32
      %dma_wait3A_128 = tpu.memref_slice %arg2[%dma_wait3A_126, %dma_wait3A_127] : memref<20000x384xf32, #tpu.memory_space<hbm>> -> memref<20000x384xf32, #tpu.memory_space<hbm>>
      tpu.wait_indirect_dma semaphore(%arg12 : memref<!tpu.dma_semaphore, #tpu.memory_space<semaphore_mem>>) src(%dma_wait3A_128 : memref<20000x384xf32, #tpu.memory_space<hbm>>) dst(%dma_wait3A_122 : memref<64x384xf32, #tpu.memory_space<vmem>>)
      %mul3A_129 = arith.constant 64 : i32
      %mul3A_130 = arith.muli %add3A_117, %mul3A_129 : i32
      %add3A_131 = arith.addi %mul3A_2, %mul3A_130 : i32
      %dma_start3A_132 = arith.constant 0 : i32
      %dma_start3A_133 = arith.constant 0 : i32
      %dma_start3A_134 = arith.constant 0 : i32
      %dma_start3A_135 = tpu.memref_slice %arg10[%dma_start3A_132, %dma_start3A_133, %dma_start3A_134] : memref<2x64x384xf32, #tpu.memory_space<vmem>> -> memref<1x64x384xf32, #tpu.memory_space<vmem>>
      %dma_start3A_136 = tpu.memref_squeeze %dma_start3A_135 : memref<1x64x384xf32, #tpu.memory_space<vmem>> -> memref<64x384xf32, #tpu.memory_space<vmem>>
      %dma_start3A_137 = arith.constant 0 : i32
      %dma_start3A_138 = tpu.memref_slice %arg5[%add3A_131, %dma_start3A_137] : memref<160000x384xf32, #tpu.memory_space<hbm>> -> memref<64x384xf32, #tpu.memory_space<hbm>>
      %dma_start3A_139 = arith.constant 0 : i32
      %dma_start3A_140 = tpu.memref_slice %arg5[%add3A_131, %dma_start3A_139] : memref<160000x384xf32, #tpu.memory_space<hbm>> -> memref<64x384xf32, #tpu.memory_space<hbm>>
      %dma_start3A_141 = arith.constant 0 : i32
      %dma_start3A_142 = arith.constant 0 : i32
      %dma_start3A_143 = tpu.memref_slice %arg10[%dma_start3A_132, %dma_start3A_141, %dma_start3A_142] : memref<2x64x384xf32, #tpu.memory_space<vmem>> -> memref<1x64x384xf32, #tpu.memory_space<vmem>>
      %dma_start3A_144 = tpu.memref_squeeze %dma_start3A_143 : memref<1x64x384xf32, #tpu.memory_space<vmem>> -> memref<64x384xf32, #tpu.memory_space<vmem>>
      tpu.enqueue_dma source(%dma_start3A_144 : memref<64x384xf32, #tpu.memory_space<vmem>>) target(%dma_start3A_140 : memref<64x384xf32, #tpu.memory_space<hbm>>) target_semaphore(%arg16 : memref<!tpu.dma_semaphore, #tpu.memory_space<semaphore_mem>>)
      %dma_wait3A_145 = arith.constant 0 : i32
      %dma_wait3A_146 = arith.constant 0 : i32
      %dma_wait3A_147 = arith.constant 0 : i32
      %dma_wait3A_148 = tpu.memref_slice %arg11[%dma_wait3A_145, %dma_wait3A_146, %dma_wait3A_147] : memref<2x64x384xf32, #tpu.memory_space<vmem>> -> memref<1x64x384xf32, #tpu.memory_space<vmem>>
      %dma_wait3A_149 = tpu.memref_squeeze %dma_wait3A_148 : memref<1x64x384xf32, #tpu.memory_space<vmem>> -> memref<64x384xf32, #tpu.memory_space<vmem>>
      %dma_wait3A_150 = arith.constant 0 : i32
      %dma_wait3A_151 = tpu.memref_slice %arg8[%add3A_117, %dma_wait3A_150] : memref<78x64xi32, #tpu.memory_space<vmem>> -> memref<1x64xi32, #tpu.memory_space<vmem>>
      %dma_wait3A_152 = tpu.memref_squeeze %dma_wait3A_151 : memref<1x64xi32, #tpu.memory_space<vmem>> -> memref<64xi32, #tpu.memory_space<vmem>>
      %dma_wait3A_153 = arith.constant 0 : i32
      %dma_wait3A_154 = arith.constant 0 : i32
      %dma_wait3A_155 = tpu.memref_slice %arg2[%dma_wait3A_153, %dma_wait3A_154] : memref<20000x384xf32, #tpu.memory_space<hbm>> -> memref<20000x384xf32, #tpu.memory_space<hbm>>
      tpu.wait_indirect_dma semaphore(%arg13 : memref<!tpu.dma_semaphore, #tpu.memory_space<semaphore_mem>>) src(%dma_wait3A_155 : memref<20000x384xf32, #tpu.memory_space<hbm>>) dst(%dma_wait3A_149 : memref<64x384xf32, #tpu.memory_space<vmem>>)
      %mul3A_156 = arith.constant 64 : i32
      %mul3A_157 = arith.muli %add3A_117, %mul3A_156 : i32
      %add3A_158 = arith.addi %mul3A_2, %mul3A_157 : i32
      %dma_start3A_159 = arith.constant 0 : i32
      %dma_start3A_160 = arith.constant 0 : i32
      %dma_start3A_161 = arith.constant 0 : i32
      %dma_start3A_162 = tpu.memref_slice %arg11[%dma_start3A_159, %dma_start3A_160, %dma_start3A_161] : memref<2x64x384xf32, #tpu.memory_space<vmem>> -> memref<1x64x384xf32, #tpu.memory_space<vmem>>
      %dma_start3A_163 = tpu.memref_squeeze %dma_start3A_162 : memref<1x64x384xf32, #tpu.memory_space<vmem>> -> memref<64x384xf32, #tpu.memory_space<vmem>>
      %dma_start3A_164 = arith.constant 0 : i32
      %dma_start3A_165 = tpu.memref_slice %arg6[%add3A_158, %dma_start3A_164] : memref<160000x384xf32, #tpu.memory_space<hbm>> -> memref<64x384xf32, #tpu.memory_space<hbm>>
      %dma_start3A_166 = arith.constant 0 : i32
      %dma_start3A_167 = tpu.memref_slice %arg6[%add3A_158, %dma_start3A_166] : memref<160000x384xf32, #tpu.memory_space<hbm>> -> memref<64x384xf32, #tpu.memory_space<hbm>>
      %dma_start3A_168 = arith.constant 0 : i32
      %dma_start3A_169 = arith.constant 0 : i32
      %dma_start3A_170 = tpu.memref_slice %arg11[%dma_start3A_159, %dma_start3A_168, %dma_start3A_169] : memref<2x64x384xf32, #tpu.memory_space<vmem>> -> memref<1x64x384xf32, #tpu.memory_space<vmem>>
      %dma_start3A_171 = tpu.memref_squeeze %dma_start3A_170 : memref<1x64x384xf32, #tpu.memory_space<vmem>> -> memref<64x384xf32, #tpu.memory_space<vmem>>
      tpu.enqueue_dma source(%dma_start3A_171 : memref<64x384xf32, #tpu.memory_space<vmem>>) target(%dma_start3A_167 : memref<64x384xf32, #tpu.memory_space<hbm>>) target_semaphore(%arg17 : memref<!tpu.dma_semaphore, #tpu.memory_space<semaphore_mem>>)
      %mul3A_172 = arith.constant 2 : i32
      %mul3A_173 = arith.muli %mul3A_172, %scan3A_113 : i32
      %add3A_174 = arith.constant 1 : i32
      %add3A_175 = arith.addi %mul3A_173, %add3A_174 : i32
      %dma_wait3A_176 = arith.constant 1 : i32
      %dma_wait3A_177 = arith.constant 0 : i32
      %dma_wait3A_178 = arith.constant 0 : i32
      %dma_wait3A_179 = tpu.memref_slice %arg10[%dma_wait3A_176, %dma_wait3A_177, %dma_wait3A_178] : memref<2x64x384xf32, #tpu.memory_space<vmem>> -> memref<1x64x384xf32, #tpu.memory_space<vmem>>
      %dma_wait3A_180 = tpu.memref_squeeze %dma_wait3A_179 : memref<1x64x384xf32, #tpu.memory_space<vmem>> -> memref<64x384xf32, #tpu.memory_space<vmem>>
      %dma_wait3A_181 = arith.constant 0 : i32
      %dma_wait3A_182 = tpu.memref_slice %arg7[%add3A_175, %dma_wait3A_181] : memref<78x64xi32, #tpu.memory_space<vmem>> -> memref<1x64xi32, #tpu.memory_space<vmem>>
      %dma_wait3A_183 = tpu.memref_squeeze %dma_wait3A_182 : memref<1x64xi32, #tpu.memory_space<vmem>> -> memref<64xi32, #tpu.memory_space<vmem>>
      %dma_wait3A_184 = arith.constant 0 : i32
      %dma_wait3A_185 = arith.constant 0 : i32
      %dma_wait3A_186 = tpu.memref_slice %arg2[%dma_wait3A_184, %dma_wait3A_185] : memref<20000x384xf32, #tpu.memory_space<hbm>> -> memref<20000x384xf32, #tpu.memory_space<hbm>>
      tpu.wait_indirect_dma semaphore(%arg14 : memref<!tpu.dma_semaphore, #tpu.memory_space<semaphore_mem>>) src(%dma_wait3A_186 : memref<20000x384xf32, #tpu.memory_space<hbm>>) dst(%dma_wait3A_180 : memref<64x384xf32, #tpu.memory_space<vmem>>)
      %mul3A_187 = arith.constant 64 : i32
      %mul3A_188 = arith.muli %add3A_175, %mul3A_187 : i32
      %add3A_189 = arith.addi %mul3A_2, %mul3A_188 : i32
      %dma_start3A_190 = arith.constant 1 : i32
      %dma_start3A_191 = arith.constant 0 : i32
      %dma_start3A_192 = arith.constant 0 : i32
      %dma_start3A_193 = tpu.memref_slice %arg10[%dma_start3A_190, %dma_start3A_191, %dma_start3A_192] : memref<2x64x384xf32, #tpu.memory_space<vmem>> -> memref<1x64x384xf32, #tpu.memory_space<vmem>>
      %dma_start3A_194 = tpu.memref_squeeze %dma_start3A_193 : memref<1x64x384xf32, #tpu.memory_space<vmem>> -> memref<64x384xf32, #tpu.memory_space<vmem>>
      %dma_start3A_195 = arith.constant 0 : i32
      %dma_start3A_196 = tpu.memref_slice %arg5[%add3A_189, %dma_start3A_195] : memref<160000x384xf32, #tpu.memory_space<hbm>> -> memref<64x384xf32, #tpu.memory_space<hbm>>
      %dma_start3A_197 = arith.constant 0 : i32
      %dma_start3A_198 = tpu.memref_slice %arg5[%add3A_189, %dma_start3A_197] : memref<160000x384xf32, #tpu.memory_space<hbm>> -> memref<64x384xf32, #tpu.memory_space<hbm>>
      %dma_start3A_199 = arith.constant 0 : i32
      %dma_start3A_200 = arith.constant 0 : i32
      %dma_start3A_201 = tpu.memref_slice %arg10[%dma_start3A_190, %dma_start3A_199, %dma_start3A_200] : memref<2x64x384xf32, #tpu.memory_space<vmem>> -> memref<1x64x384xf32, #tpu.memory_space<vmem>>
      %dma_start3A_202 = tpu.memref_squeeze %dma_start3A_201 : memref<1x64x384xf32, #tpu.memory_space<vmem>> -> memref<64x384xf32, #tpu.memory_space<vmem>>
      tpu.enqueue_dma source(%dma_start3A_202 : memref<64x384xf32, #tpu.memory_space<vmem>>) target(%dma_start3A_198 : memref<64x384xf32, #tpu.memory_space<hbm>>) target_semaphore(%arg18 : memref<!tpu.dma_semaphore, #tpu.memory_space<semaphore_mem>>)
      %dma_wait3A_203 = arith.constant 1 : i32
      %dma_wait3A_204 = arith.constant 0 : i32
      %dma_wait3A_205 = arith.constant 0 : i32
      %dma_wait3A_206 = tpu.memref_slice %arg11[%dma_wait3A_203, %dma_wait3A_204, %dma_wait3A_205] : memref<2x64x384xf32, #tpu.memory_space<vmem>> -> memref<1x64x384xf32, #tpu.memory_space<vmem>>
      %dma_wait3A_207 = tpu.memref_squeeze %dma_wait3A_206 : memref<1x64x384xf32, #tpu.memory_space<vmem>> -> memref<64x384xf32, #tpu.memory_space<vmem>>
      %dma_wait3A_208 = arith.constant 0 : i32
      %dma_wait3A_209 = tpu.memref_slice %arg8[%add3A_175, %dma_wait3A_208] : memref<78x64xi32, #tpu.memory_space<vmem>> -> memref<1x64xi32, #tpu.memory_space<vmem>>
      %dma_wait3A_210 = tpu.memref_squeeze %dma_wait3A_209 : memref<1x64xi32, #tpu.memory_space<vmem>> -> memref<64xi32, #tpu.memory_space<vmem>>
      %dma_wait3A_211 = arith.constant 0 : i32
      %dma_wait3A_212 = arith.constant 0 : i32
      %dma_wait3A_213 = tpu.memref_slice %arg2[%dma_wait3A_211, %dma_wait3A_212] : memref<20000x384xf32, #tpu.memory_space<hbm>> -> memref<20000x384xf32, #tpu.memory_space<hbm>>
      tpu.wait_indirect_dma semaphore(%arg15 : memref<!tpu.dma_semaphore, #tpu.memory_space<semaphore_mem>>) src(%dma_wait3A_213 : memref<20000x384xf32, #tpu.memory_space<hbm>>) dst(%dma_wait3A_207 : memref<64x384xf32, #tpu.memory_space<vmem>>)
      %mul3A_214 = arith.constant 64 : i32
      %mul3A_215 = arith.muli %add3A_175, %mul3A_214 : i32
      %add3A_216 = arith.addi %mul3A_2, %mul3A_215 : i32
      %dma_start3A_217 = arith.constant 1 : i32
      %dma_start3A_218 = arith.constant 0 : i32
      %dma_start3A_219 = arith.constant 0 : i32
      %dma_start3A_220 = tpu.memref_slice %arg11[%dma_start3A_217, %dma_start3A_218, %dma_start3A_219] : memref<2x64x384xf32, #tpu.memory_space<vmem>> -> memref<1x64x384xf32, #tpu.memory_space<vmem>>
      %dma_start3A_221 = tpu.memref_squeeze %dma_start3A_220 : memref<1x64x384xf32, #tpu.memory_space<vmem>> -> memref<64x384xf32, #tpu.memory_space<vmem>>
      %dma_start3A_222 = arith.constant 0 : i32
      %dma_start3A_223 = tpu.memref_slice %arg6[%add3A_216, %dma_start3A_222] : memref<160000x384xf32, #tpu.memory_space<hbm>> -> memref<64x384xf32, #tpu.memory_space<hbm>>
      %dma_start3A_224 = arith.constant 0 : i32
      %dma_start3A_225 = tpu.memref_slice %arg6[%add3A_216, %dma_start3A_224] : memref<160000x384xf32, #tpu.memory_space<hbm>> -> memref<64x384xf32, #tpu.memory_space<hbm>>
      %dma_start3A_226 = arith.constant 0 : i32
      %dma_start3A_227 = arith.constant 0 : i32
      %dma_start3A_228 = tpu.memref_slice %arg11[%dma_start3A_217, %dma_start3A_226, %dma_start3A_227] : memref<2x64x384xf32, #tpu.memory_space<vmem>> -> memref<1x64x384xf32, #tpu.memory_space<vmem>>
      %dma_start3A_229 = tpu.memref_squeeze %dma_start3A_228 : memref<1x64x384xf32, #tpu.memory_space<vmem>> -> memref<64x384xf32, #tpu.memory_space<vmem>>
      tpu.enqueue_dma source(%dma_start3A_229 : memref<64x384xf32, #tpu.memory_space<vmem>>) target(%dma_start3A_225 : memref<64x384xf32, #tpu.memory_space<hbm>>) target_semaphore(%arg19 : memref<!tpu.dma_semaphore, #tpu.memory_space<semaphore_mem>>)
      %mul3A_230 = arith.constant 2 : i32
      %mul3A_231 = arith.muli %mul3A_230, %scan3A_113 : i32
      %add3A_232 = arith.constant 0 : i32
      %add3A_233 = arith.addi %mul3A_231, %add3A_232 : i32
      %add3A_234 = arith.constant 2 : i32
      %add3A_235 = arith.addi %add3A_233, %add3A_234 : i32
      %sub3A = arith.constant 2 : i32
      %sub3A_236 = arith.subi %add3A_235, %sub3A : i32
      %mul3A_237 = arith.constant 64 : i32
      %mul3A_238 = arith.muli %sub3A_236, %mul3A_237 : i32
      %add3A_239 = arith.addi %mul3A_2, %mul3A_238 : i32
      %dma_wait3A_240 = arith.constant 0 : i32
      %dma_wait3A_241 = arith.constant 0 : i32
      %dma_wait3A_242 = arith.constant 0 : i32
      %dma_wait3A_243 = tpu.memref_slice %arg10[%dma_wait3A_240, %dma_wait3A_241, %dma_wait3A_242] : memref<2x64x384xf32, #tpu.memory_space<vmem>> -> memref<1x64x384xf32, #tpu.memory_space<vmem>>
      %dma_wait3A_244 = tpu.memref_squeeze %dma_wait3A_243 : memref<1x64x384xf32, #tpu.memory_space<vmem>> -> memref<64x384xf32, #tpu.memory_space<vmem>>
      %dma_wait3A_245 = arith.constant 0 : i32
      %dma_wait3A_246 = tpu.memref_slice %arg5[%add3A_239, %dma_wait3A_245] : memref<160000x384xf32, #tpu.memory_space<hbm>> -> memref<64x384xf32, #tpu.memory_space<hbm>>
      %dma_wait3A_247 = arith.constant 0 : i32
      %dma_wait3A_248 = tpu.memref_slice %arg5[%add3A_239, %dma_wait3A_247] : memref<160000x384xf32, #tpu.memory_space<hbm>> -> memref<64x384xf32, #tpu.memory_space<hbm>>
      %dma_wait3A_249 = arith.constant 0 : i32
      %dma_wait3A_250 = arith.constant 0 : i32
      %dma_wait3A_251 = tpu.memref_slice %arg10[%dma_wait3A_240, %dma_wait3A_249, %dma_wait3A_250] : memref<2x64x384xf32, #tpu.memory_space<vmem>> -> memref<1x64x384xf32, #tpu.memory_space<vmem>>
      %dma_wait3A_252 = tpu.memref_squeeze %dma_wait3A_251 : memref<1x64x384xf32, #tpu.memory_space<vmem>> -> memref<64x384xf32, #tpu.memory_space<vmem>>
      tpu.wait_dma2 semaphore(%arg16 : memref<!tpu.dma_semaphore, #tpu.memory_space<semaphore_mem>>) src(%dma_wait3A_252 : memref<64x384xf32, #tpu.memory_space<vmem>>) dst(%dma_wait3A_248 : memref<64x384xf32, #tpu.memory_space<hbm>>)
      %lt3A = arith.constant 78 : i32
      %lt3A_253 = arith.cmpi slt, %add3A_235, %lt3A : i32
      %convert_element_type3A = arith.extui %lt3A_253 : i1 to i32
      %cond3A = arith.constant 0 : i32
      %cond3A_254 = arith.cmpi ne, %convert_element_type3A, %cond3A : i32
      scf.if %cond3A_254 {
        %dma_start3A_330 = arith.constant 0 : i32
        %dma_start3A_331 = arith.constant 0 : i32
        %dma_start3A_332 = arith.constant 0 : i32
        %dma_start3A_333 = tpu.memref_slice %arg10[%dma_start3A_330, %dma_start3A_331, %dma_start3A_332] : memref<2x64x384xf32, #tpu.memory_space<vmem>> -> memref<1x64x384xf32, #tpu.memory_space<vmem>>
        %dma_start3A_334 = tpu.memref_squeeze %dma_start3A_333 : memref<1x64x384xf32, #tpu.memory_space<vmem>> -> memref<64x384xf32, #tpu.memory_space<vmem>>
        %dma_start3A_335 = arith.constant 0 : i32
        %dma_start3A_336 = tpu.memref_slice %arg7[%add3A_235, %dma_start3A_335] : memref<78x64xi32, #tpu.memory_space<vmem>> -> memref<1x64xi32, #tpu.memory_space<vmem>>
        %dma_start3A_337 = tpu.memref_squeeze %dma_start3A_336 : memref<1x64xi32, #tpu.memory_space<vmem>> -> memref<64xi32, #tpu.memory_space<vmem>>
        %dma_start3A_338 = arith.constant 0 : i32
        %dma_start3A_339 = arith.constant 0 : i32
        %dma_start3A_340 = tpu.memref_slice %arg2[%dma_start3A_338, %dma_start3A_339] : memref<20000x384xf32, #tpu.memory_space<hbm>> -> memref<20000x384xf32, #tpu.memory_space<hbm>>
        tpu.enqueue_indirect_dma source(%dma_start3A_340 : memref<20000x384xf32, #tpu.memory_space<hbm>>) target(%dma_start3A_334 : memref<64x384xf32, #tpu.memory_space<vmem>>) offsets(%dma_start3A_337 : memref<64xi32, #tpu.memory_space<vmem>>) semaphore(%arg12 : memref<!tpu.dma_semaphore, #tpu.memory_space<semaphore_mem>>)
      } else {
      }
      %sub3A_255 = arith.constant 2 : i32
      %sub3A_256 = arith.subi %add3A_235, %sub3A_255 : i32
      %mul3A_257 = arith.constant 64 : i32
      %mul3A_258 = arith.muli %sub3A_256, %mul3A_257 : i32
      %add3A_259 = arith.addi %mul3A_2, %mul3A_258 : i32
      %dma_wait3A_260 = arith.constant 0 : i32
      %dma_wait3A_261 = arith.constant 0 : i32
      %dma_wait3A_262 = arith.constant 0 : i32
      %dma_wait3A_263 = tpu.memref_slice %arg11[%dma_wait3A_260, %dma_wait3A_261, %dma_wait3A_262] : memref<2x64x384xf32, #tpu.memory_space<vmem>> -> memref<1x64x384xf32, #tpu.memory_space<vmem>>
      %dma_wait3A_264 = tpu.memref_squeeze %dma_wait3A_263 : memref<1x64x384xf32, #tpu.memory_space<vmem>> -> memref<64x384xf32, #tpu.memory_space<vmem>>
      %dma_wait3A_265 = arith.constant 0 : i32
      %dma_wait3A_266 = tpu.memref_slice %arg6[%add3A_259, %dma_wait3A_265] : memref<160000x384xf32, #tpu.memory_space<hbm>> -> memref<64x384xf32, #tpu.memory_space<hbm>>
      %dma_wait3A_267 = arith.constant 0 : i32
      %dma_wait3A_268 = tpu.memref_slice %arg6[%add3A_259, %dma_wait3A_267] : memref<160000x384xf32, #tpu.memory_space<hbm>> -> memref<64x384xf32, #tpu.memory_space<hbm>>
      %dma_wait3A_269 = arith.constant 0 : i32
      %dma_wait3A_270 = arith.constant 0 : i32
      %dma_wait3A_271 = tpu.memref_slice %arg11[%dma_wait3A_260, %dma_wait3A_269, %dma_wait3A_270] : memref<2x64x384xf32, #tpu.memory_space<vmem>> -> memref<1x64x384xf32, #tpu.memory_space<vmem>>
      %dma_wait3A_272 = tpu.memref_squeeze %dma_wait3A_271 : memref<1x64x384xf32, #tpu.memory_space<vmem>> -> memref<64x384xf32, #tpu.memory_space<vmem>>
      tpu.wait_dma2 semaphore(%arg17 : memref<!tpu.dma_semaphore, #tpu.memory_space<semaphore_mem>>) src(%dma_wait3A_272 : memref<64x384xf32, #tpu.memory_space<vmem>>) dst(%dma_wait3A_268 : memref<64x384xf32, #tpu.memory_space<hbm>>)
      %lt3A_273 = arith.constant 78 : i32
      %lt3A_274 = arith.cmpi slt, %add3A_235, %lt3A_273 : i32
      %convert_element_type3A_275 = arith.extui %lt3A_274 : i1 to i32
      %cond3A_276 = arith.constant 0 : i32
      %cond3A_277 = arith.cmpi ne, %convert_element_type3A_275, %cond3A_276 : i32
      scf.if %cond3A_277 {
        %dma_start3A_330 = arith.constant 0 : i32
        %dma_start3A_331 = arith.constant 0 : i32
        %dma_start3A_332 = arith.constant 0 : i32
        %dma_start3A_333 = tpu.memref_slice %arg11[%dma_start3A_330, %dma_start3A_331, %dma_start3A_332] : memref<2x64x384xf32, #tpu.memory_space<vmem>> -> memref<1x64x384xf32, #tpu.memory_space<vmem>>
        %dma_start3A_334 = tpu.memref_squeeze %dma_start3A_333 : memref<1x64x384xf32, #tpu.memory_space<vmem>> -> memref<64x384xf32, #tpu.memory_space<vmem>>
        %dma_start3A_335 = arith.constant 0 : i32
        %dma_start3A_336 = tpu.memref_slice %arg8[%add3A_235, %dma_start3A_335] : memref<78x64xi32, #tpu.memory_space<vmem>> -> memref<1x64xi32, #tpu.memory_space<vmem>>
        %dma_start3A_337 = tpu.memref_squeeze %dma_start3A_336 : memref<1x64xi32, #tpu.memory_space<vmem>> -> memref<64xi32, #tpu.memory_space<vmem>>
        %dma_start3A_338 = arith.constant 0 : i32
        %dma_start3A_339 = arith.constant 0 : i32
        %dma_start3A_340 = tpu.memref_slice %arg2[%dma_start3A_338, %dma_start3A_339] : memref<20000x384xf32, #tpu.memory_space<hbm>> -> memref<20000x384xf32, #tpu.memory_space<hbm>>
        tpu.enqueue_indirect_dma source(%dma_start3A_340 : memref<20000x384xf32, #tpu.memory_space<hbm>>) target(%dma_start3A_334 : memref<64x384xf32, #tpu.memory_space<vmem>>) offsets(%dma_start3A_337 : memref<64xi32, #tpu.memory_space<vmem>>) semaphore(%arg13 : memref<!tpu.dma_semaphore, #tpu.memory_space<semaphore_mem>>)
      } else {
      }
      %mul3A_278 = arith.constant 2 : i32
      %mul3A_279 = arith.muli %mul3A_278, %scan3A_113 : i32
      %add3A_280 = arith.constant 1 : i32
      %add3A_281 = arith.addi %mul3A_279, %add3A_280 : i32
      %add3A_282 = arith.constant 2 : i32
      %add3A_283 = arith.addi %add3A_281, %add3A_282 : i32
      %sub3A_284 = arith.constant 2 : i32
      %sub3A_285 = arith.subi %add3A_283, %sub3A_284 : i32
      %mul3A_286 = arith.constant 64 : i32
      %mul3A_287 = arith.muli %sub3A_285, %mul3A_286 : i32
      %add3A_288 = arith.addi %mul3A_2, %mul3A_287 : i32
      %dma_wait3A_289 = arith.constant 1 : i32
      %dma_wait3A_290 = arith.constant 0 : i32
      %dma_wait3A_291 = arith.constant 0 : i32
      %dma_wait3A_292 = tpu.memref_slice %arg10[%dma_wait3A_289, %dma_wait3A_290, %dma_wait3A_291] : memref<2x64x384xf32, #tpu.memory_space<vmem>> -> memref<1x64x384xf32, #tpu.memory_space<vmem>>
      %dma_wait3A_293 = tpu.memref_squeeze %dma_wait3A_292 : memref<1x64x384xf32, #tpu.memory_space<vmem>> -> memref<64x384xf32, #tpu.memory_space<vmem>>
      %dma_wait3A_294 = arith.constant 0 : i32
      %dma_wait3A_295 = tpu.memref_slice %arg5[%add3A_288, %dma_wait3A_294] : memref<160000x384xf32, #tpu.memory_space<hbm>> -> memref<64x384xf32, #tpu.memory_space<hbm>>
      %dma_wait3A_296 = arith.constant 0 : i32
      %dma_wait3A_297 = tpu.memref_slice %arg5[%add3A_288, %dma_wait3A_296] : memref<160000x384xf32, #tpu.memory_space<hbm>> -> memref<64x384xf32, #tpu.memory_space<hbm>>
      %dma_wait3A_298 = arith.constant 0 : i32
      %dma_wait3A_299 = arith.constant 0 : i32
      %dma_wait3A_300 = tpu.memref_slice %arg10[%dma_wait3A_289, %dma_wait3A_298, %dma_wait3A_299] : memref<2x64x384xf32, #tpu.memory_space<vmem>> -> memref<1x64x384xf32, #tpu.memory_space<vmem>>
      %dma_wait3A_301 = tpu.memref_squeeze %dma_wait3A_300 : memref<1x64x384xf32, #tpu.memory_space<vmem>> -> memref<64x384xf32, #tpu.memory_space<vmem>>
      tpu.wait_dma2 semaphore(%arg18 : memref<!tpu.dma_semaphore, #tpu.memory_space<semaphore_mem>>) src(%dma_wait3A_301 : memref<64x384xf32, #tpu.memory_space<vmem>>) dst(%dma_wait3A_297 : memref<64x384xf32, #tpu.memory_space<hbm>>)
      %lt3A_302 = arith.constant 78 : i32
      %lt3A_303 = arith.cmpi slt, %add3A_283, %lt3A_302 : i32
      %convert_element_type3A_304 = arith.extui %lt3A_303 : i1 to i32
      %cond3A_305 = arith.constant 0 : i32
      %cond3A_306 = arith.cmpi ne, %convert_element_type3A_304, %cond3A_305 : i32
      scf.if %cond3A_306 {
        %dma_start3A_330 = arith.constant 1 : i32
        %dma_start3A_331 = arith.constant 0 : i32
        %dma_start3A_332 = arith.constant 0 : i32
        %dma_start3A_333 = tpu.memref_slice %arg10[%dma_start3A_330, %dma_start3A_331, %dma_start3A_332] : memref<2x64x384xf32, #tpu.memory_space<vmem>> -> memref<1x64x384xf32, #tpu.memory_space<vmem>>
        %dma_start3A_334 = tpu.memref_squeeze %dma_start3A_333 : memref<1x64x384xf32, #tpu.memory_space<vmem>> -> memref<64x384xf32, #tpu.memory_space<vmem>>
        %dma_start3A_335 = arith.constant 0 : i32
        %dma_start3A_336 = tpu.memref_slice %arg7[%add3A_283, %dma_start3A_335] : memref<78x64xi32, #tpu.memory_space<vmem>> -> memref<1x64xi32, #tpu.memory_space<vmem>>
        %dma_start3A_337 = tpu.memref_squeeze %dma_start3A_336 : memref<1x64xi32, #tpu.memory_space<vmem>> -> memref<64xi32, #tpu.memory_space<vmem>>
        %dma_start3A_338 = arith.constant 0 : i32
        %dma_start3A_339 = arith.constant 0 : i32
        %dma_start3A_340 = tpu.memref_slice %arg2[%dma_start3A_338, %dma_start3A_339] : memref<20000x384xf32, #tpu.memory_space<hbm>> -> memref<20000x384xf32, #tpu.memory_space<hbm>>
        tpu.enqueue_indirect_dma source(%dma_start3A_340 : memref<20000x384xf32, #tpu.memory_space<hbm>>) target(%dma_start3A_334 : memref<64x384xf32, #tpu.memory_space<vmem>>) offsets(%dma_start3A_337 : memref<64xi32, #tpu.memory_space<vmem>>) semaphore(%arg14 : memref<!tpu.dma_semaphore, #tpu.memory_space<semaphore_mem>>)
      } else {
      }
      %sub3A_307 = arith.constant 2 : i32
      %sub3A_308 = arith.subi %add3A_283, %sub3A_307 : i32
      %mul3A_309 = arith.constant 64 : i32
      %mul3A_310 = arith.muli %sub3A_308, %mul3A_309 : i32
      %add3A_311 = arith.addi %mul3A_2, %mul3A_310 : i32
      %dma_wait3A_312 = arith.constant 1 : i32
      %dma_wait3A_313 = arith.constant 0 : i32
      %dma_wait3A_314 = arith.constant 0 : i32
      %dma_wait3A_315 = tpu.memref_slice %arg11[%dma_wait3A_312, %dma_wait3A_313, %dma_wait3A_314] : memref<2x64x384xf32, #tpu.memory_space<vmem>> -> memref<1x64x384xf32, #tpu.memory_space<vmem>>
      %dma_wait3A_316 = tpu.memref_squeeze %dma_wait3A_315 : memref<1x64x384xf32, #tpu.memory_space<vmem>> -> memref<64x384xf32, #tpu.memory_space<vmem>>
      %dma_wait3A_317 = arith.constant 0 : i32
      %dma_wait3A_318 = tpu.memref_slice %arg6[%add3A_311, %dma_wait3A_317] : memref<160000x384xf32, #tpu.memory_space<hbm>> -> memref<64x384xf32, #tpu.memory_space<hbm>>
      %dma_wait3A_319 = arith.constant 0 : i32
      %dma_wait3A_320 = tpu.memref_slice %arg6[%add3A_311, %dma_wait3A_319] : memref<160000x384xf32, #tpu.memory_space<hbm>> -> memref<64x384xf32, #tpu.memory_space<hbm>>
      %dma_wait3A_321 = arith.constant 0 : i32
      %dma_wait3A_322 = arith.constant 0 : i32
      %dma_wait3A_323 = tpu.memref_slice %arg11[%dma_wait3A_312, %dma_wait3A_321, %dma_wait3A_322] : memref<2x64x384xf32, #tpu.memory_space<vmem>> -> memref<1x64x384xf32, #tpu.memory_space<vmem>>
      %dma_wait3A_324 = tpu.memref_squeeze %dma_wait3A_323 : memref<1x64x384xf32, #tpu.memory_space<vmem>> -> memref<64x384xf32, #tpu.memory_space<vmem>>
      tpu.wait_dma2 semaphore(%arg19 : memref<!tpu.dma_semaphore, #tpu.memory_space<semaphore_mem>>) src(%dma_wait3A_324 : memref<64x384xf32, #tpu.memory_space<vmem>>) dst(%dma_wait3A_320 : memref<64x384xf32, #tpu.memory_space<hbm>>)
      %lt3A_325 = arith.constant 78 : i32
      %lt3A_326 = arith.cmpi slt, %add3A_283, %lt3A_325 : i32
      %convert_element_type3A_327 = arith.extui %lt3A_326 : i1 to i32
      %cond3A_328 = arith.constant 0 : i32
      %cond3A_329 = arith.cmpi ne, %convert_element_type3A_327, %cond3A_328 : i32
      scf.if %cond3A_329 {
        %dma_start3A_330 = arith.constant 1 : i32
        %dma_start3A_331 = arith.constant 0 : i32
        %dma_start3A_332 = arith.constant 0 : i32
        %dma_start3A_333 = tpu.memref_slice %arg11[%dma_start3A_330, %dma_start3A_331, %dma_start3A_332] : memref<2x64x384xf32, #tpu.memory_space<vmem>> -> memref<1x64x384xf32, #tpu.memory_space<vmem>>
        %dma_start3A_334 = tpu.memref_squeeze %dma_start3A_333 : memref<1x64x384xf32, #tpu.memory_space<vmem>> -> memref<64x384xf32, #tpu.memory_space<vmem>>
        %dma_start3A_335 = arith.constant 0 : i32
        %dma_start3A_336 = tpu.memref_slice %arg8[%add3A_283, %dma_start3A_335] : memref<78x64xi32, #tpu.memory_space<vmem>> -> memref<1x64xi32, #tpu.memory_space<vmem>>
        %dma_start3A_337 = tpu.memref_squeeze %dma_start3A_336 : memref<1x64xi32, #tpu.memory_space<vmem>> -> memref<64xi32, #tpu.memory_space<vmem>>
        %dma_start3A_338 = arith.constant 0 : i32
        %dma_start3A_339 = arith.constant 0 : i32
        %dma_start3A_340 = tpu.memref_slice %arg2[%dma_start3A_338, %dma_start3A_339] : memref<20000x384xf32, #tpu.memory_space<hbm>> -> memref<20000x384xf32, #tpu.memory_space<hbm>>
        tpu.enqueue_indirect_dma source(%dma_start3A_340 : memref<20000x384xf32, #tpu.memory_space<hbm>>) target(%dma_start3A_334 : memref<64x384xf32, #tpu.memory_space<vmem>>) offsets(%dma_start3A_337 : memref<64xi32, #tpu.memory_space<vmem>>) semaphore(%arg15 : memref<!tpu.dma_semaphore, #tpu.memory_space<semaphore_mem>>)
      } else {
      }
    }
    %scan3A_59 = arith.constant 39 : i32
    %dma_start3A_60 = arith.constant 0 : i32
    %dma_start3A_61 = arith.constant 0 : i32
    %dma_start3A_62 = arith.constant 0 : i32
    %dma_start3A_63 = arith.constant 0 : i32
    %dma_start3A_64 = tpu.memref_slice %arg10[%dma_start3A_61, %dma_start3A_62, %dma_start3A_63] : memref<2x64x384xf32, #tpu.memory_space<vmem>> -> memref<1x8x384xf32, #tpu.memory_space<vmem>>
    %dma_start3A_65 = tpu.memref_squeeze %dma_start3A_64 : memref<1x8x384xf32, #tpu.memory_space<vmem>> -> memref<8x384xf32, #tpu.memory_space<vmem>>
    %dma_start3A_66 = arith.constant 0 : i32
    %dma_start3A_67 = tpu.memref_slice %arg9[%dma_start3A_60, %dma_start3A_66] : memref<2x8xi32, #tpu.memory_space<vmem>> -> memref<1x8xi32, #tpu.memory_space<vmem>>
    %dma_start3A_68 = tpu.memref_squeeze %dma_start3A_67 : memref<1x8xi32, #tpu.memory_space<vmem>> -> memref<8xi32, #tpu.memory_space<vmem>>
    %dma_start3A_69 = arith.constant 0 : i32
    %dma_start3A_70 = arith.constant 0 : i32
    %dma_start3A_71 = tpu.memref_slice %arg2[%dma_start3A_69, %dma_start3A_70] : memref<20000x384xf32, #tpu.memory_space<hbm>> -> memref<20000x384xf32, #tpu.memory_space<hbm>>
    tpu.enqueue_indirect_dma source(%dma_start3A_71 : memref<20000x384xf32, #tpu.memory_space<hbm>>) target(%dma_start3A_65 : memref<8x384xf32, #tpu.memory_space<vmem>>) offsets(%dma_start3A_68 : memref<8xi32, #tpu.memory_space<vmem>>) semaphore(%arg12 : memref<!tpu.dma_semaphore, #tpu.memory_space<semaphore_mem>>)
    %dma_start3A_72 = arith.constant 1 : i32
    %dma_start3A_73 = arith.constant 0 : i32
    %dma_start3A_74 = arith.constant 0 : i32
    %dma_start3A_75 = arith.constant 0 : i32
    %dma_start3A_76 = tpu.memref_slice %arg11[%dma_start3A_73, %dma_start3A_74, %dma_start3A_75] : memref<2x64x384xf32, #tpu.memory_space<vmem>> -> memref<1x8x384xf32, #tpu.memory_space<vmem>>
    %dma_start3A_77 = tpu.memref_squeeze %dma_start3A_76 : memref<1x8x384xf32, #tpu.memory_space<vmem>> -> memref<8x384xf32, #tpu.memory_space<vmem>>
    %dma_start3A_78 = arith.constant 0 : i32
    %dma_start3A_79 = tpu.memref_slice %arg9[%dma_start3A_72, %dma_start3A_78] : memref<2x8xi32, #tpu.memory_space<vmem>> -> memref<1x8xi32, #tpu.memory_space<vmem>>
    %dma_start3A_80 = tpu.memref_squeeze %dma_start3A_79 : memref<1x8xi32, #tpu.memory_space<vmem>> -> memref<8xi32, #tpu.memory_space<vmem>>
    %dma_start3A_81 = arith.constant 0 : i32
    %dma_start3A_82 = arith.constant 0 : i32
    %dma_start3A_83 = tpu.memref_slice %arg2[%dma_start3A_81, %dma_start3A_82] : memref<20000x384xf32, #tpu.memory_space<hbm>> -> memref<20000x384xf32, #tpu.memory_space<hbm>>
    tpu.enqueue_indirect_dma source(%dma_start3A_83 : memref<20000x384xf32, #tpu.memory_space<hbm>>) target(%dma_start3A_77 : memref<8x384xf32, #tpu.memory_space<vmem>>) offsets(%dma_start3A_80 : memref<8xi32, #tpu.memory_space<vmem>>) semaphore(%arg13 : memref<!tpu.dma_semaphore, #tpu.memory_space<semaphore_mem>>)
    %dma_wait3A = arith.constant 0 : i32
    %dma_wait3A_84 = arith.constant 0 : i32
    %dma_wait3A_85 = arith.constant 0 : i32
    %dma_wait3A_86 = arith.constant 0 : i32
    %dma_wait3A_87 = tpu.memref_slice %arg10[%dma_wait3A_84, %dma_wait3A_85, %dma_wait3A_86] : memref<2x64x384xf32, #tpu.memory_space<vmem>> -> memref<1x8x384xf32, #tpu.memory_space<vmem>>
    %dma_wait3A_88 = tpu.memref_squeeze %dma_wait3A_87 : memref<1x8x384xf32, #tpu.memory_space<vmem>> -> memref<8x384xf32, #tpu.memory_space<vmem>>
    %dma_wait3A_89 = arith.constant 0 : i32
    %dma_wait3A_90 = tpu.memref_slice %arg9[%dma_wait3A, %dma_wait3A_89] : memref<2x8xi32, #tpu.memory_space<vmem>> -> memref<1x8xi32, #tpu.memory_space<vmem>>
    %dma_wait3A_91 = tpu.memref_squeeze %dma_wait3A_90 : memref<1x8xi32, #tpu.memory_space<vmem>> -> memref<8xi32, #tpu.memory_space<vmem>>
    %dma_wait3A_92 = arith.constant 0 : i32
    %dma_wait3A_93 = arith.constant 0 : i32
    %dma_wait3A_94 = tpu.memref_slice %arg2[%dma_wait3A_92, %dma_wait3A_93] : memref<20000x384xf32, #tpu.memory_space<hbm>> -> memref<20000x384xf32, #tpu.memory_space<hbm>>
    tpu.wait_indirect_dma semaphore(%arg12 : memref<!tpu.dma_semaphore, #tpu.memory_space<semaphore_mem>>) src(%dma_wait3A_94 : memref<20000x384xf32, #tpu.memory_space<hbm>>) dst(%dma_wait3A_88 : memref<8x384xf32, #tpu.memory_space<vmem>>)
    %add3A_95 = arith.constant 4992 : i32
    %add3A_96 = arith.addi %mul3A_2, %add3A_95 : i32
    %run_scoped3A_97 = arith.constant 0 : i32
    "tpu.region"() ({
      %run_scoped3A_113 = tpu.sem_alloc : memref<!tpu.dma_semaphore, #tpu.memory_space<semaphore_mem>>
      %dma_start3A_114 = arith.constant 0 : i32
      %dma_start3A_115 = arith.constant 0 : i32
      %dma_start3A_116 = tpu.memref_slice %arg10[%run_scoped3A_97, %dma_start3A_114, %dma_start3A_115] : memref<2x64x384xf32, #tpu.memory_space<vmem>> -> memref<1x8x384xf32, #tpu.memory_space<vmem>>
      %dma_start3A_117 = tpu.memref_squeeze %dma_start3A_116 : memref<1x8x384xf32, #tpu.memory_space<vmem>> -> memref<8x384xf32, #tpu.memory_space<vmem>>
      %dma_start3A_118 = arith.constant 0 : i32
      %dma_start3A_119 = tpu.memref_slice %arg5[%add3A_96, %dma_start3A_118] : memref<160000x384xf32, #tpu.memory_space<hbm>> -> memref<8x384xf32, #tpu.memory_space<hbm>>
      %dma_start3A_120 = arith.constant 0 : i32
      %dma_start3A_121 = tpu.memref_slice %arg5[%add3A_96, %dma_start3A_120] : memref<160000x384xf32, #tpu.memory_space<hbm>> -> memref<8x384xf32, #tpu.memory_space<hbm>>
      %dma_start3A_122 = arith.constant 0 : i32
      %dma_start3A_123 = arith.constant 0 : i32
      %dma_start3A_124 = tpu.memref_slice %arg10[%run_scoped3A_97, %dma_start3A_122, %dma_start3A_123] : memref<2x64x384xf32, #tpu.memory_space<vmem>> -> memref<1x8x384xf32, #tpu.memory_space<vmem>>
      %dma_start3A_125 = tpu.memref_squeeze %dma_start3A_124 : memref<1x8x384xf32, #tpu.memory_space<vmem>> -> memref<8x384xf32, #tpu.memory_space<vmem>>
      tpu.enqueue_dma source(%dma_start3A_125 : memref<8x384xf32, #tpu.memory_space<vmem>>) target(%dma_start3A_121 : memref<8x384xf32, #tpu.memory_space<hbm>>) target_semaphore(%run_scoped3A_113 : memref<!tpu.dma_semaphore, #tpu.memory_space<semaphore_mem>>)
      %dma_wait3A_126 = arith.constant 0 : i32
      %dma_wait3A_127 = arith.constant 0 : i32
      %dma_wait3A_128 = tpu.memref_slice %arg10[%run_scoped3A_97, %dma_wait3A_126, %dma_wait3A_127] : memref<2x64x384xf32, #tpu.memory_space<vmem>> -> memref<1x8x384xf32, #tpu.memory_space<vmem>>
      %dma_wait3A_129 = tpu.memref_squeeze %dma_wait3A_128 : memref<1x8x384xf32, #tpu.memory_space<vmem>> -> memref<8x384xf32, #tpu.memory_space<vmem>>
      %dma_wait3A_130 = arith.constant 0 : i32
      %dma_wait3A_131 = tpu.memref_slice %arg5[%add3A_96, %dma_wait3A_130] : memref<160000x384xf32, #tpu.memory_space<hbm>> -> memref<8x384xf32, #tpu.memory_space<hbm>>
      %dma_wait3A_132 = arith.constant 0 : i32
      %dma_wait3A_133 = tpu.memref_slice %arg5[%add3A_96, %dma_wait3A_132] : memref<160000x384xf32, #tpu.memory_space<hbm>> -> memref<8x384xf32, #tpu.memory_space<hbm>>
      %dma_wait3A_134 = arith.constant 0 : i32
      %dma_wait3A_135 = arith.constant 0 : i32
      %dma_wait3A_136 = tpu.memref_slice %arg10[%run_scoped3A_97, %dma_wait3A_134, %dma_wait3A_135] : memref<2x64x384xf32, #tpu.memory_space<vmem>> -> memref<1x8x384xf32, #tpu.memory_space<vmem>>
      %dma_wait3A_137 = tpu.memref_squeeze %dma_wait3A_136 : memref<1x8x384xf32, #tpu.memory_space<vmem>> -> memref<8x384xf32, #tpu.memory_space<vmem>>
      tpu.wait_dma2 semaphore(%run_scoped3A_113 : memref<!tpu.dma_semaphore, #tpu.memory_space<semaphore_mem>>) src(%dma_wait3A_137 : memref<8x384xf32, #tpu.memory_space<vmem>>) dst(%dma_wait3A_133 : memref<8x384xf32, #tpu.memory_space<hbm>>)
      tpu.yield
    }) : () -> ()
    %dma_wait3A_98 = arith.constant 1 : i32
    %dma_wait3A_99 = arith.constant 0 : i32
    %dma_wait3A_100 = arith.constant 0 : i32
    %dma_wait3A_101 = arith.constant 0 : i32
    %dma_wait3A_102 = tpu.memref_slice %arg11[%dma_wait3A_99, %dma_wait3A_100, %dma_wait3A_101] : memref<2x64x384xf32, #tpu.memory_space<vmem>> -> memref<1x8x384xf32, #tpu.memory_space<vmem>>
    %dma_wait3A_103 = tpu.memref_squeeze %dma_wait3A_102 : memref<1x8x384xf32, #tpu.memory_space<vmem>> -> memref<8x384xf32, #tpu.memory_space<vmem>>
    %dma_wait3A_104 = arith.constant 0 : i32
    %dma_wait3A_105 = tpu.memref_slice %arg9[%dma_wait3A_98, %dma_wait3A_104] : memref<2x8xi32, #tpu.memory_space<vmem>> -> memref<1x8xi32, #tpu.memory_space<vmem>>
    %dma_wait3A_106 = tpu.memref_squeeze %dma_wait3A_105 : memref<1x8xi32, #tpu.memory_space<vmem>> -> memref<8xi32, #tpu.memory_space<vmem>>
    %dma_wait3A_107 = arith.constant 0 : i32
    %dma_wait3A_108 = arith.constant 0 : i32
    %dma_wait3A_109 = tpu.memref_slice %arg2[%dma_wait3A_107, %dma_wait3A_108] : memref<20000x384xf32, #tpu.memory_space<hbm>> -> memref<20000x384xf32, #tpu.memory_space<hbm>>
    tpu.wait_indirect_dma semaphore(%arg13 : memref<!tpu.dma_semaphore, #tpu.memory_space<semaphore_mem>>) src(%dma_wait3A_109 : memref<20000x384xf32, #tpu.memory_space<hbm>>) dst(%dma_wait3A_103 : memref<8x384xf32, #tpu.memory_space<vmem>>)
    %add3A_110 = arith.constant 4992 : i32
    %add3A_111 = arith.addi %mul3A_2, %add3A_110 : i32
    %run_scoped3A_112 = arith.constant 0 : i32
    "tpu.region"() ({
      %run_scoped3A_113 = tpu.sem_alloc : memref<!tpu.dma_semaphore, #tpu.memory_space<semaphore_mem>>
      %dma_start3A_114 = arith.constant 0 : i32
      %dma_start3A_115 = arith.constant 0 : i32
      %dma_start3A_116 = tpu.memref_slice %arg11[%run_scoped3A_112, %dma_start3A_114, %dma_start3A_115] : memref<2x64x384xf32, #tpu.memory_space<vmem>> -> memref<1x8x384xf32, #tpu.memory_space<vmem>>
      %dma_start3A_117 = tpu.memref_squeeze %dma_start3A_116 : memref<1x8x384xf32, #tpu.memory_space<vmem>> -> memref<8x384xf32, #tpu.memory_space<vmem>>
      %dma_start3A_118 = arith.constant 0 : i32
      %dma_start3A_119 = tpu.memref_slice %arg6[%add3A_111, %dma_start3A_118] : memref<160000x384xf32, #tpu.memory_space<hbm>> -> memref<8x384xf32, #tpu.memory_space<hbm>>
      %dma_start3A_120 = arith.constant 0 : i32
      %dma_start3A_121 = tpu.memref_slice %arg6[%add3A_111, %dma_start3A_120] : memref<160000x384xf32, #tpu.memory_space<hbm>> -> memref<8x384xf32, #tpu.memory_space<hbm>>
      %dma_start3A_122 = arith.constant 0 : i32
      %dma_start3A_123 = arith.constant 0 : i32
      %dma_start3A_124 = tpu.memref_slice %arg11[%run_scoped3A_112, %dma_start3A_122, %dma_start3A_123] : memref<2x64x384xf32, #tpu.memory_space<vmem>> -> memref<1x8x384xf32, #tpu.memory_space<vmem>>
      %dma_start3A_125 = tpu.memref_squeeze %dma_start3A_124 : memref<1x8x384xf32, #tpu.memory_space<vmem>> -> memref<8x384xf32, #tpu.memory_space<vmem>>
      tpu.enqueue_dma source(%dma_start3A_125 : memref<8x384xf32, #tpu.memory_space<vmem>>) target(%dma_start3A_121 : memref<8x384xf32, #tpu.memory_space<hbm>>) target_semaphore(%run_scoped3A_113 : memref<!tpu.dma_semaphore, #tpu.memory_space<semaphore_mem>>)
      %dma_wait3A_126 = arith.constant 0 : i32
      %dma_wait3A_127 = arith.constant 0 : i32
      %dma_wait3A_128 = tpu.memref_slice %arg11[%run_scoped3A_112, %dma_wait3A_126, %dma_wait3A_127] : memref<2x64x384xf32, #tpu.memory_space<vmem>> -> memref<1x8x384xf32, #tpu.memory_space<vmem>>
      %dma_wait3A_129 = tpu.memref_squeeze %dma_wait3A_128 : memref<1x8x384xf32, #tpu.memory_space<vmem>> -> memref<8x384xf32, #tpu.memory_space<vmem>>
      %dma_wait3A_130 = arith.constant 0 : i32
      %dma_wait3A_131 = tpu.memref_slice %arg6[%add3A_111, %dma_wait3A_130] : memref<160000x384xf32, #tpu.memory_space<hbm>> -> memref<8x384xf32, #tpu.memory_space<hbm>>
      %dma_wait3A_132 = arith.constant 0 : i32
      %dma_wait3A_133 = tpu.memref_slice %arg6[%add3A_111, %dma_wait3A_132] : memref<160000x384xf32, #tpu.memory_space<hbm>> -> memref<8x384xf32, #tpu.memory_space<hbm>>
      %dma_wait3A_134 = arith.constant 0 : i32
      %dma_wait3A_135 = arith.constant 0 : i32
      %dma_wait3A_136 = tpu.memref_slice %arg11[%run_scoped3A_112, %dma_wait3A_134, %dma_wait3A_135] : memref<2x64x384xf32, #tpu.memory_space<vmem>> -> memref<1x8x384xf32, #tpu.memory_space<vmem>>
      %dma_wait3A_137 = tpu.memref_squeeze %dma_wait3A_136 : memref<1x8x384xf32, #tpu.memory_space<vmem>> -> memref<8x384xf32, #tpu.memory_space<vmem>>
      tpu.wait_dma2 semaphore(%run_scoped3A_113 : memref<!tpu.dma_semaphore, #tpu.memory_space<semaphore_mem>>) src(%dma_wait3A_137 : memref<8x384xf32, #tpu.memory_space<vmem>>) dst(%dma_wait3A_133 : memref<8x384xf32, #tpu.memory_space<hbm>>)
      tpu.yield
    }) : () -> ()
    return
  }
}

#map = affine_map<(d0, d1) -> (0, 0)>
#map1 = affine_map<(d0, d1) -> (0, 0, 0, 0, 0)>
#map2 = affine_map<(d0, d1) -> (0, 0, 0, 0)>
#map3 = affine_map<(d0, d1) -> (0, 0, 0)>
module attributes {stable_mosaic.version = 14 : i64} {
  func.func @k(%arg0: i32, %arg1: i32, %arg2: memref<160000x384xf32, #tpu.memory_space<hbm>>, %arg3: memref<160000x384xf32, #tpu.memory_space<hbm>>, %arg4: memref<2x2x16x39x128xi32, #tpu.memory_space<hbm>>, %arg5: memref<2x2x16x8xi32, #tpu.memory_space<hbm>>, %arg6: memref<2x10000x384xf32, #tpu.memory_space<hbm>>, %arg7: memref<2x39x128xi32, #tpu.memory_space<vmem>>, %arg8: memref<2x8xi32, #tpu.memory_space<vmem>>, %arg9: memref<2x128x128xf32, #tpu.memory_space<vmem>>, %arg10: memref<10000x128xf32, #tpu.memory_space<vmem_shared>>, %arg11: memref<!tpu.dma_semaphore, #tpu.memory_space<semaphore_mem>>, %arg12: memref<!tpu.dma_semaphore, #tpu.memory_space<semaphore_mem>>) attributes {dimension_semantics = [#tpu.dimension_semantics<core_parallel>, #tpu.dimension_semantics<subcore_parallel>], iteration_bounds = array<i64: 2, 16>, scalar_prefetch = 0 : i64, scratch_operands = 6 : i64, tpu.core_type = #tpu.core_type<sc_vector_subcore>, window_params = [{transform_indices = #map}, {transform_indices = #map}, {transform_indices = #map1}, {transform_indices = #map2}, {transform_indices = #map3}]} {
    %mul3A = arith.constant 80000 : i32
    %mul3A_0 = arith.muli %arg0, %mul3A : i32
    %mul3A_1 = arith.constant 5000 : i32
    %mul3A_2 = arith.muli %arg1, %mul3A_1 : i32
    %add3A = arith.addi %mul3A_0, %mul3A_2 : i32
    %run_scoped3A = arith.constant 0 : i32
    %run_scoped3A_3 = arith.constant 0 : i32
    "tpu.region"() ({
      %run_scoped3A_411 = tpu.sem_alloc : memref<!tpu.dma_semaphore, #tpu.memory_space<semaphore_mem>>
      %dma_start3A_412 = arith.constant 0 : i32
      %dma_start3A_413 = arith.constant 0 : i32
      %dma_start3A_414 = tpu.memref_slice %arg7[%run_scoped3A_3, %dma_start3A_412, %dma_start3A_413] : memref<2x39x128xi32, #tpu.memory_space<vmem>> -> memref<1x39x128xi32, #tpu.memory_space<vmem>>
      %dma_start3A_415 = tpu.memref_squeeze %dma_start3A_414 : memref<1x39x128xi32, #tpu.memory_space<vmem>> -> memref<39x128xi32, #tpu.memory_space<vmem>>
      %dma_start3A_416 = arith.constant 0 : i32
      %dma_start3A_417 = arith.constant 0 : i32
      %dma_start3A_418 = tpu.memref_slice %arg4[%run_scoped3A, %arg0, %arg1, %dma_start3A_416, %dma_start3A_417] : memref<2x2x16x39x128xi32, #tpu.memory_space<hbm>> -> memref<1x1x1x39x128xi32, #tpu.memory_space<hbm>>
      %dma_start3A_419 = tpu.memref_squeeze %dma_start3A_418 : memref<1x1x1x39x128xi32, #tpu.memory_space<hbm>> -> memref<39x128xi32, #tpu.memory_space<hbm>>
      %dma_start3A_420 = arith.constant 0 : i32
      %dma_start3A_421 = arith.constant 0 : i32
      %dma_start3A_422 = tpu.memref_slice %arg7[%run_scoped3A_3, %dma_start3A_420, %dma_start3A_421] : memref<2x39x128xi32, #tpu.memory_space<vmem>> -> memref<1x39x128xi32, #tpu.memory_space<vmem>>
      %dma_start3A_423 = tpu.memref_squeeze %dma_start3A_422 : memref<1x39x128xi32, #tpu.memory_space<vmem>> -> memref<39x128xi32, #tpu.memory_space<vmem>>
      %dma_start3A_424 = arith.constant 0 : i32
      %dma_start3A_425 = arith.constant 0 : i32
      %dma_start3A_426 = tpu.memref_slice %arg4[%run_scoped3A, %arg0, %arg1, %dma_start3A_424, %dma_start3A_425] : memref<2x2x16x39x128xi32, #tpu.memory_space<hbm>> -> memref<1x1x1x39x128xi32, #tpu.memory_space<hbm>>
      %dma_start3A_427 = tpu.memref_squeeze %dma_start3A_426 : memref<1x1x1x39x128xi32, #tpu.memory_space<hbm>> -> memref<39x128xi32, #tpu.memory_space<hbm>>
      tpu.enqueue_dma source(%dma_start3A_427 : memref<39x128xi32, #tpu.memory_space<hbm>>) target(%dma_start3A_423 : memref<39x128xi32, #tpu.memory_space<vmem>>) target_semaphore(%run_scoped3A_411 : memref<!tpu.dma_semaphore, #tpu.memory_space<semaphore_mem>>)
      %dma_wait3A_428 = arith.constant 0 : i32
      %dma_wait3A_429 = arith.constant 0 : i32
      %dma_wait3A_430 = tpu.memref_slice %arg7[%run_scoped3A_3, %dma_wait3A_428, %dma_wait3A_429] : memref<2x39x128xi32, #tpu.memory_space<vmem>> -> memref<1x39x128xi32, #tpu.memory_space<vmem>>
      %dma_wait3A_431 = tpu.memref_squeeze %dma_wait3A_430 : memref<1x39x128xi32, #tpu.memory_space<vmem>> -> memref<39x128xi32, #tpu.memory_space<vmem>>
      %dma_wait3A_432 = arith.constant 0 : i32
      %dma_wait3A_433 = arith.constant 0 : i32
      %dma_wait3A_434 = tpu.memref_slice %arg4[%run_scoped3A, %arg0, %arg1, %dma_wait3A_432, %dma_wait3A_433] : memref<2x2x16x39x128xi32, #tpu.memory_space<hbm>> -> memref<1x1x1x39x128xi32, #tpu.memory_space<hbm>>
      %dma_wait3A_435 = tpu.memref_squeeze %dma_wait3A_434 : memref<1x1x1x39x128xi32, #tpu.memory_space<hbm>> -> memref<39x128xi32, #tpu.memory_space<hbm>>
      %dma_wait3A_436 = arith.constant 0 : i32
      %dma_wait3A_437 = arith.constant 0 : i32
      %dma_wait3A_438 = tpu.memref_slice %arg7[%run_scoped3A_3, %dma_wait3A_436, %dma_wait3A_437] : memref<2x39x128xi32, #tpu.memory_space<vmem>> -> memref<1x39x128xi32, #tpu.memory_space<vmem>>
      %dma_wait3A_439 = tpu.memref_squeeze %dma_wait3A_438 : memref<1x39x128xi32, #tpu.memory_space<vmem>> -> memref<39x128xi32, #tpu.memory_space<vmem>>
      %dma_wait3A_440 = arith.constant 0 : i32
      %dma_wait3A_441 = arith.constant 0 : i32
      %dma_wait3A_442 = tpu.memref_slice %arg4[%run_scoped3A, %arg0, %arg1, %dma_wait3A_440, %dma_wait3A_441] : memref<2x2x16x39x128xi32, #tpu.memory_space<hbm>> -> memref<1x1x1x39x128xi32, #tpu.memory_space<hbm>>
      %dma_wait3A_443 = tpu.memref_squeeze %dma_wait3A_442 : memref<1x1x1x39x128xi32, #tpu.memory_space<hbm>> -> memref<39x128xi32, #tpu.memory_space<hbm>>
      tpu.wait_dma2 semaphore(%run_scoped3A_411 : memref<!tpu.dma_semaphore, #tpu.memory_space<semaphore_mem>>) src(%dma_wait3A_443 : memref<39x128xi32, #tpu.memory_space<hbm>>) dst(%dma_wait3A_439 : memref<39x128xi32, #tpu.memory_space<vmem>>)
      tpu.yield
    }) : () -> ()
    %run_scoped3A_4 = arith.constant 1 : i32
    %run_scoped3A_5 = arith.constant 1 : i32
    "tpu.region"() ({
      %run_scoped3A_411 = tpu.sem_alloc : memref<!tpu.dma_semaphore, #tpu.memory_space<semaphore_mem>>
      %dma_start3A_412 = arith.constant 0 : i32
      %dma_start3A_413 = arith.constant 0 : i32
      %dma_start3A_414 = tpu.memref_slice %arg7[%run_scoped3A_5, %dma_start3A_412, %dma_start3A_413] : memref<2x39x128xi32, #tpu.memory_space<vmem>> -> memref<1x39x128xi32, #tpu.memory_space<vmem>>
      %dma_start3A_415 = tpu.memref_squeeze %dma_start3A_414 : memref<1x39x128xi32, #tpu.memory_space<vmem>> -> memref<39x128xi32, #tpu.memory_space<vmem>>
      %dma_start3A_416 = arith.constant 0 : i32
      %dma_start3A_417 = arith.constant 0 : i32
      %dma_start3A_418 = tpu.memref_slice %arg4[%run_scoped3A_4, %arg0, %arg1, %dma_start3A_416, %dma_start3A_417] : memref<2x2x16x39x128xi32, #tpu.memory_space<hbm>> -> memref<1x1x1x39x128xi32, #tpu.memory_space<hbm>>
      %dma_start3A_419 = tpu.memref_squeeze %dma_start3A_418 : memref<1x1x1x39x128xi32, #tpu.memory_space<hbm>> -> memref<39x128xi32, #tpu.memory_space<hbm>>
      %dma_start3A_420 = arith.constant 0 : i32
      %dma_start3A_421 = arith.constant 0 : i32
      %dma_start3A_422 = tpu.memref_slice %arg7[%run_scoped3A_5, %dma_start3A_420, %dma_start3A_421] : memref<2x39x128xi32, #tpu.memory_space<vmem>> -> memref<1x39x128xi32, #tpu.memory_space<vmem>>
      %dma_start3A_423 = tpu.memref_squeeze %dma_start3A_422 : memref<1x39x128xi32, #tpu.memory_space<vmem>> -> memref<39x128xi32, #tpu.memory_space<vmem>>
      %dma_start3A_424 = arith.constant 0 : i32
      %dma_start3A_425 = arith.constant 0 : i32
      %dma_start3A_426 = tpu.memref_slice %arg4[%run_scoped3A_4, %arg0, %arg1, %dma_start3A_424, %dma_start3A_425] : memref<2x2x16x39x128xi32, #tpu.memory_space<hbm>> -> memref<1x1x1x39x128xi32, #tpu.memory_space<hbm>>
      %dma_start3A_427 = tpu.memref_squeeze %dma_start3A_426 : memref<1x1x1x39x128xi32, #tpu.memory_space<hbm>> -> memref<39x128xi32, #tpu.memory_space<hbm>>
      tpu.enqueue_dma source(%dma_start3A_427 : memref<39x128xi32, #tpu.memory_space<hbm>>) target(%dma_start3A_423 : memref<39x128xi32, #tpu.memory_space<vmem>>) target_semaphore(%run_scoped3A_411 : memref<!tpu.dma_semaphore, #tpu.memory_space<semaphore_mem>>)
      %dma_wait3A_428 = arith.constant 0 : i32
      %dma_wait3A_429 = arith.constant 0 : i32
      %dma_wait3A_430 = tpu.memref_slice %arg7[%run_scoped3A_5, %dma_wait3A_428, %dma_wait3A_429] : memref<2x39x128xi32, #tpu.memory_space<vmem>> -> memref<1x39x128xi32, #tpu.memory_space<vmem>>
      %dma_wait3A_431 = tpu.memref_squeeze %dma_wait3A_430 : memref<1x39x128xi32, #tpu.memory_space<vmem>> -> memref<39x128xi32, #tpu.memory_space<vmem>>
      %dma_wait3A_432 = arith.constant 0 : i32
      %dma_wait3A_433 = arith.constant 0 : i32
      %dma_wait3A_434 = tpu.memref_slice %arg4[%run_scoped3A_4, %arg0, %arg1, %dma_wait3A_432, %dma_wait3A_433] : memref<2x2x16x39x128xi32, #tpu.memory_space<hbm>> -> memref<1x1x1x39x128xi32, #tpu.memory_space<hbm>>
      %dma_wait3A_435 = tpu.memref_squeeze %dma_wait3A_434 : memref<1x1x1x39x128xi32, #tpu.memory_space<hbm>> -> memref<39x128xi32, #tpu.memory_space<hbm>>
      %dma_wait3A_436 = arith.constant 0 : i32
      %dma_wait3A_437 = arith.constant 0 : i32
      %dma_wait3A_438 = tpu.memref_slice %arg7[%run_scoped3A_5, %dma_wait3A_436, %dma_wait3A_437] : memref<2x39x128xi32, #tpu.memory_space<vmem>> -> memref<1x39x128xi32, #tpu.memory_space<vmem>>
      %dma_wait3A_439 = tpu.memref_squeeze %dma_wait3A_438 : memref<1x39x128xi32, #tpu.memory_space<vmem>> -> memref<39x128xi32, #tpu.memory_space<vmem>>
      %dma_wait3A_440 = arith.constant 0 : i32
      %dma_wait3A_441 = arith.constant 0 : i32
      %dma_wait3A_442 = tpu.memref_slice %arg4[%run_scoped3A_4, %arg0, %arg1, %dma_wait3A_440, %dma_wait3A_441] : memref<2x2x16x39x128xi32, #tpu.memory_space<hbm>> -> memref<1x1x1x39x128xi32, #tpu.memory_space<hbm>>
      %dma_wait3A_443 = tpu.memref_squeeze %dma_wait3A_442 : memref<1x1x1x39x128xi32, #tpu.memory_space<hbm>> -> memref<39x128xi32, #tpu.memory_space<hbm>>
      tpu.wait_dma2 semaphore(%run_scoped3A_411 : memref<!tpu.dma_semaphore, #tpu.memory_space<semaphore_mem>>) src(%dma_wait3A_443 : memref<39x128xi32, #tpu.memory_space<hbm>>) dst(%dma_wait3A_439 : memref<39x128xi32, #tpu.memory_space<vmem>>)
      tpu.yield
    }) : () -> ()
    %run_scoped3A_6 = arith.constant 0 : i32
    %run_scoped3A_7 = arith.constant 0 : i32
    "tpu.region"() ({
      %run_scoped3A_411 = tpu.sem_alloc : memref<!tpu.dma_semaphore, #tpu.memory_space<semaphore_mem>>
      %dma_start3A_412 = arith.constant 0 : i32
      %dma_start3A_413 = tpu.memref_slice %arg8[%run_scoped3A_7, %dma_start3A_412] : memref<2x8xi32, #tpu.memory_space<vmem>> -> memref<1x8xi32, #tpu.memory_space<vmem>>
      %dma_start3A_414 = tpu.memref_squeeze %dma_start3A_413 : memref<1x8xi32, #tpu.memory_space<vmem>> -> memref<8xi32, #tpu.memory_space<vmem>>
      %dma_start3A_415 = arith.constant 0 : i32
      %dma_start3A_416 = tpu.memref_slice %arg5[%run_scoped3A_6, %arg0, %arg1, %dma_start3A_415] : memref<2x2x16x8xi32, #tpu.memory_space<hbm>> -> memref<1x1x1x8xi32, #tpu.memory_space<hbm>>
      %dma_start3A_417 = tpu.memref_squeeze %dma_start3A_416 : memref<1x1x1x8xi32, #tpu.memory_space<hbm>> -> memref<8xi32, #tpu.memory_space<hbm>>
      %dma_start3A_418 = arith.constant 0 : i32
      %dma_start3A_419 = tpu.memref_slice %arg8[%run_scoped3A_7, %dma_start3A_418] : memref<2x8xi32, #tpu.memory_space<vmem>> -> memref<1x8xi32, #tpu.memory_space<vmem>>
      %dma_start3A_420 = tpu.memref_squeeze %dma_start3A_419 : memref<1x8xi32, #tpu.memory_space<vmem>> -> memref<8xi32, #tpu.memory_space<vmem>>
      %dma_start3A_421 = arith.constant 0 : i32
      %dma_start3A_422 = tpu.memref_slice %arg5[%run_scoped3A_6, %arg0, %arg1, %dma_start3A_421] : memref<2x2x16x8xi32, #tpu.memory_space<hbm>> -> memref<1x1x1x8xi32, #tpu.memory_space<hbm>>
      %dma_start3A_423 = tpu.memref_squeeze %dma_start3A_422 : memref<1x1x1x8xi32, #tpu.memory_space<hbm>> -> memref<8xi32, #tpu.memory_space<hbm>>
      tpu.enqueue_dma source(%dma_start3A_423 : memref<8xi32, #tpu.memory_space<hbm>>) target(%dma_start3A_420 : memref<8xi32, #tpu.memory_space<vmem>>) target_semaphore(%run_scoped3A_411 : memref<!tpu.dma_semaphore, #tpu.memory_space<semaphore_mem>>)
      %dma_wait3A_424 = arith.constant 0 : i32
      %dma_wait3A_425 = tpu.memref_slice %arg8[%run_scoped3A_7, %dma_wait3A_424] : memref<2x8xi32, #tpu.memory_space<vmem>> -> memref<1x8xi32, #tpu.memory_space<vmem>>
      %dma_wait3A_426 = tpu.memref_squeeze %dma_wait3A_425 : memref<1x8xi32, #tpu.memory_space<vmem>> -> memref<8xi32, #tpu.memory_space<vmem>>
      %dma_wait3A_427 = arith.constant 0 : i32
      %dma_wait3A_428 = tpu.memref_slice %arg5[%run_scoped3A_6, %arg0, %arg1, %dma_wait3A_427] : memref<2x2x16x8xi32, #tpu.memory_space<hbm>> -> memref<1x1x1x8xi32, #tpu.memory_space<hbm>>
      %dma_wait3A_429 = tpu.memref_squeeze %dma_wait3A_428 : memref<1x1x1x8xi32, #tpu.memory_space<hbm>> -> memref<8xi32, #tpu.memory_space<hbm>>
      %dma_wait3A_430 = arith.constant 0 : i32
      %dma_wait3A_431 = tpu.memref_slice %arg8[%run_scoped3A_7, %dma_wait3A_430] : memref<2x8xi32, #tpu.memory_space<vmem>> -> memref<1x8xi32, #tpu.memory_space<vmem>>
      %dma_wait3A_432 = tpu.memref_squeeze %dma_wait3A_431 : memref<1x8xi32, #tpu.memory_space<vmem>> -> memref<8xi32, #tpu.memory_space<vmem>>
      %dma_wait3A_433 = arith.constant 0 : i32
      %dma_wait3A_434 = tpu.memref_slice %arg5[%run_scoped3A_6, %arg0, %arg1, %dma_wait3A_433] : memref<2x2x16x8xi32, #tpu.memory_space<hbm>> -> memref<1x1x1x8xi32, #tpu.memory_space<hbm>>
      %dma_wait3A_435 = tpu.memref_squeeze %dma_wait3A_434 : memref<1x1x1x8xi32, #tpu.memory_space<hbm>> -> memref<8xi32, #tpu.memory_space<hbm>>
      tpu.wait_dma2 semaphore(%run_scoped3A_411 : memref<!tpu.dma_semaphore, #tpu.memory_space<semaphore_mem>>) src(%dma_wait3A_435 : memref<8xi32, #tpu.memory_space<hbm>>) dst(%dma_wait3A_432 : memref<8xi32, #tpu.memory_space<vmem>>)
      tpu.yield
    }) : () -> ()
    %run_scoped3A_8 = arith.constant 1 : i32
    %run_scoped3A_9 = arith.constant 1 : i32
    "tpu.region"() ({
      %run_scoped3A_411 = tpu.sem_alloc : memref<!tpu.dma_semaphore, #tpu.memory_space<semaphore_mem>>
      %dma_start3A_412 = arith.constant 0 : i32
      %dma_start3A_413 = tpu.memref_slice %arg8[%run_scoped3A_9, %dma_start3A_412] : memref<2x8xi32, #tpu.memory_space<vmem>> -> memref<1x8xi32, #tpu.memory_space<vmem>>
      %dma_start3A_414 = tpu.memref_squeeze %dma_start3A_413 : memref<1x8xi32, #tpu.memory_space<vmem>> -> memref<8xi32, #tpu.memory_space<vmem>>
      %dma_start3A_415 = arith.constant 0 : i32
      %dma_start3A_416 = tpu.memref_slice %arg5[%run_scoped3A_8, %arg0, %arg1, %dma_start3A_415] : memref<2x2x16x8xi32, #tpu.memory_space<hbm>> -> memref<1x1x1x8xi32, #tpu.memory_space<hbm>>
      %dma_start3A_417 = tpu.memref_squeeze %dma_start3A_416 : memref<1x1x1x8xi32, #tpu.memory_space<hbm>> -> memref<8xi32, #tpu.memory_space<hbm>>
      %dma_start3A_418 = arith.constant 0 : i32
      %dma_start3A_419 = tpu.memref_slice %arg8[%run_scoped3A_9, %dma_start3A_418] : memref<2x8xi32, #tpu.memory_space<vmem>> -> memref<1x8xi32, #tpu.memory_space<vmem>>
      %dma_start3A_420 = tpu.memref_squeeze %dma_start3A_419 : memref<1x8xi32, #tpu.memory_space<vmem>> -> memref<8xi32, #tpu.memory_space<vmem>>
      %dma_start3A_421 = arith.constant 0 : i32
      %dma_start3A_422 = tpu.memref_slice %arg5[%run_scoped3A_8, %arg0, %arg1, %dma_start3A_421] : memref<2x2x16x8xi32, #tpu.memory_space<hbm>> -> memref<1x1x1x8xi32, #tpu.memory_space<hbm>>
      %dma_start3A_423 = tpu.memref_squeeze %dma_start3A_422 : memref<1x1x1x8xi32, #tpu.memory_space<hbm>> -> memref<8xi32, #tpu.memory_space<hbm>>
      tpu.enqueue_dma source(%dma_start3A_423 : memref<8xi32, #tpu.memory_space<hbm>>) target(%dma_start3A_420 : memref<8xi32, #tpu.memory_space<vmem>>) target_semaphore(%run_scoped3A_411 : memref<!tpu.dma_semaphore, #tpu.memory_space<semaphore_mem>>)
      %dma_wait3A_424 = arith.constant 0 : i32
      %dma_wait3A_425 = tpu.memref_slice %arg8[%run_scoped3A_9, %dma_wait3A_424] : memref<2x8xi32, #tpu.memory_space<vmem>> -> memref<1x8xi32, #tpu.memory_space<vmem>>
      %dma_wait3A_426 = tpu.memref_squeeze %dma_wait3A_425 : memref<1x8xi32, #tpu.memory_space<vmem>> -> memref<8xi32, #tpu.memory_space<vmem>>
      %dma_wait3A_427 = arith.constant 0 : i32
      %dma_wait3A_428 = tpu.memref_slice %arg5[%run_scoped3A_8, %arg0, %arg1, %dma_wait3A_427] : memref<2x2x16x8xi32, #tpu.memory_space<hbm>> -> memref<1x1x1x8xi32, #tpu.memory_space<hbm>>
      %dma_wait3A_429 = tpu.memref_squeeze %dma_wait3A_428 : memref<1x1x1x8xi32, #tpu.memory_space<hbm>> -> memref<8xi32, #tpu.memory_space<hbm>>
      %dma_wait3A_430 = arith.constant 0 : i32
      %dma_wait3A_431 = tpu.memref_slice %arg8[%run_scoped3A_9, %dma_wait3A_430] : memref<2x8xi32, #tpu.memory_space<vmem>> -> memref<1x8xi32, #tpu.memory_space<vmem>>
      %dma_wait3A_432 = tpu.memref_squeeze %dma_wait3A_431 : memref<1x8xi32, #tpu.memory_space<vmem>> -> memref<8xi32, #tpu.memory_space<vmem>>
      %dma_wait3A_433 = arith.constant 0 : i32
      %dma_wait3A_434 = tpu.memref_slice %arg5[%run_scoped3A_8, %arg0, %arg1, %dma_wait3A_433] : memref<2x2x16x8xi32, #tpu.memory_space<hbm>> -> memref<1x1x1x8xi32, #tpu.memory_space<hbm>>
      %dma_wait3A_435 = tpu.memref_squeeze %dma_wait3A_434 : memref<1x1x1x8xi32, #tpu.memory_space<hbm>> -> memref<8xi32, #tpu.memory_space<hbm>>
      tpu.wait_dma2 semaphore(%run_scoped3A_411 : memref<!tpu.dma_semaphore, #tpu.memory_space<semaphore_mem>>) src(%dma_wait3A_435 : memref<8xi32, #tpu.memory_space<hbm>>) dst(%dma_wait3A_432 : memref<8xi32, #tpu.memory_space<vmem>>)
      tpu.yield
    }) : () -> ()
    %scan3A = arith.constant 0 : i32
    %scan3A_10 = arith.constant 0 : i32
    %scan3A_11 = arith.constant 128 : i32
    %scan3A_12 = arith.addi %scan3A_10, %scan3A_11 : i32
    %scan3A_13 = arith.constant 1 : i32
    scf.for %scan3A_411 = %scan3A_10 to %scan3A_12 step %scan3A_13  : i32 {
      %broadcast_in_dim3A = arith.constant 0.000000e+00 : f32
      %broadcast_in_dim3A_412 = vector.broadcast %broadcast_in_dim3A : f32 to vector<16xf32>
      %swap3A = arith.constant 0 : i32
      %swap3A_413 = arith.index_cast %swap3A : i32 to index
      %swap3A_414 = arith.index_cast %scan3A_411 : i32 to index
      %swap3A_415 = arith.constant 0 : index
      %swap3A_416 = tpu.vector_load %arg9[%swap3A_413, %swap3A_414, %swap3A_415] {strides = array<i32>} : memref<2x128x128xf32, #tpu.memory_space<vmem>>, vector<1x1x16xf32>,
      %swap3A_417 = vector.shape_cast %swap3A_416 : vector<1x1x16xf32> to vector<16xf32>
      %swap3A_418 = vector.shape_cast %broadcast_in_dim3A_412 : vector<16xf32> to vector<1x1x16xf32>
      tpu.vector_store %arg9[%swap3A_413, %swap3A_414, %swap3A_415], %swap3A_418 {strides = array<i32>} : memref<2x128x128xf32, #tpu.memory_space<vmem>>, vector<1x1x16xf32>,
      %broadcast_in_dim3A_419 = arith.constant 0.000000e+00 : f32
      %broadcast_in_dim3A_420 = vector.broadcast %broadcast_in_dim3A_419 : f32 to vector<16xf32>
      %swap3A_421 = arith.constant 0 : i32
      %swap3A_422 = arith.index_cast %swap3A_421 : i32 to index
      %swap3A_423 = arith.index_cast %scan3A_411 : i32 to index
      %swap3A_424 = arith.constant 16 : index
      %swap3A_425 = tpu.vector_load %arg9[%swap3A_422, %swap3A_423, %swap3A_424] {strides = array<i32>} : memref<2x128x128xf32, #tpu.memory_space<vmem>>, vector<1x1x16xf32>,
      %swap3A_426 = vector.shape_cast %swap3A_425 : vector<1x1x16xf32> to vector<16xf32>
      %swap3A_427 = vector.shape_cast %broadcast_in_dim3A_420 : vector<16xf32> to vector<1x1x16xf32>
      tpu.vector_store %arg9[%swap3A_422, %swap3A_423, %swap3A_424], %swap3A_427 {strides = array<i32>} : memref<2x128x128xf32, #tpu.memory_space<vmem>>, vector<1x1x16xf32>,
      %broadcast_in_dim3A_428 = arith.constant 0.000000e+00 : f32
      %broadcast_in_dim3A_429 = vector.broadcast %broadcast_in_dim3A_428 : f32 to vector<16xf32>
      %swap3A_430 = arith.constant 0 : i32
      %swap3A_431 = arith.index_cast %swap3A_430 : i32 to index
      %swap3A_432 = arith.index_cast %scan3A_411 : i32 to index
      %swap3A_433 = arith.constant 32 : index
      %swap3A_434 = tpu.vector_load %arg9[%swap3A_431, %swap3A_432, %swap3A_433] {strides = array<i32>} : memref<2x128x128xf32, #tpu.memory_space<vmem>>, vector<1x1x16xf32>,
      %swap3A_435 = vector.shape_cast %swap3A_434 : vector<1x1x16xf32> to vector<16xf32>
      %swap3A_436 = vector.shape_cast %broadcast_in_dim3A_429 : vector<16xf32> to vector<1x1x16xf32>
      tpu.vector_store %arg9[%swap3A_431, %swap3A_432, %swap3A_433], %swap3A_436 {strides = array<i32>} : memref<2x128x128xf32, #tpu.memory_space<vmem>>, vector<1x1x16xf32>,
      %broadcast_in_dim3A_437 = arith.constant 0.000000e+00 : f32
      %broadcast_in_dim3A_438 = vector.broadcast %broadcast_in_dim3A_437 : f32 to vector<16xf32>
      %swap3A_439 = arith.constant 0 : i32
      %swap3A_440 = arith.index_cast %swap3A_439 : i32 to index
      %swap3A_441 = arith.index_cast %scan3A_411 : i32 to index
      %swap3A_442 = arith.constant 48 : index
      %swap3A_443 = tpu.vector_load %arg9[%swap3A_440, %swap3A_441, %swap3A_442] {strides = array<i32>} : memref<2x128x128xf32, #tpu.memory_space<vmem>>, vector<1x1x16xf32>,
      %swap3A_444 = vector.shape_cast %swap3A_443 : vector<1x1x16xf32> to vector<16xf32>
      %swap3A_445 = vector.shape_cast %broadcast_in_dim3A_438 : vector<16xf32> to vector<1x1x16xf32>
      tpu.vector_store %arg9[%swap3A_440, %swap3A_441, %swap3A_442], %swap3A_445 {strides = array<i32>} : memref<2x128x128xf32, #tpu.memory_space<vmem>>, vector<1x1x16xf32>,
      %broadcast_in_dim3A_446 = arith.constant 0.000000e+00 : f32
      %broadcast_in_dim3A_447 = vector.broadcast %broadcast_in_dim3A_446 : f32 to vector<16xf32>
      %swap3A_448 = arith.constant 0 : i32
      %swap3A_449 = arith.index_cast %swap3A_448 : i32 to index
      %swap3A_450 = arith.index_cast %scan3A_411 : i32 to index
      %swap3A_451 = arith.constant 64 : index
      %swap3A_452 = tpu.vector_load %arg9[%swap3A_449, %swap3A_450, %swap3A_451] {strides = array<i32>} : memref<2x128x128xf32, #tpu.memory_space<vmem>>, vector<1x1x16xf32>,
      %swap3A_453 = vector.shape_cast %swap3A_452 : vector<1x1x16xf32> to vector<16xf32>
      %swap3A_454 = vector.shape_cast %broadcast_in_dim3A_447 : vector<16xf32> to vector<1x1x16xf32>
      tpu.vector_store %arg9[%swap3A_449, %swap3A_450, %swap3A_451], %swap3A_454 {strides = array<i32>} : memref<2x128x128xf32, #tpu.memory_space<vmem>>, vector<1x1x16xf32>,
      %broadcast_in_dim3A_455 = arith.constant 0.000000e+00 : f32
      %broadcast_in_dim3A_456 = vector.broadcast %broadcast_in_dim3A_455 : f32 to vector<16xf32>
      %swap3A_457 = arith.constant 0 : i32
      %swap3A_458 = arith.index_cast %swap3A_457 : i32 to index
      %swap3A_459 = arith.index_cast %scan3A_411 : i32 to index
      %swap3A_460 = arith.constant 80 : index
      %swap3A_461 = tpu.vector_load %arg9[%swap3A_458, %swap3A_459, %swap3A_460] {strides = array<i32>} : memref<2x128x128xf32, #tpu.memory_space<vmem>>, vector<1x1x16xf32>,
      %swap3A_462 = vector.shape_cast %swap3A_461 : vector<1x1x16xf32> to vector<16xf32>
      %swap3A_463 = vector.shape_cast %broadcast_in_dim3A_456 : vector<16xf32> to vector<1x1x16xf32>
      tpu.vector_store %arg9[%swap3A_458, %swap3A_459, %swap3A_460], %swap3A_463 {strides = array<i32>} : memref<2x128x128xf32, #tpu.memory_space<vmem>>, vector<1x1x16xf32>,
      %broadcast_in_dim3A_464 = arith.constant 0.000000e+00 : f32
      %broadcast_in_dim3A_465 = vector.broadcast %broadcast_in_dim3A_464 : f32 to vector<16xf32>
      %swap3A_466 = arith.constant 0 : i32
      %swap3A_467 = arith.index_cast %swap3A_466 : i32 to index
      %swap3A_468 = arith.index_cast %scan3A_411 : i32 to index
      %swap3A_469 = arith.constant 96 : index
      %swap3A_470 = tpu.vector_load %arg9[%swap3A_467, %swap3A_468, %swap3A_469] {strides = array<i32>} : memref<2x128x128xf32, #tpu.memory_space<vmem>>, vector<1x1x16xf32>,
      %swap3A_471 = vector.shape_cast %swap3A_470 : vector<1x1x16xf32> to vector<16xf32>
      %swap3A_472 = vector.shape_cast %broadcast_in_dim3A_465 : vector<16xf32> to vector<1x1x16xf32>
      tpu.vector_store %arg9[%swap3A_467, %swap3A_468, %swap3A_469], %swap3A_472 {strides = array<i32>} : memref<2x128x128xf32, #tpu.memory_space<vmem>>, vector<1x1x16xf32>,
      %broadcast_in_dim3A_473 = arith.constant 0.000000e+00 : f32
      %broadcast_in_dim3A_474 = vector.broadcast %broadcast_in_dim3A_473 : f32 to vector<16xf32>
      %swap3A_475 = arith.constant 0 : i32
      %swap3A_476 = arith.index_cast %swap3A_475 : i32 to index
      %swap3A_477 = arith.index_cast %scan3A_411 : i32 to index
      %swap3A_478 = arith.constant 112 : index
      %swap3A_479 = tpu.vector_load %arg9[%swap3A_476, %swap3A_477, %swap3A_478] {strides = array<i32>} : memref<2x128x128xf32, #tpu.memory_space<vmem>>, vector<1x1x16xf32>,
      %swap3A_480 = vector.shape_cast %swap3A_479 : vector<1x1x16xf32> to vector<16xf32>
      %swap3A_481 = vector.shape_cast %broadcast_in_dim3A_474 : vector<16xf32> to vector<1x1x16xf32>
      tpu.vector_store %arg9[%swap3A_476, %swap3A_477, %swap3A_478], %swap3A_481 {strides = array<i32>} : memref<2x128x128xf32, #tpu.memory_space<vmem>>, vector<1x1x16xf32>,
    }
    %scan3A_14 = arith.constant 128 : i32
    %mul3A_15 = arith.constant 624 : i32
    %mul3A_16 = arith.muli %arg1, %mul3A_15 : i32
    %add3A_17 = arith.constant 0 : i32
    %add3A_18 = arith.addi %mul3A_16, %add3A_17 : i32
    %run_scoped3A_19 = arith.constant 0 : i32
    "tpu.region"() ({
      %run_scoped3A_411 = tpu.sem_alloc : memref<!tpu.dma_semaphore, #tpu.memory_space<semaphore_mem>>
      %dma_start3A_412 = arith.constant 0 : i32
      %dma_start3A_413 = arith.constant 0 : i32
      %dma_start3A_414 = tpu.memref_slice %arg9[%run_scoped3A_19, %dma_start3A_412, %dma_start3A_413] : memref<2x128x128xf32, #tpu.memory_space<vmem>> -> memref<1x128x128xf32, #tpu.memory_space<vmem>>
      %dma_start3A_415 = tpu.memref_squeeze %dma_start3A_414 : memref<1x128x128xf32, #tpu.memory_space<vmem>> -> memref<128x128xf32, #tpu.memory_space<vmem>>
      %dma_start3A_416 = arith.constant 0 : i32
      %dma_start3A_417 = tpu.memref_slice %arg10[%add3A_18, %dma_start3A_416] : memref<10000x128xf32, #tpu.memory_space<vmem_shared>> -> memref<128x128xf32, #tpu.memory_space<vmem_shared>>
      %dma_start3A_418 = arith.constant 0 : i32
      %dma_start3A_419 = tpu.memref_slice %arg10[%add3A_18, %dma_start3A_418] : memref<10000x128xf32, #tpu.memory_space<vmem_shared>> -> memref<128x128xf32, #tpu.memory_space<vmem_shared>>
      %dma_start3A_420 = arith.constant 0 : i32
      %dma_start3A_421 = arith.constant 0 : i32
      %dma_start3A_422 = tpu.memref_slice %arg9[%run_scoped3A_19, %dma_start3A_420, %dma_start3A_421] : memref<2x128x128xf32, #tpu.memory_space<vmem>> -> memref<1x128x128xf32, #tpu.memory_space<vmem>>
      %dma_start3A_423 = tpu.memref_squeeze %dma_start3A_422 : memref<1x128x128xf32, #tpu.memory_space<vmem>> -> memref<128x128xf32, #tpu.memory_space<vmem>>
      tpu.enqueue_dma source(%dma_start3A_423 : memref<128x128xf32, #tpu.memory_space<vmem>>) target(%dma_start3A_419 : memref<128x128xf32, #tpu.memory_space<vmem_shared>>) target_semaphore(%run_scoped3A_411 : memref<!tpu.dma_semaphore, #tpu.memory_space<semaphore_mem>>)
      %dma_wait3A_424 = arith.constant 0 : i32
      %dma_wait3A_425 = arith.constant 0 : i32
      %dma_wait3A_426 = tpu.memref_slice %arg9[%run_scoped3A_19, %dma_wait3A_424, %dma_wait3A_425] : memref<2x128x128xf32, #tpu.memory_space<vmem>> -> memref<1x128x128xf32, #tpu.memory_space<vmem>>
      %dma_wait3A_427 = tpu.memref_squeeze %dma_wait3A_426 : memref<1x128x128xf32, #tpu.memory_space<vmem>> -> memref<128x128xf32, #tpu.memory_space<vmem>>
      %dma_wait3A_428 = arith.constant 0 : i32
      %dma_wait3A_429 = tpu.memref_slice %arg10[%add3A_18, %dma_wait3A_428] : memref<10000x128xf32, #tpu.memory_space<vmem_shared>> -> memref<128x128xf32, #tpu.memory_space<vmem_shared>>
      %dma_wait3A_430 = arith.constant 0 : i32
      %dma_wait3A_431 = tpu.memref_slice %arg10[%add3A_18, %dma_wait3A_430] : memref<10000x128xf32, #tpu.memory_space<vmem_shared>> -> memref<128x128xf32, #tpu.memory_space<vmem_shared>>
      %dma_wait3A_432 = arith.constant 0 : i32
      %dma_wait3A_433 = arith.constant 0 : i32
      %dma_wait3A_434 = tpu.memref_slice %arg9[%run_scoped3A_19, %dma_wait3A_432, %dma_wait3A_433] : memref<2x128x128xf32, #tpu.memory_space<vmem>> -> memref<1x128x128xf32, #tpu.memory_space<vmem>>
      %dma_wait3A_435 = tpu.memref_squeeze %dma_wait3A_434 : memref<1x128x128xf32, #tpu.memory_space<vmem>> -> memref<128x128xf32, #tpu.memory_space<vmem>>
      tpu.wait_dma2 semaphore(%run_scoped3A_411 : memref<!tpu.dma_semaphore, #tpu.memory_space<semaphore_mem>>) src(%dma_wait3A_435 : memref<128x128xf32, #tpu.memory_space<vmem>>) dst(%dma_wait3A_431 : memref<128x128xf32, #tpu.memory_space<vmem_shared>>)
      tpu.yield
    }) : () -> ()
    %mul3A_20 = arith.constant 624 : i32
    %mul3A_21 = arith.muli %arg1, %mul3A_20 : i32
    %add3A_22 = arith.constant 128 : i32
    %add3A_23 = arith.addi %mul3A_21, %add3A_22 : i32
    %run_scoped3A_24 = arith.constant 0 : i32
    "tpu.region"() ({
      %run_scoped3A_411 = tpu.sem_alloc : memref<!tpu.dma_semaphore, #tpu.memory_space<semaphore_mem>>
      %dma_start3A_412 = arith.constant 0 : i32
      %dma_start3A_413 = arith.constant 0 : i32
      %dma_start3A_414 = tpu.memref_slice %arg9[%run_scoped3A_24, %dma_start3A_412, %dma_start3A_413] : memref<2x128x128xf32, #tpu.memory_space<vmem>> -> memref<1x128x128xf32, #tpu.memory_space<vmem>>
      %dma_start3A_415 = tpu.memref_squeeze %dma_start3A_414 : memref<1x128x128xf32, #tpu.memory_space<vmem>> -> memref<128x128xf32, #tpu.memory_space<vmem>>
      %dma_start3A_416 = arith.constant 0 : i32
      %dma_start3A_417 = tpu.memref_slice %arg10[%add3A_23, %dma_start3A_416] : memref<10000x128xf32, #tpu.memory_space<vmem_shared>> -> memref<128x128xf32, #tpu.memory_space<vmem_shared>>
      %dma_start3A_418 = arith.constant 0 : i32
      %dma_start3A_419 = tpu.memref_slice %arg10[%add3A_23, %dma_start3A_418] : memref<10000x128xf32, #tpu.memory_space<vmem_shared>> -> memref<128x128xf32, #tpu.memory_space<vmem_shared>>
      %dma_start3A_420 = arith.constant 0 : i32
      %dma_start3A_421 = arith.constant 0 : i32
      %dma_start3A_422 = tpu.memref_slice %arg9[%run_scoped3A_24, %dma_start3A_420, %dma_start3A_421] : memref<2x128x128xf32, #tpu.memory_space<vmem>> -> memref<1x128x128xf32, #tpu.memory_space<vmem>>
      %dma_start3A_423 = tpu.memref_squeeze %dma_start3A_422 : memref<1x128x128xf32, #tpu.memory_space<vmem>> -> memref<128x128xf32, #tpu.memory_space<vmem>>
      tpu.enqueue_dma source(%dma_start3A_423 : memref<128x128xf32, #tpu.memory_space<vmem>>) target(%dma_start3A_419 : memref<128x128xf32, #tpu.memory_space<vmem_shared>>) target_semaphore(%run_scoped3A_411 : memref<!tpu.dma_semaphore, #tpu.memory_space<semaphore_mem>>)
      %dma_wait3A_424 = arith.constant 0 : i32
      %dma_wait3A_425 = arith.constant 0 : i32
      %dma_wait3A_426 = tpu.memref_slice %arg9[%run_scoped3A_24, %dma_wait3A_424, %dma_wait3A_425] : memref<2x128x128xf32, #tpu.memory_space<vmem>> -> memref<1x128x128xf32, #tpu.memory_space<vmem>>
      %dma_wait3A_427 = tpu.memref_squeeze %dma_wait3A_426 : memref<1x128x128xf32, #tpu.memory_space<vmem>> -> memref<128x128xf32, #tpu.memory_space<vmem>>
      %dma_wait3A_428 = arith.constant 0 : i32
      %dma_wait3A_429 = tpu.memref_slice %arg10[%add3A_23, %dma_wait3A_428] : memref<10000x128xf32, #tpu.memory_space<vmem_shared>> -> memref<128x128xf32, #tpu.memory_space<vmem_shared>>
      %dma_wait3A_430 = arith.constant 0 : i32
      %dma_wait3A_431 = tpu.memref_slice %arg10[%add3A_23, %dma_wait3A_430] : memref<10000x128xf32, #tpu.memory_space<vmem_shared>> -> memref<128x128xf32, #tpu.memory_space<vmem_shared>>
      %dma_wait3A_432 = arith.constant 0 : i32
      %dma_wait3A_433 = arith.constant 0 : i32
      %dma_wait3A_434 = tpu.memref_slice %arg9[%run_scoped3A_24, %dma_wait3A_432, %dma_wait3A_433] : memref<2x128x128xf32, #tpu.memory_space<vmem>> -> memref<1x128x128xf32, #tpu.memory_space<vmem>>
      %dma_wait3A_435 = tpu.memref_squeeze %dma_wait3A_434 : memref<1x128x128xf32, #tpu.memory_space<vmem>> -> memref<128x128xf32, #tpu.memory_space<vmem>>
      tpu.wait_dma2 semaphore(%run_scoped3A_411 : memref<!tpu.dma_semaphore, #tpu.memory_space<semaphore_mem>>) src(%dma_wait3A_435 : memref<128x128xf32, #tpu.memory_space<vmem>>) dst(%dma_wait3A_431 : memref<128x128xf32, #tpu.memory_space<vmem_shared>>)
      tpu.yield
    }) : () -> ()
    %mul3A_25 = arith.constant 624 : i32
    %mul3A_26 = arith.muli %arg1, %mul3A_25 : i32
    %add3A_27 = arith.constant 256 : i32
    %add3A_28 = arith.addi %mul3A_26, %add3A_27 : i32
    %run_scoped3A_29 = arith.constant 0 : i32
    "tpu.region"() ({
      %run_scoped3A_411 = tpu.sem_alloc : memref<!tpu.dma_semaphore, #tpu.memory_space<semaphore_mem>>
      %dma_start3A_412 = arith.constant 0 : i32
      %dma_start3A_413 = arith.constant 0 : i32
      %dma_start3A_414 = tpu.memref_slice %arg9[%run_scoped3A_29, %dma_start3A_412, %dma_start3A_413] : memref<2x128x128xf32, #tpu.memory_space<vmem>> -> memref<1x128x128xf32, #tpu.memory_space<vmem>>
      %dma_start3A_415 = tpu.memref_squeeze %dma_start3A_414 : memref<1x128x128xf32, #tpu.memory_space<vmem>> -> memref<128x128xf32, #tpu.memory_space<vmem>>
      %dma_start3A_416 = arith.constant 0 : i32
      %dma_start3A_417 = tpu.memref_slice %arg10[%add3A_28, %dma_start3A_416] : memref<10000x128xf32, #tpu.memory_space<vmem_shared>> -> memref<128x128xf32, #tpu.memory_space<vmem_shared>>
      %dma_start3A_418 = arith.constant 0 : i32
      %dma_start3A_419 = tpu.memref_slice %arg10[%add3A_28, %dma_start3A_418] : memref<10000x128xf32, #tpu.memory_space<vmem_shared>> -> memref<128x128xf32, #tpu.memory_space<vmem_shared>>
      %dma_start3A_420 = arith.constant 0 : i32
      %dma_start3A_421 = arith.constant 0 : i32
      %dma_start3A_422 = tpu.memref_slice %arg9[%run_scoped3A_29, %dma_start3A_420, %dma_start3A_421] : memref<2x128x128xf32, #tpu.memory_space<vmem>> -> memref<1x128x128xf32, #tpu.memory_space<vmem>>
      %dma_start3A_423 = tpu.memref_squeeze %dma_start3A_422 : memref<1x128x128xf32, #tpu.memory_space<vmem>> -> memref<128x128xf32, #tpu.memory_space<vmem>>
      tpu.enqueue_dma source(%dma_start3A_423 : memref<128x128xf32, #tpu.memory_space<vmem>>) target(%dma_start3A_419 : memref<128x128xf32, #tpu.memory_space<vmem_shared>>) target_semaphore(%run_scoped3A_411 : memref<!tpu.dma_semaphore, #tpu.memory_space<semaphore_mem>>)
      %dma_wait3A_424 = arith.constant 0 : i32
      %dma_wait3A_425 = arith.constant 0 : i32
      %dma_wait3A_426 = tpu.memref_slice %arg9[%run_scoped3A_29, %dma_wait3A_424, %dma_wait3A_425] : memref<2x128x128xf32, #tpu.memory_space<vmem>> -> memref<1x128x128xf32, #tpu.memory_space<vmem>>
      %dma_wait3A_427 = tpu.memref_squeeze %dma_wait3A_426 : memref<1x128x128xf32, #tpu.memory_space<vmem>> -> memref<128x128xf32, #tpu.memory_space<vmem>>
      %dma_wait3A_428 = arith.constant 0 : i32
      %dma_wait3A_429 = tpu.memref_slice %arg10[%add3A_28, %dma_wait3A_428] : memref<10000x128xf32, #tpu.memory_space<vmem_shared>> -> memref<128x128xf32, #tpu.memory_space<vmem_shared>>
      %dma_wait3A_430 = arith.constant 0 : i32
      %dma_wait3A_431 = tpu.memref_slice %arg10[%add3A_28, %dma_wait3A_430] : memref<10000x128xf32, #tpu.memory_space<vmem_shared>> -> memref<128x128xf32, #tpu.memory_space<vmem_shared>>
      %dma_wait3A_432 = arith.constant 0 : i32
      %dma_wait3A_433 = arith.constant 0 : i32
      %dma_wait3A_434 = tpu.memref_slice %arg9[%run_scoped3A_29, %dma_wait3A_432, %dma_wait3A_433] : memref<2x128x128xf32, #tpu.memory_space<vmem>> -> memref<1x128x128xf32, #tpu.memory_space<vmem>>
      %dma_wait3A_435 = tpu.memref_squeeze %dma_wait3A_434 : memref<1x128x128xf32, #tpu.memory_space<vmem>> -> memref<128x128xf32, #tpu.memory_space<vmem>>
      tpu.wait_dma2 semaphore(%run_scoped3A_411 : memref<!tpu.dma_semaphore, #tpu.memory_space<semaphore_mem>>) src(%dma_wait3A_435 : memref<128x128xf32, #tpu.memory_space<vmem>>) dst(%dma_wait3A_431 : memref<128x128xf32, #tpu.memory_space<vmem_shared>>)
      tpu.yield
    }) : () -> ()
    %mul3A_30 = arith.constant 624 : i32
    %mul3A_31 = arith.muli %arg1, %mul3A_30 : i32
    %add3A_32 = arith.constant 384 : i32
    %add3A_33 = arith.addi %mul3A_31, %add3A_32 : i32
    %run_scoped3A_34 = arith.constant 0 : i32
    "tpu.region"() ({
      %run_scoped3A_411 = tpu.sem_alloc : memref<!tpu.dma_semaphore, #tpu.memory_space<semaphore_mem>>
      %dma_start3A_412 = arith.constant 0 : i32
      %dma_start3A_413 = arith.constant 0 : i32
      %dma_start3A_414 = tpu.memref_slice %arg9[%run_scoped3A_34, %dma_start3A_412, %dma_start3A_413] : memref<2x128x128xf32, #tpu.memory_space<vmem>> -> memref<1x128x128xf32, #tpu.memory_space<vmem>>
      %dma_start3A_415 = tpu.memref_squeeze %dma_start3A_414 : memref<1x128x128xf32, #tpu.memory_space<vmem>> -> memref<128x128xf32, #tpu.memory_space<vmem>>
      %dma_start3A_416 = arith.constant 0 : i32
      %dma_start3A_417 = tpu.memref_slice %arg10[%add3A_33, %dma_start3A_416] : memref<10000x128xf32, #tpu.memory_space<vmem_shared>> -> memref<128x128xf32, #tpu.memory_space<vmem_shared>>
      %dma_start3A_418 = arith.constant 0 : i32
      %dma_start3A_419 = tpu.memref_slice %arg10[%add3A_33, %dma_start3A_418] : memref<10000x128xf32, #tpu.memory_space<vmem_shared>> -> memref<128x128xf32, #tpu.memory_space<vmem_shared>>
      %dma_start3A_420 = arith.constant 0 : i32
      %dma_start3A_421 = arith.constant 0 : i32
      %dma_start3A_422 = tpu.memref_slice %arg9[%run_scoped3A_34, %dma_start3A_420, %dma_start3A_421] : memref<2x128x128xf32, #tpu.memory_space<vmem>> -> memref<1x128x128xf32, #tpu.memory_space<vmem>>
      %dma_start3A_423 = tpu.memref_squeeze %dma_start3A_422 : memref<1x128x128xf32, #tpu.memory_space<vmem>> -> memref<128x128xf32, #tpu.memory_space<vmem>>
      tpu.enqueue_dma source(%dma_start3A_423 : memref<128x128xf32, #tpu.memory_space<vmem>>) target(%dma_start3A_419 : memref<128x128xf32, #tpu.memory_space<vmem_shared>>) target_semaphore(%run_scoped3A_411 : memref<!tpu.dma_semaphore, #tpu.memory_space<semaphore_mem>>)
      %dma_wait3A_424 = arith.constant 0 : i32
      %dma_wait3A_425 = arith.constant 0 : i32
      %dma_wait3A_426 = tpu.memref_slice %arg9[%run_scoped3A_34, %dma_wait3A_424, %dma_wait3A_425] : memref<2x128x128xf32, #tpu.memory_space<vmem>> -> memref<1x128x128xf32, #tpu.memory_space<vmem>>
      %dma_wait3A_427 = tpu.memref_squeeze %dma_wait3A_426 : memref<1x128x128xf32, #tpu.memory_space<vmem>> -> memref<128x128xf32, #tpu.memory_space<vmem>>
      %dma_wait3A_428 = arith.constant 0 : i32
      %dma_wait3A_429 = tpu.memref_slice %arg10[%add3A_33, %dma_wait3A_428] : memref<10000x128xf32, #tpu.memory_space<vmem_shared>> -> memref<128x128xf32, #tpu.memory_space<vmem_shared>>
      %dma_wait3A_430 = arith.constant 0 : i32
      %dma_wait3A_431 = tpu.memref_slice %arg10[%add3A_33, %dma_wait3A_430] : memref<10000x128xf32, #tpu.memory_space<vmem_shared>> -> memref<128x128xf32, #tpu.memory_space<vmem_shared>>
      %dma_wait3A_432 = arith.constant 0 : i32
      %dma_wait3A_433 = arith.constant 0 : i32
      %dma_wait3A_434 = tpu.memref_slice %arg9[%run_scoped3A_34, %dma_wait3A_432, %dma_wait3A_433] : memref<2x128x128xf32, #tpu.memory_space<vmem>> -> memref<1x128x128xf32, #tpu.memory_space<vmem>>
      %dma_wait3A_435 = tpu.memref_squeeze %dma_wait3A_434 : memref<1x128x128xf32, #tpu.memory_space<vmem>> -> memref<128x128xf32, #tpu.memory_space<vmem>>
      tpu.wait_dma2 semaphore(%run_scoped3A_411 : memref<!tpu.dma_semaphore, #tpu.memory_space<semaphore_mem>>) src(%dma_wait3A_435 : memref<128x128xf32, #tpu.memory_space<vmem>>) dst(%dma_wait3A_431 : memref<128x128xf32, #tpu.memory_space<vmem_shared>>)
      tpu.yield
    }) : () -> ()
    %mul3A_35 = arith.constant 624 : i32
    %mul3A_36 = arith.muli %arg1, %mul3A_35 : i32
    %add3A_37 = arith.constant 512 : i32
    %add3A_38 = arith.addi %mul3A_36, %add3A_37 : i32
    %run_scoped3A_39 = arith.constant 0 : i32
    "tpu.region"() ({
      %run_scoped3A_411 = tpu.sem_alloc : memref<!tpu.dma_semaphore, #tpu.memory_space<semaphore_mem>>
      %dma_start3A_412 = arith.constant 0 : i32
      %dma_start3A_413 = arith.constant 0 : i32
      %dma_start3A_414 = tpu.memref_slice %arg9[%run_scoped3A_39, %dma_start3A_412, %dma_start3A_413] : memref<2x128x128xf32, #tpu.memory_space<vmem>> -> memref<1x112x128xf32, #tpu.memory_space<vmem>>
      %dma_start3A_415 = tpu.memref_squeeze %dma_start3A_414 : memref<1x112x128xf32, #tpu.memory_space<vmem>> -> memref<112x128xf32, #tpu.memory_space<vmem>>
      %dma_start3A_416 = arith.constant 0 : i32
      %dma_start3A_417 = tpu.memref_slice %arg10[%add3A_38, %dma_start3A_416] : memref<10000x128xf32, #tpu.memory_space<vmem_shared>> -> memref<112x128xf32, #tpu.memory_space<vmem_shared>>
      %dma_start3A_418 = arith.constant 0 : i32
      %dma_start3A_419 = tpu.memref_slice %arg10[%add3A_38, %dma_start3A_418] : memref<10000x128xf32, #tpu.memory_space<vmem_shared>> -> memref<112x128xf32, #tpu.memory_space<vmem_shared>>
      %dma_start3A_420 = arith.constant 0 : i32
      %dma_start3A_421 = arith.constant 0 : i32
      %dma_start3A_422 = tpu.memref_slice %arg9[%run_scoped3A_39, %dma_start3A_420, %dma_start3A_421] : memref<2x128x128xf32, #tpu.memory_space<vmem>> -> memref<1x112x128xf32, #tpu.memory_space<vmem>>
      %dma_start3A_423 = tpu.memref_squeeze %dma_start3A_422 : memref<1x112x128xf32, #tpu.memory_space<vmem>> -> memref<112x128xf32, #tpu.memory_space<vmem>>
      tpu.enqueue_dma source(%dma_start3A_423 : memref<112x128xf32, #tpu.memory_space<vmem>>) target(%dma_start3A_419 : memref<112x128xf32, #tpu.memory_space<vmem_shared>>) target_semaphore(%run_scoped3A_411 : memref<!tpu.dma_semaphore, #tpu.memory_space<semaphore_mem>>)
      %dma_wait3A_424 = arith.constant 0 : i32
      %dma_wait3A_425 = arith.constant 0 : i32
      %dma_wait3A_426 = tpu.memref_slice %arg9[%run_scoped3A_39, %dma_wait3A_424, %dma_wait3A_425] : memref<2x128x128xf32, #tpu.memory_space<vmem>> -> memref<1x112x128xf32, #tpu.memory_space<vmem>>
      %dma_wait3A_427 = tpu.memref_squeeze %dma_wait3A_426 : memref<1x112x128xf32, #tpu.memory_space<vmem>> -> memref<112x128xf32, #tpu.memory_space<vmem>>
      %dma_wait3A_428 = arith.constant 0 : i32
      %dma_wait3A_429 = tpu.memref_slice %arg10[%add3A_38, %dma_wait3A_428] : memref<10000x128xf32, #tpu.memory_space<vmem_shared>> -> memref<112x128xf32, #tpu.memory_space<vmem_shared>>
      %dma_wait3A_430 = arith.constant 0 : i32
      %dma_wait3A_431 = tpu.memref_slice %arg10[%add3A_38, %dma_wait3A_430] : memref<10000x128xf32, #tpu.memory_space<vmem_shared>> -> memref<112x128xf32, #tpu.memory_space<vmem_shared>>
      %dma_wait3A_432 = arith.constant 0 : i32
      %dma_wait3A_433 = arith.constant 0 : i32
      %dma_wait3A_434 = tpu.memref_slice %arg9[%run_scoped3A_39, %dma_wait3A_432, %dma_wait3A_433] : memref<2x128x128xf32, #tpu.memory_space<vmem>> -> memref<1x112x128xf32, #tpu.memory_space<vmem>>
      %dma_wait3A_435 = tpu.memref_squeeze %dma_wait3A_434 : memref<1x112x128xf32, #tpu.memory_space<vmem>> -> memref<112x128xf32, #tpu.memory_space<vmem>>
      tpu.wait_dma2 semaphore(%run_scoped3A_411 : memref<!tpu.dma_semaphore, #tpu.memory_space<semaphore_mem>>) src(%dma_wait3A_435 : memref<112x128xf32, #tpu.memory_space<vmem>>) dst(%dma_wait3A_431 : memref<112x128xf32, #tpu.memory_space<vmem_shared>>)
      tpu.yield
    }) : () -> ()
    %eq3A = arith.constant 15 : i32
    %eq3A_40 = arith.cmpi eq, %arg1, %eq3A : i32
    %convert_element_type3A = arith.extui %eq3A_40 : i1 to i32
    %cond3A = arith.constant 0 : i32
    %cond3A_41 = arith.cmpi ne, %convert_element_type3A, %cond3A : i32
    scf.if %cond3A_41 {
      %run_scoped3A_411 = arith.constant 0 : i32
      "tpu.region"() ({
        %run_scoped3A_412 = tpu.sem_alloc : memref<!tpu.dma_semaphore, #tpu.memory_space<semaphore_mem>>
        %dma_start3A_413 = arith.constant 0 : i32
        %dma_start3A_414 = arith.constant 0 : i32
        %dma_start3A_415 = tpu.memref_slice %arg9[%run_scoped3A_411, %dma_start3A_413, %dma_start3A_414] : memref<2x128x128xf32, #tpu.memory_space<vmem>> -> memref<1x16x128xf32, #tpu.memory_space<vmem>>
        %dma_start3A_416 = tpu.memref_squeeze %dma_start3A_415 : memref<1x16x128xf32, #tpu.memory_space<vmem>> -> memref<16x128xf32, #tpu.memory_space<vmem>>
        %dma_start3A_417 = arith.constant 9984 : i32
        %dma_start3A_418 = arith.constant 0 : i32
        %dma_start3A_419 = tpu.memref_slice %arg10[%dma_start3A_417, %dma_start3A_418] : memref<10000x128xf32, #tpu.memory_space<vmem_shared>> -> memref<16x128xf32, #tpu.memory_space<vmem_shared>>
        %dma_start3A_420 = arith.constant 9984 : i32
        %dma_start3A_421 = arith.constant 0 : i32
        %dma_start3A_422 = tpu.memref_slice %arg10[%dma_start3A_420, %dma_start3A_421] : memref<10000x128xf32, #tpu.memory_space<vmem_shared>> -> memref<16x128xf32, #tpu.memory_space<vmem_shared>>
        %dma_start3A_423 = arith.constant 0 : i32
        %dma_start3A_424 = arith.constant 0 : i32
        %dma_start3A_425 = tpu.memref_slice %arg9[%run_scoped3A_411, %dma_start3A_423, %dma_start3A_424] : memref<2x128x128xf32, #tpu.memory_space<vmem>> -> memref<1x16x128xf32, #tpu.memory_space<vmem>>
        %dma_start3A_426 = tpu.memref_squeeze %dma_start3A_425 : memref<1x16x128xf32, #tpu.memory_space<vmem>> -> memref<16x128xf32, #tpu.memory_space<vmem>>
        tpu.enqueue_dma source(%dma_start3A_426 : memref<16x128xf32, #tpu.memory_space<vmem>>) target(%dma_start3A_422 : memref<16x128xf32, #tpu.memory_space<vmem_shared>>) target_semaphore(%run_scoped3A_412 : memref<!tpu.dma_semaphore, #tpu.memory_space<semaphore_mem>>)
        %dma_wait3A_427 = arith.constant 0 : i32
        %dma_wait3A_428 = arith.constant 0 : i32
        %dma_wait3A_429 = tpu.memref_slice %arg9[%run_scoped3A_411, %dma_wait3A_427, %dma_wait3A_428] : memref<2x128x128xf32, #tpu.memory_space<vmem>> -> memref<1x16x128xf32, #tpu.memory_space<vmem>>
        %dma_wait3A_430 = tpu.memref_squeeze %dma_wait3A_429 : memref<1x16x128xf32, #tpu.memory_space<vmem>> -> memref<16x128xf32, #tpu.memory_space<vmem>>
        %dma_wait3A_431 = arith.constant 9984 : i32
        %dma_wait3A_432 = arith.constant 0 : i32
        %dma_wait3A_433 = tpu.memref_slice %arg10[%dma_wait3A_431, %dma_wait3A_432] : memref<10000x128xf32, #tpu.memory_space<vmem_shared>> -> memref<16x128xf32, #tpu.memory_space<vmem_shared>>
        %dma_wait3A_434 = arith.constant 9984 : i32
        %dma_wait3A_435 = arith.constant 0 : i32
        %dma_wait3A_436 = tpu.memref_slice %arg10[%dma_wait3A_434, %dma_wait3A_435] : memref<10000x128xf32, #tpu.memory_space<vmem_shared>> -> memref<16x128xf32, #tpu.memory_space<vmem_shared>>
        %dma_wait3A_437 = arith.constant 0 : i32
        %dma_wait3A_438 = arith.constant 0 : i32
        %dma_wait3A_439 = tpu.memref_slice %arg9[%run_scoped3A_411, %dma_wait3A_437, %dma_wait3A_438] : memref<2x128x128xf32, #tpu.memory_space<vmem>> -> memref<1x16x128xf32, #tpu.memory_space<vmem>>
        %dma_wait3A_440 = tpu.memref_squeeze %dma_wait3A_439 : memref<1x16x128xf32, #tpu.memory_space<vmem>> -> memref<16x128xf32, #tpu.memory_space<vmem>>
        tpu.wait_dma2 semaphore(%run_scoped3A_412 : memref<!tpu.dma_semaphore, #tpu.memory_space<semaphore_mem>>) src(%dma_wait3A_440 : memref<16x128xf32, #tpu.memory_space<vmem>>) dst(%dma_wait3A_436 : memref<16x128xf32, #tpu.memory_space<vmem_shared>>)
        tpu.yield
      }) : () -> ()
    } else {
    }
    %barrier3A = arith.constant 0 : index
    tpu.barrier barrier_id(%barrier3A)
    %add3A_42 = arith.constant 0 : i32
    %add3A_43 = arith.addi %add3A, %add3A_42 : i32
    %dma_start3A = arith.constant 0 : i32
    %dma_start3A_44 = arith.constant 0 : i32
    %dma_start3A_45 = arith.constant 0 : i32
    %dma_start3A_46 = tpu.memref_slice %arg9[%dma_start3A, %dma_start3A_44, %dma_start3A_45] : memref<2x128x128xf32, #tpu.memory_space<vmem>> -> memref<1x128x128xf32, #tpu.memory_space<vmem>>
    %dma_start3A_47 = tpu.memref_squeeze %dma_start3A_46 : memref<1x128x128xf32, #tpu.memory_space<vmem>> -> memref<128x128xf32, #tpu.memory_space<vmem>>
    %dma_start3A_48 = arith.constant 0 : i32
    %dma_start3A_49 = tpu.memref_slice %arg2[%add3A_43, %dma_start3A_48] : memref<160000x384xf32, #tpu.memory_space<hbm>> -> memref<128x128xf32, #tpu.memory_space<hbm>>
    %dma_start3A_50 = arith.constant 0 : i32
    %dma_start3A_51 = arith.constant 0 : i32
    %dma_start3A_52 = tpu.memref_slice %arg9[%dma_start3A, %dma_start3A_50, %dma_start3A_51] : memref<2x128x128xf32, #tpu.memory_space<vmem>> -> memref<1x128x128xf32, #tpu.memory_space<vmem>>
    %dma_start3A_53 = tpu.memref_squeeze %dma_start3A_52 : memref<1x128x128xf32, #tpu.memory_space<vmem>> -> memref<128x128xf32, #tpu.memory_space<vmem>>
    %dma_start3A_54 = arith.constant 0 : i32
    %dma_start3A_55 = tpu.memref_slice %arg2[%add3A_43, %dma_start3A_54] : memref<160000x384xf32, #tpu.memory_space<hbm>> -> memref<128x128xf32, #tpu.memory_space<hbm>>
    tpu.enqueue_dma source(%dma_start3A_55 : memref<128x128xf32, #tpu.memory_space<hbm>>) target(%dma_start3A_53 : memref<128x128xf32, #tpu.memory_space<vmem>>) target_semaphore(%arg11 : memref<!tpu.dma_semaphore, #tpu.memory_space<semaphore_mem>>)
    %scan3A_56 = arith.constant 0 : i32
    %scan3A_57 = arith.constant 0 : i32
    %scan3A_58 = arith.constant 19 : i32
    %scan3A_59 = arith.addi %scan3A_57, %scan3A_58 : i32
    %scan3A_60 = arith.constant 1 : i32
    scf.for %scan3A_411 = %scan3A_57 to %scan3A_59 step %scan3A_60  : i32 {
      %mul3A_412 = arith.constant 2 : i32
      %mul3A_413 = arith.muli %mul3A_412, %scan3A_411 : i32
      %add3A_414 = arith.constant 1 : i32
      %add3A_415 = arith.addi %mul3A_413, %add3A_414 : i32
      %mul3A_416 = arith.constant 128 : i32
      %mul3A_417 = arith.muli %add3A_415, %mul3A_416 : i32
      %add3A_418 = arith.addi %add3A, %mul3A_417 : i32
      %dma_start3A_419 = arith.constant 1 : i32
      %dma_start3A_420 = arith.constant 0 : i32
      %dma_start3A_421 = arith.constant 0 : i32
      %dma_start3A_422 = tpu.memref_slice %arg9[%dma_start3A_419, %dma_start3A_420, %dma_start3A_421] : memref<2x128x128xf32, #tpu.memory_space<vmem>> -> memref<1x128x128xf32, #tpu.memory_space<vmem>>
      %dma_start3A_423 = tpu.memref_squeeze %dma_start3A_422 : memref<1x128x128xf32, #tpu.memory_space<vmem>> -> memref<128x128xf32, #tpu.memory_space<vmem>>
      %dma_start3A_424 = arith.constant 0 : i32
      %dma_start3A_425 = tpu.memref_slice %arg2[%add3A_418, %dma_start3A_424] : memref<160000x384xf32, #tpu.memory_space<hbm>> -> memref<128x128xf32, #tpu.memory_space<hbm>>
      %dma_start3A_426 = arith.constant 0 : i32
      %dma_start3A_427 = arith.constant 0 : i32
      %dma_start3A_428 = tpu.memref_slice %arg9[%dma_start3A_419, %dma_start3A_426, %dma_start3A_427] : memref<2x128x128xf32, #tpu.memory_space<vmem>> -> memref<1x128x128xf32, #tpu.memory_space<vmem>>
      %dma_start3A_429 = tpu.memref_squeeze %dma_start3A_428 : memref<1x128x128xf32, #tpu.memory_space<vmem>> -> memref<128x128xf32, #tpu.memory_space<vmem>>
      %dma_start3A_430 = arith.constant 0 : i32
      %dma_start3A_431 = tpu.memref_slice %arg2[%add3A_418, %dma_start3A_430] : memref<160000x384xf32, #tpu.memory_space<hbm>> -> memref<128x128xf32, #tpu.memory_space<hbm>>
      tpu.enqueue_dma source(%dma_start3A_431 : memref<128x128xf32, #tpu.memory_space<hbm>>) target(%dma_start3A_429 : memref<128x128xf32, #tpu.memory_space<vmem>>) target_semaphore(%arg12 : memref<!tpu.dma_semaphore, #tpu.memory_space<semaphore_mem>>)
      %mul3A_432 = arith.constant 128 : i32
      %mul3A_433 = arith.muli %mul3A_413, %mul3A_432 : i32
      %add3A_434 = arith.addi %add3A, %mul3A_433 : i32
      %dma_wait3A_435 = arith.constant 0 : i32
      %dma_wait3A_436 = arith.constant 0 : i32
      %dma_wait3A_437 = arith.constant 0 : i32
      %dma_wait3A_438 = tpu.memref_slice %arg9[%dma_wait3A_435, %dma_wait3A_436, %dma_wait3A_437] : memref<2x128x128xf32, #tpu.memory_space<vmem>> -> memref<1x128x128xf32, #tpu.memory_space<vmem>>
      %dma_wait3A_439 = tpu.memref_squeeze %dma_wait3A_438 : memref<1x128x128xf32, #tpu.memory_space<vmem>> -> memref<128x128xf32, #tpu.memory_space<vmem>>
      %dma_wait3A_440 = arith.constant 0 : i32
      %dma_wait3A_441 = tpu.memref_slice %arg2[%add3A_434, %dma_wait3A_440] : memref<160000x384xf32, #tpu.memory_space<hbm>> -> memref<128x128xf32, #tpu.memory_space<hbm>>
      %dma_wait3A_442 = arith.constant 0 : i32
      %dma_wait3A_443 = arith.constant 0 : i32
      %dma_wait3A_444 = tpu.memref_slice %arg9[%dma_wait3A_435, %dma_wait3A_442, %dma_wait3A_443] : memref<2x128x128xf32, #tpu.memory_space<vmem>> -> memref<1x128x128xf32, #tpu.memory_space<vmem>>
      %dma_wait3A_445 = tpu.memref_squeeze %dma_wait3A_444 : memref<1x128x128xf32, #tpu.memory_space<vmem>> -> memref<128x128xf32, #tpu.memory_space<vmem>>
      %dma_wait3A_446 = arith.constant 0 : i32
      %dma_wait3A_447 = tpu.memref_slice %arg2[%add3A_434, %dma_wait3A_446] : memref<160000x384xf32, #tpu.memory_space<hbm>> -> memref<128x128xf32, #tpu.memory_space<hbm>>
      tpu.wait_dma2 semaphore(%arg11 : memref<!tpu.dma_semaphore, #tpu.memory_space<semaphore_mem>>) src(%dma_wait3A_447 : memref<128x128xf32, #tpu.memory_space<hbm>>) dst(%dma_wait3A_445 : memref<128x128xf32, #tpu.memory_space<vmem>>)
      %run_scoped3A_448 = arith.constant 0 : i32
      %run_scoped3A_449 = arith.constant 0 : i32
      "tpu.region"() ({
        %run_scoped3A_490 = tpu.sem_alloc : memref<!tpu.dma_semaphore, #tpu.memory_space<semaphore_mem>>
        %dma_start3A_491 = arith.constant 0 : i32
        %dma_start3A_492 = arith.constant 0 : i32
        %dma_start3A_493 = tpu.memref_slice %arg9[%run_scoped3A_448, %dma_start3A_491, %dma_start3A_492] : memref<2x128x128xf32, #tpu.memory_space<vmem>> -> memref<1x128x128xf32, #tpu.memory_space<vmem>>
        %dma_start3A_494 = tpu.memref_squeeze %dma_start3A_493 : memref<1x128x128xf32, #tpu.memory_space<vmem>> -> memref<128x128xf32, #tpu.memory_space<vmem>>
        %dma_start3A_495 = arith.constant 0 : i32
        %dma_start3A_496 = tpu.memref_slice %arg7[%run_scoped3A_449, %mul3A_413, %dma_start3A_495] : memref<2x39x128xi32, #tpu.memory_space<vmem>> -> memref<1x1x128xi32, #tpu.memory_space<vmem>>
        %dma_start3A_497 = tpu.memref_squeeze %dma_start3A_496 : memref<1x1x128xi32, #tpu.memory_space<vmem>> -> memref<128xi32, #tpu.memory_space<vmem>>
        %dma_start3A_498 = arith.constant 0 : i32
        %dma_start3A_499 = arith.constant 0 : i32
        %dma_start3A_500 = tpu.memref_slice %arg10[%dma_start3A_498, %dma_start3A_499] : memref<10000x128xf32, #tpu.memory_space<vmem_shared>> -> memref<10000x128xf32, #tpu.memory_space<vmem_shared>>
        tpu.enqueue_indirect_dma source(%dma_start3A_494 : memref<128x128xf32, #tpu.memory_space<vmem>>) target(%dma_start3A_500 : memref<10000x128xf32, #tpu.memory_space<vmem_shared>>) offsets(%dma_start3A_497 : memref<128xi32, #tpu.memory_space<vmem>>) semaphore(%run_scoped3A_490 : memref<!tpu.dma_semaphore, #tpu.memory_space<semaphore_mem>>) {add = true}
        %dma_wait3A_501 = arith.constant 0 : i32
        %dma_wait3A_502 = arith.constant 0 : i32
        %dma_wait3A_503 = tpu.memref_slice %arg9[%run_scoped3A_448, %dma_wait3A_501, %dma_wait3A_502] : memref<2x128x128xf32, #tpu.memory_space<vmem>> -> memref<1x128x128xf32, #tpu.memory_space<vmem>>
        %dma_wait3A_504 = tpu.memref_squeeze %dma_wait3A_503 : memref<1x128x128xf32, #tpu.memory_space<vmem>> -> memref<128x128xf32, #tpu.memory_space<vmem>>
        %dma_wait3A_505 = arith.constant 0 : i32
        %dma_wait3A_506 = tpu.memref_slice %arg7[%run_scoped3A_449, %mul3A_413, %dma_wait3A_505] : memref<2x39x128xi32, #tpu.memory_space<vmem>> -> memref<1x1x128xi32, #tpu.memory_space<vmem>>
        %dma_wait3A_507 = tpu.memref_squeeze %dma_wait3A_506 : memref<1x1x128xi32, #tpu.memory_space<vmem>> -> memref<128xi32, #tpu.memory_space<vmem>>
        %dma_wait3A_508 = arith.constant 0 : i32
        %dma_wait3A_509 = arith.constant 0 : i32
        %dma_wait3A_510 = tpu.memref_slice %arg10[%dma_wait3A_508, %dma_wait3A_509] : memref<10000x128xf32, #tpu.memory_space<vmem_shared>> -> memref<10000x128xf32, #tpu.memory_space<vmem_shared>>
        tpu.wait_indirect_dma semaphore(%run_scoped3A_490 : memref<!tpu.dma_semaphore, #tpu.memory_space<semaphore_mem>>) src(%dma_wait3A_504 : memref<128x128xf32, #tpu.memory_space<vmem>>) dst(%dma_wait3A_510 : memref<10000x128xf32, #tpu.memory_space<vmem_shared>>)
        tpu.yield
      }) : () -> ()
      %add3A_450 = arith.constant 2 : i32
      %add3A_451 = arith.addi %mul3A_413, %add3A_450 : i32
      %mul3A_452 = arith.constant 128 : i32
      %mul3A_453 = arith.muli %add3A_451, %mul3A_452 : i32
      %add3A_454 = arith.addi %add3A, %mul3A_453 : i32
      %dma_start3A_455 = arith.constant 0 : i32
      %dma_start3A_456 = arith.constant 0 : i32
      %dma_start3A_457 = arith.constant 0 : i32
      %dma_start3A_458 = tpu.memref_slice %arg9[%dma_start3A_455, %dma_start3A_456, %dma_start3A_457] : memref<2x128x128xf32, #tpu.memory_space<vmem>> -> memref<1x128x128xf32, #tpu.memory_space<vmem>>
      %dma_start3A_459 = tpu.memref_squeeze %dma_start3A_458 : memref<1x128x128xf32, #tpu.memory_space<vmem>> -> memref<128x128xf32, #tpu.memory_space<vmem>>
      %dma_start3A_460 = arith.constant 0 : i32
      %dma_start3A_461 = tpu.memref_slice %arg2[%add3A_454, %dma_start3A_460] : memref<160000x384xf32, #tpu.memory_space<hbm>> -> memref<128x128xf32, #tpu.memory_space<hbm>>
      %dma_start3A_462 = arith.constant 0 : i32
      %dma_start3A_463 = arith.constant 0 : i32
      %dma_start3A_464 = tpu.memref_slice %arg9[%dma_start3A_455, %dma_start3A_462, %dma_start3A_463] : memref<2x128x128xf32, #tpu.memory_space<vmem>> -> memref<1x128x128xf32, #tpu.memory_space<vmem>>
      %dma_start3A_465 = tpu.memref_squeeze %dma_start3A_464 : memref<1x128x128xf32, #tpu.memory_space<vmem>> -> memref<128x128xf32, #tpu.memory_space<vmem>>
      %dma_start3A_466 = arith.constant 0 : i32
      %dma_start3A_467 = tpu.memref_slice %arg2[%add3A_454, %dma_start3A_466] : memref<160000x384xf32, #tpu.memory_space<hbm>> -> memref<128x128xf32, #tpu.memory_space<hbm>>
      tpu.enqueue_dma source(%dma_start3A_467 : memref<128x128xf32, #tpu.memory_space<hbm>>) target(%dma_start3A_465 : memref<128x128xf32, #tpu.memory_space<vmem>>) target_semaphore(%arg11 : memref<!tpu.dma_semaphore, #tpu.memory_space<semaphore_mem>>)
      %add3A_468 = arith.constant 1 : i32
      %add3A_469 = arith.addi %mul3A_413, %add3A_468 : i32
      %mul3A_470 = arith.constant 128 : i32
      %mul3A_471 = arith.muli %add3A_469, %mul3A_470 : i32
      %add3A_472 = arith.addi %add3A, %mul3A_471 : i32
      %dma_wait3A_473 = arith.constant 1 : i32
      %dma_wait3A_474 = arith.constant 0 : i32
      %dma_wait3A_475 = arith.constant 0 : i32
      %dma_wait3A_476 = tpu.memref_slice %arg9[%dma_wait3A_473, %dma_wait3A_474, %dma_wait3A_475] : memref<2x128x128xf32, #tpu.memory_space<vmem>> -> memref<1x128x128xf32, #tpu.memory_space<vmem>>
      %dma_wait3A_477 = tpu.memref_squeeze %dma_wait3A_476 : memref<1x128x128xf32, #tpu.memory_space<vmem>> -> memref<128x128xf32, #tpu.memory_space<vmem>>
      %dma_wait3A_478 = arith.constant 0 : i32
      %dma_wait3A_479 = tpu.memref_slice %arg2[%add3A_472, %dma_wait3A_478] : memref<160000x384xf32, #tpu.memory_space<hbm>> -> memref<128x128xf32, #tpu.memory_space<hbm>>
      %dma_wait3A_480 = arith.constant 0 : i32
      %dma_wait3A_481 = arith.constant 0 : i32
      %dma_wait3A_482 = tpu.memref_slice %arg9[%dma_wait3A_473, %dma_wait3A_480, %dma_wait3A_481] : memref<2x128x128xf32, #tpu.memory_space<vmem>> -> memref<1x128x128xf32, #tpu.memory_space<vmem>>
      %dma_wait3A_483 = tpu.memref_squeeze %dma_wait3A_482 : memref<1x128x128xf32, #tpu.memory_space<vmem>> -> memref<128x128xf32, #tpu.memory_space<vmem>>
      %dma_wait3A_484 = arith.constant 0 : i32
      %dma_wait3A_485 = tpu.memref_slice %arg2[%add3A_472, %dma_wait3A_484] : memref<160000x384xf32, #tpu.memory_space<hbm>> -> memref<128x128xf32, #tpu.memory_space<hbm>>
      tpu.wait_dma2 semaphore(%arg12 : memref<!tpu.dma_semaphore, #tpu.memory_space<semaphore_mem>>) src(%dma_wait3A_485 : memref<128x128xf32, #tpu.memory_space<hbm>>) dst(%dma_wait3A_483 : memref<128x128xf32, #tpu.memory_space<vmem>>)
      %add3A_486 = arith.constant 1 : i32
      %add3A_487 = arith.addi %mul3A_413, %add3A_486 : i32
      %run_scoped3A_488 = arith.constant 1 : i32
      %run_scoped3A_489 = arith.constant 0 : i32
      "tpu.region"() ({
        %run_scoped3A_490 = tpu.sem_alloc : memref<!tpu.dma_semaphore, #tpu.memory_space<semaphore_mem>>
        %dma_start3A_491 = arith.constant 0 : i32
        %dma_start3A_492 = arith.constant 0 : i32
        %dma_start3A_493 = tpu.memref_slice %arg9[%run_scoped3A_488, %dma_start3A_491, %dma_start3A_492] : memref<2x128x128xf32, #tpu.memory_space<vmem>> -> memref<1x128x128xf32, #tpu.memory_space<vmem>>
        %dma_start3A_494 = tpu.memref_squeeze %dma_start3A_493 : memref<1x128x128xf32, #tpu.memory_space<vmem>> -> memref<128x128xf32, #tpu.memory_space<vmem>>
        %dma_start3A_495 = arith.constant 0 : i32
        %dma_start3A_496 = tpu.memref_slice %arg7[%run_scoped3A_489, %add3A_487, %dma_start3A_495] : memref<2x39x128xi32, #tpu.memory_space<vmem>> -> memref<1x1x128xi32, #tpu.memory_space<vmem>>
        %dma_start3A_497 = tpu.memref_squeeze %dma_start3A_496 : memref<1x1x128xi32, #tpu.memory_space<vmem>> -> memref<128xi32, #tpu.memory_space<vmem>>
        %dma_start3A_498 = arith.constant 0 : i32
        %dma_start3A_499 = arith.constant 0 : i32
        %dma_start3A_500 = tpu.memref_slice %arg10[%dma_start3A_498, %dma_start3A_499] : memref<10000x128xf32, #tpu.memory_space<vmem_shared>> -> memref<10000x128xf32, #tpu.memory_space<vmem_shared>>
        tpu.enqueue_indirect_dma source(%dma_start3A_494 : memref<128x128xf32, #tpu.memory_space<vmem>>) target(%dma_start3A_500 : memref<10000x128xf32, #tpu.memory_space<vmem_shared>>) offsets(%dma_start3A_497 : memref<128xi32, #tpu.memory_space<vmem>>) semaphore(%run_scoped3A_490 : memref<!tpu.dma_semaphore, #tpu.memory_space<semaphore_mem>>) {add = true}
        %dma_wait3A_501 = arith.constant 0 : i32
        %dma_wait3A_502 = arith.constant 0 : i32
        %dma_wait3A_503 = tpu.memref_slice %arg9[%run_scoped3A_488, %dma_wait3A_501, %dma_wait3A_502] : memref<2x128x128xf32, #tpu.memory_space<vmem>> -> memref<1x128x128xf32, #tpu.memory_space<vmem>>
        %dma_wait3A_504 = tpu.memref_squeeze %dma_wait3A_503 : memref<1x128x128xf32, #tpu.memory_space<vmem>> -> memref<128x128xf32, #tpu.memory_space<vmem>>
        %dma_wait3A_505 = arith.constant 0 : i32
        %dma_wait3A_506 = tpu.memref_slice %arg7[%run_scoped3A_489, %add3A_487, %dma_wait3A_505] : memref<2x39x128xi32, #tpu.memory_space<vmem>> -> memref<1x1x128xi32, #tpu.memory_space<vmem>>
        %dma_wait3A_507 = tpu.memref_squeeze %dma_wait3A_506 : memref<1x1x128xi32, #tpu.memory_space<vmem>> -> memref<128xi32, #tpu.memory_space<vmem>>
        %dma_wait3A_508 = arith.constant 0 : i32
        %dma_wait3A_509 = arith.constant 0 : i32
        %dma_wait3A_510 = tpu.memref_slice %arg10[%dma_wait3A_508, %dma_wait3A_509] : memref<10000x128xf32, #tpu.memory_space<vmem_shared>> -> memref<10000x128xf32, #tpu.memory_space<vmem_shared>>
        tpu.wait_indirect_dma semaphore(%run_scoped3A_490 : memref<!tpu.dma_semaphore, #tpu.memory_space<semaphore_mem>>) src(%dma_wait3A_504 : memref<128x128xf32, #tpu.memory_space<vmem>>) dst(%dma_wait3A_510 : memref<10000x128xf32, #tpu.memory_space<vmem_shared>>)
        tpu.yield
      }) : () -> ()
    }
    %scan3A_61 = arith.constant 19 : i32
    %add3A_62 = arith.constant 4864 : i32
    %add3A_63 = arith.addi %add3A, %add3A_62 : i32
    %dma_wait3A = arith.constant 0 : i32
    %dma_wait3A_64 = arith.constant 0 : i32
    %dma_wait3A_65 = arith.constant 0 : i32
    %dma_wait3A_66 = tpu.memref_slice %arg9[%dma_wait3A, %dma_wait3A_64, %dma_wait3A_65] : memref<2x128x128xf32, #tpu.memory_space<vmem>> -> memref<1x128x128xf32, #tpu.memory_space<vmem>>
    %dma_wait3A_67 = tpu.memref_squeeze %dma_wait3A_66 : memref<1x128x128xf32, #tpu.memory_space<vmem>> -> memref<128x128xf32, #tpu.memory_space<vmem>>
    %dma_wait3A_68 = arith.constant 0 : i32
    %dma_wait3A_69 = tpu.memref_slice %arg2[%add3A_63, %dma_wait3A_68] : memref<160000x384xf32, #tpu.memory_space<hbm>> -> memref<128x128xf32, #tpu.memory_space<hbm>>
    %dma_wait3A_70 = arith.constant 0 : i32
    %dma_wait3A_71 = arith.constant 0 : i32
    %dma_wait3A_72 = tpu.memref_slice %arg9[%dma_wait3A, %dma_wait3A_70, %dma_wait3A_71] : memref<2x128x128xf32, #tpu.memory_space<vmem>> -> memref<1x128x128xf32, #tpu.memory_space<vmem>>
    %dma_wait3A_73 = tpu.memref_squeeze %dma_wait3A_72 : memref<1x128x128xf32, #tpu.memory_space<vmem>> -> memref<128x128xf32, #tpu.memory_space<vmem>>
    %dma_wait3A_74 = arith.constant 0 : i32
    %dma_wait3A_75 = tpu.memref_slice %arg2[%add3A_63, %dma_wait3A_74] : memref<160000x384xf32, #tpu.memory_space<hbm>> -> memref<128x128xf32, #tpu.memory_space<hbm>>
    tpu.wait_dma2 semaphore(%arg11 : memref<!tpu.dma_semaphore, #tpu.memory_space<semaphore_mem>>) src(%dma_wait3A_75 : memref<128x128xf32, #tpu.memory_space<hbm>>) dst(%dma_wait3A_73 : memref<128x128xf32, #tpu.memory_space<vmem>>)
    %run_scoped3A_76 = arith.constant 0 : i32
    %run_scoped3A_77 = arith.constant 0 : i32
    %run_scoped3A_78 = arith.constant 38 : i32
    "tpu.region"() ({
      %run_scoped3A_411 = tpu.sem_alloc : memref<!tpu.dma_semaphore, #tpu.memory_space<semaphore_mem>>
      %dma_start3A_412 = arith.constant 0 : i32
      %dma_start3A_413 = arith.constant 0 : i32
      %dma_start3A_414 = tpu.memref_slice %arg9[%run_scoped3A_76, %dma_start3A_412, %dma_start3A_413] : memref<2x128x128xf32, #tpu.memory_space<vmem>> -> memref<1x128x128xf32, #tpu.memory_space<vmem>>
      %dma_start3A_415 = tpu.memref_squeeze %dma_start3A_414 : memref<1x128x128xf32, #tpu.memory_space<vmem>> -> memref<128x128xf32, #tpu.memory_space<vmem>>
      %dma_start3A_416 = arith.constant 0 : i32
      %dma_start3A_417 = tpu.memref_slice %arg7[%run_scoped3A_77, %run_scoped3A_78, %dma_start3A_416] : memref<2x39x128xi32, #tpu.memory_space<vmem>> -> memref<1x1x128xi32, #tpu.memory_space<vmem>>
      %dma_start3A_418 = tpu.memref_squeeze %dma_start3A_417 : memref<1x1x128xi32, #tpu.memory_space<vmem>> -> memref<128xi32, #tpu.memory_space<vmem>>
      %dma_start3A_419 = arith.constant 0 : i32
      %dma_start3A_420 = arith.constant 0 : i32
      %dma_start3A_421 = tpu.memref_slice %arg10[%dma_start3A_419, %dma_start3A_420] : memref<10000x128xf32, #tpu.memory_space<vmem_shared>> -> memref<10000x128xf32, #tpu.memory_space<vmem_shared>>
      tpu.enqueue_indirect_dma source(%dma_start3A_415 : memref<128x128xf32, #tpu.memory_space<vmem>>) target(%dma_start3A_421 : memref<10000x128xf32, #tpu.memory_space<vmem_shared>>) offsets(%dma_start3A_418 : memref<128xi32, #tpu.memory_space<vmem>>) semaphore(%run_scoped3A_411 : memref<!tpu.dma_semaphore, #tpu.memory_space<semaphore_mem>>) {add = true}
      %dma_wait3A_422 = arith.constant 0 : i32
      %dma_wait3A_423 = arith.constant 0 : i32
      %dma_wait3A_424 = tpu.memref_slice %arg9[%run_scoped3A_76, %dma_wait3A_422, %dma_wait3A_423] : memref<2x128x128xf32, #tpu.memory_space<vmem>> -> memref<1x128x128xf32, #tpu.memory_space<vmem>>
      %dma_wait3A_425 = tpu.memref_squeeze %dma_wait3A_424 : memref<1x128x128xf32, #tpu.memory_space<vmem>> -> memref<128x128xf32, #tpu.memory_space<vmem>>
      %dma_wait3A_426 = arith.constant 0 : i32
      %dma_wait3A_427 = tpu.memref_slice %arg7[%run_scoped3A_77, %run_scoped3A_78, %dma_wait3A_426] : memref<2x39x128xi32, #tpu.memory_space<vmem>> -> memref<1x1x128xi32, #tpu.memory_space<vmem>>
      %dma_wait3A_428 = tpu.memref_squeeze %dma_wait3A_427 : memref<1x1x128xi32, #tpu.memory_space<vmem>> -> memref<128xi32, #tpu.memory_space<vmem>>
      %dma_wait3A_429 = arith.constant 0 : i32
      %dma_wait3A_430 = arith.constant 0 : i32
      %dma_wait3A_431 = tpu.memref_slice %arg10[%dma_wait3A_429, %dma_wait3A_430] : memref<10000x128xf32, #tpu.memory_space<vmem_shared>> -> memref<10000x128xf32, #tpu.memory_space<vmem_shared>>
      tpu.wait_indirect_dma semaphore(%run_scoped3A_411 : memref<!tpu.dma_semaphore, #tpu.memory_space<semaphore_mem>>) src(%dma_wait3A_425 : memref<128x128xf32, #tpu.memory_space<vmem>>) dst(%dma_wait3A_431 : memref<10000x128xf32, #tpu.memory_space<vmem_shared>>)
      tpu.yield
    }) : () -> ()
    %add3A_79 = arith.constant 4992 : i32
    %add3A_80 = arith.addi %add3A, %add3A_79 : i32
    %run_scoped3A_81 = arith.constant 0 : i32
    "tpu.region"() ({
      %run_scoped3A_411 = tpu.sem_alloc : memref<!tpu.dma_semaphore, #tpu.memory_space<semaphore_mem>>
      %dma_start3A_412 = arith.constant 0 : i32
      %dma_start3A_413 = arith.constant 0 : i32
      %dma_start3A_414 = tpu.memref_slice %arg9[%run_scoped3A_81, %dma_start3A_412, %dma_start3A_413] : memref<2x128x128xf32, #tpu.memory_space<vmem>> -> memref<1x8x128xf32, #tpu.memory_space<vmem>>
      %dma_start3A_415 = tpu.memref_squeeze %dma_start3A_414 : memref<1x8x128xf32, #tpu.memory_space<vmem>> -> memref<8x128xf32, #tpu.memory_space<vmem>>
      %dma_start3A_416 = arith.constant 0 : i32
      %dma_start3A_417 = tpu.memref_slice %arg2[%add3A_80, %dma_start3A_416] : memref<160000x384xf32, #tpu.memory_space<hbm>> -> memref<8x128xf32, #tpu.memory_space<hbm>>
      %dma_start3A_418 = arith.constant 0 : i32
      %dma_start3A_419 = arith.constant 0 : i32
      %dma_start3A_420 = tpu.memref_slice %arg9[%run_scoped3A_81, %dma_start3A_418, %dma_start3A_419] : memref<2x128x128xf32, #tpu.memory_space<vmem>> -> memref<1x8x128xf32, #tpu.memory_space<vmem>>
      %dma_start3A_421 = tpu.memref_squeeze %dma_start3A_420 : memref<1x8x128xf32, #tpu.memory_space<vmem>> -> memref<8x128xf32, #tpu.memory_space<vmem>>
      %dma_start3A_422 = arith.constant 0 : i32
      %dma_start3A_423 = tpu.memref_slice %arg2[%add3A_80, %dma_start3A_422] : memref<160000x384xf32, #tpu.memory_space<hbm>> -> memref<8x128xf32, #tpu.memory_space<hbm>>
      tpu.enqueue_dma source(%dma_start3A_423 : memref<8x128xf32, #tpu.memory_space<hbm>>) target(%dma_start3A_421 : memref<8x128xf32, #tpu.memory_space<vmem>>) target_semaphore(%run_scoped3A_411 : memref<!tpu.dma_semaphore, #tpu.memory_space<semaphore_mem>>)
      %dma_wait3A_424 = arith.constant 0 : i32
      %dma_wait3A_425 = arith.constant 0 : i32
      %dma_wait3A_426 = tpu.memref_slice %arg9[%run_scoped3A_81, %dma_wait3A_424, %dma_wait3A_425] : memref<2x128x128xf32, #tpu.memory_space<vmem>> -> memref<1x8x128xf32, #tpu.memory_space<vmem>>
      %dma_wait3A_427 = tpu.memref_squeeze %dma_wait3A_426 : memref<1x8x128xf32, #tpu.memory_space<vmem>> -> memref<8x128xf32, #tpu.memory_space<vmem>>
      %dma_wait3A_428 = arith.constant 0 : i32
      %dma_wait3A_429 = tpu.memref_slice %arg2[%add3A_80, %dma_wait3A_428] : memref<160000x384xf32, #tpu.memory_space<hbm>> -> memref<8x128xf32, #tpu.memory_space<hbm>>
      %dma_wait3A_430 = arith.constant 0 : i32
      %dma_wait3A_431 = arith.constant 0 : i32
      %dma_wait3A_432 = tpu.memref_slice %arg9[%run_scoped3A_81, %dma_wait3A_430, %dma_wait3A_431] : memref<2x128x128xf32, #tpu.memory_space<vmem>> -> memref<1x8x128xf32, #tpu.memory_space<vmem>>
      %dma_wait3A_433 = tpu.memref_squeeze %dma_wait3A_432 : memref<1x8x128xf32, #tpu.memory_space<vmem>> -> memref<8x128xf32, #tpu.memory_space<vmem>>
      %dma_wait3A_434 = arith.constant 0 : i32
      %dma_wait3A_435 = tpu.memref_slice %arg2[%add3A_80, %dma_wait3A_434] : memref<160000x384xf32, #tpu.memory_space<hbm>> -> memref<8x128xf32, #tpu.memory_space<hbm>>
      tpu.wait_dma2 semaphore(%run_scoped3A_411 : memref<!tpu.dma_semaphore, #tpu.memory_space<semaphore_mem>>) src(%dma_wait3A_435 : memref<8x128xf32, #tpu.memory_space<hbm>>) dst(%dma_wait3A_433 : memref<8x128xf32, #tpu.memory_space<vmem>>)
      tpu.yield
    }) : () -> ()
    %run_scoped3A_82 = arith.constant 0 : i32
    %run_scoped3A_83 = arith.constant 0 : i32
    "tpu.region"() ({
      %run_scoped3A_411 = tpu.sem_alloc : memref<!tpu.dma_semaphore, #tpu.memory_space<semaphore_mem>>
      %dma_start3A_412 = arith.constant 0 : i32
      %dma_start3A_413 = arith.constant 0 : i32
      %dma_start3A_414 = tpu.memref_slice %arg9[%run_scoped3A_82, %dma_start3A_412, %dma_start3A_413] : memref<2x128x128xf32, #tpu.memory_space<vmem>> -> memref<1x8x128xf32, #tpu.memory_space<vmem>>
      %dma_start3A_415 = tpu.memref_squeeze %dma_start3A_414 : memref<1x8x128xf32, #tpu.memory_space<vmem>> -> memref<8x128xf32, #tpu.memory_space<vmem>>
      %dma_start3A_416 = arith.constant 0 : i32
      %dma_start3A_417 = tpu.memref_slice %arg8[%run_scoped3A_83, %dma_start3A_416] : memref<2x8xi32, #tpu.memory_space<vmem>> -> memref<1x8xi32, #tpu.memory_space<vmem>>
      %dma_start3A_418 = tpu.memref_squeeze %dma_start3A_417 : memref<1x8xi32, #tpu.memory_space<vmem>> -> memref<8xi32, #tpu.memory_space<vmem>>
      %dma_start3A_419 = arith.constant 0 : i32
      %dma_start3A_420 = arith.constant 0 : i32
      %dma_start3A_421 = tpu.memref_slice %arg10[%dma_start3A_419, %dma_start3A_420] : memref<10000x128xf32, #tpu.memory_space<vmem_shared>> -> memref<10000x128xf32, #tpu.memory_space<vmem_shared>>
      tpu.enqueue_indirect_dma source(%dma_start3A_415 : memref<8x128xf32, #tpu.memory_space<vmem>>) target(%dma_start3A_421 : memref<10000x128xf32, #tpu.memory_space<vmem_shared>>) offsets(%dma_start3A_418 : memref<8xi32, #tpu.memory_space<vmem>>) semaphore(%run_scoped3A_411 : memref<!tpu.dma_semaphore, #tpu.memory_space<semaphore_mem>>) {add = true}
      %dma_wait3A_422 = arith.constant 0 : i32
      %dma_wait3A_423 = arith.constant 0 : i32
      %dma_wait3A_424 = tpu.memref_slice %arg9[%run_scoped3A_82, %dma_wait3A_422, %dma_wait3A_423] : memref<2x128x128xf32, #tpu.memory_space<vmem>> -> memref<1x8x128xf32, #tpu.memory_space<vmem>>
      %dma_wait3A_425 = tpu.memref_squeeze %dma_wait3A_424 : memref<1x8x128xf32, #tpu.memory_space<vmem>> -> memref<8x128xf32, #tpu.memory_space<vmem>>
      %dma_wait3A_426 = arith.constant 0 : i32
      %dma_wait3A_427 = tpu.memref_slice %arg8[%run_scoped3A_83, %dma_wait3A_426] : memref<2x8xi32, #tpu.memory_space<vmem>> -> memref<1x8xi32, #tpu.memory_space<vmem>>
      %dma_wait3A_428 = tpu.memref_squeeze %dma_wait3A_427 : memref<1x8xi32, #tpu.memory_space<vmem>> -> memref<8xi32, #tpu.memory_space<vmem>>
      %dma_wait3A_429 = arith.constant 0 : i32
      %dma_wait3A_430 = arith.constant 0 : i32
      %dma_wait3A_431 = tpu.memref_slice %arg10[%dma_wait3A_429, %dma_wait3A_430] : memref<10000x128xf32, #tpu.memory_space<vmem_shared>> -> memref<10000x128xf32, #tpu.memory_space<vmem_shared>>
      tpu.wait_indirect_dma semaphore(%run_scoped3A_411 : memref<!tpu.dma_semaphore, #tpu.memory_space<semaphore_mem>>) src(%dma_wait3A_425 : memref<8x128xf32, #tpu.memory_space<vmem>>) dst(%dma_wait3A_431 : memref<10000x128xf32, #tpu.memory_space<vmem_shared>>)
      tpu.yield
    }) : () -> ()
    %add3A_84 = arith.constant 0 : i32
    %add3A_85 = arith.addi %add3A, %add3A_84 : i32
    %dma_start3A_86 = arith.constant 0 : i32
    %dma_start3A_87 = arith.constant 0 : i32
    %dma_start3A_88 = arith.constant 0 : i32
    %dma_start3A_89 = tpu.memref_slice %arg9[%dma_start3A_86, %dma_start3A_87, %dma_start3A_88] : memref<2x128x128xf32, #tpu.memory_space<vmem>> -> memref<1x128x128xf32, #tpu.memory_space<vmem>>
    %dma_start3A_90 = tpu.memref_squeeze %dma_start3A_89 : memref<1x128x128xf32, #tpu.memory_space<vmem>> -> memref<128x128xf32, #tpu.memory_space<vmem>>
    %dma_start3A_91 = arith.constant 0 : i32
    %dma_start3A_92 = tpu.memref_slice %arg3[%add3A_85, %dma_start3A_91] : memref<160000x384xf32, #tpu.memory_space<hbm>> -> memref<128x128xf32, #tpu.memory_space<hbm>>
    %dma_start3A_93 = arith.constant 0 : i32
    %dma_start3A_94 = arith.constant 0 : i32
    %dma_start3A_95 = tpu.memref_slice %arg9[%dma_start3A_86, %dma_start3A_93, %dma_start3A_94] : memref<2x128x128xf32, #tpu.memory_space<vmem>> -> memref<1x128x128xf32, #tpu.memory_space<vmem>>
    %dma_start3A_96 = tpu.memref_squeeze %dma_start3A_95 : memref<1x128x128xf32, #tpu.memory_space<vmem>> -> memref<128x128xf32, #tpu.memory_space<vmem>>
    %dma_start3A_97 = arith.constant 0 : i32
    %dma_start3A_98 = tpu.memref_slice %arg3[%add3A_85, %dma_start3A_97] : memref<160000x384xf32, #tpu.memory_space<hbm>> -> memref<128x128xf32, #tpu.memory_space<hbm>>
    tpu.enqueue_dma source(%dma_start3A_98 : memref<128x128xf32, #tpu.memory_space<hbm>>) target(%dma_start3A_96 : memref<128x128xf32, #tpu.memory_space<vmem>>) target_semaphore(%arg11 : memref<!tpu.dma_semaphore, #tpu.memory_space<semaphore_mem>>)
    %scan3A_99 = arith.constant 0 : i32
    %scan3A_100 = arith.constant 0 : i32
    %scan3A_101 = arith.constant 19 : i32
    %scan3A_102 = arith.addi %scan3A_100, %scan3A_101 : i32
    %scan3A_103 = arith.constant 1 : i32
    scf.for %scan3A_411 = %scan3A_100 to %scan3A_102 step %scan3A_103  : i32 {
      %mul3A_412 = arith.constant 2 : i32
      %mul3A_413 = arith.muli %mul3A_412, %scan3A_411 : i32
      %add3A_414 = arith.constant 1 : i32
      %add3A_415 = arith.addi %mul3A_413, %add3A_414 : i32
      %mul3A_416 = arith.constant 128 : i32
      %mul3A_417 = arith.muli %add3A_415, %mul3A_416 : i32
      %add3A_418 = arith.addi %add3A, %mul3A_417 : i32
      %dma_start3A_419 = arith.constant 1 : i32
      %dma_start3A_420 = arith.constant 0 : i32
      %dma_start3A_421 = arith.constant 0 : i32
      %dma_start3A_422 = tpu.memref_slice %arg9[%dma_start3A_419, %dma_start3A_420, %dma_start3A_421] : memref<2x128x128xf32, #tpu.memory_space<vmem>> -> memref<1x128x128xf32, #tpu.memory_space<vmem>>
      %dma_start3A_423 = tpu.memref_squeeze %dma_start3A_422 : memref<1x128x128xf32, #tpu.memory_space<vmem>> -> memref<128x128xf32, #tpu.memory_space<vmem>>
      %dma_start3A_424 = arith.constant 0 : i32
      %dma_start3A_425 = tpu.memref_slice %arg3[%add3A_418, %dma_start3A_424] : memref<160000x384xf32, #tpu.memory_space<hbm>> -> memref<128x128xf32, #tpu.memory_space<hbm>>
      %dma_start3A_426 = arith.constant 0 : i32
      %dma_start3A_427 = arith.constant 0 : i32
      %dma_start3A_428 = tpu.memref_slice %arg9[%dma_start3A_419, %dma_start3A_426, %dma_start3A_427] : memref<2x128x128xf32, #tpu.memory_space<vmem>> -> memref<1x128x128xf32, #tpu.memory_space<vmem>>
      %dma_start3A_429 = tpu.memref_squeeze %dma_start3A_428 : memref<1x128x128xf32, #tpu.memory_space<vmem>> -> memref<128x128xf32, #tpu.memory_space<vmem>>
      %dma_start3A_430 = arith.constant 0 : i32
      %dma_start3A_431 = tpu.memref_slice %arg3[%add3A_418, %dma_start3A_430] : memref<160000x384xf32, #tpu.memory_space<hbm>> -> memref<128x128xf32, #tpu.memory_space<hbm>>
      tpu.enqueue_dma source(%dma_start3A_431 : memref<128x128xf32, #tpu.memory_space<hbm>>) target(%dma_start3A_429 : memref<128x128xf32, #tpu.memory_space<vmem>>) target_semaphore(%arg12 : memref<!tpu.dma_semaphore, #tpu.memory_space<semaphore_mem>>)
      %mul3A_432 = arith.constant 128 : i32
      %mul3A_433 = arith.muli %mul3A_413, %mul3A_432 : i32
      %add3A_434 = arith.addi %add3A, %mul3A_433 : i32
      %dma_wait3A_435 = arith.constant 0 : i32
      %dma_wait3A_436 = arith.constant 0 : i32
      %dma_wait3A_437 = arith.constant 0 : i32
      %dma_wait3A_438 = tpu.memref_slice %arg9[%dma_wait3A_435, %dma_wait3A_436, %dma_wait3A_437] : memref<2x128x128xf32, #tpu.memory_space<vmem>> -> memref<1x128x128xf32, #tpu.memory_space<vmem>>
      %dma_wait3A_439 = tpu.memref_squeeze %dma_wait3A_438 : memref<1x128x128xf32, #tpu.memory_space<vmem>> -> memref<128x128xf32, #tpu.memory_space<vmem>>
      %dma_wait3A_440 = arith.constant 0 : i32
      %dma_wait3A_441 = tpu.memref_slice %arg3[%add3A_434, %dma_wait3A_440] : memref<160000x384xf32, #tpu.memory_space<hbm>> -> memref<128x128xf32, #tpu.memory_space<hbm>>
      %dma_wait3A_442 = arith.constant 0 : i32
      %dma_wait3A_443 = arith.constant 0 : i32
      %dma_wait3A_444 = tpu.memref_slice %arg9[%dma_wait3A_435, %dma_wait3A_442, %dma_wait3A_443] : memref<2x128x128xf32, #tpu.memory_space<vmem>> -> memref<1x128x128xf32, #tpu.memory_space<vmem>>
      %dma_wait3A_445 = tpu.memref_squeeze %dma_wait3A_444 : memref<1x128x128xf32, #tpu.memory_space<vmem>> -> memref<128x128xf32, #tpu.memory_space<vmem>>
      %dma_wait3A_446 = arith.constant 0 : i32
      %dma_wait3A_447 = tpu.memref_slice %arg3[%add3A_434, %dma_wait3A_446] : memref<160000x384xf32, #tpu.memory_space<hbm>> -> memref<128x128xf32, #tpu.memory_space<hbm>>
      tpu.wait_dma2 semaphore(%arg11 : memref<!tpu.dma_semaphore, #tpu.memory_space<semaphore_mem>>) src(%dma_wait3A_447 : memref<128x128xf32, #tpu.memory_space<hbm>>) dst(%dma_wait3A_445 : memref<128x128xf32, #tpu.memory_space<vmem>>)
      %run_scoped3A_448 = arith.constant 0 : i32
      %run_scoped3A_449 = arith.constant 1 : i32
      "tpu.region"() ({
        %run_scoped3A_490 = tpu.sem_alloc : memref<!tpu.dma_semaphore, #tpu.memory_space<semaphore_mem>>
        %dma_start3A_491 = arith.constant 0 : i32
        %dma_start3A_492 = arith.constant 0 : i32
        %dma_start3A_493 = tpu.memref_slice %arg9[%run_scoped3A_448, %dma_start3A_491, %dma_start3A_492] : memref<2x128x128xf32, #tpu.memory_space<vmem>> -> memref<1x128x128xf32, #tpu.memory_space<vmem>>
        %dma_start3A_494 = tpu.memref_squeeze %dma_start3A_493 : memref<1x128x128xf32, #tpu.memory_space<vmem>> -> memref<128x128xf32, #tpu.memory_space<vmem>>
        %dma_start3A_495 = arith.constant 0 : i32
        %dma_start3A_496 = tpu.memref_slice %arg7[%run_scoped3A_449, %mul3A_413, %dma_start3A_495] : memref<2x39x128xi32, #tpu.memory_space<vmem>> -> memref<1x1x128xi32, #tpu.memory_space<vmem>>
        %dma_start3A_497 = tpu.memref_squeeze %dma_start3A_496 : memref<1x1x128xi32, #tpu.memory_space<vmem>> -> memref<128xi32, #tpu.memory_space<vmem>>
        %dma_start3A_498 = arith.constant 0 : i32
        %dma_start3A_499 = arith.constant 0 : i32
        %dma_start3A_500 = tpu.memref_slice %arg10[%dma_start3A_498, %dma_start3A_499] : memref<10000x128xf32, #tpu.memory_space<vmem_shared>> -> memref<10000x128xf32, #tpu.memory_space<vmem_shared>>
        tpu.enqueue_indirect_dma source(%dma_start3A_494 : memref<128x128xf32, #tpu.memory_space<vmem>>) target(%dma_start3A_500 : memref<10000x128xf32, #tpu.memory_space<vmem_shared>>) offsets(%dma_start3A_497 : memref<128xi32, #tpu.memory_space<vmem>>) semaphore(%run_scoped3A_490 : memref<!tpu.dma_semaphore, #tpu.memory_space<semaphore_mem>>) {add = true}
        %dma_wait3A_501 = arith.constant 0 : i32
        %dma_wait3A_502 = arith.constant 0 : i32
        %dma_wait3A_503 = tpu.memref_slice %arg9[%run_scoped3A_448, %dma_wait3A_501, %dma_wait3A_502] : memref<2x128x128xf32, #tpu.memory_space<vmem>> -> memref<1x128x128xf32, #tpu.memory_space<vmem>>
        %dma_wait3A_504 = tpu.memref_squeeze %dma_wait3A_503 : memref<1x128x128xf32, #tpu.memory_space<vmem>> -> memref<128x128xf32, #tpu.memory_space<vmem>>
        %dma_wait3A_505 = arith.constant 0 : i32
        %dma_wait3A_506 = tpu.memref_slice %arg7[%run_scoped3A_449, %mul3A_413, %dma_wait3A_505] : memref<2x39x128xi32, #tpu.memory_space<vmem>> -> memref<1x1x128xi32, #tpu.memory_space<vmem>>
        %dma_wait3A_507 = tpu.memref_squeeze %dma_wait3A_506 : memref<1x1x128xi32, #tpu.memory_space<vmem>> -> memref<128xi32, #tpu.memory_space<vmem>>
        %dma_wait3A_508 = arith.constant 0 : i32
        %dma_wait3A_509 = arith.constant 0 : i32
        %dma_wait3A_510 = tpu.memref_slice %arg10[%dma_wait3A_508, %dma_wait3A_509] : memref<10000x128xf32, #tpu.memory_space<vmem_shared>> -> memref<10000x128xf32, #tpu.memory_space<vmem_shared>>
        tpu.wait_indirect_dma semaphore(%run_scoped3A_490 : memref<!tpu.dma_semaphore, #tpu.memory_space<semaphore_mem>>) src(%dma_wait3A_504 : memref<128x128xf32, #tpu.memory_space<vmem>>) dst(%dma_wait3A_510 : memref<10000x128xf32, #tpu.memory_space<vmem_shared>>)
        tpu.yield
      }) : () -> ()
      %add3A_450 = arith.constant 2 : i32
      %add3A_451 = arith.addi %mul3A_413, %add3A_450 : i32
      %mul3A_452 = arith.constant 128 : i32
      %mul3A_453 = arith.muli %add3A_451, %mul3A_452 : i32
      %add3A_454 = arith.addi %add3A, %mul3A_453 : i32
      %dma_start3A_455 = arith.constant 0 : i32
      %dma_start3A_456 = arith.constant 0 : i32
      %dma_start3A_457 = arith.constant 0 : i32
      %dma_start3A_458 = tpu.memref_slice %arg9[%dma_start3A_455, %dma_start3A_456, %dma_start3A_457] : memref<2x128x128xf32, #tpu.memory_space<vmem>> -> memref<1x128x128xf32, #tpu.memory_space<vmem>>
      %dma_start3A_459 = tpu.memref_squeeze %dma_start3A_458 : memref<1x128x128xf32, #tpu.memory_space<vmem>> -> memref<128x128xf32, #tpu.memory_space<vmem>>
      %dma_start3A_460 = arith.constant 0 : i32
      %dma_start3A_461 = tpu.memref_slice %arg3[%add3A_454, %dma_start3A_460] : memref<160000x384xf32, #tpu.memory_space<hbm>> -> memref<128x128xf32, #tpu.memory_space<hbm>>
      %dma_start3A_462 = arith.constant 0 : i32
      %dma_start3A_463 = arith.constant 0 : i32
      %dma_start3A_464 = tpu.memref_slice %arg9[%dma_start3A_455, %dma_start3A_462, %dma_start3A_463] : memref<2x128x128xf32, #tpu.memory_space<vmem>> -> memref<1x128x128xf32, #tpu.memory_space<vmem>>
      %dma_start3A_465 = tpu.memref_squeeze %dma_start3A_464 : memref<1x128x128xf32, #tpu.memory_space<vmem>> -> memref<128x128xf32, #tpu.memory_space<vmem>>
      %dma_start3A_466 = arith.constant 0 : i32
      %dma_start3A_467 = tpu.memref_slice %arg3[%add3A_454, %dma_start3A_466] : memref<160000x384xf32, #tpu.memory_space<hbm>> -> memref<128x128xf32, #tpu.memory_space<hbm>>
      tpu.enqueue_dma source(%dma_start3A_467 : memref<128x128xf32, #tpu.memory_space<hbm>>) target(%dma_start3A_465 : memref<128x128xf32, #tpu.memory_space<vmem>>) target_semaphore(%arg11 : memref<!tpu.dma_semaphore, #tpu.memory_space<semaphore_mem>>)
      %add3A_468 = arith.constant 1 : i32
      %add3A_469 = arith.addi %mul3A_413, %add3A_468 : i32
      %mul3A_470 = arith.constant 128 : i32
      %mul3A_471 = arith.muli %add3A_469, %mul3A_470 : i32
      %add3A_472 = arith.addi %add3A, %mul3A_471 : i32
      %dma_wait3A_473 = arith.constant 1 : i32
      %dma_wait3A_474 = arith.constant 0 : i32
      %dma_wait3A_475 = arith.constant 0 : i32
      %dma_wait3A_476 = tpu.memref_slice %arg9[%dma_wait3A_473, %dma_wait3A_474, %dma_wait3A_475] : memref<2x128x128xf32, #tpu.memory_space<vmem>> -> memref<1x128x128xf32, #tpu.memory_space<vmem>>
      %dma_wait3A_477 = tpu.memref_squeeze %dma_wait3A_476 : memref<1x128x128xf32, #tpu.memory_space<vmem>> -> memref<128x128xf32, #tpu.memory_space<vmem>>
      %dma_wait3A_478 = arith.constant 0 : i32
      %dma_wait3A_479 = tpu.memref_slice %arg3[%add3A_472, %dma_wait3A_478] : memref<160000x384xf32, #tpu.memory_space<hbm>> -> memref<128x128xf32, #tpu.memory_space<hbm>>
      %dma_wait3A_480 = arith.constant 0 : i32
      %dma_wait3A_481 = arith.constant 0 : i32
      %dma_wait3A_482 = tpu.memref_slice %arg9[%dma_wait3A_473, %dma_wait3A_480, %dma_wait3A_481] : memref<2x128x128xf32, #tpu.memory_space<vmem>> -> memref<1x128x128xf32, #tpu.memory_space<vmem>>
      %dma_wait3A_483 = tpu.memref_squeeze %dma_wait3A_482 : memref<1x128x128xf32, #tpu.memory_space<vmem>> -> memref<128x128xf32, #tpu.memory_space<vmem>>
      %dma_wait3A_484 = arith.constant 0 : i32
      %dma_wait3A_485 = tpu.memref_slice %arg3[%add3A_472, %dma_wait3A_484] : memref<160000x384xf32, #tpu.memory_space<hbm>> -> memref<128x128xf32, #tpu.memory_space<hbm>>
      tpu.wait_dma2 semaphore(%arg12 : memref<!tpu.dma_semaphore, #tpu.memory_space<semaphore_mem>>) src(%dma_wait3A_485 : memref<128x128xf32, #tpu.memory_space<hbm>>) dst(%dma_wait3A_483 : memref<128x128xf32, #tpu.memory_space<vmem>>)
      %add3A_486 = arith.constant 1 : i32
      %add3A_487 = arith.addi %mul3A_413, %add3A_486 : i32
      %run_scoped3A_488 = arith.constant 1 : i32
      %run_scoped3A_489 = arith.constant 1 : i32
      "tpu.region"() ({
        %run_scoped3A_490 = tpu.sem_alloc : memref<!tpu.dma_semaphore, #tpu.memory_space<semaphore_mem>>
        %dma_start3A_491 = arith.constant 0 : i32
        %dma_start3A_492 = arith.constant 0 : i32
        %dma_start3A_493 = tpu.memref_slice %arg9[%run_scoped3A_488, %dma_start3A_491, %dma_start3A_492] : memref<2x128x128xf32, #tpu.memory_space<vmem>> -> memref<1x128x128xf32, #tpu.memory_space<vmem>>
        %dma_start3A_494 = tpu.memref_squeeze %dma_start3A_493 : memref<1x128x128xf32, #tpu.memory_space<vmem>> -> memref<128x128xf32, #tpu.memory_space<vmem>>
        %dma_start3A_495 = arith.constant 0 : i32
        %dma_start3A_496 = tpu.memref_slice %arg7[%run_scoped3A_489, %add3A_487, %dma_start3A_495] : memref<2x39x128xi32, #tpu.memory_space<vmem>> -> memref<1x1x128xi32, #tpu.memory_space<vmem>>
        %dma_start3A_497 = tpu.memref_squeeze %dma_start3A_496 : memref<1x1x128xi32, #tpu.memory_space<vmem>> -> memref<128xi32, #tpu.memory_space<vmem>>
        %dma_start3A_498 = arith.constant 0 : i32
        %dma_start3A_499 = arith.constant 0 : i32
        %dma_start3A_500 = tpu.memref_slice %arg10[%dma_start3A_498, %dma_start3A_499] : memref<10000x128xf32, #tpu.memory_space<vmem_shared>> -> memref<10000x128xf32, #tpu.memory_space<vmem_shared>>
        tpu.enqueue_indirect_dma source(%dma_start3A_494 : memref<128x128xf32, #tpu.memory_space<vmem>>) target(%dma_start3A_500 : memref<10000x128xf32, #tpu.memory_space<vmem_shared>>) offsets(%dma_start3A_497 : memref<128xi32, #tpu.memory_space<vmem>>) semaphore(%run_scoped3A_490 : memref<!tpu.dma_semaphore, #tpu.memory_space<semaphore_mem>>) {add = true}
        %dma_wait3A_501 = arith.constant 0 : i32
        %dma_wait3A_502 = arith.constant 0 : i32
        %dma_wait3A_503 = tpu.memref_slice %arg9[%run_scoped3A_488, %dma_wait3A_501, %dma_wait3A_502] : memref<2x128x128xf32, #tpu.memory_space<vmem>> -> memref<1x128x128xf32, #tpu.memory_space<vmem>>
        %dma_wait3A_504 = tpu.memref_squeeze %dma_wait3A_503 : memref<1x128x128xf32, #tpu.memory_space<vmem>> -> memref<128x128xf32, #tpu.memory_space<vmem>>
        %dma_wait3A_505 = arith.constant 0 : i32
        %dma_wait3A_506 = tpu.memref_slice %arg7[%run_scoped3A_489, %add3A_487, %dma_wait3A_505] : memref<2x39x128xi32, #tpu.memory_space<vmem>> -> memref<1x1x128xi32, #tpu.memory_space<vmem>>
        %dma_wait3A_507 = tpu.memref_squeeze %dma_wait3A_506 : memref<1x1x128xi32, #tpu.memory_space<vmem>> -> memref<128xi32, #tpu.memory_space<vmem>>
        %dma_wait3A_508 = arith.constant 0 : i32
        %dma_wait3A_509 = arith.constant 0 : i32
        %dma_wait3A_510 = tpu.memref_slice %arg10[%dma_wait3A_508, %dma_wait3A_509] : memref<10000x128xf32, #tpu.memory_space<vmem_shared>> -> memref<10000x128xf32, #tpu.memory_space<vmem_shared>>
        tpu.wait_indirect_dma semaphore(%run_scoped3A_490 : memref<!tpu.dma_semaphore, #tpu.memory_space<semaphore_mem>>) src(%dma_wait3A_504 : memref<128x128xf32, #tpu.memory_space<vmem>>) dst(%dma_wait3A_510 : memref<10000x128xf32, #tpu.memory_space<vmem_shared>>)
        tpu.yield
      }) : () -> ()
    }
    %scan3A_104 = arith.constant 19 : i32
    %add3A_105 = arith.constant 4864 : i32
    %add3A_106 = arith.addi %add3A, %add3A_105 : i32
    %dma_wait3A_107 = arith.constant 0 : i32
    %dma_wait3A_108 = arith.constant 0 : i32
    %dma_wait3A_109 = arith.constant 0 : i32
    %dma_wait3A_110 = tpu.memref_slice %arg9[%dma_wait3A_107, %dma_wait3A_108, %dma_wait3A_109] : memref<2x128x128xf32, #tpu.memory_space<vmem>> -> memref<1x128x128xf32, #tpu.memory_space<vmem>>
    %dma_wait3A_111 = tpu.memref_squeeze %dma_wait3A_110 : memref<1x128x128xf32, #tpu.memory_space<vmem>> -> memref<128x128xf32, #tpu.memory_space<vmem>>
    %dma_wait3A_112 = arith.constant 0 : i32
    %dma_wait3A_113 = tpu.memref_slice %arg3[%add3A_106, %dma_wait3A_112] : memref<160000x384xf32, #tpu.memory_space<hbm>> -> memref<128x128xf32, #tpu.memory_space<hbm>>
    %dma_wait3A_114 = arith.constant 0 : i32
    %dma_wait3A_115 = arith.constant 0 : i32
    %dma_wait3A_116 = tpu.memref_slice %arg9[%dma_wait3A_107, %dma_wait3A_114, %dma_wait3A_115] : memref<2x128x128xf32, #tpu.memory_space<vmem>> -> memref<1x128x128xf32, #tpu.memory_space<vmem>>
    %dma_wait3A_117 = tpu.memref_squeeze %dma_wait3A_116 : memref<1x128x128xf32, #tpu.memory_space<vmem>> -> memref<128x128xf32, #tpu.memory_space<vmem>>
    %dma_wait3A_118 = arith.constant 0 : i32
    %dma_wait3A_119 = tpu.memref_slice %arg3[%add3A_106, %dma_wait3A_118] : memref<160000x384xf32, #tpu.memory_space<hbm>> -> memref<128x128xf32, #tpu.memory_space<hbm>>
    tpu.wait_dma2 semaphore(%arg11 : memref<!tpu.dma_semaphore, #tpu.memory_space<semaphore_mem>>) src(%dma_wait3A_119 : memref<128x128xf32, #tpu.memory_space<hbm>>) dst(%dma_wait3A_117 : memref<128x128xf32, #tpu.memory_space<vmem>>)
    %run_scoped3A_120 = arith.constant 0 : i32
    %run_scoped3A_121 = arith.constant 1 : i32
    %run_scoped3A_122 = arith.constant 38 : i32
    "tpu.region"() ({
      %run_scoped3A_411 = tpu.sem_alloc : memref<!tpu.dma_semaphore, #tpu.memory_space<semaphore_mem>>
      %dma_start3A_412 = arith.constant 0 : i32
      %dma_start3A_413 = arith.constant 0 : i32
      %dma_start3A_414 = tpu.memref_slice %arg9[%run_scoped3A_120, %dma_start3A_412, %dma_start3A_413] : memref<2x128x128xf32, #tpu.memory_space<vmem>> -> memref<1x128x128xf32, #tpu.memory_space<vmem>>
      %dma_start3A_415 = tpu.memref_squeeze %dma_start3A_414 : memref<1x128x128xf32, #tpu.memory_space<vmem>> -> memref<128x128xf32, #tpu.memory_space<vmem>>
      %dma_start3A_416 = arith.constant 0 : i32
      %dma_start3A_417 = tpu.memref_slice %arg7[%run_scoped3A_121, %run_scoped3A_122, %dma_start3A_416] : memref<2x39x128xi32, #tpu.memory_space<vmem>> -> memref<1x1x128xi32, #tpu.memory_space<vmem>>
      %dma_start3A_418 = tpu.memref_squeeze %dma_start3A_417 : memref<1x1x128xi32, #tpu.memory_space<vmem>> -> memref<128xi32, #tpu.memory_space<vmem>>
      %dma_start3A_419 = arith.constant 0 : i32
      %dma_start3A_420 = arith.constant 0 : i32
      %dma_start3A_421 = tpu.memref_slice %arg10[%dma_start3A_419, %dma_start3A_420] : memref<10000x128xf32, #tpu.memory_space<vmem_shared>> -> memref<10000x128xf32, #tpu.memory_space<vmem_shared>>
      tpu.enqueue_indirect_dma source(%dma_start3A_415 : memref<128x128xf32, #tpu.memory_space<vmem>>) target(%dma_start3A_421 : memref<10000x128xf32, #tpu.memory_space<vmem_shared>>) offsets(%dma_start3A_418 : memref<128xi32, #tpu.memory_space<vmem>>) semaphore(%run_scoped3A_411 : memref<!tpu.dma_semaphore, #tpu.memory_space<semaphore_mem>>) {add = true}
      %dma_wait3A_422 = arith.constant 0 : i32
      %dma_wait3A_423 = arith.constant 0 : i32
      %dma_wait3A_424 = tpu.memref_slice %arg9[%run_scoped3A_120, %dma_wait3A_422, %dma_wait3A_423] : memref<2x128x128xf32, #tpu.memory_space<vmem>> -> memref<1x128x128xf32, #tpu.memory_space<vmem>>
      %dma_wait3A_425 = tpu.memref_squeeze %dma_wait3A_424 : memref<1x128x128xf32, #tpu.memory_space<vmem>> -> memref<128x128xf32, #tpu.memory_space<vmem>>
      %dma_wait3A_426 = arith.constant 0 : i32
      %dma_wait3A_427 = tpu.memref_slice %arg7[%run_scoped3A_121, %run_scoped3A_122, %dma_wait3A_426] : memref<2x39x128xi32, #tpu.memory_space<vmem>> -> memref<1x1x128xi32, #tpu.memory_space<vmem>>
      %dma_wait3A_428 = tpu.memref_squeeze %dma_wait3A_427 : memref<1x1x128xi32, #tpu.memory_space<vmem>> -> memref<128xi32, #tpu.memory_space<vmem>>
      %dma_wait3A_429 = arith.constant 0 : i32
      %dma_wait3A_430 = arith.constant 0 : i32
      %dma_wait3A_431 = tpu.memref_slice %arg10[%dma_wait3A_429, %dma_wait3A_430] : memref<10000x128xf32, #tpu.memory_space<vmem_shared>> -> memref<10000x128xf32, #tpu.memory_space<vmem_shared>>
      tpu.wait_indirect_dma semaphore(%run_scoped3A_411 : memref<!tpu.dma_semaphore, #tpu.memory_space<semaphore_mem>>) src(%dma_wait3A_425 : memref<128x128xf32, #tpu.memory_space<vmem>>) dst(%dma_wait3A_431 : memref<10000x128xf32, #tpu.memory_space<vmem_shared>>)
      tpu.yield
    }) : () -> ()
    %add3A_123 = arith.constant 4992 : i32
    %add3A_124 = arith.addi %add3A, %add3A_123 : i32
    %run_scoped3A_125 = arith.constant 0 : i32
    "tpu.region"() ({
      %run_scoped3A_411 = tpu.sem_alloc : memref<!tpu.dma_semaphore, #tpu.memory_space<semaphore_mem>>
      %dma_start3A_412 = arith.constant 0 : i32
      %dma_start3A_413 = arith.constant 0 : i32
      %dma_start3A_414 = tpu.memref_slice %arg9[%run_scoped3A_125, %dma_start3A_412, %dma_start3A_413] : memref<2x128x128xf32, #tpu.memory_space<vmem>> -> memref<1x8x128xf32, #tpu.memory_space<vmem>>
      %dma_start3A_415 = tpu.memref_squeeze %dma_start3A_414 : memref<1x8x128xf32, #tpu.memory_space<vmem>> -> memref<8x128xf32, #tpu.memory_space<vmem>>
      %dma_start3A_416 = arith.constant 0 : i32
      %dma_start3A_417 = tpu.memref_slice %arg3[%add3A_124, %dma_start3A_416] : memref<160000x384xf32, #tpu.memory_space<hbm>> -> memref<8x128xf32, #tpu.memory_space<hbm>>
      %dma_start3A_418 = arith.constant 0 : i32
      %dma_start3A_419 = arith.constant 0 : i32
      %dma_start3A_420 = tpu.memref_slice %arg9[%run_scoped3A_125, %dma_start3A_418, %dma_start3A_419] : memref<2x128x128xf32, #tpu.memory_space<vmem>> -> memref<1x8x128xf32, #tpu.memory_space<vmem>>
      %dma_start3A_421 = tpu.memref_squeeze %dma_start3A_420 : memref<1x8x128xf32, #tpu.memory_space<vmem>> -> memref<8x128xf32, #tpu.memory_space<vmem>>
      %dma_start3A_422 = arith.constant 0 : i32
      %dma_start3A_423 = tpu.memref_slice %arg3[%add3A_124, %dma_start3A_422] : memref<160000x384xf32, #tpu.memory_space<hbm>> -> memref<8x128xf32, #tpu.memory_space<hbm>>
      tpu.enqueue_dma source(%dma_start3A_423 : memref<8x128xf32, #tpu.memory_space<hbm>>) target(%dma_start3A_421 : memref<8x128xf32, #tpu.memory_space<vmem>>) target_semaphore(%run_scoped3A_411 : memref<!tpu.dma_semaphore, #tpu.memory_space<semaphore_mem>>)
      %dma_wait3A_424 = arith.constant 0 : i32
      %dma_wait3A_425 = arith.constant 0 : i32
      %dma_wait3A_426 = tpu.memref_slice %arg9[%run_scoped3A_125, %dma_wait3A_424, %dma_wait3A_425] : memref<2x128x128xf32, #tpu.memory_space<vmem>> -> memref<1x8x128xf32, #tpu.memory_space<vmem>>
      %dma_wait3A_427 = tpu.memref_squeeze %dma_wait3A_426 : memref<1x8x128xf32, #tpu.memory_space<vmem>> -> memref<8x128xf32, #tpu.memory_space<vmem>>
      %dma_wait3A_428 = arith.constant 0 : i32
      %dma_wait3A_429 = tpu.memref_slice %arg3[%add3A_124, %dma_wait3A_428] : memref<160000x384xf32, #tpu.memory_space<hbm>> -> memref<8x128xf32, #tpu.memory_space<hbm>>
      %dma_wait3A_430 = arith.constant 0 : i32
      %dma_wait3A_431 = arith.constant 0 : i32
      %dma_wait3A_432 = tpu.memref_slice %arg9[%run_scoped3A_125, %dma_wait3A_430, %dma_wait3A_431] : memref<2x128x128xf32, #tpu.memory_space<vmem>> -> memref<1x8x128xf32, #tpu.memory_space<vmem>>
      %dma_wait3A_433 = tpu.memref_squeeze %dma_wait3A_432 : memref<1x8x128xf32, #tpu.memory_space<vmem>> -> memref<8x128xf32, #tpu.memory_space<vmem>>
      %dma_wait3A_434 = arith.constant 0 : i32
      %dma_wait3A_435 = tpu.memref_slice %arg3[%add3A_124, %dma_wait3A_434] : memref<160000x384xf32, #tpu.memory_space<hbm>> -> memref<8x128xf32, #tpu.memory_space<hbm>>
      tpu.wait_dma2 semaphore(%run_scoped3A_411 : memref<!tpu.dma_semaphore, #tpu.memory_space<semaphore_mem>>) src(%dma_wait3A_435 : memref<8x128xf32, #tpu.memory_space<hbm>>) dst(%dma_wait3A_433 : memref<8x128xf32, #tpu.memory_space<vmem>>)
      tpu.yield
    }) : () -> ()
    %run_scoped3A_126 = arith.constant 0 : i32
    %run_scoped3A_127 = arith.constant 1 : i32
    "tpu.region"() ({
      %run_scoped3A_411 = tpu.sem_alloc : memref<!tpu.dma_semaphore, #tpu.memory_space<semaphore_mem>>
      %dma_start3A_412 = arith.constant 0 : i32
      %dma_start3A_413 = arith.constant 0 : i32
      %dma_start3A_414 = tpu.memref_slice %arg9[%run_scoped3A_126, %dma_start3A_412, %dma_start3A_413] : memref<2x128x128xf32, #tpu.memory_space<vmem>> -> memref<1x8x128xf32, #tpu.memory_space<vmem>>
      %dma_start3A_415 = tpu.memref_squeeze %dma_start3A_414 : memref<1x8x128xf32, #tpu.memory_space<vmem>> -> memref<8x128xf32, #tpu.memory_space<vmem>>
      %dma_start3A_416 = arith.constant 0 : i32
      %dma_start3A_417 = tpu.memref_slice %arg8[%run_scoped3A_127, %dma_start3A_416] : memref<2x8xi32, #tpu.memory_space<vmem>> -> memref<1x8xi32, #tpu.memory_space<vmem>>
      %dma_start3A_418 = tpu.memref_squeeze %dma_start3A_417 : memref<1x8xi32, #tpu.memory_space<vmem>> -> memref<8xi32, #tpu.memory_space<vmem>>
      %dma_start3A_419 = arith.constant 0 : i32
      %dma_start3A_420 = arith.constant 0 : i32
      %dma_start3A_421 = tpu.memref_slice %arg10[%dma_start3A_419, %dma_start3A_420] : memref<10000x128xf32, #tpu.memory_space<vmem_shared>> -> memref<10000x128xf32, #tpu.memory_space<vmem_shared>>
      tpu.enqueue_indirect_dma source(%dma_start3A_415 : memref<8x128xf32, #tpu.memory_space<vmem>>) target(%dma_start3A_421 : memref<10000x128xf32, #tpu.memory_space<vmem_shared>>) offsets(%dma_start3A_418 : memref<8xi32, #tpu.memory_space<vmem>>) semaphore(%run_scoped3A_411 : memref<!tpu.dma_semaphore, #tpu.memory_space<semaphore_mem>>) {add = true}
      %dma_wait3A_422 = arith.constant 0 : i32
      %dma_wait3A_423 = arith.constant 0 : i32
      %dma_wait3A_424 = tpu.memref_slice %arg9[%run_scoped3A_126, %dma_wait3A_422, %dma_wait3A_423] : memref<2x128x128xf32, #tpu.memory_space<vmem>> -> memref<1x8x128xf32, #tpu.memory_space<vmem>>
      %dma_wait3A_425 = tpu.memref_squeeze %dma_wait3A_424 : memref<1x8x128xf32, #tpu.memory_space<vmem>> -> memref<8x128xf32, #tpu.memory_space<vmem>>
      %dma_wait3A_426 = arith.constant 0 : i32
      %dma_wait3A_427 = tpu.memref_slice %arg8[%run_scoped3A_127, %dma_wait3A_426] : memref<2x8xi32, #tpu.memory_space<vmem>> -> memref<1x8xi32, #tpu.memory_space<vmem>>
      %dma_wait3A_428 = tpu.memref_squeeze %dma_wait3A_427 : memref<1x8xi32, #tpu.memory_space<vmem>> -> memref<8xi32, #tpu.memory_space<vmem>>
      %dma_wait3A_429 = arith.constant 0 : i32
      %dma_wait3A_430 = arith.constant 0 : i32
      %dma_wait3A_431 = tpu.memref_slice %arg10[%dma_wait3A_429, %dma_wait3A_430] : memref<10000x128xf32, #tpu.memory_space<vmem_shared>> -> memref<10000x128xf32, #tpu.memory_space<vmem_shared>>
      tpu.wait_indirect_dma semaphore(%run_scoped3A_411 : memref<!tpu.dma_semaphore, #tpu.memory_space<semaphore_mem>>) src(%dma_wait3A_425 : memref<8x128xf32, #tpu.memory_space<vmem>>) dst(%dma_wait3A_431 : memref<10000x128xf32, #tpu.memory_space<vmem_shared>>)
      tpu.yield
    }) : () -> ()
    %barrier3A_128 = arith.constant 0 : index
    tpu.barrier barrier_id(%barrier3A_128)
    %mul3A_129 = arith.constant 624 : i32
    %mul3A_130 = arith.muli %arg1, %mul3A_129 : i32
    %mul3A_131 = arith.constant 624 : i32
    %mul3A_132 = arith.muli %arg1, %mul3A_131 : i32
    "tpu.region"() ({
      %run_scoped3A_411 = tpu.sem_alloc : memref<!tpu.dma_semaphore, #tpu.memory_space<semaphore_mem>>
      %dma_start3A_412 = arith.constant 0 : i32
      %dma_start3A_413 = tpu.memref_slice %arg6[%arg0, %mul3A_132, %dma_start3A_412] : memref<2x10000x384xf32, #tpu.memory_space<hbm>> -> memref<1x624x128xf32, #tpu.memory_space<hbm>>
      %dma_start3A_414 = tpu.memref_squeeze %dma_start3A_413 : memref<1x624x128xf32, #tpu.memory_space<hbm>> -> memref<624x128xf32, #tpu.memory_space<hbm>>
      %dma_start3A_415 = arith.constant 0 : i32
      %dma_start3A_416 = tpu.memref_slice %arg10[%mul3A_130, %dma_start3A_415] : memref<10000x128xf32, #tpu.memory_space<vmem_shared>> -> memref<624x128xf32, #tpu.memory_space<vmem_shared>>
      tpu.enqueue_dma source(%dma_start3A_416 : memref<624x128xf32, #tpu.memory_space<vmem_shared>>) target(%dma_start3A_414 : memref<624x128xf32, #tpu.memory_space<hbm>>) target_semaphore(%run_scoped3A_411 : memref<!tpu.dma_semaphore, #tpu.memory_space<semaphore_mem>>)
      %dma_wait3A_417 = arith.constant 0 : i32
      %dma_wait3A_418 = tpu.memref_slice %arg6[%arg0, %mul3A_132, %dma_wait3A_417] : memref<2x10000x384xf32, #tpu.memory_space<hbm>> -> memref<1x624x128xf32, #tpu.memory_space<hbm>>
      %dma_wait3A_419 = tpu.memref_squeeze %dma_wait3A_418 : memref<1x624x128xf32, #tpu.memory_space<hbm>> -> memref<624x128xf32, #tpu.memory_space<hbm>>
      %dma_wait3A_420 = arith.constant 0 : i32
      %dma_wait3A_421 = tpu.memref_slice %arg10[%mul3A_130, %dma_wait3A_420] : memref<10000x128xf32, #tpu.memory_space<vmem_shared>> -> memref<624x128xf32, #tpu.memory_space<vmem_shared>>
      tpu.wait_dma2 semaphore(%run_scoped3A_411 : memref<!tpu.dma_semaphore, #tpu.memory_space<semaphore_mem>>) src(%dma_wait3A_421 : memref<624x128xf32, #tpu.memory_space<vmem_shared>>) dst(%dma_wait3A_419 : memref<624x128xf32, #tpu.memory_space<hbm>>)
      tpu.yield
    }) : () -> ()
    %eq3A_133 = arith.constant 15 : i32
    %eq3A_134 = arith.cmpi eq, %arg1, %eq3A_133 : i32
    %convert_element_type3A_135 = arith.extui %eq3A_134 : i1 to i32
    %cond3A_136 = arith.constant 0 : i32
    %cond3A_137 = arith.cmpi ne, %convert_element_type3A_135, %cond3A_136 : i32
    scf.if %cond3A_137 {
      "tpu.region"() ({
        %run_scoped3A_411 = tpu.sem_alloc : memref<!tpu.dma_semaphore, #tpu.memory_space<semaphore_mem>>
        %dma_start3A_412 = arith.constant 9984 : i32
        %dma_start3A_413 = arith.constant 0 : i32
        %dma_start3A_414 = tpu.memref_slice %arg6[%arg0, %dma_start3A_412, %dma_start3A_413] : memref<2x10000x384xf32, #tpu.memory_space<hbm>> -> memref<1x16x128xf32, #tpu.memory_space<hbm>>
        %dma_start3A_415 = tpu.memref_squeeze %dma_start3A_414 : memref<1x16x128xf32, #tpu.memory_space<hbm>> -> memref<16x128xf32, #tpu.memory_space<hbm>>
        %dma_start3A_416 = arith.constant 9984 : i32
        %dma_start3A_417 = arith.constant 0 : i32
        %dma_start3A_418 = tpu.memref_slice %arg10[%dma_start3A_416, %dma_start3A_417] : memref<10000x128xf32, #tpu.memory_space<vmem_shared>> -> memref<16x128xf32, #tpu.memory_space<vmem_shared>>
        tpu.enqueue_dma source(%dma_start3A_418 : memref<16x128xf32, #tpu.memory_space<vmem_shared>>) target(%dma_start3A_415 : memref<16x128xf32, #tpu.memory_space<hbm>>) target_semaphore(%run_scoped3A_411 : memref<!tpu.dma_semaphore, #tpu.memory_space<semaphore_mem>>)
        %dma_wait3A_419 = arith.constant 9984 : i32
        %dma_wait3A_420 = arith.constant 0 : i32
        %dma_wait3A_421 = tpu.memref_slice %arg6[%arg0, %dma_wait3A_419, %dma_wait3A_420] : memref<2x10000x384xf32, #tpu.memory_space<hbm>> -> memref<1x16x128xf32, #tpu.memory_space<hbm>>
        %dma_wait3A_422 = tpu.memref_squeeze %dma_wait3A_421 : memref<1x16x128xf32, #tpu.memory_space<hbm>> -> memref<16x128xf32, #tpu.memory_space<hbm>>
        %dma_wait3A_423 = arith.constant 9984 : i32
        %dma_wait3A_424 = arith.constant 0 : i32
        %dma_wait3A_425 = tpu.memref_slice %arg10[%dma_wait3A_423, %dma_wait3A_424] : memref<10000x128xf32, #tpu.memory_space<vmem_shared>> -> memref<16x128xf32, #tpu.memory_space<vmem_shared>>
        tpu.wait_dma2 semaphore(%run_scoped3A_411 : memref<!tpu.dma_semaphore, #tpu.memory_space<semaphore_mem>>) src(%dma_wait3A_425 : memref<16x128xf32, #tpu.memory_space<vmem_shared>>) dst(%dma_wait3A_422 : memref<16x128xf32, #tpu.memory_space<hbm>>)
        tpu.yield
      }) : () -> ()
    } else {
    }
    %barrier3A_138 = arith.constant 0 : index
    tpu.barrier barrier_id(%barrier3A_138)
    %scan3A_139 = arith.constant 0 : i32
    %scan3A_140 = arith.constant 0 : i32
    %scan3A_141 = arith.constant 128 : i32
    %scan3A_142 = arith.addi %scan3A_140, %scan3A_141 : i32
    %scan3A_143 = arith.constant 1 : i32
    scf.for %scan3A_411 = %scan3A_140 to %scan3A_142 step %scan3A_143  : i32 {
      %broadcast_in_dim3A = arith.constant 0.000000e+00 : f32
      %broadcast_in_dim3A_412 = vector.broadcast %broadcast_in_dim3A : f32 to vector<16xf32>
      %swap3A = arith.constant 0 : i32
      %swap3A_413 = arith.index_cast %swap3A : i32 to index
      %swap3A_414 = arith.index_cast %scan3A_411 : i32 to index
      %swap3A_415 = arith.constant 0 : index
      %swap3A_416 = tpu.vector_load %arg9[%swap3A_413, %swap3A_414, %swap3A_415] {strides = array<i32>} : memref<2x128x128xf32, #tpu.memory_space<vmem>>, vector<1x1x16xf32>,
      %swap3A_417 = vector.shape_cast %swap3A_416 : vector<1x1x16xf32> to vector<16xf32>
      %swap3A_418 = vector.shape_cast %broadcast_in_dim3A_412 : vector<16xf32> to vector<1x1x16xf32>
      tpu.vector_store %arg9[%swap3A_413, %swap3A_414, %swap3A_415], %swap3A_418 {strides = array<i32>} : memref<2x128x128xf32, #tpu.memory_space<vmem>>, vector<1x1x16xf32>,
      %broadcast_in_dim3A_419 = arith.constant 0.000000e+00 : f32
      %broadcast_in_dim3A_420 = vector.broadcast %broadcast_in_dim3A_419 : f32 to vector<16xf32>
      %swap3A_421 = arith.constant 0 : i32
      %swap3A_422 = arith.index_cast %swap3A_421 : i32 to index
      %swap3A_423 = arith.index_cast %scan3A_411 : i32 to index
      %swap3A_424 = arith.constant 16 : index
      %swap3A_425 = tpu.vector_load %arg9[%swap3A_422, %swap3A_423, %swap3A_424] {strides = array<i32>} : memref<2x128x128xf32, #tpu.memory_space<vmem>>, vector<1x1x16xf32>,
      %swap3A_426 = vector.shape_cast %swap3A_425 : vector<1x1x16xf32> to vector<16xf32>
      %swap3A_427 = vector.shape_cast %broadcast_in_dim3A_420 : vector<16xf32> to vector<1x1x16xf32>
      tpu.vector_store %arg9[%swap3A_422, %swap3A_423, %swap3A_424], %swap3A_427 {strides = array<i32>} : memref<2x128x128xf32, #tpu.memory_space<vmem>>, vector<1x1x16xf32>,
      %broadcast_in_dim3A_428 = arith.constant 0.000000e+00 : f32
      %broadcast_in_dim3A_429 = vector.broadcast %broadcast_in_dim3A_428 : f32 to vector<16xf32>
      %swap3A_430 = arith.constant 0 : i32
      %swap3A_431 = arith.index_cast %swap3A_430 : i32 to index
      %swap3A_432 = arith.index_cast %scan3A_411 : i32 to index
      %swap3A_433 = arith.constant 32 : index
      %swap3A_434 = tpu.vector_load %arg9[%swap3A_431, %swap3A_432, %swap3A_433] {strides = array<i32>} : memref<2x128x128xf32, #tpu.memory_space<vmem>>, vector<1x1x16xf32>,
      %swap3A_435 = vector.shape_cast %swap3A_434 : vector<1x1x16xf32> to vector<16xf32>
      %swap3A_436 = vector.shape_cast %broadcast_in_dim3A_429 : vector<16xf32> to vector<1x1x16xf32>
      tpu.vector_store %arg9[%swap3A_431, %swap3A_432, %swap3A_433], %swap3A_436 {strides = array<i32>} : memref<2x128x128xf32, #tpu.memory_space<vmem>>, vector<1x1x16xf32>,
      %broadcast_in_dim3A_437 = arith.constant 0.000000e+00 : f32
      %broadcast_in_dim3A_438 = vector.broadcast %broadcast_in_dim3A_437 : f32 to vector<16xf32>
      %swap3A_439 = arith.constant 0 : i32
      %swap3A_440 = arith.index_cast %swap3A_439 : i32 to index
      %swap3A_441 = arith.index_cast %scan3A_411 : i32 to index
      %swap3A_442 = arith.constant 48 : index
      %swap3A_443 = tpu.vector_load %arg9[%swap3A_440, %swap3A_441, %swap3A_442] {strides = array<i32>} : memref<2x128x128xf32, #tpu.memory_space<vmem>>, vector<1x1x16xf32>,
      %swap3A_444 = vector.shape_cast %swap3A_443 : vector<1x1x16xf32> to vector<16xf32>
      %swap3A_445 = vector.shape_cast %broadcast_in_dim3A_438 : vector<16xf32> to vector<1x1x16xf32>
      tpu.vector_store %arg9[%swap3A_440, %swap3A_441, %swap3A_442], %swap3A_445 {strides = array<i32>} : memref<2x128x128xf32, #tpu.memory_space<vmem>>, vector<1x1x16xf32>,
      %broadcast_in_dim3A_446 = arith.constant 0.000000e+00 : f32
      %broadcast_in_dim3A_447 = vector.broadcast %broadcast_in_dim3A_446 : f32 to vector<16xf32>
      %swap3A_448 = arith.constant 0 : i32
      %swap3A_449 = arith.index_cast %swap3A_448 : i32 to index
      %swap3A_450 = arith.index_cast %scan3A_411 : i32 to index
      %swap3A_451 = arith.constant 64 : index
      %swap3A_452 = tpu.vector_load %arg9[%swap3A_449, %swap3A_450, %swap3A_451] {strides = array<i32>} : memref<2x128x128xf32, #tpu.memory_space<vmem>>, vector<1x1x16xf32>,
      %swap3A_453 = vector.shape_cast %swap3A_452 : vector<1x1x16xf32> to vector<16xf32>
      %swap3A_454 = vector.shape_cast %broadcast_in_dim3A_447 : vector<16xf32> to vector<1x1x16xf32>
      tpu.vector_store %arg9[%swap3A_449, %swap3A_450, %swap3A_451], %swap3A_454 {strides = array<i32>} : memref<2x128x128xf32, #tpu.memory_space<vmem>>, vector<1x1x16xf32>,
      %broadcast_in_dim3A_455 = arith.constant 0.000000e+00 : f32
      %broadcast_in_dim3A_456 = vector.broadcast %broadcast_in_dim3A_455 : f32 to vector<16xf32>
      %swap3A_457 = arith.constant 0 : i32
      %swap3A_458 = arith.index_cast %swap3A_457 : i32 to index
      %swap3A_459 = arith.index_cast %scan3A_411 : i32 to index
      %swap3A_460 = arith.constant 80 : index
      %swap3A_461 = tpu.vector_load %arg9[%swap3A_458, %swap3A_459, %swap3A_460] {strides = array<i32>} : memref<2x128x128xf32, #tpu.memory_space<vmem>>, vector<1x1x16xf32>,
      %swap3A_462 = vector.shape_cast %swap3A_461 : vector<1x1x16xf32> to vector<16xf32>
      %swap3A_463 = vector.shape_cast %broadcast_in_dim3A_456 : vector<16xf32> to vector<1x1x16xf32>
      tpu.vector_store %arg9[%swap3A_458, %swap3A_459, %swap3A_460], %swap3A_463 {strides = array<i32>} : memref<2x128x128xf32, #tpu.memory_space<vmem>>, vector<1x1x16xf32>,
      %broadcast_in_dim3A_464 = arith.constant 0.000000e+00 : f32
      %broadcast_in_dim3A_465 = vector.broadcast %broadcast_in_dim3A_464 : f32 to vector<16xf32>
      %swap3A_466 = arith.constant 0 : i32
      %swap3A_467 = arith.index_cast %swap3A_466 : i32 to index
      %swap3A_468 = arith.index_cast %scan3A_411 : i32 to index
      %swap3A_469 = arith.constant 96 : index
      %swap3A_470 = tpu.vector_load %arg9[%swap3A_467, %swap3A_468, %swap3A_469] {strides = array<i32>} : memref<2x128x128xf32, #tpu.memory_space<vmem>>, vector<1x1x16xf32>,
      %swap3A_471 = vector.shape_cast %swap3A_470 : vector<1x1x16xf32> to vector<16xf32>
      %swap3A_472 = vector.shape_cast %broadcast_in_dim3A_465 : vector<16xf32> to vector<1x1x16xf32>
      tpu.vector_store %arg9[%swap3A_467, %swap3A_468, %swap3A_469], %swap3A_472 {strides = array<i32>} : memref<2x128x128xf32, #tpu.memory_space<vmem>>, vector<1x1x16xf32>,
      %broadcast_in_dim3A_473 = arith.constant 0.000000e+00 : f32
      %broadcast_in_dim3A_474 = vector.broadcast %broadcast_in_dim3A_473 : f32 to vector<16xf32>
      %swap3A_475 = arith.constant 0 : i32
      %swap3A_476 = arith.index_cast %swap3A_475 : i32 to index
      %swap3A_477 = arith.index_cast %scan3A_411 : i32 to index
      %swap3A_478 = arith.constant 112 : index
      %swap3A_479 = tpu.vector_load %arg9[%swap3A_476, %swap3A_477, %swap3A_478] {strides = array<i32>} : memref<2x128x128xf32, #tpu.memory_space<vmem>>, vector<1x1x16xf32>,
      %swap3A_480 = vector.shape_cast %swap3A_479 : vector<1x1x16xf32> to vector<16xf32>
      %swap3A_481 = vector.shape_cast %broadcast_in_dim3A_474 : vector<16xf32> to vector<1x1x16xf32>
      tpu.vector_store %arg9[%swap3A_476, %swap3A_477, %swap3A_478], %swap3A_481 {strides = array<i32>} : memref<2x128x128xf32, #tpu.memory_space<vmem>>, vector<1x1x16xf32>,
    }
    %scan3A_144 = arith.constant 128 : i32
    %mul3A_145 = arith.constant 624 : i32
    %mul3A_146 = arith.muli %arg1, %mul3A_145 : i32
    %add3A_147 = arith.constant 0 : i32
    %add3A_148 = arith.addi %mul3A_146, %add3A_147 : i32
    %run_scoped3A_149 = arith.constant 0 : i32
    "tpu.region"() ({
      %run_scoped3A_411 = tpu.sem_alloc : memref<!tpu.dma_semaphore, #tpu.memory_space<semaphore_mem>>
      %dma_start3A_412 = arith.constant 0 : i32
      %dma_start3A_413 = arith.constant 0 : i32
      %dma_start3A_414 = tpu.memref_slice %arg9[%run_scoped3A_149, %dma_start3A_412, %dma_start3A_413] : memref<2x128x128xf32, #tpu.memory_space<vmem>> -> memref<1x128x128xf32, #tpu.memory_space<vmem>>
      %dma_start3A_415 = tpu.memref_squeeze %dma_start3A_414 : memref<1x128x128xf32, #tpu.memory_space<vmem>> -> memref<128x128xf32, #tpu.memory_space<vmem>>
      %dma_start3A_416 = arith.constant 0 : i32
      %dma_start3A_417 = tpu.memref_slice %arg10[%add3A_148, %dma_start3A_416] : memref<10000x128xf32, #tpu.memory_space<vmem_shared>> -> memref<128x128xf32, #tpu.memory_space<vmem_shared>>
      %dma_start3A_418 = arith.constant 0 : i32
      %dma_start3A_419 = tpu.memref_slice %arg10[%add3A_148, %dma_start3A_418] : memref<10000x128xf32, #tpu.memory_space<vmem_shared>> -> memref<128x128xf32, #tpu.memory_space<vmem_shared>>
      %dma_start3A_420 = arith.constant 0 : i32
      %dma_start3A_421 = arith.constant 0 : i32
      %dma_start3A_422 = tpu.memref_slice %arg9[%run_scoped3A_149, %dma_start3A_420, %dma_start3A_421] : memref<2x128x128xf32, #tpu.memory_space<vmem>> -> memref<1x128x128xf32, #tpu.memory_space<vmem>>
      %dma_start3A_423 = tpu.memref_squeeze %dma_start3A_422 : memref<1x128x128xf32, #tpu.memory_space<vmem>> -> memref<128x128xf32, #tpu.memory_space<vmem>>
      tpu.enqueue_dma source(%dma_start3A_423 : memref<128x128xf32, #tpu.memory_space<vmem>>) target(%dma_start3A_419 : memref<128x128xf32, #tpu.memory_space<vmem_shared>>) target_semaphore(%run_scoped3A_411 : memref<!tpu.dma_semaphore, #tpu.memory_space<semaphore_mem>>)
      %dma_wait3A_424 = arith.constant 0 : i32
      %dma_wait3A_425 = arith.constant 0 : i32
      %dma_wait3A_426 = tpu.memref_slice %arg9[%run_scoped3A_149, %dma_wait3A_424, %dma_wait3A_425] : memref<2x128x128xf32, #tpu.memory_space<vmem>> -> memref<1x128x128xf32, #tpu.memory_space<vmem>>
      %dma_wait3A_427 = tpu.memref_squeeze %dma_wait3A_426 : memref<1x128x128xf32, #tpu.memory_space<vmem>> -> memref<128x128xf32, #tpu.memory_space<vmem>>
      %dma_wait3A_428 = arith.constant 0 : i32
      %dma_wait3A_429 = tpu.memref_slice %arg10[%add3A_148, %dma_wait3A_428] : memref<10000x128xf32, #tpu.memory_space<vmem_shared>> -> memref<128x128xf32, #tpu.memory_space<vmem_shared>>
      %dma_wait3A_430 = arith.constant 0 : i32
      %dma_wait3A_431 = tpu.memref_slice %arg10[%add3A_148, %dma_wait3A_430] : memref<10000x128xf32, #tpu.memory_space<vmem_shared>> -> memref<128x128xf32, #tpu.memory_space<vmem_shared>>
      %dma_wait3A_432 = arith.constant 0 : i32
      %dma_wait3A_433 = arith.constant 0 : i32
      %dma_wait3A_434 = tpu.memref_slice %arg9[%run_scoped3A_149, %dma_wait3A_432, %dma_wait3A_433] : memref<2x128x128xf32, #tpu.memory_space<vmem>> -> memref<1x128x128xf32, #tpu.memory_space<vmem>>
      %dma_wait3A_435 = tpu.memref_squeeze %dma_wait3A_434 : memref<1x128x128xf32, #tpu.memory_space<vmem>> -> memref<128x128xf32, #tpu.memory_space<vmem>>
      tpu.wait_dma2 semaphore(%run_scoped3A_411 : memref<!tpu.dma_semaphore, #tpu.memory_space<semaphore_mem>>) src(%dma_wait3A_435 : memref<128x128xf32, #tpu.memory_space<vmem>>) dst(%dma_wait3A_431 : memref<128x128xf32, #tpu.memory_space<vmem_shared>>)
      tpu.yield
    }) : () -> ()
    %mul3A_150 = arith.constant 624 : i32
    %mul3A_151 = arith.muli %arg1, %mul3A_150 : i32
    %add3A_152 = arith.constant 128 : i32
    %add3A_153 = arith.addi %mul3A_151, %add3A_152 : i32
    %run_scoped3A_154 = arith.constant 0 : i32
    "tpu.region"() ({
      %run_scoped3A_411 = tpu.sem_alloc : memref<!tpu.dma_semaphore, #tpu.memory_space<semaphore_mem>>
      %dma_start3A_412 = arith.constant 0 : i32
      %dma_start3A_413 = arith.constant 0 : i32
      %dma_start3A_414 = tpu.memref_slice %arg9[%run_scoped3A_154, %dma_start3A_412, %dma_start3A_413] : memref<2x128x128xf32, #tpu.memory_space<vmem>> -> memref<1x128x128xf32, #tpu.memory_space<vmem>>
      %dma_start3A_415 = tpu.memref_squeeze %dma_start3A_414 : memref<1x128x128xf32, #tpu.memory_space<vmem>> -> memref<128x128xf32, #tpu.memory_space<vmem>>
      %dma_start3A_416 = arith.constant 0 : i32
      %dma_start3A_417 = tpu.memref_slice %arg10[%add3A_153, %dma_start3A_416] : memref<10000x128xf32, #tpu.memory_space<vmem_shared>> -> memref<128x128xf32, #tpu.memory_space<vmem_shared>>
      %dma_start3A_418 = arith.constant 0 : i32
      %dma_start3A_419 = tpu.memref_slice %arg10[%add3A_153, %dma_start3A_418] : memref<10000x128xf32, #tpu.memory_space<vmem_shared>> -> memref<128x128xf32, #tpu.memory_space<vmem_shared>>
      %dma_start3A_420 = arith.constant 0 : i32
      %dma_start3A_421 = arith.constant 0 : i32
      %dma_start3A_422 = tpu.memref_slice %arg9[%run_scoped3A_154, %dma_start3A_420, %dma_start3A_421] : memref<2x128x128xf32, #tpu.memory_space<vmem>> -> memref<1x128x128xf32, #tpu.memory_space<vmem>>
      %dma_start3A_423 = tpu.memref_squeeze %dma_start3A_422 : memref<1x128x128xf32, #tpu.memory_space<vmem>> -> memref<128x128xf32, #tpu.memory_space<vmem>>
      tpu.enqueue_dma source(%dma_start3A_423 : memref<128x128xf32, #tpu.memory_space<vmem>>) target(%dma_start3A_419 : memref<128x128xf32, #tpu.memory_space<vmem_shared>>) target_semaphore(%run_scoped3A_411 : memref<!tpu.dma_semaphore, #tpu.memory_space<semaphore_mem>>)
      %dma_wait3A_424 = arith.constant 0 : i32
      %dma_wait3A_425 = arith.constant 0 : i32
      %dma_wait3A_426 = tpu.memref_slice %arg9[%run_scoped3A_154, %dma_wait3A_424, %dma_wait3A_425] : memref<2x128x128xf32, #tpu.memory_space<vmem>> -> memref<1x128x128xf32, #tpu.memory_space<vmem>>
      %dma_wait3A_427 = tpu.memref_squeeze %dma_wait3A_426 : memref<1x128x128xf32, #tpu.memory_space<vmem>> -> memref<128x128xf32, #tpu.memory_space<vmem>>
      %dma_wait3A_428 = arith.constant 0 : i32
      %dma_wait3A_429 = tpu.memref_slice %arg10[%add3A_153, %dma_wait3A_428] : memref<10000x128xf32, #tpu.memory_space<vmem_shared>> -> memref<128x128xf32, #tpu.memory_space<vmem_shared>>
      %dma_wait3A_430 = arith.constant 0 : i32
      %dma_wait3A_431 = tpu.memref_slice %arg10[%add3A_153, %dma_wait3A_430] : memref<10000x128xf32, #tpu.memory_space<vmem_shared>> -> memref<128x128xf32, #tpu.memory_space<vmem_shared>>
      %dma_wait3A_432 = arith.constant 0 : i32
      %dma_wait3A_433 = arith.constant 0 : i32
      %dma_wait3A_434 = tpu.memref_slice %arg9[%run_scoped3A_154, %dma_wait3A_432, %dma_wait3A_433] : memref<2x128x128xf32, #tpu.memory_space<vmem>> -> memref<1x128x128xf32, #tpu.memory_space<vmem>>
      %dma_wait3A_435 = tpu.memref_squeeze %dma_wait3A_434 : memref<1x128x128xf32, #tpu.memory_space<vmem>> -> memref<128x128xf32, #tpu.memory_space<vmem>>
      tpu.wait_dma2 semaphore(%run_scoped3A_411 : memref<!tpu.dma_semaphore, #tpu.memory_space<semaphore_mem>>) src(%dma_wait3A_435 : memref<128x128xf32, #tpu.memory_space<vmem>>) dst(%dma_wait3A_431 : memref<128x128xf32, #tpu.memory_space<vmem_shared>>)
      tpu.yield
    }) : () -> ()
    %mul3A_155 = arith.constant 624 : i32
    %mul3A_156 = arith.muli %arg1, %mul3A_155 : i32
    %add3A_157 = arith.constant 256 : i32
    %add3A_158 = arith.addi %mul3A_156, %add3A_157 : i32
    %run_scoped3A_159 = arith.constant 0 : i32
    "tpu.region"() ({
      %run_scoped3A_411 = tpu.sem_alloc : memref<!tpu.dma_semaphore, #tpu.memory_space<semaphore_mem>>
      %dma_start3A_412 = arith.constant 0 : i32
      %dma_start3A_413 = arith.constant 0 : i32
      %dma_start3A_414 = tpu.memref_slice %arg9[%run_scoped3A_159, %dma_start3A_412, %dma_start3A_413] : memref<2x128x128xf32, #tpu.memory_space<vmem>> -> memref<1x128x128xf32, #tpu.memory_space<vmem>>
      %dma_start3A_415 = tpu.memref_squeeze %dma_start3A_414 : memref<1x128x128xf32, #tpu.memory_space<vmem>> -> memref<128x128xf32, #tpu.memory_space<vmem>>
      %dma_start3A_416 = arith.constant 0 : i32
      %dma_start3A_417 = tpu.memref_slice %arg10[%add3A_158, %dma_start3A_416] : memref<10000x128xf32, #tpu.memory_space<vmem_shared>> -> memref<128x128xf32, #tpu.memory_space<vmem_shared>>
      %dma_start3A_418 = arith.constant 0 : i32
      %dma_start3A_419 = tpu.memref_slice %arg10[%add3A_158, %dma_start3A_418] : memref<10000x128xf32, #tpu.memory_space<vmem_shared>> -> memref<128x128xf32, #tpu.memory_space<vmem_shared>>
      %dma_start3A_420 = arith.constant 0 : i32
      %dma_start3A_421 = arith.constant 0 : i32
      %dma_start3A_422 = tpu.memref_slice %arg9[%run_scoped3A_159, %dma_start3A_420, %dma_start3A_421] : memref<2x128x128xf32, #tpu.memory_space<vmem>> -> memref<1x128x128xf32, #tpu.memory_space<vmem>>
      %dma_start3A_423 = tpu.memref_squeeze %dma_start3A_422 : memref<1x128x128xf32, #tpu.memory_space<vmem>> -> memref<128x128xf32, #tpu.memory_space<vmem>>
      tpu.enqueue_dma source(%dma_start3A_423 : memref<128x128xf32, #tpu.memory_space<vmem>>) target(%dma_start3A_419 : memref<128x128xf32, #tpu.memory_space<vmem_shared>>) target_semaphore(%run_scoped3A_411 : memref<!tpu.dma_semaphore, #tpu.memory_space<semaphore_mem>>)
      %dma_wait3A_424 = arith.constant 0 : i32
      %dma_wait3A_425 = arith.constant 0 : i32
      %dma_wait3A_426 = tpu.memref_slice %arg9[%run_scoped3A_159, %dma_wait3A_424, %dma_wait3A_425] : memref<2x128x128xf32, #tpu.memory_space<vmem>> -> memref<1x128x128xf32, #tpu.memory_space<vmem>>
      %dma_wait3A_427 = tpu.memref_squeeze %dma_wait3A_426 : memref<1x128x128xf32, #tpu.memory_space<vmem>> -> memref<128x128xf32, #tpu.memory_space<vmem>>
      %dma_wait3A_428 = arith.constant 0 : i32
      %dma_wait3A_429 = tpu.memref_slice %arg10[%add3A_158, %dma_wait3A_428] : memref<10000x128xf32, #tpu.memory_space<vmem_shared>> -> memref<128x128xf32, #tpu.memory_space<vmem_shared>>
      %dma_wait3A_430 = arith.constant 0 : i32
      %dma_wait3A_431 = tpu.memref_slice %arg10[%add3A_158, %dma_wait3A_430] : memref<10000x128xf32, #tpu.memory_space<vmem_shared>> -> memref<128x128xf32, #tpu.memory_space<vmem_shared>>
      %dma_wait3A_432 = arith.constant 0 : i32
      %dma_wait3A_433 = arith.constant 0 : i32
      %dma_wait3A_434 = tpu.memref_slice %arg9[%run_scoped3A_159, %dma_wait3A_432, %dma_wait3A_433] : memref<2x128x128xf32, #tpu.memory_space<vmem>> -> memref<1x128x128xf32, #tpu.memory_space<vmem>>
      %dma_wait3A_435 = tpu.memref_squeeze %dma_wait3A_434 : memref<1x128x128xf32, #tpu.memory_space<vmem>> -> memref<128x128xf32, #tpu.memory_space<vmem>>
      tpu.wait_dma2 semaphore(%run_scoped3A_411 : memref<!tpu.dma_semaphore, #tpu.memory_space<semaphore_mem>>) src(%dma_wait3A_435 : memref<128x128xf32, #tpu.memory_space<vmem>>) dst(%dma_wait3A_431 : memref<128x128xf32, #tpu.memory_space<vmem_shared>>)
      tpu.yield
    }) : () -> ()
    %mul3A_160 = arith.constant 624 : i32
    %mul3A_161 = arith.muli %arg1, %mul3A_160 : i32
    %add3A_162 = arith.constant 384 : i32
    %add3A_163 = arith.addi %mul3A_161, %add3A_162 : i32
    %run_scoped3A_164 = arith.constant 0 : i32
    "tpu.region"() ({
      %run_scoped3A_411 = tpu.sem_alloc : memref<!tpu.dma_semaphore, #tpu.memory_space<semaphore_mem>>
      %dma_start3A_412 = arith.constant 0 : i32
      %dma_start3A_413 = arith.constant 0 : i32
      %dma_start3A_414 = tpu.memref_slice %arg9[%run_scoped3A_164, %dma_start3A_412, %dma_start3A_413] : memref<2x128x128xf32, #tpu.memory_space<vmem>> -> memref<1x128x128xf32, #tpu.memory_space<vmem>>
      %dma_start3A_415 = tpu.memref_squeeze %dma_start3A_414 : memref<1x128x128xf32, #tpu.memory_space<vmem>> -> memref<128x128xf32, #tpu.memory_space<vmem>>
      %dma_start3A_416 = arith.constant 0 : i32
      %dma_start3A_417 = tpu.memref_slice %arg10[%add3A_163, %dma_start3A_416] : memref<10000x128xf32, #tpu.memory_space<vmem_shared>> -> memref<128x128xf32, #tpu.memory_space<vmem_shared>>
      %dma_start3A_418 = arith.constant 0 : i32
      %dma_start3A_419 = tpu.memref_slice %arg10[%add3A_163, %dma_start3A_418] : memref<10000x128xf32, #tpu.memory_space<vmem_shared>> -> memref<128x128xf32, #tpu.memory_space<vmem_shared>>
      %dma_start3A_420 = arith.constant 0 : i32
      %dma_start3A_421 = arith.constant 0 : i32
      %dma_start3A_422 = tpu.memref_slice %arg9[%run_scoped3A_164, %dma_start3A_420, %dma_start3A_421] : memref<2x128x128xf32, #tpu.memory_space<vmem>> -> memref<1x128x128xf32, #tpu.memory_space<vmem>>
      %dma_start3A_423 = tpu.memref_squeeze %dma_start3A_422 : memref<1x128x128xf32, #tpu.memory_space<vmem>> -> memref<128x128xf32, #tpu.memory_space<vmem>>
      tpu.enqueue_dma source(%dma_start3A_423 : memref<128x128xf32, #tpu.memory_space<vmem>>) target(%dma_start3A_419 : memref<128x128xf32, #tpu.memory_space<vmem_shared>>) target_semaphore(%run_scoped3A_411 : memref<!tpu.dma_semaphore, #tpu.memory_space<semaphore_mem>>)
      %dma_wait3A_424 = arith.constant 0 : i32
      %dma_wait3A_425 = arith.constant 0 : i32
      %dma_wait3A_426 = tpu.memref_slice %arg9[%run_scoped3A_164, %dma_wait3A_424, %dma_wait3A_425] : memref<2x128x128xf32, #tpu.memory_space<vmem>> -> memref<1x128x128xf32, #tpu.memory_space<vmem>>
      %dma_wait3A_427 = tpu.memref_squeeze %dma_wait3A_426 : memref<1x128x128xf32, #tpu.memory_space<vmem>> -> memref<128x128xf32, #tpu.memory_space<vmem>>
      %dma_wait3A_428 = arith.constant 0 : i32
      %dma_wait3A_429 = tpu.memref_slice %arg10[%add3A_163, %dma_wait3A_428] : memref<10000x128xf32, #tpu.memory_space<vmem_shared>> -> memref<128x128xf32, #tpu.memory_space<vmem_shared>>
      %dma_wait3A_430 = arith.constant 0 : i32
      %dma_wait3A_431 = tpu.memref_slice %arg10[%add3A_163, %dma_wait3A_430] : memref<10000x128xf32, #tpu.memory_space<vmem_shared>> -> memref<128x128xf32, #tpu.memory_space<vmem_shared>>
      %dma_wait3A_432 = arith.constant 0 : i32
      %dma_wait3A_433 = arith.constant 0 : i32
      %dma_wait3A_434 = tpu.memref_slice %arg9[%run_scoped3A_164, %dma_wait3A_432, %dma_wait3A_433] : memref<2x128x128xf32, #tpu.memory_space<vmem>> -> memref<1x128x128xf32, #tpu.memory_space<vmem>>
      %dma_wait3A_435 = tpu.memref_squeeze %dma_wait3A_434 : memref<1x128x128xf32, #tpu.memory_space<vmem>> -> memref<128x128xf32, #tpu.memory_space<vmem>>
      tpu.wait_dma2 semaphore(%run_scoped3A_411 : memref<!tpu.dma_semaphore, #tpu.memory_space<semaphore_mem>>) src(%dma_wait3A_435 : memref<128x128xf32, #tpu.memory_space<vmem>>) dst(%dma_wait3A_431 : memref<128x128xf32, #tpu.memory_space<vmem_shared>>)
      tpu.yield
    }) : () -> ()
    %mul3A_165 = arith.constant 624 : i32
    %mul3A_166 = arith.muli %arg1, %mul3A_165 : i32
    %add3A_167 = arith.constant 512 : i32
    %add3A_168 = arith.addi %mul3A_166, %add3A_167 : i32
    %run_scoped3A_169 = arith.constant 0 : i32
    "tpu.region"() ({
      %run_scoped3A_411 = tpu.sem_alloc : memref<!tpu.dma_semaphore, #tpu.memory_space<semaphore_mem>>
      %dma_start3A_412 = arith.constant 0 : i32
      %dma_start3A_413 = arith.constant 0 : i32
      %dma_start3A_414 = tpu.memref_slice %arg9[%run_scoped3A_169, %dma_start3A_412, %dma_start3A_413] : memref<2x128x128xf32, #tpu.memory_space<vmem>> -> memref<1x112x128xf32, #tpu.memory_space<vmem>>
      %dma_start3A_415 = tpu.memref_squeeze %dma_start3A_414 : memref<1x112x128xf32, #tpu.memory_space<vmem>> -> memref<112x128xf32, #tpu.memory_space<vmem>>
      %dma_start3A_416 = arith.constant 0 : i32
      %dma_start3A_417 = tpu.memref_slice %arg10[%add3A_168, %dma_start3A_416] : memref<10000x128xf32, #tpu.memory_space<vmem_shared>> -> memref<112x128xf32, #tpu.memory_space<vmem_shared>>
      %dma_start3A_418 = arith.constant 0 : i32
      %dma_start3A_419 = tpu.memref_slice %arg10[%add3A_168, %dma_start3A_418] : memref<10000x128xf32, #tpu.memory_space<vmem_shared>> -> memref<112x128xf32, #tpu.memory_space<vmem_shared>>
      %dma_start3A_420 = arith.constant 0 : i32
      %dma_start3A_421 = arith.constant 0 : i32
      %dma_start3A_422 = tpu.memref_slice %arg9[%run_scoped3A_169, %dma_start3A_420, %dma_start3A_421] : memref<2x128x128xf32, #tpu.memory_space<vmem>> -> memref<1x112x128xf32, #tpu.memory_space<vmem>>
      %dma_start3A_423 = tpu.memref_squeeze %dma_start3A_422 : memref<1x112x128xf32, #tpu.memory_space<vmem>> -> memref<112x128xf32, #tpu.memory_space<vmem>>
      tpu.enqueue_dma source(%dma_start3A_423 : memref<112x128xf32, #tpu.memory_space<vmem>>) target(%dma_start3A_419 : memref<112x128xf32, #tpu.memory_space<vmem_shared>>) target_semaphore(%run_scoped3A_411 : memref<!tpu.dma_semaphore, #tpu.memory_space<semaphore_mem>>)
      %dma_wait3A_424 = arith.constant 0 : i32
      %dma_wait3A_425 = arith.constant 0 : i32
      %dma_wait3A_426 = tpu.memref_slice %arg9[%run_scoped3A_169, %dma_wait3A_424, %dma_wait3A_425] : memref<2x128x128xf32, #tpu.memory_space<vmem>> -> memref<1x112x128xf32, #tpu.memory_space<vmem>>
      %dma_wait3A_427 = tpu.memref_squeeze %dma_wait3A_426 : memref<1x112x128xf32, #tpu.memory_space<vmem>> -> memref<112x128xf32, #tpu.memory_space<vmem>>
      %dma_wait3A_428 = arith.constant 0 : i32
      %dma_wait3A_429 = tpu.memref_slice %arg10[%add3A_168, %dma_wait3A_428] : memref<10000x128xf32, #tpu.memory_space<vmem_shared>> -> memref<112x128xf32, #tpu.memory_space<vmem_shared>>
      %dma_wait3A_430 = arith.constant 0 : i32
      %dma_wait3A_431 = tpu.memref_slice %arg10[%add3A_168, %dma_wait3A_430] : memref<10000x128xf32, #tpu.memory_space<vmem_shared>> -> memref<112x128xf32, #tpu.memory_space<vmem_shared>>
      %dma_wait3A_432 = arith.constant 0 : i32
      %dma_wait3A_433 = arith.constant 0 : i32
      %dma_wait3A_434 = tpu.memref_slice %arg9[%run_scoped3A_169, %dma_wait3A_432, %dma_wait3A_433] : memref<2x128x128xf32, #tpu.memory_space<vmem>> -> memref<1x112x128xf32, #tpu.memory_space<vmem>>
      %dma_wait3A_435 = tpu.memref_squeeze %dma_wait3A_434 : memref<1x112x128xf32, #tpu.memory_space<vmem>> -> memref<112x128xf32, #tpu.memory_space<vmem>>
      tpu.wait_dma2 semaphore(%run_scoped3A_411 : memref<!tpu.dma_semaphore, #tpu.memory_space<semaphore_mem>>) src(%dma_wait3A_435 : memref<112x128xf32, #tpu.memory_space<vmem>>) dst(%dma_wait3A_431 : memref<112x128xf32, #tpu.memory_space<vmem_shared>>)
      tpu.yield
    }) : () -> ()
    %eq3A_170 = arith.constant 15 : i32
    %eq3A_171 = arith.cmpi eq, %arg1, %eq3A_170 : i32
    %convert_element_type3A_172 = arith.extui %eq3A_171 : i1 to i32
    %cond3A_173 = arith.constant 0 : i32
    %cond3A_174 = arith.cmpi ne, %convert_element_type3A_172, %cond3A_173 : i32
    scf.if %cond3A_174 {
      %run_scoped3A_411 = arith.constant 0 : i32
      "tpu.region"() ({
        %run_scoped3A_412 = tpu.sem_alloc : memref<!tpu.dma_semaphore, #tpu.memory_space<semaphore_mem>>
        %dma_start3A_413 = arith.constant 0 : i32
        %dma_start3A_414 = arith.constant 0 : i32
        %dma_start3A_415 = tpu.memref_slice %arg9[%run_scoped3A_411, %dma_start3A_413, %dma_start3A_414] : memref<2x128x128xf32, #tpu.memory_space<vmem>> -> memref<1x16x128xf32, #tpu.memory_space<vmem>>
        %dma_start3A_416 = tpu.memref_squeeze %dma_start3A_415 : memref<1x16x128xf32, #tpu.memory_space<vmem>> -> memref<16x128xf32, #tpu.memory_space<vmem>>
        %dma_start3A_417 = arith.constant 9984 : i32
        %dma_start3A_418 = arith.constant 0 : i32
        %dma_start3A_419 = tpu.memref_slice %arg10[%dma_start3A_417, %dma_start3A_418] : memref<10000x128xf32, #tpu.memory_space<vmem_shared>> -> memref<16x128xf32, #tpu.memory_space<vmem_shared>>
        %dma_start3A_420 = arith.constant 9984 : i32
        %dma_start3A_421 = arith.constant 0 : i32
        %dma_start3A_422 = tpu.memref_slice %arg10[%dma_start3A_420, %dma_start3A_421] : memref<10000x128xf32, #tpu.memory_space<vmem_shared>> -> memref<16x128xf32, #tpu.memory_space<vmem_shared>>
        %dma_start3A_423 = arith.constant 0 : i32
        %dma_start3A_424 = arith.constant 0 : i32
        %dma_start3A_425 = tpu.memref_slice %arg9[%run_scoped3A_411, %dma_start3A_423, %dma_start3A_424] : memref<2x128x128xf32, #tpu.memory_space<vmem>> -> memref<1x16x128xf32, #tpu.memory_space<vmem>>
        %dma_start3A_426 = tpu.memref_squeeze %dma_start3A_425 : memref<1x16x128xf32, #tpu.memory_space<vmem>> -> memref<16x128xf32, #tpu.memory_space<vmem>>
        tpu.enqueue_dma source(%dma_start3A_426 : memref<16x128xf32, #tpu.memory_space<vmem>>) target(%dma_start3A_422 : memref<16x128xf32, #tpu.memory_space<vmem_shared>>) target_semaphore(%run_scoped3A_412 : memref<!tpu.dma_semaphore, #tpu.memory_space<semaphore_mem>>)
        %dma_wait3A_427 = arith.constant 0 : i32
        %dma_wait3A_428 = arith.constant 0 : i32
        %dma_wait3A_429 = tpu.memref_slice %arg9[%run_scoped3A_411, %dma_wait3A_427, %dma_wait3A_428] : memref<2x128x128xf32, #tpu.memory_space<vmem>> -> memref<1x16x128xf32, #tpu.memory_space<vmem>>
        %dma_wait3A_430 = tpu.memref_squeeze %dma_wait3A_429 : memref<1x16x128xf32, #tpu.memory_space<vmem>> -> memref<16x128xf32, #tpu.memory_space<vmem>>
        %dma_wait3A_431 = arith.constant 9984 : i32
        %dma_wait3A_432 = arith.constant 0 : i32
        %dma_wait3A_433 = tpu.memref_slice %arg10[%dma_wait3A_431, %dma_wait3A_432] : memref<10000x128xf32, #tpu.memory_space<vmem_shared>> -> memref<16x128xf32, #tpu.memory_space<vmem_shared>>
        %dma_wait3A_434 = arith.constant 9984 : i32
        %dma_wait3A_435 = arith.constant 0 : i32
        %dma_wait3A_436 = tpu.memref_slice %arg10[%dma_wait3A_434, %dma_wait3A_435] : memref<10000x128xf32, #tpu.memory_space<vmem_shared>> -> memref<16x128xf32, #tpu.memory_space<vmem_shared>>
        %dma_wait3A_437 = arith.constant 0 : i32
        %dma_wait3A_438 = arith.constant 0 : i32
        %dma_wait3A_439 = tpu.memref_slice %arg9[%run_scoped3A_411, %dma_wait3A_437, %dma_wait3A_438] : memref<2x128x128xf32, #tpu.memory_space<vmem>> -> memref<1x16x128xf32, #tpu.memory_space<vmem>>
        %dma_wait3A_440 = tpu.memref_squeeze %dma_wait3A_439 : memref<1x16x128xf32, #tpu.memory_space<vmem>> -> memref<16x128xf32, #tpu.memory_space<vmem>>
        tpu.wait_dma2 semaphore(%run_scoped3A_412 : memref<!tpu.dma_semaphore, #tpu.memory_space<semaphore_mem>>) src(%dma_wait3A_440 : memref<16x128xf32, #tpu.memory_space<vmem>>) dst(%dma_wait3A_436 : memref<16x128xf32, #tpu.memory_space<vmem_shared>>)
        tpu.yield
      }) : () -> ()
    } else {
    }
    %barrier3A_175 = arith.constant 0 : index
    tpu.barrier barrier_id(%barrier3A_175)
    %add3A_176 = arith.constant 0 : i32
    %add3A_177 = arith.addi %add3A, %add3A_176 : i32
    %dma_start3A_178 = arith.constant 0 : i32
    %dma_start3A_179 = arith.constant 0 : i32
    %dma_start3A_180 = arith.constant 0 : i32
    %dma_start3A_181 = tpu.memref_slice %arg9[%dma_start3A_178, %dma_start3A_179, %dma_start3A_180] : memref<2x128x128xf32, #tpu.memory_space<vmem>> -> memref<1x128x128xf32, #tpu.memory_space<vmem>>
    %dma_start3A_182 = tpu.memref_squeeze %dma_start3A_181 : memref<1x128x128xf32, #tpu.memory_space<vmem>> -> memref<128x128xf32, #tpu.memory_space<vmem>>
    %dma_start3A_183 = arith.constant 128 : i32
    %dma_start3A_184 = tpu.memref_slice %arg2[%add3A_177, %dma_start3A_183] : memref<160000x384xf32, #tpu.memory_space<hbm>> -> memref<128x128xf32, #tpu.memory_space<hbm>>
    %dma_start3A_185 = arith.constant 0 : i32
    %dma_start3A_186 = arith.constant 0 : i32
    %dma_start3A_187 = tpu.memref_slice %arg9[%dma_start3A_178, %dma_start3A_185, %dma_start3A_186] : memref<2x128x128xf32, #tpu.memory_space<vmem>> -> memref<1x128x128xf32, #tpu.memory_space<vmem>>
    %dma_start3A_188 = tpu.memref_squeeze %dma_start3A_187 : memref<1x128x128xf32, #tpu.memory_space<vmem>> -> memref<128x128xf32, #tpu.memory_space<vmem>>
    %dma_start3A_189 = arith.constant 128 : i32
    %dma_start3A_190 = tpu.memref_slice %arg2[%add3A_177, %dma_start3A_189] : memref<160000x384xf32, #tpu.memory_space<hbm>> -> memref<128x128xf32, #tpu.memory_space<hbm>>
    tpu.enqueue_dma source(%dma_start3A_190 : memref<128x128xf32, #tpu.memory_space<hbm>>) target(%dma_start3A_188 : memref<128x128xf32, #tpu.memory_space<vmem>>) target_semaphore(%arg11 : memref<!tpu.dma_semaphore, #tpu.memory_space<semaphore_mem>>)
    %scan3A_191 = arith.constant 0 : i32
    %scan3A_192 = arith.constant 0 : i32
    %scan3A_193 = arith.constant 19 : i32
    %scan3A_194 = arith.addi %scan3A_192, %scan3A_193 : i32
    %scan3A_195 = arith.constant 1 : i32
    scf.for %scan3A_411 = %scan3A_192 to %scan3A_194 step %scan3A_195  : i32 {
      %mul3A_412 = arith.constant 2 : i32
      %mul3A_413 = arith.muli %mul3A_412, %scan3A_411 : i32
      %add3A_414 = arith.constant 1 : i32
      %add3A_415 = arith.addi %mul3A_413, %add3A_414 : i32
      %mul3A_416 = arith.constant 128 : i32
      %mul3A_417 = arith.muli %add3A_415, %mul3A_416 : i32
      %add3A_418 = arith.addi %add3A, %mul3A_417 : i32
      %dma_start3A_419 = arith.constant 1 : i32
      %dma_start3A_420 = arith.constant 0 : i32
      %dma_start3A_421 = arith.constant 0 : i32
      %dma_start3A_422 = tpu.memref_slice %arg9[%dma_start3A_419, %dma_start3A_420, %dma_start3A_421] : memref<2x128x128xf32, #tpu.memory_space<vmem>> -> memref<1x128x128xf32, #tpu.memory_space<vmem>>
      %dma_start3A_423 = tpu.memref_squeeze %dma_start3A_422 : memref<1x128x128xf32, #tpu.memory_space<vmem>> -> memref<128x128xf32, #tpu.memory_space<vmem>>
      %dma_start3A_424 = arith.constant 128 : i32
      %dma_start3A_425 = tpu.memref_slice %arg2[%add3A_418, %dma_start3A_424] : memref<160000x384xf32, #tpu.memory_space<hbm>> -> memref<128x128xf32, #tpu.memory_space<hbm>>
      %dma_start3A_426 = arith.constant 0 : i32
      %dma_start3A_427 = arith.constant 0 : i32
      %dma_start3A_428 = tpu.memref_slice %arg9[%dma_start3A_419, %dma_start3A_426, %dma_start3A_427] : memref<2x128x128xf32, #tpu.memory_space<vmem>> -> memref<1x128x128xf32, #tpu.memory_space<vmem>>
      %dma_start3A_429 = tpu.memref_squeeze %dma_start3A_428 : memref<1x128x128xf32, #tpu.memory_space<vmem>> -> memref<128x128xf32, #tpu.memory_space<vmem>>
      %dma_start3A_430 = arith.constant 128 : i32
      %dma_start3A_431 = tpu.memref_slice %arg2[%add3A_418, %dma_start3A_430] : memref<160000x384xf32, #tpu.memory_space<hbm>> -> memref<128x128xf32, #tpu.memory_space<hbm>>
      tpu.enqueue_dma source(%dma_start3A_431 : memref<128x128xf32, #tpu.memory_space<hbm>>) target(%dma_start3A_429 : memref<128x128xf32, #tpu.memory_space<vmem>>) target_semaphore(%arg12 : memref<!tpu.dma_semaphore, #tpu.memory_space<semaphore_mem>>)
      %mul3A_432 = arith.constant 128 : i32
      %mul3A_433 = arith.muli %mul3A_413, %mul3A_432 : i32
      %add3A_434 = arith.addi %add3A, %mul3A_433 : i32
      %dma_wait3A_435 = arith.constant 0 : i32
      %dma_wait3A_436 = arith.constant 0 : i32
      %dma_wait3A_437 = arith.constant 0 : i32
      %dma_wait3A_438 = tpu.memref_slice %arg9[%dma_wait3A_435, %dma_wait3A_436, %dma_wait3A_437] : memref<2x128x128xf32, #tpu.memory_space<vmem>> -> memref<1x128x128xf32, #tpu.memory_space<vmem>>
      %dma_wait3A_439 = tpu.memref_squeeze %dma_wait3A_438 : memref<1x128x128xf32, #tpu.memory_space<vmem>> -> memref<128x128xf32, #tpu.memory_space<vmem>>
      %dma_wait3A_440 = arith.constant 128 : i32
      %dma_wait3A_441 = tpu.memref_slice %arg2[%add3A_434, %dma_wait3A_440] : memref<160000x384xf32, #tpu.memory_space<hbm>> -> memref<128x128xf32, #tpu.memory_space<hbm>>
      %dma_wait3A_442 = arith.constant 0 : i32
      %dma_wait3A_443 = arith.constant 0 : i32
      %dma_wait3A_444 = tpu.memref_slice %arg9[%dma_wait3A_435, %dma_wait3A_442, %dma_wait3A_443] : memref<2x128x128xf32, #tpu.memory_space<vmem>> -> memref<1x128x128xf32, #tpu.memory_space<vmem>>
      %dma_wait3A_445 = tpu.memref_squeeze %dma_wait3A_444 : memref<1x128x128xf32, #tpu.memory_space<vmem>> -> memref<128x128xf32, #tpu.memory_space<vmem>>
      %dma_wait3A_446 = arith.constant 128 : i32
      %dma_wait3A_447 = tpu.memref_slice %arg2[%add3A_434, %dma_wait3A_446] : memref<160000x384xf32, #tpu.memory_space<hbm>> -> memref<128x128xf32, #tpu.memory_space<hbm>>
      tpu.wait_dma2 semaphore(%arg11 : memref<!tpu.dma_semaphore, #tpu.memory_space<semaphore_mem>>) src(%dma_wait3A_447 : memref<128x128xf32, #tpu.memory_space<hbm>>) dst(%dma_wait3A_445 : memref<128x128xf32, #tpu.memory_space<vmem>>)
      %run_scoped3A_448 = arith.constant 0 : i32
      %run_scoped3A_449 = arith.constant 0 : i32
      "tpu.region"() ({
        %run_scoped3A_490 = tpu.sem_alloc : memref<!tpu.dma_semaphore, #tpu.memory_space<semaphore_mem>>
        %dma_start3A_491 = arith.constant 0 : i32
        %dma_start3A_492 = arith.constant 0 : i32
        %dma_start3A_493 = tpu.memref_slice %arg9[%run_scoped3A_448, %dma_start3A_491, %dma_start3A_492] : memref<2x128x128xf32, #tpu.memory_space<vmem>> -> memref<1x128x128xf32, #tpu.memory_space<vmem>>
        %dma_start3A_494 = tpu.memref_squeeze %dma_start3A_493 : memref<1x128x128xf32, #tpu.memory_space<vmem>> -> memref<128x128xf32, #tpu.memory_space<vmem>>
        %dma_start3A_495 = arith.constant 0 : i32
        %dma_start3A_496 = tpu.memref_slice %arg7[%run_scoped3A_449, %mul3A_413, %dma_start3A_495] : memref<2x39x128xi32, #tpu.memory_space<vmem>> -> memref<1x1x128xi32, #tpu.memory_space<vmem>>
        %dma_start3A_497 = tpu.memref_squeeze %dma_start3A_496 : memref<1x1x128xi32, #tpu.memory_space<vmem>> -> memref<128xi32, #tpu.memory_space<vmem>>
        %dma_start3A_498 = arith.constant 0 : i32
        %dma_start3A_499 = arith.constant 0 : i32
        %dma_start3A_500 = tpu.memref_slice %arg10[%dma_start3A_498, %dma_start3A_499] : memref<10000x128xf32, #tpu.memory_space<vmem_shared>> -> memref<10000x128xf32, #tpu.memory_space<vmem_shared>>
        tpu.enqueue_indirect_dma source(%dma_start3A_494 : memref<128x128xf32, #tpu.memory_space<vmem>>) target(%dma_start3A_500 : memref<10000x128xf32, #tpu.memory_space<vmem_shared>>) offsets(%dma_start3A_497 : memref<128xi32, #tpu.memory_space<vmem>>) semaphore(%run_scoped3A_490 : memref<!tpu.dma_semaphore, #tpu.memory_space<semaphore_mem>>) {add = true}
        %dma_wait3A_501 = arith.constant 0 : i32
        %dma_wait3A_502 = arith.constant 0 : i32
        %dma_wait3A_503 = tpu.memref_slice %arg9[%run_scoped3A_448, %dma_wait3A_501, %dma_wait3A_502] : memref<2x128x128xf32, #tpu.memory_space<vmem>> -> memref<1x128x128xf32, #tpu.memory_space<vmem>>
        %dma_wait3A_504 = tpu.memref_squeeze %dma_wait3A_503 : memref<1x128x128xf32, #tpu.memory_space<vmem>> -> memref<128x128xf32, #tpu.memory_space<vmem>>
        %dma_wait3A_505 = arith.constant 0 : i32
        %dma_wait3A_506 = tpu.memref_slice %arg7[%run_scoped3A_449, %mul3A_413, %dma_wait3A_505] : memref<2x39x128xi32, #tpu.memory_space<vmem>> -> memref<1x1x128xi32, #tpu.memory_space<vmem>>
        %dma_wait3A_507 = tpu.memref_squeeze %dma_wait3A_506 : memref<1x1x128xi32, #tpu.memory_space<vmem>> -> memref<128xi32, #tpu.memory_space<vmem>>
        %dma_wait3A_508 = arith.constant 0 : i32
        %dma_wait3A_509 = arith.constant 0 : i32
        %dma_wait3A_510 = tpu.memref_slice %arg10[%dma_wait3A_508, %dma_wait3A_509] : memref<10000x128xf32, #tpu.memory_space<vmem_shared>> -> memref<10000x128xf32, #tpu.memory_space<vmem_shared>>
        tpu.wait_indirect_dma semaphore(%run_scoped3A_490 : memref<!tpu.dma_semaphore, #tpu.memory_space<semaphore_mem>>) src(%dma_wait3A_504 : memref<128x128xf32, #tpu.memory_space<vmem>>) dst(%dma_wait3A_510 : memref<10000x128xf32, #tpu.memory_space<vmem_shared>>)
        tpu.yield
      }) : () -> ()
      %add3A_450 = arith.constant 2 : i32
      %add3A_451 = arith.addi %mul3A_413, %add3A_450 : i32
      %mul3A_452 = arith.constant 128 : i32
      %mul3A_453 = arith.muli %add3A_451, %mul3A_452 : i32
      %add3A_454 = arith.addi %add3A, %mul3A_453 : i32
      %dma_start3A_455 = arith.constant 0 : i32
      %dma_start3A_456 = arith.constant 0 : i32
      %dma_start3A_457 = arith.constant 0 : i32
      %dma_start3A_458 = tpu.memref_slice %arg9[%dma_start3A_455, %dma_start3A_456, %dma_start3A_457] : memref<2x128x128xf32, #tpu.memory_space<vmem>> -> memref<1x128x128xf32, #tpu.memory_space<vmem>>
      %dma_start3A_459 = tpu.memref_squeeze %dma_start3A_458 : memref<1x128x128xf32, #tpu.memory_space<vmem>> -> memref<128x128xf32, #tpu.memory_space<vmem>>
      %dma_start3A_460 = arith.constant 128 : i32
      %dma_start3A_461 = tpu.memref_slice %arg2[%add3A_454, %dma_start3A_460] : memref<160000x384xf32, #tpu.memory_space<hbm>> -> memref<128x128xf32, #tpu.memory_space<hbm>>
      %dma_start3A_462 = arith.constant 0 : i32
      %dma_start3A_463 = arith.constant 0 : i32
      %dma_start3A_464 = tpu.memref_slice %arg9[%dma_start3A_455, %dma_start3A_462, %dma_start3A_463] : memref<2x128x128xf32, #tpu.memory_space<vmem>> -> memref<1x128x128xf32, #tpu.memory_space<vmem>>
      %dma_start3A_465 = tpu.memref_squeeze %dma_start3A_464 : memref<1x128x128xf32, #tpu.memory_space<vmem>> -> memref<128x128xf32, #tpu.memory_space<vmem>>
      %dma_start3A_466 = arith.constant 128 : i32
      %dma_start3A_467 = tpu.memref_slice %arg2[%add3A_454, %dma_start3A_466] : memref<160000x384xf32, #tpu.memory_space<hbm>> -> memref<128x128xf32, #tpu.memory_space<hbm>>
      tpu.enqueue_dma source(%dma_start3A_467 : memref<128x128xf32, #tpu.memory_space<hbm>>) target(%dma_start3A_465 : memref<128x128xf32, #tpu.memory_space<vmem>>) target_semaphore(%arg11 : memref<!tpu.dma_semaphore, #tpu.memory_space<semaphore_mem>>)
      %add3A_468 = arith.constant 1 : i32
      %add3A_469 = arith.addi %mul3A_413, %add3A_468 : i32
      %mul3A_470 = arith.constant 128 : i32
      %mul3A_471 = arith.muli %add3A_469, %mul3A_470 : i32
      %add3A_472 = arith.addi %add3A, %mul3A_471 : i32
      %dma_wait3A_473 = arith.constant 1 : i32
      %dma_wait3A_474 = arith.constant 0 : i32
      %dma_wait3A_475 = arith.constant 0 : i32
      %dma_wait3A_476 = tpu.memref_slice %arg9[%dma_wait3A_473, %dma_wait3A_474, %dma_wait3A_475] : memref<2x128x128xf32, #tpu.memory_space<vmem>> -> memref<1x128x128xf32, #tpu.memory_space<vmem>>
      %dma_wait3A_477 = tpu.memref_squeeze %dma_wait3A_476 : memref<1x128x128xf32, #tpu.memory_space<vmem>> -> memref<128x128xf32, #tpu.memory_space<vmem>>
      %dma_wait3A_478 = arith.constant 128 : i32
      %dma_wait3A_479 = tpu.memref_slice %arg2[%add3A_472, %dma_wait3A_478] : memref<160000x384xf32, #tpu.memory_space<hbm>> -> memref<128x128xf32, #tpu.memory_space<hbm>>
      %dma_wait3A_480 = arith.constant 0 : i32
      %dma_wait3A_481 = arith.constant 0 : i32
      %dma_wait3A_482 = tpu.memref_slice %arg9[%dma_wait3A_473, %dma_wait3A_480, %dma_wait3A_481] : memref<2x128x128xf32, #tpu.memory_space<vmem>> -> memref<1x128x128xf32, #tpu.memory_space<vmem>>
      %dma_wait3A_483 = tpu.memref_squeeze %dma_wait3A_482 : memref<1x128x128xf32, #tpu.memory_space<vmem>> -> memref<128x128xf32, #tpu.memory_space<vmem>>
      %dma_wait3A_484 = arith.constant 128 : i32
      %dma_wait3A_485 = tpu.memref_slice %arg2[%add3A_472, %dma_wait3A_484] : memref<160000x384xf32, #tpu.memory_space<hbm>> -> memref<128x128xf32, #tpu.memory_space<hbm>>
      tpu.wait_dma2 semaphore(%arg12 : memref<!tpu.dma_semaphore, #tpu.memory_space<semaphore_mem>>) src(%dma_wait3A_485 : memref<128x128xf32, #tpu.memory_space<hbm>>) dst(%dma_wait3A_483 : memref<128x128xf32, #tpu.memory_space<vmem>>)
      %add3A_486 = arith.constant 1 : i32
      %add3A_487 = arith.addi %mul3A_413, %add3A_486 : i32
      %run_scoped3A_488 = arith.constant 1 : i32
      %run_scoped3A_489 = arith.constant 0 : i32
      "tpu.region"() ({
        %run_scoped3A_490 = tpu.sem_alloc : memref<!tpu.dma_semaphore, #tpu.memory_space<semaphore_mem>>
        %dma_start3A_491 = arith.constant 0 : i32
        %dma_start3A_492 = arith.constant 0 : i32
        %dma_start3A_493 = tpu.memref_slice %arg9[%run_scoped3A_488, %dma_start3A_491, %dma_start3A_492] : memref<2x128x128xf32, #tpu.memory_space<vmem>> -> memref<1x128x128xf32, #tpu.memory_space<vmem>>
        %dma_start3A_494 = tpu.memref_squeeze %dma_start3A_493 : memref<1x128x128xf32, #tpu.memory_space<vmem>> -> memref<128x128xf32, #tpu.memory_space<vmem>>
        %dma_start3A_495 = arith.constant 0 : i32
        %dma_start3A_496 = tpu.memref_slice %arg7[%run_scoped3A_489, %add3A_487, %dma_start3A_495] : memref<2x39x128xi32, #tpu.memory_space<vmem>> -> memref<1x1x128xi32, #tpu.memory_space<vmem>>
        %dma_start3A_497 = tpu.memref_squeeze %dma_start3A_496 : memref<1x1x128xi32, #tpu.memory_space<vmem>> -> memref<128xi32, #tpu.memory_space<vmem>>
        %dma_start3A_498 = arith.constant 0 : i32
        %dma_start3A_499 = arith.constant 0 : i32
        %dma_start3A_500 = tpu.memref_slice %arg10[%dma_start3A_498, %dma_start3A_499] : memref<10000x128xf32, #tpu.memory_space<vmem_shared>> -> memref<10000x128xf32, #tpu.memory_space<vmem_shared>>
        tpu.enqueue_indirect_dma source(%dma_start3A_494 : memref<128x128xf32, #tpu.memory_space<vmem>>) target(%dma_start3A_500 : memref<10000x128xf32, #tpu.memory_space<vmem_shared>>) offsets(%dma_start3A_497 : memref<128xi32, #tpu.memory_space<vmem>>) semaphore(%run_scoped3A_490 : memref<!tpu.dma_semaphore, #tpu.memory_space<semaphore_mem>>) {add = true}
        %dma_wait3A_501 = arith.constant 0 : i32
        %dma_wait3A_502 = arith.constant 0 : i32
        %dma_wait3A_503 = tpu.memref_slice %arg9[%run_scoped3A_488, %dma_wait3A_501, %dma_wait3A_502] : memref<2x128x128xf32, #tpu.memory_space<vmem>> -> memref<1x128x128xf32, #tpu.memory_space<vmem>>
        %dma_wait3A_504 = tpu.memref_squeeze %dma_wait3A_503 : memref<1x128x128xf32, #tpu.memory_space<vmem>> -> memref<128x128xf32, #tpu.memory_space<vmem>>
        %dma_wait3A_505 = arith.constant 0 : i32
        %dma_wait3A_506 = tpu.memref_slice %arg7[%run_scoped3A_489, %add3A_487, %dma_wait3A_505] : memref<2x39x128xi32, #tpu.memory_space<vmem>> -> memref<1x1x128xi32, #tpu.memory_space<vmem>>
        %dma_wait3A_507 = tpu.memref_squeeze %dma_wait3A_506 : memref<1x1x128xi32, #tpu.memory_space<vmem>> -> memref<128xi32, #tpu.memory_space<vmem>>
        %dma_wait3A_508 = arith.constant 0 : i32
        %dma_wait3A_509 = arith.constant 0 : i32
        %dma_wait3A_510 = tpu.memref_slice %arg10[%dma_wait3A_508, %dma_wait3A_509] : memref<10000x128xf32, #tpu.memory_space<vmem_shared>> -> memref<10000x128xf32, #tpu.memory_space<vmem_shared>>
        tpu.wait_indirect_dma semaphore(%run_scoped3A_490 : memref<!tpu.dma_semaphore, #tpu.memory_space<semaphore_mem>>) src(%dma_wait3A_504 : memref<128x128xf32, #tpu.memory_space<vmem>>) dst(%dma_wait3A_510 : memref<10000x128xf32, #tpu.memory_space<vmem_shared>>)
        tpu.yield
      }) : () -> ()
    }
    %scan3A_196 = arith.constant 19 : i32
    %add3A_197 = arith.constant 4864 : i32
    %add3A_198 = arith.addi %add3A, %add3A_197 : i32
    %dma_wait3A_199 = arith.constant 0 : i32
    %dma_wait3A_200 = arith.constant 0 : i32
    %dma_wait3A_201 = arith.constant 0 : i32
    %dma_wait3A_202 = tpu.memref_slice %arg9[%dma_wait3A_199, %dma_wait3A_200, %dma_wait3A_201] : memref<2x128x128xf32, #tpu.memory_space<vmem>> -> memref<1x128x128xf32, #tpu.memory_space<vmem>>
    %dma_wait3A_203 = tpu.memref_squeeze %dma_wait3A_202 : memref<1x128x128xf32, #tpu.memory_space<vmem>> -> memref<128x128xf32, #tpu.memory_space<vmem>>
    %dma_wait3A_204 = arith.constant 128 : i32
    %dma_wait3A_205 = tpu.memref_slice %arg2[%add3A_198, %dma_wait3A_204] : memref<160000x384xf32, #tpu.memory_space<hbm>> -> memref<128x128xf32, #tpu.memory_space<hbm>>
    %dma_wait3A_206 = arith.constant 0 : i32
    %dma_wait3A_207 = arith.constant 0 : i32
    %dma_wait3A_208 = tpu.memref_slice %arg9[%dma_wait3A_199, %dma_wait3A_206, %dma_wait3A_207] : memref<2x128x128xf32, #tpu.memory_space<vmem>> -> memref<1x128x128xf32, #tpu.memory_space<vmem>>
    %dma_wait3A_209 = tpu.memref_squeeze %dma_wait3A_208 : memref<1x128x128xf32, #tpu.memory_space<vmem>> -> memref<128x128xf32, #tpu.memory_space<vmem>>
    %dma_wait3A_210 = arith.constant 128 : i32
    %dma_wait3A_211 = tpu.memref_slice %arg2[%add3A_198, %dma_wait3A_210] : memref<160000x384xf32, #tpu.memory_space<hbm>> -> memref<128x128xf32, #tpu.memory_space<hbm>>
    tpu.wait_dma2 semaphore(%arg11 : memref<!tpu.dma_semaphore, #tpu.memory_space<semaphore_mem>>) src(%dma_wait3A_211 : memref<128x128xf32, #tpu.memory_space<hbm>>) dst(%dma_wait3A_209 : memref<128x128xf32, #tpu.memory_space<vmem>>)
    %run_scoped3A_212 = arith.constant 0 : i32
    %run_scoped3A_213 = arith.constant 0 : i32
    %run_scoped3A_214 = arith.constant 38 : i32
    "tpu.region"() ({
      %run_scoped3A_411 = tpu.sem_alloc : memref<!tpu.dma_semaphore, #tpu.memory_space<semaphore_mem>>
      %dma_start3A_412 = arith.constant 0 : i32
      %dma_start3A_413 = arith.constant 0 : i32
      %dma_start3A_414 = tpu.memref_slice %arg9[%run_scoped3A_212, %dma_start3A_412, %dma_start3A_413] : memref<2x128x128xf32, #tpu.memory_space<vmem>> -> memref<1x128x128xf32, #tpu.memory_space<vmem>>
      %dma_start3A_415 = tpu.memref_squeeze %dma_start3A_414 : memref<1x128x128xf32, #tpu.memory_space<vmem>> -> memref<128x128xf32, #tpu.memory_space<vmem>>
      %dma_start3A_416 = arith.constant 0 : i32
      %dma_start3A_417 = tpu.memref_slice %arg7[%run_scoped3A_213, %run_scoped3A_214, %dma_start3A_416] : memref<2x39x128xi32, #tpu.memory_space<vmem>> -> memref<1x1x128xi32, #tpu.memory_space<vmem>>
      %dma_start3A_418 = tpu.memref_squeeze %dma_start3A_417 : memref<1x1x128xi32, #tpu.memory_space<vmem>> -> memref<128xi32, #tpu.memory_space<vmem>>
      %dma_start3A_419 = arith.constant 0 : i32
      %dma_start3A_420 = arith.constant 0 : i32
      %dma_start3A_421 = tpu.memref_slice %arg10[%dma_start3A_419, %dma_start3A_420] : memref<10000x128xf32, #tpu.memory_space<vmem_shared>> -> memref<10000x128xf32, #tpu.memory_space<vmem_shared>>
      tpu.enqueue_indirect_dma source(%dma_start3A_415 : memref<128x128xf32, #tpu.memory_space<vmem>>) target(%dma_start3A_421 : memref<10000x128xf32, #tpu.memory_space<vmem_shared>>) offsets(%dma_start3A_418 : memref<128xi32, #tpu.memory_space<vmem>>) semaphore(%run_scoped3A_411 : memref<!tpu.dma_semaphore, #tpu.memory_space<semaphore_mem>>) {add = true}
      %dma_wait3A_422 = arith.constant 0 : i32
      %dma_wait3A_423 = arith.constant 0 : i32
      %dma_wait3A_424 = tpu.memref_slice %arg9[%run_scoped3A_212, %dma_wait3A_422, %dma_wait3A_423] : memref<2x128x128xf32, #tpu.memory_space<vmem>> -> memref<1x128x128xf32, #tpu.memory_space<vmem>>
      %dma_wait3A_425 = tpu.memref_squeeze %dma_wait3A_424 : memref<1x128x128xf32, #tpu.memory_space<vmem>> -> memref<128x128xf32, #tpu.memory_space<vmem>>
      %dma_wait3A_426 = arith.constant 0 : i32
      %dma_wait3A_427 = tpu.memref_slice %arg7[%run_scoped3A_213, %run_scoped3A_214, %dma_wait3A_426] : memref<2x39x128xi32, #tpu.memory_space<vmem>> -> memref<1x1x128xi32, #tpu.memory_space<vmem>>
      %dma_wait3A_428 = tpu.memref_squeeze %dma_wait3A_427 : memref<1x1x128xi32, #tpu.memory_space<vmem>> -> memref<128xi32, #tpu.memory_space<vmem>>
      %dma_wait3A_429 = arith.constant 0 : i32
      %dma_wait3A_430 = arith.constant 0 : i32
      %dma_wait3A_431 = tpu.memref_slice %arg10[%dma_wait3A_429, %dma_wait3A_430] : memref<10000x128xf32, #tpu.memory_space<vmem_shared>> -> memref<10000x128xf32, #tpu.memory_space<vmem_shared>>
      tpu.wait_indirect_dma semaphore(%run_scoped3A_411 : memref<!tpu.dma_semaphore, #tpu.memory_space<semaphore_mem>>) src(%dma_wait3A_425 : memref<128x128xf32, #tpu.memory_space<vmem>>) dst(%dma_wait3A_431 : memref<10000x128xf32, #tpu.memory_space<vmem_shared>>)
      tpu.yield
    }) : () -> ()
    %add3A_215 = arith.constant 4992 : i32
    %add3A_216 = arith.addi %add3A, %add3A_215 : i32
    %run_scoped3A_217 = arith.constant 0 : i32
    "tpu.region"() ({
      %run_scoped3A_411 = tpu.sem_alloc : memref<!tpu.dma_semaphore, #tpu.memory_space<semaphore_mem>>
      %dma_start3A_412 = arith.constant 0 : i32
      %dma_start3A_413 = arith.constant 0 : i32
      %dma_start3A_414 = tpu.memref_slice %arg9[%run_scoped3A_217, %dma_start3A_412, %dma_start3A_413] : memref<2x128x128xf32, #tpu.memory_space<vmem>> -> memref<1x8x128xf32, #tpu.memory_space<vmem>>
      %dma_start3A_415 = tpu.memref_squeeze %dma_start3A_414 : memref<1x8x128xf32, #tpu.memory_space<vmem>> -> memref<8x128xf32, #tpu.memory_space<vmem>>
      %dma_start3A_416 = arith.constant 128 : i32
      %dma_start3A_417 = tpu.memref_slice %arg2[%add3A_216, %dma_start3A_416] : memref<160000x384xf32, #tpu.memory_space<hbm>> -> memref<8x128xf32, #tpu.memory_space<hbm>>
      %dma_start3A_418 = arith.constant 0 : i32
      %dma_start3A_419 = arith.constant 0 : i32
      %dma_start3A_420 = tpu.memref_slice %arg9[%run_scoped3A_217, %dma_start3A_418, %dma_start3A_419] : memref<2x128x128xf32, #tpu.memory_space<vmem>> -> memref<1x8x128xf32, #tpu.memory_space<vmem>>
      %dma_start3A_421 = tpu.memref_squeeze %dma_start3A_420 : memref<1x8x128xf32, #tpu.memory_space<vmem>> -> memref<8x128xf32, #tpu.memory_space<vmem>>
      %dma_start3A_422 = arith.constant 128 : i32
      %dma_start3A_423 = tpu.memref_slice %arg2[%add3A_216, %dma_start3A_422] : memref<160000x384xf32, #tpu.memory_space<hbm>> -> memref<8x128xf32, #tpu.memory_space<hbm>>
      tpu.enqueue_dma source(%dma_start3A_423 : memref<8x128xf32, #tpu.memory_space<hbm>>) target(%dma_start3A_421 : memref<8x128xf32, #tpu.memory_space<vmem>>) target_semaphore(%run_scoped3A_411 : memref<!tpu.dma_semaphore, #tpu.memory_space<semaphore_mem>>)
      %dma_wait3A_424 = arith.constant 0 : i32
      %dma_wait3A_425 = arith.constant 0 : i32
      %dma_wait3A_426 = tpu.memref_slice %arg9[%run_scoped3A_217, %dma_wait3A_424, %dma_wait3A_425] : memref<2x128x128xf32, #tpu.memory_space<vmem>> -> memref<1x8x128xf32, #tpu.memory_space<vmem>>
      %dma_wait3A_427 = tpu.memref_squeeze %dma_wait3A_426 : memref<1x8x128xf32, #tpu.memory_space<vmem>> -> memref<8x128xf32, #tpu.memory_space<vmem>>
      %dma_wait3A_428 = arith.constant 128 : i32
      %dma_wait3A_429 = tpu.memref_slice %arg2[%add3A_216, %dma_wait3A_428] : memref<160000x384xf32, #tpu.memory_space<hbm>> -> memref<8x128xf32, #tpu.memory_space<hbm>>
      %dma_wait3A_430 = arith.constant 0 : i32
      %dma_wait3A_431 = arith.constant 0 : i32
      %dma_wait3A_432 = tpu.memref_slice %arg9[%run_scoped3A_217, %dma_wait3A_430, %dma_wait3A_431] : memref<2x128x128xf32, #tpu.memory_space<vmem>> -> memref<1x8x128xf32, #tpu.memory_space<vmem>>
      %dma_wait3A_433 = tpu.memref_squeeze %dma_wait3A_432 : memref<1x8x128xf32, #tpu.memory_space<vmem>> -> memref<8x128xf32, #tpu.memory_space<vmem>>
      %dma_wait3A_434 = arith.constant 128 : i32
      %dma_wait3A_435 = tpu.memref_slice %arg2[%add3A_216, %dma_wait3A_434] : memref<160000x384xf32, #tpu.memory_space<hbm>> -> memref<8x128xf32, #tpu.memory_space<hbm>>
      tpu.wait_dma2 semaphore(%run_scoped3A_411 : memref<!tpu.dma_semaphore, #tpu.memory_space<semaphore_mem>>) src(%dma_wait3A_435 : memref<8x128xf32, #tpu.memory_space<hbm>>) dst(%dma_wait3A_433 : memref<8x128xf32, #tpu.memory_space<vmem>>)
      tpu.yield
    }) : () -> ()
    %run_scoped3A_218 = arith.constant 0 : i32
    %run_scoped3A_219 = arith.constant 0 : i32
    "tpu.region"() ({
      %run_scoped3A_411 = tpu.sem_alloc : memref<!tpu.dma_semaphore, #tpu.memory_space<semaphore_mem>>
      %dma_start3A_412 = arith.constant 0 : i32
      %dma_start3A_413 = arith.constant 0 : i32
      %dma_start3A_414 = tpu.memref_slice %arg9[%run_scoped3A_218, %dma_start3A_412, %dma_start3A_413] : memref<2x128x128xf32, #tpu.memory_space<vmem>> -> memref<1x8x128xf32, #tpu.memory_space<vmem>>
      %dma_start3A_415 = tpu.memref_squeeze %dma_start3A_414 : memref<1x8x128xf32, #tpu.memory_space<vmem>> -> memref<8x128xf32, #tpu.memory_space<vmem>>
      %dma_start3A_416 = arith.constant 0 : i32
      %dma_start3A_417 = tpu.memref_slice %arg8[%run_scoped3A_219, %dma_start3A_416] : memref<2x8xi32, #tpu.memory_space<vmem>> -> memref<1x8xi32, #tpu.memory_space<vmem>>
      %dma_start3A_418 = tpu.memref_squeeze %dma_start3A_417 : memref<1x8xi32, #tpu.memory_space<vmem>> -> memref<8xi32, #tpu.memory_space<vmem>>
      %dma_start3A_419 = arith.constant 0 : i32
      %dma_start3A_420 = arith.constant 0 : i32
      %dma_start3A_421 = tpu.memref_slice %arg10[%dma_start3A_419, %dma_start3A_420] : memref<10000x128xf32, #tpu.memory_space<vmem_shared>> -> memref<10000x128xf32, #tpu.memory_space<vmem_shared>>
      tpu.enqueue_indirect_dma source(%dma_start3A_415 : memref<8x128xf32, #tpu.memory_space<vmem>>) target(%dma_start3A_421 : memref<10000x128xf32, #tpu.memory_space<vmem_shared>>) offsets(%dma_start3A_418 : memref<8xi32, #tpu.memory_space<vmem>>) semaphore(%run_scoped3A_411 : memref<!tpu.dma_semaphore, #tpu.memory_space<semaphore_mem>>) {add = true}
      %dma_wait3A_422 = arith.constant 0 : i32
      %dma_wait3A_423 = arith.constant 0 : i32
      %dma_wait3A_424 = tpu.memref_slice %arg9[%run_scoped3A_218, %dma_wait3A_422, %dma_wait3A_423] : memref<2x128x128xf32, #tpu.memory_space<vmem>> -> memref<1x8x128xf32, #tpu.memory_space<vmem>>
      %dma_wait3A_425 = tpu.memref_squeeze %dma_wait3A_424 : memref<1x8x128xf32, #tpu.memory_space<vmem>> -> memref<8x128xf32, #tpu.memory_space<vmem>>
      %dma_wait3A_426 = arith.constant 0 : i32
      %dma_wait3A_427 = tpu.memref_slice %arg8[%run_scoped3A_219, %dma_wait3A_426] : memref<2x8xi32, #tpu.memory_space<vmem>> -> memref<1x8xi32, #tpu.memory_space<vmem>>
      %dma_wait3A_428 = tpu.memref_squeeze %dma_wait3A_427 : memref<1x8xi32, #tpu.memory_space<vmem>> -> memref<8xi32, #tpu.memory_space<vmem>>
      %dma_wait3A_429 = arith.constant 0 : i32
      %dma_wait3A_430 = arith.constant 0 : i32
      %dma_wait3A_431 = tpu.memref_slice %arg10[%dma_wait3A_429, %dma_wait3A_430] : memref<10000x128xf32, #tpu.memory_space<vmem_shared>> -> memref<10000x128xf32, #tpu.memory_space<vmem_shared>>
      tpu.wait_indirect_dma semaphore(%run_scoped3A_411 : memref<!tpu.dma_semaphore, #tpu.memory_space<semaphore_mem>>) src(%dma_wait3A_425 : memref<8x128xf32, #tpu.memory_space<vmem>>) dst(%dma_wait3A_431 : memref<10000x128xf32, #tpu.memory_space<vmem_shared>>)
      tpu.yield
    }) : () -> ()
    %add3A_220 = arith.constant 0 : i32
    %add3A_221 = arith.addi %add3A, %add3A_220 : i32
    %dma_start3A_222 = arith.constant 0 : i32
    %dma_start3A_223 = arith.constant 0 : i32
    %dma_start3A_224 = arith.constant 0 : i32
    %dma_start3A_225 = tpu.memref_slice %arg9[%dma_start3A_222, %dma_start3A_223, %dma_start3A_224] : memref<2x128x128xf32, #tpu.memory_space<vmem>> -> memref<1x128x128xf32, #tpu.memory_space<vmem>>
    %dma_start3A_226 = tpu.memref_squeeze %dma_start3A_225 : memref<1x128x128xf32, #tpu.memory_space<vmem>> -> memref<128x128xf32, #tpu.memory_space<vmem>>
    %dma_start3A_227 = arith.constant 128 : i32
    %dma_start3A_228 = tpu.memref_slice %arg3[%add3A_221, %dma_start3A_227] : memref<160000x384xf32, #tpu.memory_space<hbm>> -> memref<128x128xf32, #tpu.memory_space<hbm>>
    %dma_start3A_229 = arith.constant 0 : i32
    %dma_start3A_230 = arith.constant 0 : i32
    %dma_start3A_231 = tpu.memref_slice %arg9[%dma_start3A_222, %dma_start3A_229, %dma_start3A_230] : memref<2x128x128xf32, #tpu.memory_space<vmem>> -> memref<1x128x128xf32, #tpu.memory_space<vmem>>
    %dma_start3A_232 = tpu.memref_squeeze %dma_start3A_231 : memref<1x128x128xf32, #tpu.memory_space<vmem>> -> memref<128x128xf32, #tpu.memory_space<vmem>>
    %dma_start3A_233 = arith.constant 128 : i32
    %dma_start3A_234 = tpu.memref_slice %arg3[%add3A_221, %dma_start3A_233] : memref<160000x384xf32, #tpu.memory_space<hbm>> -> memref<128x128xf32, #tpu.memory_space<hbm>>
    tpu.enqueue_dma source(%dma_start3A_234 : memref<128x128xf32, #tpu.memory_space<hbm>>) target(%dma_start3A_232 : memref<128x128xf32, #tpu.memory_space<vmem>>) target_semaphore(%arg11 : memref<!tpu.dma_semaphore, #tpu.memory_space<semaphore_mem>>)
    %scan3A_235 = arith.constant 0 : i32
    %scan3A_236 = arith.constant 0 : i32
    %scan3A_237 = arith.constant 19 : i32
    %scan3A_238 = arith.addi %scan3A_236, %scan3A_237 : i32
    %scan3A_239 = arith.constant 1 : i32
    scf.for %scan3A_411 = %scan3A_236 to %scan3A_238 step %scan3A_239  : i32 {
      %mul3A_412 = arith.constant 2 : i32
      %mul3A_413 = arith.muli %mul3A_412, %scan3A_411 : i32
      %add3A_414 = arith.constant 1 : i32
      %add3A_415 = arith.addi %mul3A_413, %add3A_414 : i32
      %mul3A_416 = arith.constant 128 : i32
      %mul3A_417 = arith.muli %add3A_415, %mul3A_416 : i32
      %add3A_418 = arith.addi %add3A, %mul3A_417 : i32
      %dma_start3A_419 = arith.constant 1 : i32
      %dma_start3A_420 = arith.constant 0 : i32
      %dma_start3A_421 = arith.constant 0 : i32
      %dma_start3A_422 = tpu.memref_slice %arg9[%dma_start3A_419, %dma_start3A_420, %dma_start3A_421] : memref<2x128x128xf32, #tpu.memory_space<vmem>> -> memref<1x128x128xf32, #tpu.memory_space<vmem>>
      %dma_start3A_423 = tpu.memref_squeeze %dma_start3A_422 : memref<1x128x128xf32, #tpu.memory_space<vmem>> -> memref<128x128xf32, #tpu.memory_space<vmem>>
      %dma_start3A_424 = arith.constant 128 : i32
      %dma_start3A_425 = tpu.memref_slice %arg3[%add3A_418, %dma_start3A_424] : memref<160000x384xf32, #tpu.memory_space<hbm>> -> memref<128x128xf32, #tpu.memory_space<hbm>>
      %dma_start3A_426 = arith.constant 0 : i32
      %dma_start3A_427 = arith.constant 0 : i32
      %dma_start3A_428 = tpu.memref_slice %arg9[%dma_start3A_419, %dma_start3A_426, %dma_start3A_427] : memref<2x128x128xf32, #tpu.memory_space<vmem>> -> memref<1x128x128xf32, #tpu.memory_space<vmem>>
      %dma_start3A_429 = tpu.memref_squeeze %dma_start3A_428 : memref<1x128x128xf32, #tpu.memory_space<vmem>> -> memref<128x128xf32, #tpu.memory_space<vmem>>
      %dma_start3A_430 = arith.constant 128 : i32
      %dma_start3A_431 = tpu.memref_slice %arg3[%add3A_418, %dma_start3A_430] : memref<160000x384xf32, #tpu.memory_space<hbm>> -> memref<128x128xf32, #tpu.memory_space<hbm>>
      tpu.enqueue_dma source(%dma_start3A_431 : memref<128x128xf32, #tpu.memory_space<hbm>>) target(%dma_start3A_429 : memref<128x128xf32, #tpu.memory_space<vmem>>) target_semaphore(%arg12 : memref<!tpu.dma_semaphore, #tpu.memory_space<semaphore_mem>>)
      %mul3A_432 = arith.constant 128 : i32
      %mul3A_433 = arith.muli %mul3A_413, %mul3A_432 : i32
      %add3A_434 = arith.addi %add3A, %mul3A_433 : i32
      %dma_wait3A_435 = arith.constant 0 : i32
      %dma_wait3A_436 = arith.constant 0 : i32
      %dma_wait3A_437 = arith.constant 0 : i32
      %dma_wait3A_438 = tpu.memref_slice %arg9[%dma_wait3A_435, %dma_wait3A_436, %dma_wait3A_437] : memref<2x128x128xf32, #tpu.memory_space<vmem>> -> memref<1x128x128xf32, #tpu.memory_space<vmem>>
      %dma_wait3A_439 = tpu.memref_squeeze %dma_wait3A_438 : memref<1x128x128xf32, #tpu.memory_space<vmem>> -> memref<128x128xf32, #tpu.memory_space<vmem>>
      %dma_wait3A_440 = arith.constant 128 : i32
      %dma_wait3A_441 = tpu.memref_slice %arg3[%add3A_434, %dma_wait3A_440] : memref<160000x384xf32, #tpu.memory_space<hbm>> -> memref<128x128xf32, #tpu.memory_space<hbm>>
      %dma_wait3A_442 = arith.constant 0 : i32
      %dma_wait3A_443 = arith.constant 0 : i32
      %dma_wait3A_444 = tpu.memref_slice %arg9[%dma_wait3A_435, %dma_wait3A_442, %dma_wait3A_443] : memref<2x128x128xf32, #tpu.memory_space<vmem>> -> memref<1x128x128xf32, #tpu.memory_space<vmem>>
      %dma_wait3A_445 = tpu.memref_squeeze %dma_wait3A_444 : memref<1x128x128xf32, #tpu.memory_space<vmem>> -> memref<128x128xf32, #tpu.memory_space<vmem>>
      %dma_wait3A_446 = arith.constant 128 : i32
      %dma_wait3A_447 = tpu.memref_slice %arg3[%add3A_434, %dma_wait3A_446] : memref<160000x384xf32, #tpu.memory_space<hbm>> -> memref<128x128xf32, #tpu.memory_space<hbm>>
      tpu.wait_dma2 semaphore(%arg11 : memref<!tpu.dma_semaphore, #tpu.memory_space<semaphore_mem>>) src(%dma_wait3A_447 : memref<128x128xf32, #tpu.memory_space<hbm>>) dst(%dma_wait3A_445 : memref<128x128xf32, #tpu.memory_space<vmem>>)
      %run_scoped3A_448 = arith.constant 0 : i32
      %run_scoped3A_449 = arith.constant 1 : i32
      "tpu.region"() ({
        %run_scoped3A_490 = tpu.sem_alloc : memref<!tpu.dma_semaphore, #tpu.memory_space<semaphore_mem>>
        %dma_start3A_491 = arith.constant 0 : i32
        %dma_start3A_492 = arith.constant 0 : i32
        %dma_start3A_493 = tpu.memref_slice %arg9[%run_scoped3A_448, %dma_start3A_491, %dma_start3A_492] : memref<2x128x128xf32, #tpu.memory_space<vmem>> -> memref<1x128x128xf32, #tpu.memory_space<vmem>>
        %dma_start3A_494 = tpu.memref_squeeze %dma_start3A_493 : memref<1x128x128xf32, #tpu.memory_space<vmem>> -> memref<128x128xf32, #tpu.memory_space<vmem>>
        %dma_start3A_495 = arith.constant 0 : i32
        %dma_start3A_496 = tpu.memref_slice %arg7[%run_scoped3A_449, %mul3A_413, %dma_start3A_495] : memref<2x39x128xi32, #tpu.memory_space<vmem>> -> memref<1x1x128xi32, #tpu.memory_space<vmem>>
        %dma_start3A_497 = tpu.memref_squeeze %dma_start3A_496 : memref<1x1x128xi32, #tpu.memory_space<vmem>> -> memref<128xi32, #tpu.memory_space<vmem>>
        %dma_start3A_498 = arith.constant 0 : i32
        %dma_start3A_499 = arith.constant 0 : i32
        %dma_start3A_500 = tpu.memref_slice %arg10[%dma_start3A_498, %dma_start3A_499] : memref<10000x128xf32, #tpu.memory_space<vmem_shared>> -> memref<10000x128xf32, #tpu.memory_space<vmem_shared>>
        tpu.enqueue_indirect_dma source(%dma_start3A_494 : memref<128x128xf32, #tpu.memory_space<vmem>>) target(%dma_start3A_500 : memref<10000x128xf32, #tpu.memory_space<vmem_shared>>) offsets(%dma_start3A_497 : memref<128xi32, #tpu.memory_space<vmem>>) semaphore(%run_scoped3A_490 : memref<!tpu.dma_semaphore, #tpu.memory_space<semaphore_mem>>) {add = true}
        %dma_wait3A_501 = arith.constant 0 : i32
        %dma_wait3A_502 = arith.constant 0 : i32
        %dma_wait3A_503 = tpu.memref_slice %arg9[%run_scoped3A_448, %dma_wait3A_501, %dma_wait3A_502] : memref<2x128x128xf32, #tpu.memory_space<vmem>> -> memref<1x128x128xf32, #tpu.memory_space<vmem>>
        %dma_wait3A_504 = tpu.memref_squeeze %dma_wait3A_503 : memref<1x128x128xf32, #tpu.memory_space<vmem>> -> memref<128x128xf32, #tpu.memory_space<vmem>>
        %dma_wait3A_505 = arith.constant 0 : i32
        %dma_wait3A_506 = tpu.memref_slice %arg7[%run_scoped3A_449, %mul3A_413, %dma_wait3A_505] : memref<2x39x128xi32, #tpu.memory_space<vmem>> -> memref<1x1x128xi32, #tpu.memory_space<vmem>>
        %dma_wait3A_507 = tpu.memref_squeeze %dma_wait3A_506 : memref<1x1x128xi32, #tpu.memory_space<vmem>> -> memref<128xi32, #tpu.memory_space<vmem>>
        %dma_wait3A_508 = arith.constant 0 : i32
        %dma_wait3A_509 = arith.constant 0 : i32
        %dma_wait3A_510 = tpu.memref_slice %arg10[%dma_wait3A_508, %dma_wait3A_509] : memref<10000x128xf32, #tpu.memory_space<vmem_shared>> -> memref<10000x128xf32, #tpu.memory_space<vmem_shared>>
        tpu.wait_indirect_dma semaphore(%run_scoped3A_490 : memref<!tpu.dma_semaphore, #tpu.memory_space<semaphore_mem>>) src(%dma_wait3A_504 : memref<128x128xf32, #tpu.memory_space<vmem>>) dst(%dma_wait3A_510 : memref<10000x128xf32, #tpu.memory_space<vmem_shared>>)
        tpu.yield
      }) : () -> ()
      %add3A_450 = arith.constant 2 : i32
      %add3A_451 = arith.addi %mul3A_413, %add3A_450 : i32
      %mul3A_452 = arith.constant 128 : i32
      %mul3A_453 = arith.muli %add3A_451, %mul3A_452 : i32
      %add3A_454 = arith.addi %add3A, %mul3A_453 : i32
      %dma_start3A_455 = arith.constant 0 : i32
      %dma_start3A_456 = arith.constant 0 : i32
      %dma_start3A_457 = arith.constant 0 : i32
      %dma_start3A_458 = tpu.memref_slice %arg9[%dma_start3A_455, %dma_start3A_456, %dma_start3A_457] : memref<2x128x128xf32, #tpu.memory_space<vmem>> -> memref<1x128x128xf32, #tpu.memory_space<vmem>>
      %dma_start3A_459 = tpu.memref_squeeze %dma_start3A_458 : memref<1x128x128xf32, #tpu.memory_space<vmem>> -> memref<128x128xf32, #tpu.memory_space<vmem>>
      %dma_start3A_460 = arith.constant 128 : i32
      %dma_start3A_461 = tpu.memref_slice %arg3[%add3A_454, %dma_start3A_460] : memref<160000x384xf32, #tpu.memory_space<hbm>> -> memref<128x128xf32, #tpu.memory_space<hbm>>
      %dma_start3A_462 = arith.constant 0 : i32
      %dma_start3A_463 = arith.constant 0 : i32
      %dma_start3A_464 = tpu.memref_slice %arg9[%dma_start3A_455, %dma_start3A_462, %dma_start3A_463] : memref<2x128x128xf32, #tpu.memory_space<vmem>> -> memref<1x128x128xf32, #tpu.memory_space<vmem>>
      %dma_start3A_465 = tpu.memref_squeeze %dma_start3A_464 : memref<1x128x128xf32, #tpu.memory_space<vmem>> -> memref<128x128xf32, #tpu.memory_space<vmem>>
      %dma_start3A_466 = arith.constant 128 : i32
      %dma_start3A_467 = tpu.memref_slice %arg3[%add3A_454, %dma_start3A_466] : memref<160000x384xf32, #tpu.memory_space<hbm>> -> memref<128x128xf32, #tpu.memory_space<hbm>>
      tpu.enqueue_dma source(%dma_start3A_467 : memref<128x128xf32, #tpu.memory_space<hbm>>) target(%dma_start3A_465 : memref<128x128xf32, #tpu.memory_space<vmem>>) target_semaphore(%arg11 : memref<!tpu.dma_semaphore, #tpu.memory_space<semaphore_mem>>)
      %add3A_468 = arith.constant 1 : i32
      %add3A_469 = arith.addi %mul3A_413, %add3A_468 : i32
      %mul3A_470 = arith.constant 128 : i32
      %mul3A_471 = arith.muli %add3A_469, %mul3A_470 : i32
      %add3A_472 = arith.addi %add3A, %mul3A_471 : i32
      %dma_wait3A_473 = arith.constant 1 : i32
      %dma_wait3A_474 = arith.constant 0 : i32
      %dma_wait3A_475 = arith.constant 0 : i32
      %dma_wait3A_476 = tpu.memref_slice %arg9[%dma_wait3A_473, %dma_wait3A_474, %dma_wait3A_475] : memref<2x128x128xf32, #tpu.memory_space<vmem>> -> memref<1x128x128xf32, #tpu.memory_space<vmem>>
      %dma_wait3A_477 = tpu.memref_squeeze %dma_wait3A_476 : memref<1x128x128xf32, #tpu.memory_space<vmem>> -> memref<128x128xf32, #tpu.memory_space<vmem>>
      %dma_wait3A_478 = arith.constant 128 : i32
      %dma_wait3A_479 = tpu.memref_slice %arg3[%add3A_472, %dma_wait3A_478] : memref<160000x384xf32, #tpu.memory_space<hbm>> -> memref<128x128xf32, #tpu.memory_space<hbm>>
      %dma_wait3A_480 = arith.constant 0 : i32
      %dma_wait3A_481 = arith.constant 0 : i32
      %dma_wait3A_482 = tpu.memref_slice %arg9[%dma_wait3A_473, %dma_wait3A_480, %dma_wait3A_481] : memref<2x128x128xf32, #tpu.memory_space<vmem>> -> memref<1x128x128xf32, #tpu.memory_space<vmem>>
      %dma_wait3A_483 = tpu.memref_squeeze %dma_wait3A_482 : memref<1x128x128xf32, #tpu.memory_space<vmem>> -> memref<128x128xf32, #tpu.memory_space<vmem>>
      %dma_wait3A_484 = arith.constant 128 : i32
      %dma_wait3A_485 = tpu.memref_slice %arg3[%add3A_472, %dma_wait3A_484] : memref<160000x384xf32, #tpu.memory_space<hbm>> -> memref<128x128xf32, #tpu.memory_space<hbm>>
      tpu.wait_dma2 semaphore(%arg12 : memref<!tpu.dma_semaphore, #tpu.memory_space<semaphore_mem>>) src(%dma_wait3A_485 : memref<128x128xf32, #tpu.memory_space<hbm>>) dst(%dma_wait3A_483 : memref<128x128xf32, #tpu.memory_space<vmem>>)
      %add3A_486 = arith.constant 1 : i32
      %add3A_487 = arith.addi %mul3A_413, %add3A_486 : i32
      %run_scoped3A_488 = arith.constant 1 : i32
      %run_scoped3A_489 = arith.constant 1 : i32
      "tpu.region"() ({
        %run_scoped3A_490 = tpu.sem_alloc : memref<!tpu.dma_semaphore, #tpu.memory_space<semaphore_mem>>
        %dma_start3A_491 = arith.constant 0 : i32
        %dma_start3A_492 = arith.constant 0 : i32
        %dma_start3A_493 = tpu.memref_slice %arg9[%run_scoped3A_488, %dma_start3A_491, %dma_start3A_492] : memref<2x128x128xf32, #tpu.memory_space<vmem>> -> memref<1x128x128xf32, #tpu.memory_space<vmem>>
        %dma_start3A_494 = tpu.memref_squeeze %dma_start3A_493 : memref<1x128x128xf32, #tpu.memory_space<vmem>> -> memref<128x128xf32, #tpu.memory_space<vmem>>
        %dma_start3A_495 = arith.constant 0 : i32
        %dma_start3A_496 = tpu.memref_slice %arg7[%run_scoped3A_489, %add3A_487, %dma_start3A_495] : memref<2x39x128xi32, #tpu.memory_space<vmem>> -> memref<1x1x128xi32, #tpu.memory_space<vmem>>
        %dma_start3A_497 = tpu.memref_squeeze %dma_start3A_496 : memref<1x1x128xi32, #tpu.memory_space<vmem>> -> memref<128xi32, #tpu.memory_space<vmem>>
        %dma_start3A_498 = arith.constant 0 : i32
        %dma_start3A_499 = arith.constant 0 : i32
        %dma_start3A_500 = tpu.memref_slice %arg10[%dma_start3A_498, %dma_start3A_499] : memref<10000x128xf32, #tpu.memory_space<vmem_shared>> -> memref<10000x128xf32, #tpu.memory_space<vmem_shared>>
        tpu.enqueue_indirect_dma source(%dma_start3A_494 : memref<128x128xf32, #tpu.memory_space<vmem>>) target(%dma_start3A_500 : memref<10000x128xf32, #tpu.memory_space<vmem_shared>>) offsets(%dma_start3A_497 : memref<128xi32, #tpu.memory_space<vmem>>) semaphore(%run_scoped3A_490 : memref<!tpu.dma_semaphore, #tpu.memory_space<semaphore_mem>>) {add = true}
        %dma_wait3A_501 = arith.constant 0 : i32
        %dma_wait3A_502 = arith.constant 0 : i32
        %dma_wait3A_503 = tpu.memref_slice %arg9[%run_scoped3A_488, %dma_wait3A_501, %dma_wait3A_502] : memref<2x128x128xf32, #tpu.memory_space<vmem>> -> memref<1x128x128xf32, #tpu.memory_space<vmem>>
        %dma_wait3A_504 = tpu.memref_squeeze %dma_wait3A_503 : memref<1x128x128xf32, #tpu.memory_space<vmem>> -> memref<128x128xf32, #tpu.memory_space<vmem>>
        %dma_wait3A_505 = arith.constant 0 : i32
        %dma_wait3A_506 = tpu.memref_slice %arg7[%run_scoped3A_489, %add3A_487, %dma_wait3A_505] : memref<2x39x128xi32, #tpu.memory_space<vmem>> -> memref<1x1x128xi32, #tpu.memory_space<vmem>>
        %dma_wait3A_507 = tpu.memref_squeeze %dma_wait3A_506 : memref<1x1x128xi32, #tpu.memory_space<vmem>> -> memref<128xi32, #tpu.memory_space<vmem>>
        %dma_wait3A_508 = arith.constant 0 : i32
        %dma_wait3A_509 = arith.constant 0 : i32
        %dma_wait3A_510 = tpu.memref_slice %arg10[%dma_wait3A_508, %dma_wait3A_509] : memref<10000x128xf32, #tpu.memory_space<vmem_shared>> -> memref<10000x128xf32, #tpu.memory_space<vmem_shared>>
        tpu.wait_indirect_dma semaphore(%run_scoped3A_490 : memref<!tpu.dma_semaphore, #tpu.memory_space<semaphore_mem>>) src(%dma_wait3A_504 : memref<128x128xf32, #tpu.memory_space<vmem>>) dst(%dma_wait3A_510 : memref<10000x128xf32, #tpu.memory_space<vmem_shared>>)
        tpu.yield
      }) : () -> ()
    }
    %scan3A_240 = arith.constant 19 : i32
    %add3A_241 = arith.constant 4864 : i32
    %add3A_242 = arith.addi %add3A, %add3A_241 : i32
    %dma_wait3A_243 = arith.constant 0 : i32
    %dma_wait3A_244 = arith.constant 0 : i32
    %dma_wait3A_245 = arith.constant 0 : i32
    %dma_wait3A_246 = tpu.memref_slice %arg9[%dma_wait3A_243, %dma_wait3A_244, %dma_wait3A_245] : memref<2x128x128xf32, #tpu.memory_space<vmem>> -> memref<1x128x128xf32, #tpu.memory_space<vmem>>
    %dma_wait3A_247 = tpu.memref_squeeze %dma_wait3A_246 : memref<1x128x128xf32, #tpu.memory_space<vmem>> -> memref<128x128xf32, #tpu.memory_space<vmem>>
    %dma_wait3A_248 = arith.constant 128 : i32
    %dma_wait3A_249 = tpu.memref_slice %arg3[%add3A_242, %dma_wait3A_248] : memref<160000x384xf32, #tpu.memory_space<hbm>> -> memref<128x128xf32, #tpu.memory_space<hbm>>
    %dma_wait3A_250 = arith.constant 0 : i32
    %dma_wait3A_251 = arith.constant 0 : i32
    %dma_wait3A_252 = tpu.memref_slice %arg9[%dma_wait3A_243, %dma_wait3A_250, %dma_wait3A_251] : memref<2x128x128xf32, #tpu.memory_space<vmem>> -> memref<1x128x128xf32, #tpu.memory_space<vmem>>
    %dma_wait3A_253 = tpu.memref_squeeze %dma_wait3A_252 : memref<1x128x128xf32, #tpu.memory_space<vmem>> -> memref<128x128xf32, #tpu.memory_space<vmem>>
    %dma_wait3A_254 = arith.constant 128 : i32
    %dma_wait3A_255 = tpu.memref_slice %arg3[%add3A_242, %dma_wait3A_254] : memref<160000x384xf32, #tpu.memory_space<hbm>> -> memref<128x128xf32, #tpu.memory_space<hbm>>
    tpu.wait_dma2 semaphore(%arg11 : memref<!tpu.dma_semaphore, #tpu.memory_space<semaphore_mem>>) src(%dma_wait3A_255 : memref<128x128xf32, #tpu.memory_space<hbm>>) dst(%dma_wait3A_253 : memref<128x128xf32, #tpu.memory_space<vmem>>)
    %run_scoped3A_256 = arith.constant 0 : i32
    %run_scoped3A_257 = arith.constant 1 : i32
    %run_scoped3A_258 = arith.constant 38 : i32
    "tpu.region"() ({
      %run_scoped3A_411 = tpu.sem_alloc : memref<!tpu.dma_semaphore, #tpu.memory_space<semaphore_mem>>
      %dma_start3A_412 = arith.constant 0 : i32
      %dma_start3A_413 = arith.constant 0 : i32
      %dma_start3A_414 = tpu.memref_slice %arg9[%run_scoped3A_256, %dma_start3A_412, %dma_start3A_413] : memref<2x128x128xf32, #tpu.memory_space<vmem>> -> memref<1x128x128xf32, #tpu.memory_space<vmem>>
      %dma_start3A_415 = tpu.memref_squeeze %dma_start3A_414 : memref<1x128x128xf32, #tpu.memory_space<vmem>> -> memref<128x128xf32, #tpu.memory_space<vmem>>
      %dma_start3A_416 = arith.constant 0 : i32
      %dma_start3A_417 = tpu.memref_slice %arg7[%run_scoped3A_257, %run_scoped3A_258, %dma_start3A_416] : memref<2x39x128xi32, #tpu.memory_space<vmem>> -> memref<1x1x128xi32, #tpu.memory_space<vmem>>
      %dma_start3A_418 = tpu.memref_squeeze %dma_start3A_417 : memref<1x1x128xi32, #tpu.memory_space<vmem>> -> memref<128xi32, #tpu.memory_space<vmem>>
      %dma_start3A_419 = arith.constant 0 : i32
      %dma_start3A_420 = arith.constant 0 : i32
      %dma_start3A_421 = tpu.memref_slice %arg10[%dma_start3A_419, %dma_start3A_420] : memref<10000x128xf32, #tpu.memory_space<vmem_shared>> -> memref<10000x128xf32, #tpu.memory_space<vmem_shared>>
      tpu.enqueue_indirect_dma source(%dma_start3A_415 : memref<128x128xf32, #tpu.memory_space<vmem>>) target(%dma_start3A_421 : memref<10000x128xf32, #tpu.memory_space<vmem_shared>>) offsets(%dma_start3A_418 : memref<128xi32, #tpu.memory_space<vmem>>) semaphore(%run_scoped3A_411 : memref<!tpu.dma_semaphore, #tpu.memory_space<semaphore_mem>>) {add = true}
      %dma_wait3A_422 = arith.constant 0 : i32
      %dma_wait3A_423 = arith.constant 0 : i32
      %dma_wait3A_424 = tpu.memref_slice %arg9[%run_scoped3A_256, %dma_wait3A_422, %dma_wait3A_423] : memref<2x128x128xf32, #tpu.memory_space<vmem>> -> memref<1x128x128xf32, #tpu.memory_space<vmem>>
      %dma_wait3A_425 = tpu.memref_squeeze %dma_wait3A_424 : memref<1x128x128xf32, #tpu.memory_space<vmem>> -> memref<128x128xf32, #tpu.memory_space<vmem>>
      %dma_wait3A_426 = arith.constant 0 : i32
      %dma_wait3A_427 = tpu.memref_slice %arg7[%run_scoped3A_257, %run_scoped3A_258, %dma_wait3A_426] : memref<2x39x128xi32, #tpu.memory_space<vmem>> -> memref<1x1x128xi32, #tpu.memory_space<vmem>>
      %dma_wait3A_428 = tpu.memref_squeeze %dma_wait3A_427 : memref<1x1x128xi32, #tpu.memory_space<vmem>> -> memref<128xi32, #tpu.memory_space<vmem>>
      %dma_wait3A_429 = arith.constant 0 : i32
      %dma_wait3A_430 = arith.constant 0 : i32
      %dma_wait3A_431 = tpu.memref_slice %arg10[%dma_wait3A_429, %dma_wait3A_430] : memref<10000x128xf32, #tpu.memory_space<vmem_shared>> -> memref<10000x128xf32, #tpu.memory_space<vmem_shared>>
      tpu.wait_indirect_dma semaphore(%run_scoped3A_411 : memref<!tpu.dma_semaphore, #tpu.memory_space<semaphore_mem>>) src(%dma_wait3A_425 : memref<128x128xf32, #tpu.memory_space<vmem>>) dst(%dma_wait3A_431 : memref<10000x128xf32, #tpu.memory_space<vmem_shared>>)
      tpu.yield
    }) : () -> ()
    %add3A_259 = arith.constant 4992 : i32
    %add3A_260 = arith.addi %add3A, %add3A_259 : i32
    %run_scoped3A_261 = arith.constant 0 : i32
    "tpu.region"() ({
      %run_scoped3A_411 = tpu.sem_alloc : memref<!tpu.dma_semaphore, #tpu.memory_space<semaphore_mem>>
      %dma_start3A_412 = arith.constant 0 : i32
      %dma_start3A_413 = arith.constant 0 : i32
      %dma_start3A_414 = tpu.memref_slice %arg9[%run_scoped3A_261, %dma_start3A_412, %dma_start3A_413] : memref<2x128x128xf32, #tpu.memory_space<vmem>> -> memref<1x8x128xf32, #tpu.memory_space<vmem>>
      %dma_start3A_415 = tpu.memref_squeeze %dma_start3A_414 : memref<1x8x128xf32, #tpu.memory_space<vmem>> -> memref<8x128xf32, #tpu.memory_space<vmem>>
      %dma_start3A_416 = arith.constant 128 : i32
      %dma_start3A_417 = tpu.memref_slice %arg3[%add3A_260, %dma_start3A_416] : memref<160000x384xf32, #tpu.memory_space<hbm>> -> memref<8x128xf32, #tpu.memory_space<hbm>>
      %dma_start3A_418 = arith.constant 0 : i32
      %dma_start3A_419 = arith.constant 0 : i32
      %dma_start3A_420 = tpu.memref_slice %arg9[%run_scoped3A_261, %dma_start3A_418, %dma_start3A_419] : memref<2x128x128xf32, #tpu.memory_space<vmem>> -> memref<1x8x128xf32, #tpu.memory_space<vmem>>
      %dma_start3A_421 = tpu.memref_squeeze %dma_start3A_420 : memref<1x8x128xf32, #tpu.memory_space<vmem>> -> memref<8x128xf32, #tpu.memory_space<vmem>>
      %dma_start3A_422 = arith.constant 128 : i32
      %dma_start3A_423 = tpu.memref_slice %arg3[%add3A_260, %dma_start3A_422] : memref<160000x384xf32, #tpu.memory_space<hbm>> -> memref<8x128xf32, #tpu.memory_space<hbm>>
      tpu.enqueue_dma source(%dma_start3A_423 : memref<8x128xf32, #tpu.memory_space<hbm>>) target(%dma_start3A_421 : memref<8x128xf32, #tpu.memory_space<vmem>>) target_semaphore(%run_scoped3A_411 : memref<!tpu.dma_semaphore, #tpu.memory_space<semaphore_mem>>)
      %dma_wait3A_424 = arith.constant 0 : i32
      %dma_wait3A_425 = arith.constant 0 : i32
      %dma_wait3A_426 = tpu.memref_slice %arg9[%run_scoped3A_261, %dma_wait3A_424, %dma_wait3A_425] : memref<2x128x128xf32, #tpu.memory_space<vmem>> -> memref<1x8x128xf32, #tpu.memory_space<vmem>>
      %dma_wait3A_427 = tpu.memref_squeeze %dma_wait3A_426 : memref<1x8x128xf32, #tpu.memory_space<vmem>> -> memref<8x128xf32, #tpu.memory_space<vmem>>
      %dma_wait3A_428 = arith.constant 128 : i32
      %dma_wait3A_429 = tpu.memref_slice %arg3[%add3A_260, %dma_wait3A_428] : memref<160000x384xf32, #tpu.memory_space<hbm>> -> memref<8x128xf32, #tpu.memory_space<hbm>>
      %dma_wait3A_430 = arith.constant 0 : i32
      %dma_wait3A_431 = arith.constant 0 : i32
      %dma_wait3A_432 = tpu.memref_slice %arg9[%run_scoped3A_261, %dma_wait3A_430, %dma_wait3A_431] : memref<2x128x128xf32, #tpu.memory_space<vmem>> -> memref<1x8x128xf32, #tpu.memory_space<vmem>>
      %dma_wait3A_433 = tpu.memref_squeeze %dma_wait3A_432 : memref<1x8x128xf32, #tpu.memory_space<vmem>> -> memref<8x128xf32, #tpu.memory_space<vmem>>
      %dma_wait3A_434 = arith.constant 128 : i32
      %dma_wait3A_435 = tpu.memref_slice %arg3[%add3A_260, %dma_wait3A_434] : memref<160000x384xf32, #tpu.memory_space<hbm>> -> memref<8x128xf32, #tpu.memory_space<hbm>>
      tpu.wait_dma2 semaphore(%run_scoped3A_411 : memref<!tpu.dma_semaphore, #tpu.memory_space<semaphore_mem>>) src(%dma_wait3A_435 : memref<8x128xf32, #tpu.memory_space<hbm>>) dst(%dma_wait3A_433 : memref<8x128xf32, #tpu.memory_space<vmem>>)
      tpu.yield
    }) : () -> ()
    %run_scoped3A_262 = arith.constant 0 : i32
    %run_scoped3A_263 = arith.constant 1 : i32
    "tpu.region"() ({
      %run_scoped3A_411 = tpu.sem_alloc : memref<!tpu.dma_semaphore, #tpu.memory_space<semaphore_mem>>
      %dma_start3A_412 = arith.constant 0 : i32
      %dma_start3A_413 = arith.constant 0 : i32
      %dma_start3A_414 = tpu.memref_slice %arg9[%run_scoped3A_262, %dma_start3A_412, %dma_start3A_413] : memref<2x128x128xf32, #tpu.memory_space<vmem>> -> memref<1x8x128xf32, #tpu.memory_space<vmem>>
      %dma_start3A_415 = tpu.memref_squeeze %dma_start3A_414 : memref<1x8x128xf32, #tpu.memory_space<vmem>> -> memref<8x128xf32, #tpu.memory_space<vmem>>
      %dma_start3A_416 = arith.constant 0 : i32
      %dma_start3A_417 = tpu.memref_slice %arg8[%run_scoped3A_263, %dma_start3A_416] : memref<2x8xi32, #tpu.memory_space<vmem>> -> memref<1x8xi32, #tpu.memory_space<vmem>>
      %dma_start3A_418 = tpu.memref_squeeze %dma_start3A_417 : memref<1x8xi32, #tpu.memory_space<vmem>> -> memref<8xi32, #tpu.memory_space<vmem>>
      %dma_start3A_419 = arith.constant 0 : i32
      %dma_start3A_420 = arith.constant 0 : i32
      %dma_start3A_421 = tpu.memref_slice %arg10[%dma_start3A_419, %dma_start3A_420] : memref<10000x128xf32, #tpu.memory_space<vmem_shared>> -> memref<10000x128xf32, #tpu.memory_space<vmem_shared>>
      tpu.enqueue_indirect_dma source(%dma_start3A_415 : memref<8x128xf32, #tpu.memory_space<vmem>>) target(%dma_start3A_421 : memref<10000x128xf32, #tpu.memory_space<vmem_shared>>) offsets(%dma_start3A_418 : memref<8xi32, #tpu.memory_space<vmem>>) semaphore(%run_scoped3A_411 : memref<!tpu.dma_semaphore, #tpu.memory_space<semaphore_mem>>) {add = true}
      %dma_wait3A_422 = arith.constant 0 : i32
      %dma_wait3A_423 = arith.constant 0 : i32
      %dma_wait3A_424 = tpu.memref_slice %arg9[%run_scoped3A_262, %dma_wait3A_422, %dma_wait3A_423] : memref<2x128x128xf32, #tpu.memory_space<vmem>> -> memref<1x8x128xf32, #tpu.memory_space<vmem>>
      %dma_wait3A_425 = tpu.memref_squeeze %dma_wait3A_424 : memref<1x8x128xf32, #tpu.memory_space<vmem>> -> memref<8x128xf32, #tpu.memory_space<vmem>>
      %dma_wait3A_426 = arith.constant 0 : i32
      %dma_wait3A_427 = tpu.memref_slice %arg8[%run_scoped3A_263, %dma_wait3A_426] : memref<2x8xi32, #tpu.memory_space<vmem>> -> memref<1x8xi32, #tpu.memory_space<vmem>>
      %dma_wait3A_428 = tpu.memref_squeeze %dma_wait3A_427 : memref<1x8xi32, #tpu.memory_space<vmem>> -> memref<8xi32, #tpu.memory_space<vmem>>
      %dma_wait3A_429 = arith.constant 0 : i32
      %dma_wait3A_430 = arith.constant 0 : i32
      %dma_wait3A_431 = tpu.memref_slice %arg10[%dma_wait3A_429, %dma_wait3A_430] : memref<10000x128xf32, #tpu.memory_space<vmem_shared>> -> memref<10000x128xf32, #tpu.memory_space<vmem_shared>>
      tpu.wait_indirect_dma semaphore(%run_scoped3A_411 : memref<!tpu.dma_semaphore, #tpu.memory_space<semaphore_mem>>) src(%dma_wait3A_425 : memref<8x128xf32, #tpu.memory_space<vmem>>) dst(%dma_wait3A_431 : memref<10000x128xf32, #tpu.memory_space<vmem_shared>>)
      tpu.yield
    }) : () -> ()
    %barrier3A_264 = arith.constant 0 : index
    tpu.barrier barrier_id(%barrier3A_264)
    %mul3A_265 = arith.constant 624 : i32
    %mul3A_266 = arith.muli %arg1, %mul3A_265 : i32
    %mul3A_267 = arith.constant 624 : i32
    %mul3A_268 = arith.muli %arg1, %mul3A_267 : i32
    "tpu.region"() ({
      %run_scoped3A_411 = tpu.sem_alloc : memref<!tpu.dma_semaphore, #tpu.memory_space<semaphore_mem>>
      %dma_start3A_412 = arith.constant 128 : i32
      %dma_start3A_413 = tpu.memref_slice %arg6[%arg0, %mul3A_268, %dma_start3A_412] : memref<2x10000x384xf32, #tpu.memory_space<hbm>> -> memref<1x624x128xf32, #tpu.memory_space<hbm>>
      %dma_start3A_414 = tpu.memref_squeeze %dma_start3A_413 : memref<1x624x128xf32, #tpu.memory_space<hbm>> -> memref<624x128xf32, #tpu.memory_space<hbm>>
      %dma_start3A_415 = arith.constant 0 : i32
      %dma_start3A_416 = tpu.memref_slice %arg10[%mul3A_266, %dma_start3A_415] : memref<10000x128xf32, #tpu.memory_space<vmem_shared>> -> memref<624x128xf32, #tpu.memory_space<vmem_shared>>
      tpu.enqueue_dma source(%dma_start3A_416 : memref<624x128xf32, #tpu.memory_space<vmem_shared>>) target(%dma_start3A_414 : memref<624x128xf32, #tpu.memory_space<hbm>>) target_semaphore(%run_scoped3A_411 : memref<!tpu.dma_semaphore, #tpu.memory_space<semaphore_mem>>)
      %dma_wait3A_417 = arith.constant 128 : i32
      %dma_wait3A_418 = tpu.memref_slice %arg6[%arg0, %mul3A_268, %dma_wait3A_417] : memref<2x10000x384xf32, #tpu.memory_space<hbm>> -> memref<1x624x128xf32, #tpu.memory_space<hbm>>
      %dma_wait3A_419 = tpu.memref_squeeze %dma_wait3A_418 : memref<1x624x128xf32, #tpu.memory_space<hbm>> -> memref<624x128xf32, #tpu.memory_space<hbm>>
      %dma_wait3A_420 = arith.constant 0 : i32
      %dma_wait3A_421 = tpu.memref_slice %arg10[%mul3A_266, %dma_wait3A_420] : memref<10000x128xf32, #tpu.memory_space<vmem_shared>> -> memref<624x128xf32, #tpu.memory_space<vmem_shared>>
      tpu.wait_dma2 semaphore(%run_scoped3A_411 : memref<!tpu.dma_semaphore, #tpu.memory_space<semaphore_mem>>) src(%dma_wait3A_421 : memref<624x128xf32, #tpu.memory_space<vmem_shared>>) dst(%dma_wait3A_419 : memref<624x128xf32, #tpu.memory_space<hbm>>)
      tpu.yield
    }) : () -> ()
    %eq3A_269 = arith.constant 15 : i32
    %eq3A_270 = arith.cmpi eq, %arg1, %eq3A_269 : i32
    %convert_element_type3A_271 = arith.extui %eq3A_270 : i1 to i32
    %cond3A_272 = arith.constant 0 : i32
    %cond3A_273 = arith.cmpi ne, %convert_element_type3A_271, %cond3A_272 : i32
    scf.if %cond3A_273 {
      "tpu.region"() ({
        %run_scoped3A_411 = tpu.sem_alloc : memref<!tpu.dma_semaphore, #tpu.memory_space<semaphore_mem>>
        %dma_start3A_412 = arith.constant 9984 : i32
        %dma_start3A_413 = arith.constant 128 : i32
        %dma_start3A_414 = tpu.memref_slice %arg6[%arg0, %dma_start3A_412, %dma_start3A_413] : memref<2x10000x384xf32, #tpu.memory_space<hbm>> -> memref<1x16x128xf32, #tpu.memory_space<hbm>>
        %dma_start3A_415 = tpu.memref_squeeze %dma_start3A_414 : memref<1x16x128xf32, #tpu.memory_space<hbm>> -> memref<16x128xf32, #tpu.memory_space<hbm>>
        %dma_start3A_416 = arith.constant 9984 : i32
        %dma_start3A_417 = arith.constant 0 : i32
        %dma_start3A_418 = tpu.memref_slice %arg10[%dma_start3A_416, %dma_start3A_417] : memref<10000x128xf32, #tpu.memory_space<vmem_shared>> -> memref<16x128xf32, #tpu.memory_space<vmem_shared>>
        tpu.enqueue_dma source(%dma_start3A_418 : memref<16x128xf32, #tpu.memory_space<vmem_shared>>) target(%dma_start3A_415 : memref<16x128xf32, #tpu.memory_space<hbm>>) target_semaphore(%run_scoped3A_411 : memref<!tpu.dma_semaphore, #tpu.memory_space<semaphore_mem>>)
        %dma_wait3A_419 = arith.constant 9984 : i32
        %dma_wait3A_420 = arith.constant 128 : i32
        %dma_wait3A_421 = tpu.memref_slice %arg6[%arg0, %dma_wait3A_419, %dma_wait3A_420] : memref<2x10000x384xf32, #tpu.memory_space<hbm>> -> memref<1x16x128xf32, #tpu.memory_space<hbm>>
        %dma_wait3A_422 = tpu.memref_squeeze %dma_wait3A_421 : memref<1x16x128xf32, #tpu.memory_space<hbm>> -> memref<16x128xf32, #tpu.memory_space<hbm>>
        %dma_wait3A_423 = arith.constant 9984 : i32
        %dma_wait3A_424 = arith.constant 0 : i32
        %dma_wait3A_425 = tpu.memref_slice %arg10[%dma_wait3A_423, %dma_wait3A_424] : memref<10000x128xf32, #tpu.memory_space<vmem_shared>> -> memref<16x128xf32, #tpu.memory_space<vmem_shared>>
        tpu.wait_dma2 semaphore(%run_scoped3A_411 : memref<!tpu.dma_semaphore, #tpu.memory_space<semaphore_mem>>) src(%dma_wait3A_425 : memref<16x128xf32, #tpu.memory_space<vmem_shared>>) dst(%dma_wait3A_422 : memref<16x128xf32, #tpu.memory_space<hbm>>)
        tpu.yield
      }) : () -> ()
    } else {
    }
    %barrier3A_274 = arith.constant 0 : index
    tpu.barrier barrier_id(%barrier3A_274)
    %scan3A_275 = arith.constant 0 : i32
    %scan3A_276 = arith.constant 0 : i32
    %scan3A_277 = arith.constant 128 : i32
    %scan3A_278 = arith.addi %scan3A_276, %scan3A_277 : i32
    %scan3A_279 = arith.constant 1 : i32
    scf.for %scan3A_411 = %scan3A_276 to %scan3A_278 step %scan3A_279  : i32 {
      %broadcast_in_dim3A = arith.constant 0.000000e+00 : f32
      %broadcast_in_dim3A_412 = vector.broadcast %broadcast_in_dim3A : f32 to vector<16xf32>
      %swap3A = arith.constant 0 : i32
      %swap3A_413 = arith.index_cast %swap3A : i32 to index
      %swap3A_414 = arith.index_cast %scan3A_411 : i32 to index
      %swap3A_415 = arith.constant 0 : index
      %swap3A_416 = tpu.vector_load %arg9[%swap3A_413, %swap3A_414, %swap3A_415] {strides = array<i32>} : memref<2x128x128xf32, #tpu.memory_space<vmem>>, vector<1x1x16xf32>,
      %swap3A_417 = vector.shape_cast %swap3A_416 : vector<1x1x16xf32> to vector<16xf32>
      %swap3A_418 = vector.shape_cast %broadcast_in_dim3A_412 : vector<16xf32> to vector<1x1x16xf32>
      tpu.vector_store %arg9[%swap3A_413, %swap3A_414, %swap3A_415], %swap3A_418 {strides = array<i32>} : memref<2x128x128xf32, #tpu.memory_space<vmem>>, vector<1x1x16xf32>,
      %broadcast_in_dim3A_419 = arith.constant 0.000000e+00 : f32
      %broadcast_in_dim3A_420 = vector.broadcast %broadcast_in_dim3A_419 : f32 to vector<16xf32>
      %swap3A_421 = arith.constant 0 : i32
      %swap3A_422 = arith.index_cast %swap3A_421 : i32 to index
      %swap3A_423 = arith.index_cast %scan3A_411 : i32 to index
      %swap3A_424 = arith.constant 16 : index
      %swap3A_425 = tpu.vector_load %arg9[%swap3A_422, %swap3A_423, %swap3A_424] {strides = array<i32>} : memref<2x128x128xf32, #tpu.memory_space<vmem>>, vector<1x1x16xf32>,
      %swap3A_426 = vector.shape_cast %swap3A_425 : vector<1x1x16xf32> to vector<16xf32>
      %swap3A_427 = vector.shape_cast %broadcast_in_dim3A_420 : vector<16xf32> to vector<1x1x16xf32>
      tpu.vector_store %arg9[%swap3A_422, %swap3A_423, %swap3A_424], %swap3A_427 {strides = array<i32>} : memref<2x128x128xf32, #tpu.memory_space<vmem>>, vector<1x1x16xf32>,
      %broadcast_in_dim3A_428 = arith.constant 0.000000e+00 : f32
      %broadcast_in_dim3A_429 = vector.broadcast %broadcast_in_dim3A_428 : f32 to vector<16xf32>
      %swap3A_430 = arith.constant 0 : i32
      %swap3A_431 = arith.index_cast %swap3A_430 : i32 to index
      %swap3A_432 = arith.index_cast %scan3A_411 : i32 to index
      %swap3A_433 = arith.constant 32 : index
      %swap3A_434 = tpu.vector_load %arg9[%swap3A_431, %swap3A_432, %swap3A_433] {strides = array<i32>} : memref<2x128x128xf32, #tpu.memory_space<vmem>>, vector<1x1x16xf32>,
      %swap3A_435 = vector.shape_cast %swap3A_434 : vector<1x1x16xf32> to vector<16xf32>
      %swap3A_436 = vector.shape_cast %broadcast_in_dim3A_429 : vector<16xf32> to vector<1x1x16xf32>
      tpu.vector_store %arg9[%swap3A_431, %swap3A_432, %swap3A_433], %swap3A_436 {strides = array<i32>} : memref<2x128x128xf32, #tpu.memory_space<vmem>>, vector<1x1x16xf32>,
      %broadcast_in_dim3A_437 = arith.constant 0.000000e+00 : f32
      %broadcast_in_dim3A_438 = vector.broadcast %broadcast_in_dim3A_437 : f32 to vector<16xf32>
      %swap3A_439 = arith.constant 0 : i32
      %swap3A_440 = arith.index_cast %swap3A_439 : i32 to index
      %swap3A_441 = arith.index_cast %scan3A_411 : i32 to index
      %swap3A_442 = arith.constant 48 : index
      %swap3A_443 = tpu.vector_load %arg9[%swap3A_440, %swap3A_441, %swap3A_442] {strides = array<i32>} : memref<2x128x128xf32, #tpu.memory_space<vmem>>, vector<1x1x16xf32>,
      %swap3A_444 = vector.shape_cast %swap3A_443 : vector<1x1x16xf32> to vector<16xf32>
      %swap3A_445 = vector.shape_cast %broadcast_in_dim3A_438 : vector<16xf32> to vector<1x1x16xf32>
      tpu.vector_store %arg9[%swap3A_440, %swap3A_441, %swap3A_442], %swap3A_445 {strides = array<i32>} : memref<2x128x128xf32, #tpu.memory_space<vmem>>, vector<1x1x16xf32>,
      %broadcast_in_dim3A_446 = arith.constant 0.000000e+00 : f32
      %broadcast_in_dim3A_447 = vector.broadcast %broadcast_in_dim3A_446 : f32 to vector<16xf32>
      %swap3A_448 = arith.constant 0 : i32
      %swap3A_449 = arith.index_cast %swap3A_448 : i32 to index
      %swap3A_450 = arith.index_cast %scan3A_411 : i32 to index
      %swap3A_451 = arith.constant 64 : index
      %swap3A_452 = tpu.vector_load %arg9[%swap3A_449, %swap3A_450, %swap3A_451] {strides = array<i32>} : memref<2x128x128xf32, #tpu.memory_space<vmem>>, vector<1x1x16xf32>,
      %swap3A_453 = vector.shape_cast %swap3A_452 : vector<1x1x16xf32> to vector<16xf32>
      %swap3A_454 = vector.shape_cast %broadcast_in_dim3A_447 : vector<16xf32> to vector<1x1x16xf32>
      tpu.vector_store %arg9[%swap3A_449, %swap3A_450, %swap3A_451], %swap3A_454 {strides = array<i32>} : memref<2x128x128xf32, #tpu.memory_space<vmem>>, vector<1x1x16xf32>,
      %broadcast_in_dim3A_455 = arith.constant 0.000000e+00 : f32
      %broadcast_in_dim3A_456 = vector.broadcast %broadcast_in_dim3A_455 : f32 to vector<16xf32>
      %swap3A_457 = arith.constant 0 : i32
      %swap3A_458 = arith.index_cast %swap3A_457 : i32 to index
      %swap3A_459 = arith.index_cast %scan3A_411 : i32 to index
      %swap3A_460 = arith.constant 80 : index
      %swap3A_461 = tpu.vector_load %arg9[%swap3A_458, %swap3A_459, %swap3A_460] {strides = array<i32>} : memref<2x128x128xf32, #tpu.memory_space<vmem>>, vector<1x1x16xf32>,
      %swap3A_462 = vector.shape_cast %swap3A_461 : vector<1x1x16xf32> to vector<16xf32>
      %swap3A_463 = vector.shape_cast %broadcast_in_dim3A_456 : vector<16xf32> to vector<1x1x16xf32>
      tpu.vector_store %arg9[%swap3A_458, %swap3A_459, %swap3A_460], %swap3A_463 {strides = array<i32>} : memref<2x128x128xf32, #tpu.memory_space<vmem>>, vector<1x1x16xf32>,
      %broadcast_in_dim3A_464 = arith.constant 0.000000e+00 : f32
      %broadcast_in_dim3A_465 = vector.broadcast %broadcast_in_dim3A_464 : f32 to vector<16xf32>
      %swap3A_466 = arith.constant 0 : i32
      %swap3A_467 = arith.index_cast %swap3A_466 : i32 to index
      %swap3A_468 = arith.index_cast %scan3A_411 : i32 to index
      %swap3A_469 = arith.constant 96 : index
      %swap3A_470 = tpu.vector_load %arg9[%swap3A_467, %swap3A_468, %swap3A_469] {strides = array<i32>} : memref<2x128x128xf32, #tpu.memory_space<vmem>>, vector<1x1x16xf32>,
      %swap3A_471 = vector.shape_cast %swap3A_470 : vector<1x1x16xf32> to vector<16xf32>
      %swap3A_472 = vector.shape_cast %broadcast_in_dim3A_465 : vector<16xf32> to vector<1x1x16xf32>
      tpu.vector_store %arg9[%swap3A_467, %swap3A_468, %swap3A_469], %swap3A_472 {strides = array<i32>} : memref<2x128x128xf32, #tpu.memory_space<vmem>>, vector<1x1x16xf32>,
      %broadcast_in_dim3A_473 = arith.constant 0.000000e+00 : f32
      %broadcast_in_dim3A_474 = vector.broadcast %broadcast_in_dim3A_473 : f32 to vector<16xf32>
      %swap3A_475 = arith.constant 0 : i32
      %swap3A_476 = arith.index_cast %swap3A_475 : i32 to index
      %swap3A_477 = arith.index_cast %scan3A_411 : i32 to index
      %swap3A_478 = arith.constant 112 : index
      %swap3A_479 = tpu.vector_load %arg9[%swap3A_476, %swap3A_477, %swap3A_478] {strides = array<i32>} : memref<2x128x128xf32, #tpu.memory_space<vmem>>, vector<1x1x16xf32>,
      %swap3A_480 = vector.shape_cast %swap3A_479 : vector<1x1x16xf32> to vector<16xf32>
      %swap3A_481 = vector.shape_cast %broadcast_in_dim3A_474 : vector<16xf32> to vector<1x1x16xf32>
      tpu.vector_store %arg9[%swap3A_476, %swap3A_477, %swap3A_478], %swap3A_481 {strides = array<i32>} : memref<2x128x128xf32, #tpu.memory_space<vmem>>, vector<1x1x16xf32>,
    }
    %scan3A_280 = arith.constant 128 : i32
    %mul3A_281 = arith.constant 624 : i32
    %mul3A_282 = arith.muli %arg1, %mul3A_281 : i32
    %add3A_283 = arith.constant 0 : i32
    %add3A_284 = arith.addi %mul3A_282, %add3A_283 : i32
    %run_scoped3A_285 = arith.constant 0 : i32
    "tpu.region"() ({
      %run_scoped3A_411 = tpu.sem_alloc : memref<!tpu.dma_semaphore, #tpu.memory_space<semaphore_mem>>
      %dma_start3A_412 = arith.constant 0 : i32
      %dma_start3A_413 = arith.constant 0 : i32
      %dma_start3A_414 = tpu.memref_slice %arg9[%run_scoped3A_285, %dma_start3A_412, %dma_start3A_413] : memref<2x128x128xf32, #tpu.memory_space<vmem>> -> memref<1x128x128xf32, #tpu.memory_space<vmem>>
      %dma_start3A_415 = tpu.memref_squeeze %dma_start3A_414 : memref<1x128x128xf32, #tpu.memory_space<vmem>> -> memref<128x128xf32, #tpu.memory_space<vmem>>
      %dma_start3A_416 = arith.constant 0 : i32
      %dma_start3A_417 = tpu.memref_slice %arg10[%add3A_284, %dma_start3A_416] : memref<10000x128xf32, #tpu.memory_space<vmem_shared>> -> memref<128x128xf32, #tpu.memory_space<vmem_shared>>
      %dma_start3A_418 = arith.constant 0 : i32
      %dma_start3A_419 = tpu.memref_slice %arg10[%add3A_284, %dma_start3A_418] : memref<10000x128xf32, #tpu.memory_space<vmem_shared>> -> memref<128x128xf32, #tpu.memory_space<vmem_shared>>
      %dma_start3A_420 = arith.constant 0 : i32
      %dma_start3A_421 = arith.constant 0 : i32
      %dma_start3A_422 = tpu.memref_slice %arg9[%run_scoped3A_285, %dma_start3A_420, %dma_start3A_421] : memref<2x128x128xf32, #tpu.memory_space<vmem>> -> memref<1x128x128xf32, #tpu.memory_space<vmem>>
      %dma_start3A_423 = tpu.memref_squeeze %dma_start3A_422 : memref<1x128x128xf32, #tpu.memory_space<vmem>> -> memref<128x128xf32, #tpu.memory_space<vmem>>
      tpu.enqueue_dma source(%dma_start3A_423 : memref<128x128xf32, #tpu.memory_space<vmem>>) target(%dma_start3A_419 : memref<128x128xf32, #tpu.memory_space<vmem_shared>>) target_semaphore(%run_scoped3A_411 : memref<!tpu.dma_semaphore, #tpu.memory_space<semaphore_mem>>)
      %dma_wait3A_424 = arith.constant 0 : i32
      %dma_wait3A_425 = arith.constant 0 : i32
      %dma_wait3A_426 = tpu.memref_slice %arg9[%run_scoped3A_285, %dma_wait3A_424, %dma_wait3A_425] : memref<2x128x128xf32, #tpu.memory_space<vmem>> -> memref<1x128x128xf32, #tpu.memory_space<vmem>>
      %dma_wait3A_427 = tpu.memref_squeeze %dma_wait3A_426 : memref<1x128x128xf32, #tpu.memory_space<vmem>> -> memref<128x128xf32, #tpu.memory_space<vmem>>
      %dma_wait3A_428 = arith.constant 0 : i32
      %dma_wait3A_429 = tpu.memref_slice %arg10[%add3A_284, %dma_wait3A_428] : memref<10000x128xf32, #tpu.memory_space<vmem_shared>> -> memref<128x128xf32, #tpu.memory_space<vmem_shared>>
      %dma_wait3A_430 = arith.constant 0 : i32
      %dma_wait3A_431 = tpu.memref_slice %arg10[%add3A_284, %dma_wait3A_430] : memref<10000x128xf32, #tpu.memory_space<vmem_shared>> -> memref<128x128xf32, #tpu.memory_space<vmem_shared>>
      %dma_wait3A_432 = arith.constant 0 : i32
      %dma_wait3A_433 = arith.constant 0 : i32
      %dma_wait3A_434 = tpu.memref_slice %arg9[%run_scoped3A_285, %dma_wait3A_432, %dma_wait3A_433] : memref<2x128x128xf32, #tpu.memory_space<vmem>> -> memref<1x128x128xf32, #tpu.memory_space<vmem>>
      %dma_wait3A_435 = tpu.memref_squeeze %dma_wait3A_434 : memref<1x128x128xf32, #tpu.memory_space<vmem>> -> memref<128x128xf32, #tpu.memory_space<vmem>>
      tpu.wait_dma2 semaphore(%run_scoped3A_411 : memref<!tpu.dma_semaphore, #tpu.memory_space<semaphore_mem>>) src(%dma_wait3A_435 : memref<128x128xf32, #tpu.memory_space<vmem>>) dst(%dma_wait3A_431 : memref<128x128xf32, #tpu.memory_space<vmem_shared>>)
      tpu.yield
    }) : () -> ()
    %mul3A_286 = arith.constant 624 : i32
    %mul3A_287 = arith.muli %arg1, %mul3A_286 : i32
    %add3A_288 = arith.constant 128 : i32
    %add3A_289 = arith.addi %mul3A_287, %add3A_288 : i32
    %run_scoped3A_290 = arith.constant 0 : i32
    "tpu.region"() ({
      %run_scoped3A_411 = tpu.sem_alloc : memref<!tpu.dma_semaphore, #tpu.memory_space<semaphore_mem>>
      %dma_start3A_412 = arith.constant 0 : i32
      %dma_start3A_413 = arith.constant 0 : i32
      %dma_start3A_414 = tpu.memref_slice %arg9[%run_scoped3A_290, %dma_start3A_412, %dma_start3A_413] : memref<2x128x128xf32, #tpu.memory_space<vmem>> -> memref<1x128x128xf32, #tpu.memory_space<vmem>>
      %dma_start3A_415 = tpu.memref_squeeze %dma_start3A_414 : memref<1x128x128xf32, #tpu.memory_space<vmem>> -> memref<128x128xf32, #tpu.memory_space<vmem>>
      %dma_start3A_416 = arith.constant 0 : i32
      %dma_start3A_417 = tpu.memref_slice %arg10[%add3A_289, %dma_start3A_416] : memref<10000x128xf32, #tpu.memory_space<vmem_shared>> -> memref<128x128xf32, #tpu.memory_space<vmem_shared>>
      %dma_start3A_418 = arith.constant 0 : i32
      %dma_start3A_419 = tpu.memref_slice %arg10[%add3A_289, %dma_start3A_418] : memref<10000x128xf32, #tpu.memory_space<vmem_shared>> -> memref<128x128xf32, #tpu.memory_space<vmem_shared>>
      %dma_start3A_420 = arith.constant 0 : i32
      %dma_start3A_421 = arith.constant 0 : i32
      %dma_start3A_422 = tpu.memref_slice %arg9[%run_scoped3A_290, %dma_start3A_420, %dma_start3A_421] : memref<2x128x128xf32, #tpu.memory_space<vmem>> -> memref<1x128x128xf32, #tpu.memory_space<vmem>>
      %dma_start3A_423 = tpu.memref_squeeze %dma_start3A_422 : memref<1x128x128xf32, #tpu.memory_space<vmem>> -> memref<128x128xf32, #tpu.memory_space<vmem>>
      tpu.enqueue_dma source(%dma_start3A_423 : memref<128x128xf32, #tpu.memory_space<vmem>>) target(%dma_start3A_419 : memref<128x128xf32, #tpu.memory_space<vmem_shared>>) target_semaphore(%run_scoped3A_411 : memref<!tpu.dma_semaphore, #tpu.memory_space<semaphore_mem>>)
      %dma_wait3A_424 = arith.constant 0 : i32
      %dma_wait3A_425 = arith.constant 0 : i32
      %dma_wait3A_426 = tpu.memref_slice %arg9[%run_scoped3A_290, %dma_wait3A_424, %dma_wait3A_425] : memref<2x128x128xf32, #tpu.memory_space<vmem>> -> memref<1x128x128xf32, #tpu.memory_space<vmem>>
      %dma_wait3A_427 = tpu.memref_squeeze %dma_wait3A_426 : memref<1x128x128xf32, #tpu.memory_space<vmem>> -> memref<128x128xf32, #tpu.memory_space<vmem>>
      %dma_wait3A_428 = arith.constant 0 : i32
      %dma_wait3A_429 = tpu.memref_slice %arg10[%add3A_289, %dma_wait3A_428] : memref<10000x128xf32, #tpu.memory_space<vmem_shared>> -> memref<128x128xf32, #tpu.memory_space<vmem_shared>>
      %dma_wait3A_430 = arith.constant 0 : i32
      %dma_wait3A_431 = tpu.memref_slice %arg10[%add3A_289, %dma_wait3A_430] : memref<10000x128xf32, #tpu.memory_space<vmem_shared>> -> memref<128x128xf32, #tpu.memory_space<vmem_shared>>
      %dma_wait3A_432 = arith.constant 0 : i32
      %dma_wait3A_433 = arith.constant 0 : i32
      %dma_wait3A_434 = tpu.memref_slice %arg9[%run_scoped3A_290, %dma_wait3A_432, %dma_wait3A_433] : memref<2x128x128xf32, #tpu.memory_space<vmem>> -> memref<1x128x128xf32, #tpu.memory_space<vmem>>
      %dma_wait3A_435 = tpu.memref_squeeze %dma_wait3A_434 : memref<1x128x128xf32, #tpu.memory_space<vmem>> -> memref<128x128xf32, #tpu.memory_space<vmem>>
      tpu.wait_dma2 semaphore(%run_scoped3A_411 : memref<!tpu.dma_semaphore, #tpu.memory_space<semaphore_mem>>) src(%dma_wait3A_435 : memref<128x128xf32, #tpu.memory_space<vmem>>) dst(%dma_wait3A_431 : memref<128x128xf32, #tpu.memory_space<vmem_shared>>)
      tpu.yield
    }) : () -> ()
    %mul3A_291 = arith.constant 624 : i32
    %mul3A_292 = arith.muli %arg1, %mul3A_291 : i32
    %add3A_293 = arith.constant 256 : i32
    %add3A_294 = arith.addi %mul3A_292, %add3A_293 : i32
    %run_scoped3A_295 = arith.constant 0 : i32
    "tpu.region"() ({
      %run_scoped3A_411 = tpu.sem_alloc : memref<!tpu.dma_semaphore, #tpu.memory_space<semaphore_mem>>
      %dma_start3A_412 = arith.constant 0 : i32
      %dma_start3A_413 = arith.constant 0 : i32
      %dma_start3A_414 = tpu.memref_slice %arg9[%run_scoped3A_295, %dma_start3A_412, %dma_start3A_413] : memref<2x128x128xf32, #tpu.memory_space<vmem>> -> memref<1x128x128xf32, #tpu.memory_space<vmem>>
      %dma_start3A_415 = tpu.memref_squeeze %dma_start3A_414 : memref<1x128x128xf32, #tpu.memory_space<vmem>> -> memref<128x128xf32, #tpu.memory_space<vmem>>
      %dma_start3A_416 = arith.constant 0 : i32
      %dma_start3A_417 = tpu.memref_slice %arg10[%add3A_294, %dma_start3A_416] : memref<10000x128xf32, #tpu.memory_space<vmem_shared>> -> memref<128x128xf32, #tpu.memory_space<vmem_shared>>
      %dma_start3A_418 = arith.constant 0 : i32
      %dma_start3A_419 = tpu.memref_slice %arg10[%add3A_294, %dma_start3A_418] : memref<10000x128xf32, #tpu.memory_space<vmem_shared>> -> memref<128x128xf32, #tpu.memory_space<vmem_shared>>
      %dma_start3A_420 = arith.constant 0 : i32
      %dma_start3A_421 = arith.constant 0 : i32
      %dma_start3A_422 = tpu.memref_slice %arg9[%run_scoped3A_295, %dma_start3A_420, %dma_start3A_421] : memref<2x128x128xf32, #tpu.memory_space<vmem>> -> memref<1x128x128xf32, #tpu.memory_space<vmem>>
      %dma_start3A_423 = tpu.memref_squeeze %dma_start3A_422 : memref<1x128x128xf32, #tpu.memory_space<vmem>> -> memref<128x128xf32, #tpu.memory_space<vmem>>
      tpu.enqueue_dma source(%dma_start3A_423 : memref<128x128xf32, #tpu.memory_space<vmem>>) target(%dma_start3A_419 : memref<128x128xf32, #tpu.memory_space<vmem_shared>>) target_semaphore(%run_scoped3A_411 : memref<!tpu.dma_semaphore, #tpu.memory_space<semaphore_mem>>)
      %dma_wait3A_424 = arith.constant 0 : i32
      %dma_wait3A_425 = arith.constant 0 : i32
      %dma_wait3A_426 = tpu.memref_slice %arg9[%run_scoped3A_295, %dma_wait3A_424, %dma_wait3A_425] : memref<2x128x128xf32, #tpu.memory_space<vmem>> -> memref<1x128x128xf32, #tpu.memory_space<vmem>>
      %dma_wait3A_427 = tpu.memref_squeeze %dma_wait3A_426 : memref<1x128x128xf32, #tpu.memory_space<vmem>> -> memref<128x128xf32, #tpu.memory_space<vmem>>
      %dma_wait3A_428 = arith.constant 0 : i32
      %dma_wait3A_429 = tpu.memref_slice %arg10[%add3A_294, %dma_wait3A_428] : memref<10000x128xf32, #tpu.memory_space<vmem_shared>> -> memref<128x128xf32, #tpu.memory_space<vmem_shared>>
      %dma_wait3A_430 = arith.constant 0 : i32
      %dma_wait3A_431 = tpu.memref_slice %arg10[%add3A_294, %dma_wait3A_430] : memref<10000x128xf32, #tpu.memory_space<vmem_shared>> -> memref<128x128xf32, #tpu.memory_space<vmem_shared>>
      %dma_wait3A_432 = arith.constant 0 : i32
      %dma_wait3A_433 = arith.constant 0 : i32
      %dma_wait3A_434 = tpu.memref_slice %arg9[%run_scoped3A_295, %dma_wait3A_432, %dma_wait3A_433] : memref<2x128x128xf32, #tpu.memory_space<vmem>> -> memref<1x128x128xf32, #tpu.memory_space<vmem>>
      %dma_wait3A_435 = tpu.memref_squeeze %dma_wait3A_434 : memref<1x128x128xf32, #tpu.memory_space<vmem>> -> memref<128x128xf32, #tpu.memory_space<vmem>>
      tpu.wait_dma2 semaphore(%run_scoped3A_411 : memref<!tpu.dma_semaphore, #tpu.memory_space<semaphore_mem>>) src(%dma_wait3A_435 : memref<128x128xf32, #tpu.memory_space<vmem>>) dst(%dma_wait3A_431 : memref<128x128xf32, #tpu.memory_space<vmem_shared>>)
      tpu.yield
    }) : () -> ()
    %mul3A_296 = arith.constant 624 : i32
    %mul3A_297 = arith.muli %arg1, %mul3A_296 : i32
    %add3A_298 = arith.constant 384 : i32
    %add3A_299 = arith.addi %mul3A_297, %add3A_298 : i32
    %run_scoped3A_300 = arith.constant 0 : i32
    "tpu.region"() ({
      %run_scoped3A_411 = tpu.sem_alloc : memref<!tpu.dma_semaphore, #tpu.memory_space<semaphore_mem>>
      %dma_start3A_412 = arith.constant 0 : i32
      %dma_start3A_413 = arith.constant 0 : i32
      %dma_start3A_414 = tpu.memref_slice %arg9[%run_scoped3A_300, %dma_start3A_412, %dma_start3A_413] : memref<2x128x128xf32, #tpu.memory_space<vmem>> -> memref<1x128x128xf32, #tpu.memory_space<vmem>>
      %dma_start3A_415 = tpu.memref_squeeze %dma_start3A_414 : memref<1x128x128xf32, #tpu.memory_space<vmem>> -> memref<128x128xf32, #tpu.memory_space<vmem>>
      %dma_start3A_416 = arith.constant 0 : i32
      %dma_start3A_417 = tpu.memref_slice %arg10[%add3A_299, %dma_start3A_416] : memref<10000x128xf32, #tpu.memory_space<vmem_shared>> -> memref<128x128xf32, #tpu.memory_space<vmem_shared>>
      %dma_start3A_418 = arith.constant 0 : i32
      %dma_start3A_419 = tpu.memref_slice %arg10[%add3A_299, %dma_start3A_418] : memref<10000x128xf32, #tpu.memory_space<vmem_shared>> -> memref<128x128xf32, #tpu.memory_space<vmem_shared>>
      %dma_start3A_420 = arith.constant 0 : i32
      %dma_start3A_421 = arith.constant 0 : i32
      %dma_start3A_422 = tpu.memref_slice %arg9[%run_scoped3A_300, %dma_start3A_420, %dma_start3A_421] : memref<2x128x128xf32, #tpu.memory_space<vmem>> -> memref<1x128x128xf32, #tpu.memory_space<vmem>>
      %dma_start3A_423 = tpu.memref_squeeze %dma_start3A_422 : memref<1x128x128xf32, #tpu.memory_space<vmem>> -> memref<128x128xf32, #tpu.memory_space<vmem>>
      tpu.enqueue_dma source(%dma_start3A_423 : memref<128x128xf32, #tpu.memory_space<vmem>>) target(%dma_start3A_419 : memref<128x128xf32, #tpu.memory_space<vmem_shared>>) target_semaphore(%run_scoped3A_411 : memref<!tpu.dma_semaphore, #tpu.memory_space<semaphore_mem>>)
      %dma_wait3A_424 = arith.constant 0 : i32
      %dma_wait3A_425 = arith.constant 0 : i32
      %dma_wait3A_426 = tpu.memref_slice %arg9[%run_scoped3A_300, %dma_wait3A_424, %dma_wait3A_425] : memref<2x128x128xf32, #tpu.memory_space<vmem>> -> memref<1x128x128xf32, #tpu.memory_space<vmem>>
      %dma_wait3A_427 = tpu.memref_squeeze %dma_wait3A_426 : memref<1x128x128xf32, #tpu.memory_space<vmem>> -> memref<128x128xf32, #tpu.memory_space<vmem>>
      %dma_wait3A_428 = arith.constant 0 : i32
      %dma_wait3A_429 = tpu.memref_slice %arg10[%add3A_299, %dma_wait3A_428] : memref<10000x128xf32, #tpu.memory_space<vmem_shared>> -> memref<128x128xf32, #tpu.memory_space<vmem_shared>>
      %dma_wait3A_430 = arith.constant 0 : i32
      %dma_wait3A_431 = tpu.memref_slice %arg10[%add3A_299, %dma_wait3A_430] : memref<10000x128xf32, #tpu.memory_space<vmem_shared>> -> memref<128x128xf32, #tpu.memory_space<vmem_shared>>
      %dma_wait3A_432 = arith.constant 0 : i32
      %dma_wait3A_433 = arith.constant 0 : i32
      %dma_wait3A_434 = tpu.memref_slice %arg9[%run_scoped3A_300, %dma_wait3A_432, %dma_wait3A_433] : memref<2x128x128xf32, #tpu.memory_space<vmem>> -> memref<1x128x128xf32, #tpu.memory_space<vmem>>
      %dma_wait3A_435 = tpu.memref_squeeze %dma_wait3A_434 : memref<1x128x128xf32, #tpu.memory_space<vmem>> -> memref<128x128xf32, #tpu.memory_space<vmem>>
      tpu.wait_dma2 semaphore(%run_scoped3A_411 : memref<!tpu.dma_semaphore, #tpu.memory_space<semaphore_mem>>) src(%dma_wait3A_435 : memref<128x128xf32, #tpu.memory_space<vmem>>) dst(%dma_wait3A_431 : memref<128x128xf32, #tpu.memory_space<vmem_shared>>)
      tpu.yield
    }) : () -> ()
    %mul3A_301 = arith.constant 624 : i32
    %mul3A_302 = arith.muli %arg1, %mul3A_301 : i32
    %add3A_303 = arith.constant 512 : i32
    %add3A_304 = arith.addi %mul3A_302, %add3A_303 : i32
    %run_scoped3A_305 = arith.constant 0 : i32
    "tpu.region"() ({
      %run_scoped3A_411 = tpu.sem_alloc : memref<!tpu.dma_semaphore, #tpu.memory_space<semaphore_mem>>
      %dma_start3A_412 = arith.constant 0 : i32
      %dma_start3A_413 = arith.constant 0 : i32
      %dma_start3A_414 = tpu.memref_slice %arg9[%run_scoped3A_305, %dma_start3A_412, %dma_start3A_413] : memref<2x128x128xf32, #tpu.memory_space<vmem>> -> memref<1x112x128xf32, #tpu.memory_space<vmem>>
      %dma_start3A_415 = tpu.memref_squeeze %dma_start3A_414 : memref<1x112x128xf32, #tpu.memory_space<vmem>> -> memref<112x128xf32, #tpu.memory_space<vmem>>
      %dma_start3A_416 = arith.constant 0 : i32
      %dma_start3A_417 = tpu.memref_slice %arg10[%add3A_304, %dma_start3A_416] : memref<10000x128xf32, #tpu.memory_space<vmem_shared>> -> memref<112x128xf32, #tpu.memory_space<vmem_shared>>
      %dma_start3A_418 = arith.constant 0 : i32
      %dma_start3A_419 = tpu.memref_slice %arg10[%add3A_304, %dma_start3A_418] : memref<10000x128xf32, #tpu.memory_space<vmem_shared>> -> memref<112x128xf32, #tpu.memory_space<vmem_shared>>
      %dma_start3A_420 = arith.constant 0 : i32
      %dma_start3A_421 = arith.constant 0 : i32
      %dma_start3A_422 = tpu.memref_slice %arg9[%run_scoped3A_305, %dma_start3A_420, %dma_start3A_421] : memref<2x128x128xf32, #tpu.memory_space<vmem>> -> memref<1x112x128xf32, #tpu.memory_space<vmem>>
      %dma_start3A_423 = tpu.memref_squeeze %dma_start3A_422 : memref<1x112x128xf32, #tpu.memory_space<vmem>> -> memref<112x128xf32, #tpu.memory_space<vmem>>
      tpu.enqueue_dma source(%dma_start3A_423 : memref<112x128xf32, #tpu.memory_space<vmem>>) target(%dma_start3A_419 : memref<112x128xf32, #tpu.memory_space<vmem_shared>>) target_semaphore(%run_scoped3A_411 : memref<!tpu.dma_semaphore, #tpu.memory_space<semaphore_mem>>)
      %dma_wait3A_424 = arith.constant 0 : i32
      %dma_wait3A_425 = arith.constant 0 : i32
      %dma_wait3A_426 = tpu.memref_slice %arg9[%run_scoped3A_305, %dma_wait3A_424, %dma_wait3A_425] : memref<2x128x128xf32, #tpu.memory_space<vmem>> -> memref<1x112x128xf32, #tpu.memory_space<vmem>>
      %dma_wait3A_427 = tpu.memref_squeeze %dma_wait3A_426 : memref<1x112x128xf32, #tpu.memory_space<vmem>> -> memref<112x128xf32, #tpu.memory_space<vmem>>
      %dma_wait3A_428 = arith.constant 0 : i32
      %dma_wait3A_429 = tpu.memref_slice %arg10[%add3A_304, %dma_wait3A_428] : memref<10000x128xf32, #tpu.memory_space<vmem_shared>> -> memref<112x128xf32, #tpu.memory_space<vmem_shared>>
      %dma_wait3A_430 = arith.constant 0 : i32
      %dma_wait3A_431 = tpu.memref_slice %arg10[%add3A_304, %dma_wait3A_430] : memref<10000x128xf32, #tpu.memory_space<vmem_shared>> -> memref<112x128xf32, #tpu.memory_space<vmem_shared>>
      %dma_wait3A_432 = arith.constant 0 : i32
      %dma_wait3A_433 = arith.constant 0 : i32
      %dma_wait3A_434 = tpu.memref_slice %arg9[%run_scoped3A_305, %dma_wait3A_432, %dma_wait3A_433] : memref<2x128x128xf32, #tpu.memory_space<vmem>> -> memref<1x112x128xf32, #tpu.memory_space<vmem>>
      %dma_wait3A_435 = tpu.memref_squeeze %dma_wait3A_434 : memref<1x112x128xf32, #tpu.memory_space<vmem>> -> memref<112x128xf32, #tpu.memory_space<vmem>>
      tpu.wait_dma2 semaphore(%run_scoped3A_411 : memref<!tpu.dma_semaphore, #tpu.memory_space<semaphore_mem>>) src(%dma_wait3A_435 : memref<112x128xf32, #tpu.memory_space<vmem>>) dst(%dma_wait3A_431 : memref<112x128xf32, #tpu.memory_space<vmem_shared>>)
      tpu.yield
    }) : () -> ()
    %eq3A_306 = arith.constant 15 : i32
    %eq3A_307 = arith.cmpi eq, %arg1, %eq3A_306 : i32
    %convert_element_type3A_308 = arith.extui %eq3A_307 : i1 to i32
    %cond3A_309 = arith.constant 0 : i32
    %cond3A_310 = arith.cmpi ne, %convert_element_type3A_308, %cond3A_309 : i32
    scf.if %cond3A_310 {
      %run_scoped3A_411 = arith.constant 0 : i32
      "tpu.region"() ({
        %run_scoped3A_412 = tpu.sem_alloc : memref<!tpu.dma_semaphore, #tpu.memory_space<semaphore_mem>>
        %dma_start3A_413 = arith.constant 0 : i32
        %dma_start3A_414 = arith.constant 0 : i32
        %dma_start3A_415 = tpu.memref_slice %arg9[%run_scoped3A_411, %dma_start3A_413, %dma_start3A_414] : memref<2x128x128xf32, #tpu.memory_space<vmem>> -> memref<1x16x128xf32, #tpu.memory_space<vmem>>
        %dma_start3A_416 = tpu.memref_squeeze %dma_start3A_415 : memref<1x16x128xf32, #tpu.memory_space<vmem>> -> memref<16x128xf32, #tpu.memory_space<vmem>>
        %dma_start3A_417 = arith.constant 9984 : i32
        %dma_start3A_418 = arith.constant 0 : i32
        %dma_start3A_419 = tpu.memref_slice %arg10[%dma_start3A_417, %dma_start3A_418] : memref<10000x128xf32, #tpu.memory_space<vmem_shared>> -> memref<16x128xf32, #tpu.memory_space<vmem_shared>>
        %dma_start3A_420 = arith.constant 9984 : i32
        %dma_start3A_421 = arith.constant 0 : i32
        %dma_start3A_422 = tpu.memref_slice %arg10[%dma_start3A_420, %dma_start3A_421] : memref<10000x128xf32, #tpu.memory_space<vmem_shared>> -> memref<16x128xf32, #tpu.memory_space<vmem_shared>>
        %dma_start3A_423 = arith.constant 0 : i32
        %dma_start3A_424 = arith.constant 0 : i32
        %dma_start3A_425 = tpu.memref_slice %arg9[%run_scoped3A_411, %dma_start3A_423, %dma_start3A_424] : memref<2x128x128xf32, #tpu.memory_space<vmem>> -> memref<1x16x128xf32, #tpu.memory_space<vmem>>
        %dma_start3A_426 = tpu.memref_squeeze %dma_start3A_425 : memref<1x16x128xf32, #tpu.memory_space<vmem>> -> memref<16x128xf32, #tpu.memory_space<vmem>>
        tpu.enqueue_dma source(%dma_start3A_426 : memref<16x128xf32, #tpu.memory_space<vmem>>) target(%dma_start3A_422 : memref<16x128xf32, #tpu.memory_space<vmem_shared>>) target_semaphore(%run_scoped3A_412 : memref<!tpu.dma_semaphore, #tpu.memory_space<semaphore_mem>>)
        %dma_wait3A_427 = arith.constant 0 : i32
        %dma_wait3A_428 = arith.constant 0 : i32
        %dma_wait3A_429 = tpu.memref_slice %arg9[%run_scoped3A_411, %dma_wait3A_427, %dma_wait3A_428] : memref<2x128x128xf32, #tpu.memory_space<vmem>> -> memref<1x16x128xf32, #tpu.memory_space<vmem>>
        %dma_wait3A_430 = tpu.memref_squeeze %dma_wait3A_429 : memref<1x16x128xf32, #tpu.memory_space<vmem>> -> memref<16x128xf32, #tpu.memory_space<vmem>>
        %dma_wait3A_431 = arith.constant 9984 : i32
        %dma_wait3A_432 = arith.constant 0 : i32
        %dma_wait3A_433 = tpu.memref_slice %arg10[%dma_wait3A_431, %dma_wait3A_432] : memref<10000x128xf32, #tpu.memory_space<vmem_shared>> -> memref<16x128xf32, #tpu.memory_space<vmem_shared>>
        %dma_wait3A_434 = arith.constant 9984 : i32
        %dma_wait3A_435 = arith.constant 0 : i32
        %dma_wait3A_436 = tpu.memref_slice %arg10[%dma_wait3A_434, %dma_wait3A_435] : memref<10000x128xf32, #tpu.memory_space<vmem_shared>> -> memref<16x128xf32, #tpu.memory_space<vmem_shared>>
        %dma_wait3A_437 = arith.constant 0 : i32
        %dma_wait3A_438 = arith.constant 0 : i32
        %dma_wait3A_439 = tpu.memref_slice %arg9[%run_scoped3A_411, %dma_wait3A_437, %dma_wait3A_438] : memref<2x128x128xf32, #tpu.memory_space<vmem>> -> memref<1x16x128xf32, #tpu.memory_space<vmem>>
        %dma_wait3A_440 = tpu.memref_squeeze %dma_wait3A_439 : memref<1x16x128xf32, #tpu.memory_space<vmem>> -> memref<16x128xf32, #tpu.memory_space<vmem>>
        tpu.wait_dma2 semaphore(%run_scoped3A_412 : memref<!tpu.dma_semaphore, #tpu.memory_space<semaphore_mem>>) src(%dma_wait3A_440 : memref<16x128xf32, #tpu.memory_space<vmem>>) dst(%dma_wait3A_436 : memref<16x128xf32, #tpu.memory_space<vmem_shared>>)
        tpu.yield
      }) : () -> ()
    } else {
    }
    %barrier3A_311 = arith.constant 0 : index
    tpu.barrier barrier_id(%barrier3A_311)
    %add3A_312 = arith.constant 0 : i32
    %add3A_313 = arith.addi %add3A, %add3A_312 : i32
    %dma_start3A_314 = arith.constant 0 : i32
    %dma_start3A_315 = arith.constant 0 : i32
    %dma_start3A_316 = arith.constant 0 : i32
    %dma_start3A_317 = tpu.memref_slice %arg9[%dma_start3A_314, %dma_start3A_315, %dma_start3A_316] : memref<2x128x128xf32, #tpu.memory_space<vmem>> -> memref<1x128x128xf32, #tpu.memory_space<vmem>>
    %dma_start3A_318 = tpu.memref_squeeze %dma_start3A_317 : memref<1x128x128xf32, #tpu.memory_space<vmem>> -> memref<128x128xf32, #tpu.memory_space<vmem>>
    %dma_start3A_319 = arith.constant 256 : i32
    %dma_start3A_320 = tpu.memref_slice %arg2[%add3A_313, %dma_start3A_319] : memref<160000x384xf32, #tpu.memory_space<hbm>> -> memref<128x128xf32, #tpu.memory_space<hbm>>
    %dma_start3A_321 = arith.constant 0 : i32
    %dma_start3A_322 = arith.constant 0 : i32
    %dma_start3A_323 = tpu.memref_slice %arg9[%dma_start3A_314, %dma_start3A_321, %dma_start3A_322] : memref<2x128x128xf32, #tpu.memory_space<vmem>> -> memref<1x128x128xf32, #tpu.memory_space<vmem>>
    %dma_start3A_324 = tpu.memref_squeeze %dma_start3A_323 : memref<1x128x128xf32, #tpu.memory_space<vmem>> -> memref<128x128xf32, #tpu.memory_space<vmem>>
    %dma_start3A_325 = arith.constant 256 : i32
    %dma_start3A_326 = tpu.memref_slice %arg2[%add3A_313, %dma_start3A_325] : memref<160000x384xf32, #tpu.memory_space<hbm>> -> memref<128x128xf32, #tpu.memory_space<hbm>>
    tpu.enqueue_dma source(%dma_start3A_326 : memref<128x128xf32, #tpu.memory_space<hbm>>) target(%dma_start3A_324 : memref<128x128xf32, #tpu.memory_space<vmem>>) target_semaphore(%arg11 : memref<!tpu.dma_semaphore, #tpu.memory_space<semaphore_mem>>)
    %scan3A_327 = arith.constant 0 : i32
    %scan3A_328 = arith.constant 0 : i32
    %scan3A_329 = arith.constant 19 : i32
    %scan3A_330 = arith.addi %scan3A_328, %scan3A_329 : i32
    %scan3A_331 = arith.constant 1 : i32
    scf.for %scan3A_411 = %scan3A_328 to %scan3A_330 step %scan3A_331  : i32 {
      %mul3A_412 = arith.constant 2 : i32
      %mul3A_413 = arith.muli %mul3A_412, %scan3A_411 : i32
      %add3A_414 = arith.constant 1 : i32
      %add3A_415 = arith.addi %mul3A_413, %add3A_414 : i32
      %mul3A_416 = arith.constant 128 : i32
      %mul3A_417 = arith.muli %add3A_415, %mul3A_416 : i32
      %add3A_418 = arith.addi %add3A, %mul3A_417 : i32
      %dma_start3A_419 = arith.constant 1 : i32
      %dma_start3A_420 = arith.constant 0 : i32
      %dma_start3A_421 = arith.constant 0 : i32
      %dma_start3A_422 = tpu.memref_slice %arg9[%dma_start3A_419, %dma_start3A_420, %dma_start3A_421] : memref<2x128x128xf32, #tpu.memory_space<vmem>> -> memref<1x128x128xf32, #tpu.memory_space<vmem>>
      %dma_start3A_423 = tpu.memref_squeeze %dma_start3A_422 : memref<1x128x128xf32, #tpu.memory_space<vmem>> -> memref<128x128xf32, #tpu.memory_space<vmem>>
      %dma_start3A_424 = arith.constant 256 : i32
      %dma_start3A_425 = tpu.memref_slice %arg2[%add3A_418, %dma_start3A_424] : memref<160000x384xf32, #tpu.memory_space<hbm>> -> memref<128x128xf32, #tpu.memory_space<hbm>>
      %dma_start3A_426 = arith.constant 0 : i32
      %dma_start3A_427 = arith.constant 0 : i32
      %dma_start3A_428 = tpu.memref_slice %arg9[%dma_start3A_419, %dma_start3A_426, %dma_start3A_427] : memref<2x128x128xf32, #tpu.memory_space<vmem>> -> memref<1x128x128xf32, #tpu.memory_space<vmem>>
      %dma_start3A_429 = tpu.memref_squeeze %dma_start3A_428 : memref<1x128x128xf32, #tpu.memory_space<vmem>> -> memref<128x128xf32, #tpu.memory_space<vmem>>
      %dma_start3A_430 = arith.constant 256 : i32
      %dma_start3A_431 = tpu.memref_slice %arg2[%add3A_418, %dma_start3A_430] : memref<160000x384xf32, #tpu.memory_space<hbm>> -> memref<128x128xf32, #tpu.memory_space<hbm>>
      tpu.enqueue_dma source(%dma_start3A_431 : memref<128x128xf32, #tpu.memory_space<hbm>>) target(%dma_start3A_429 : memref<128x128xf32, #tpu.memory_space<vmem>>) target_semaphore(%arg12 : memref<!tpu.dma_semaphore, #tpu.memory_space<semaphore_mem>>)
      %mul3A_432 = arith.constant 128 : i32
      %mul3A_433 = arith.muli %mul3A_413, %mul3A_432 : i32
      %add3A_434 = arith.addi %add3A, %mul3A_433 : i32
      %dma_wait3A_435 = arith.constant 0 : i32
      %dma_wait3A_436 = arith.constant 0 : i32
      %dma_wait3A_437 = arith.constant 0 : i32
      %dma_wait3A_438 = tpu.memref_slice %arg9[%dma_wait3A_435, %dma_wait3A_436, %dma_wait3A_437] : memref<2x128x128xf32, #tpu.memory_space<vmem>> -> memref<1x128x128xf32, #tpu.memory_space<vmem>>
      %dma_wait3A_439 = tpu.memref_squeeze %dma_wait3A_438 : memref<1x128x128xf32, #tpu.memory_space<vmem>> -> memref<128x128xf32, #tpu.memory_space<vmem>>
      %dma_wait3A_440 = arith.constant 256 : i32
      %dma_wait3A_441 = tpu.memref_slice %arg2[%add3A_434, %dma_wait3A_440] : memref<160000x384xf32, #tpu.memory_space<hbm>> -> memref<128x128xf32, #tpu.memory_space<hbm>>
      %dma_wait3A_442 = arith.constant 0 : i32
      %dma_wait3A_443 = arith.constant 0 : i32
      %dma_wait3A_444 = tpu.memref_slice %arg9[%dma_wait3A_435, %dma_wait3A_442, %dma_wait3A_443] : memref<2x128x128xf32, #tpu.memory_space<vmem>> -> memref<1x128x128xf32, #tpu.memory_space<vmem>>
      %dma_wait3A_445 = tpu.memref_squeeze %dma_wait3A_444 : memref<1x128x128xf32, #tpu.memory_space<vmem>> -> memref<128x128xf32, #tpu.memory_space<vmem>>
      %dma_wait3A_446 = arith.constant 256 : i32
      %dma_wait3A_447 = tpu.memref_slice %arg2[%add3A_434, %dma_wait3A_446] : memref<160000x384xf32, #tpu.memory_space<hbm>> -> memref<128x128xf32, #tpu.memory_space<hbm>>
      tpu.wait_dma2 semaphore(%arg11 : memref<!tpu.dma_semaphore, #tpu.memory_space<semaphore_mem>>) src(%dma_wait3A_447 : memref<128x128xf32, #tpu.memory_space<hbm>>) dst(%dma_wait3A_445 : memref<128x128xf32, #tpu.memory_space<vmem>>)
      %run_scoped3A_448 = arith.constant 0 : i32
      %run_scoped3A_449 = arith.constant 0 : i32
      "tpu.region"() ({
        %run_scoped3A_490 = tpu.sem_alloc : memref<!tpu.dma_semaphore, #tpu.memory_space<semaphore_mem>>
        %dma_start3A_491 = arith.constant 0 : i32
        %dma_start3A_492 = arith.constant 0 : i32
        %dma_start3A_493 = tpu.memref_slice %arg9[%run_scoped3A_448, %dma_start3A_491, %dma_start3A_492] : memref<2x128x128xf32, #tpu.memory_space<vmem>> -> memref<1x128x128xf32, #tpu.memory_space<vmem>>
        %dma_start3A_494 = tpu.memref_squeeze %dma_start3A_493 : memref<1x128x128xf32, #tpu.memory_space<vmem>> -> memref<128x128xf32, #tpu.memory_space<vmem>>
        %dma_start3A_495 = arith.constant 0 : i32
        %dma_start3A_496 = tpu.memref_slice %arg7[%run_scoped3A_449, %mul3A_413, %dma_start3A_495] : memref<2x39x128xi32, #tpu.memory_space<vmem>> -> memref<1x1x128xi32, #tpu.memory_space<vmem>>
        %dma_start3A_497 = tpu.memref_squeeze %dma_start3A_496 : memref<1x1x128xi32, #tpu.memory_space<vmem>> -> memref<128xi32, #tpu.memory_space<vmem>>
        %dma_start3A_498 = arith.constant 0 : i32
        %dma_start3A_499 = arith.constant 0 : i32
        %dma_start3A_500 = tpu.memref_slice %arg10[%dma_start3A_498, %dma_start3A_499] : memref<10000x128xf32, #tpu.memory_space<vmem_shared>> -> memref<10000x128xf32, #tpu.memory_space<vmem_shared>>
        tpu.enqueue_indirect_dma source(%dma_start3A_494 : memref<128x128xf32, #tpu.memory_space<vmem>>) target(%dma_start3A_500 : memref<10000x128xf32, #tpu.memory_space<vmem_shared>>) offsets(%dma_start3A_497 : memref<128xi32, #tpu.memory_space<vmem>>) semaphore(%run_scoped3A_490 : memref<!tpu.dma_semaphore, #tpu.memory_space<semaphore_mem>>) {add = true}
        %dma_wait3A_501 = arith.constant 0 : i32
        %dma_wait3A_502 = arith.constant 0 : i32
        %dma_wait3A_503 = tpu.memref_slice %arg9[%run_scoped3A_448, %dma_wait3A_501, %dma_wait3A_502] : memref<2x128x128xf32, #tpu.memory_space<vmem>> -> memref<1x128x128xf32, #tpu.memory_space<vmem>>
        %dma_wait3A_504 = tpu.memref_squeeze %dma_wait3A_503 : memref<1x128x128xf32, #tpu.memory_space<vmem>> -> memref<128x128xf32, #tpu.memory_space<vmem>>
        %dma_wait3A_505 = arith.constant 0 : i32
        %dma_wait3A_506 = tpu.memref_slice %arg7[%run_scoped3A_449, %mul3A_413, %dma_wait3A_505] : memref<2x39x128xi32, #tpu.memory_space<vmem>> -> memref<1x1x128xi32, #tpu.memory_space<vmem>>
        %dma_wait3A_507 = tpu.memref_squeeze %dma_wait3A_506 : memref<1x1x128xi32, #tpu.memory_space<vmem>> -> memref<128xi32, #tpu.memory_space<vmem>>
        %dma_wait3A_508 = arith.constant 0 : i32
        %dma_wait3A_509 = arith.constant 0 : i32
        %dma_wait3A_510 = tpu.memref_slice %arg10[%dma_wait3A_508, %dma_wait3A_509] : memref<10000x128xf32, #tpu.memory_space<vmem_shared>> -> memref<10000x128xf32, #tpu.memory_space<vmem_shared>>
        tpu.wait_indirect_dma semaphore(%run_scoped3A_490 : memref<!tpu.dma_semaphore, #tpu.memory_space<semaphore_mem>>) src(%dma_wait3A_504 : memref<128x128xf32, #tpu.memory_space<vmem>>) dst(%dma_wait3A_510 : memref<10000x128xf32, #tpu.memory_space<vmem_shared>>)
        tpu.yield
      }) : () -> ()
      %add3A_450 = arith.constant 2 : i32
      %add3A_451 = arith.addi %mul3A_413, %add3A_450 : i32
      %mul3A_452 = arith.constant 128 : i32
      %mul3A_453 = arith.muli %add3A_451, %mul3A_452 : i32
      %add3A_454 = arith.addi %add3A, %mul3A_453 : i32
      %dma_start3A_455 = arith.constant 0 : i32
      %dma_start3A_456 = arith.constant 0 : i32
      %dma_start3A_457 = arith.constant 0 : i32
      %dma_start3A_458 = tpu.memref_slice %arg9[%dma_start3A_455, %dma_start3A_456, %dma_start3A_457] : memref<2x128x128xf32, #tpu.memory_space<vmem>> -> memref<1x128x128xf32, #tpu.memory_space<vmem>>
      %dma_start3A_459 = tpu.memref_squeeze %dma_start3A_458 : memref<1x128x128xf32, #tpu.memory_space<vmem>> -> memref<128x128xf32, #tpu.memory_space<vmem>>
      %dma_start3A_460 = arith.constant 256 : i32
      %dma_start3A_461 = tpu.memref_slice %arg2[%add3A_454, %dma_start3A_460] : memref<160000x384xf32, #tpu.memory_space<hbm>> -> memref<128x128xf32, #tpu.memory_space<hbm>>
      %dma_start3A_462 = arith.constant 0 : i32
      %dma_start3A_463 = arith.constant 0 : i32
      %dma_start3A_464 = tpu.memref_slice %arg9[%dma_start3A_455, %dma_start3A_462, %dma_start3A_463] : memref<2x128x128xf32, #tpu.memory_space<vmem>> -> memref<1x128x128xf32, #tpu.memory_space<vmem>>
      %dma_start3A_465 = tpu.memref_squeeze %dma_start3A_464 : memref<1x128x128xf32, #tpu.memory_space<vmem>> -> memref<128x128xf32, #tpu.memory_space<vmem>>
      %dma_start3A_466 = arith.constant 256 : i32
      %dma_start3A_467 = tpu.memref_slice %arg2[%add3A_454, %dma_start3A_466] : memref<160000x384xf32, #tpu.memory_space<hbm>> -> memref<128x128xf32, #tpu.memory_space<hbm>>
      tpu.enqueue_dma source(%dma_start3A_467 : memref<128x128xf32, #tpu.memory_space<hbm>>) target(%dma_start3A_465 : memref<128x128xf32, #tpu.memory_space<vmem>>) target_semaphore(%arg11 : memref<!tpu.dma_semaphore, #tpu.memory_space<semaphore_mem>>)
      %add3A_468 = arith.constant 1 : i32
      %add3A_469 = arith.addi %mul3A_413, %add3A_468 : i32
      %mul3A_470 = arith.constant 128 : i32
      %mul3A_471 = arith.muli %add3A_469, %mul3A_470 : i32
      %add3A_472 = arith.addi %add3A, %mul3A_471 : i32
      %dma_wait3A_473 = arith.constant 1 : i32
      %dma_wait3A_474 = arith.constant 0 : i32
      %dma_wait3A_475 = arith.constant 0 : i32
      %dma_wait3A_476 = tpu.memref_slice %arg9[%dma_wait3A_473, %dma_wait3A_474, %dma_wait3A_475] : memref<2x128x128xf32, #tpu.memory_space<vmem>> -> memref<1x128x128xf32, #tpu.memory_space<vmem>>
      %dma_wait3A_477 = tpu.memref_squeeze %dma_wait3A_476 : memref<1x128x128xf32, #tpu.memory_space<vmem>> -> memref<128x128xf32, #tpu.memory_space<vmem>>
      %dma_wait3A_478 = arith.constant 256 : i32
      %dma_wait3A_479 = tpu.memref_slice %arg2[%add3A_472, %dma_wait3A_478] : memref<160000x384xf32, #tpu.memory_space<hbm>> -> memref<128x128xf32, #tpu.memory_space<hbm>>
      %dma_wait3A_480 = arith.constant 0 : i32
      %dma_wait3A_481 = arith.constant 0 : i32
      %dma_wait3A_482 = tpu.memref_slice %arg9[%dma_wait3A_473, %dma_wait3A_480, %dma_wait3A_481] : memref<2x128x128xf32, #tpu.memory_space<vmem>> -> memref<1x128x128xf32, #tpu.memory_space<vmem>>
      %dma_wait3A_483 = tpu.memref_squeeze %dma_wait3A_482 : memref<1x128x128xf32, #tpu.memory_space<vmem>> -> memref<128x128xf32, #tpu.memory_space<vmem>>
      %dma_wait3A_484 = arith.constant 256 : i32
      %dma_wait3A_485 = tpu.memref_slice %arg2[%add3A_472, %dma_wait3A_484] : memref<160000x384xf32, #tpu.memory_space<hbm>> -> memref<128x128xf32, #tpu.memory_space<hbm>>
      tpu.wait_dma2 semaphore(%arg12 : memref<!tpu.dma_semaphore, #tpu.memory_space<semaphore_mem>>) src(%dma_wait3A_485 : memref<128x128xf32, #tpu.memory_space<hbm>>) dst(%dma_wait3A_483 : memref<128x128xf32, #tpu.memory_space<vmem>>)
      %add3A_486 = arith.constant 1 : i32
      %add3A_487 = arith.addi %mul3A_413, %add3A_486 : i32
      %run_scoped3A_488 = arith.constant 1 : i32
      %run_scoped3A_489 = arith.constant 0 : i32
      "tpu.region"() ({
        %run_scoped3A_490 = tpu.sem_alloc : memref<!tpu.dma_semaphore, #tpu.memory_space<semaphore_mem>>
        %dma_start3A_491 = arith.constant 0 : i32
        %dma_start3A_492 = arith.constant 0 : i32
        %dma_start3A_493 = tpu.memref_slice %arg9[%run_scoped3A_488, %dma_start3A_491, %dma_start3A_492] : memref<2x128x128xf32, #tpu.memory_space<vmem>> -> memref<1x128x128xf32, #tpu.memory_space<vmem>>
        %dma_start3A_494 = tpu.memref_squeeze %dma_start3A_493 : memref<1x128x128xf32, #tpu.memory_space<vmem>> -> memref<128x128xf32, #tpu.memory_space<vmem>>
        %dma_start3A_495 = arith.constant 0 : i32
        %dma_start3A_496 = tpu.memref_slice %arg7[%run_scoped3A_489, %add3A_487, %dma_start3A_495] : memref<2x39x128xi32, #tpu.memory_space<vmem>> -> memref<1x1x128xi32, #tpu.memory_space<vmem>>
        %dma_start3A_497 = tpu.memref_squeeze %dma_start3A_496 : memref<1x1x128xi32, #tpu.memory_space<vmem>> -> memref<128xi32, #tpu.memory_space<vmem>>
        %dma_start3A_498 = arith.constant 0 : i32
        %dma_start3A_499 = arith.constant 0 : i32
        %dma_start3A_500 = tpu.memref_slice %arg10[%dma_start3A_498, %dma_start3A_499] : memref<10000x128xf32, #tpu.memory_space<vmem_shared>> -> memref<10000x128xf32, #tpu.memory_space<vmem_shared>>
        tpu.enqueue_indirect_dma source(%dma_start3A_494 : memref<128x128xf32, #tpu.memory_space<vmem>>) target(%dma_start3A_500 : memref<10000x128xf32, #tpu.memory_space<vmem_shared>>) offsets(%dma_start3A_497 : memref<128xi32, #tpu.memory_space<vmem>>) semaphore(%run_scoped3A_490 : memref<!tpu.dma_semaphore, #tpu.memory_space<semaphore_mem>>) {add = true}
        %dma_wait3A_501 = arith.constant 0 : i32
        %dma_wait3A_502 = arith.constant 0 : i32
        %dma_wait3A_503 = tpu.memref_slice %arg9[%run_scoped3A_488, %dma_wait3A_501, %dma_wait3A_502] : memref<2x128x128xf32, #tpu.memory_space<vmem>> -> memref<1x128x128xf32, #tpu.memory_space<vmem>>
        %dma_wait3A_504 = tpu.memref_squeeze %dma_wait3A_503 : memref<1x128x128xf32, #tpu.memory_space<vmem>> -> memref<128x128xf32, #tpu.memory_space<vmem>>
        %dma_wait3A_505 = arith.constant 0 : i32
        %dma_wait3A_506 = tpu.memref_slice %arg7[%run_scoped3A_489, %add3A_487, %dma_wait3A_505] : memref<2x39x128xi32, #tpu.memory_space<vmem>> -> memref<1x1x128xi32, #tpu.memory_space<vmem>>
        %dma_wait3A_507 = tpu.memref_squeeze %dma_wait3A_506 : memref<1x1x128xi32, #tpu.memory_space<vmem>> -> memref<128xi32, #tpu.memory_space<vmem>>
        %dma_wait3A_508 = arith.constant 0 : i32
        %dma_wait3A_509 = arith.constant 0 : i32
        %dma_wait3A_510 = tpu.memref_slice %arg10[%dma_wait3A_508, %dma_wait3A_509] : memref<10000x128xf32, #tpu.memory_space<vmem_shared>> -> memref<10000x128xf32, #tpu.memory_space<vmem_shared>>
        tpu.wait_indirect_dma semaphore(%run_scoped3A_490 : memref<!tpu.dma_semaphore, #tpu.memory_space<semaphore_mem>>) src(%dma_wait3A_504 : memref<128x128xf32, #tpu.memory_space<vmem>>) dst(%dma_wait3A_510 : memref<10000x128xf32, #tpu.memory_space<vmem_shared>>)
        tpu.yield
      }) : () -> ()
    }
    %scan3A_332 = arith.constant 19 : i32
    %add3A_333 = arith.constant 4864 : i32
    %add3A_334 = arith.addi %add3A, %add3A_333 : i32
    %dma_wait3A_335 = arith.constant 0 : i32
    %dma_wait3A_336 = arith.constant 0 : i32
    %dma_wait3A_337 = arith.constant 0 : i32
    %dma_wait3A_338 = tpu.memref_slice %arg9[%dma_wait3A_335, %dma_wait3A_336, %dma_wait3A_337] : memref<2x128x128xf32, #tpu.memory_space<vmem>> -> memref<1x128x128xf32, #tpu.memory_space<vmem>>
    %dma_wait3A_339 = tpu.memref_squeeze %dma_wait3A_338 : memref<1x128x128xf32, #tpu.memory_space<vmem>> -> memref<128x128xf32, #tpu.memory_space<vmem>>
    %dma_wait3A_340 = arith.constant 256 : i32
    %dma_wait3A_341 = tpu.memref_slice %arg2[%add3A_334, %dma_wait3A_340] : memref<160000x384xf32, #tpu.memory_space<hbm>> -> memref<128x128xf32, #tpu.memory_space<hbm>>
    %dma_wait3A_342 = arith.constant 0 : i32
    %dma_wait3A_343 = arith.constant 0 : i32
    %dma_wait3A_344 = tpu.memref_slice %arg9[%dma_wait3A_335, %dma_wait3A_342, %dma_wait3A_343] : memref<2x128x128xf32, #tpu.memory_space<vmem>> -> memref<1x128x128xf32, #tpu.memory_space<vmem>>
    %dma_wait3A_345 = tpu.memref_squeeze %dma_wait3A_344 : memref<1x128x128xf32, #tpu.memory_space<vmem>> -> memref<128x128xf32, #tpu.memory_space<vmem>>
    %dma_wait3A_346 = arith.constant 256 : i32
    %dma_wait3A_347 = tpu.memref_slice %arg2[%add3A_334, %dma_wait3A_346] : memref<160000x384xf32, #tpu.memory_space<hbm>> -> memref<128x128xf32, #tpu.memory_space<hbm>>
    tpu.wait_dma2 semaphore(%arg11 : memref<!tpu.dma_semaphore, #tpu.memory_space<semaphore_mem>>) src(%dma_wait3A_347 : memref<128x128xf32, #tpu.memory_space<hbm>>) dst(%dma_wait3A_345 : memref<128x128xf32, #tpu.memory_space<vmem>>)
    %run_scoped3A_348 = arith.constant 0 : i32
    %run_scoped3A_349 = arith.constant 0 : i32
    %run_scoped3A_350 = arith.constant 38 : i32
    "tpu.region"() ({
      %run_scoped3A_411 = tpu.sem_alloc : memref<!tpu.dma_semaphore, #tpu.memory_space<semaphore_mem>>
      %dma_start3A_412 = arith.constant 0 : i32
      %dma_start3A_413 = arith.constant 0 : i32
      %dma_start3A_414 = tpu.memref_slice %arg9[%run_scoped3A_348, %dma_start3A_412, %dma_start3A_413] : memref<2x128x128xf32, #tpu.memory_space<vmem>> -> memref<1x128x128xf32, #tpu.memory_space<vmem>>
      %dma_start3A_415 = tpu.memref_squeeze %dma_start3A_414 : memref<1x128x128xf32, #tpu.memory_space<vmem>> -> memref<128x128xf32, #tpu.memory_space<vmem>>
      %dma_start3A_416 = arith.constant 0 : i32
      %dma_start3A_417 = tpu.memref_slice %arg7[%run_scoped3A_349, %run_scoped3A_350, %dma_start3A_416] : memref<2x39x128xi32, #tpu.memory_space<vmem>> -> memref<1x1x128xi32, #tpu.memory_space<vmem>>
      %dma_start3A_418 = tpu.memref_squeeze %dma_start3A_417 : memref<1x1x128xi32, #tpu.memory_space<vmem>> -> memref<128xi32, #tpu.memory_space<vmem>>
      %dma_start3A_419 = arith.constant 0 : i32
      %dma_start3A_420 = arith.constant 0 : i32
      %dma_start3A_421 = tpu.memref_slice %arg10[%dma_start3A_419, %dma_start3A_420] : memref<10000x128xf32, #tpu.memory_space<vmem_shared>> -> memref<10000x128xf32, #tpu.memory_space<vmem_shared>>
      tpu.enqueue_indirect_dma source(%dma_start3A_415 : memref<128x128xf32, #tpu.memory_space<vmem>>) target(%dma_start3A_421 : memref<10000x128xf32, #tpu.memory_space<vmem_shared>>) offsets(%dma_start3A_418 : memref<128xi32, #tpu.memory_space<vmem>>) semaphore(%run_scoped3A_411 : memref<!tpu.dma_semaphore, #tpu.memory_space<semaphore_mem>>) {add = true}
      %dma_wait3A_422 = arith.constant 0 : i32
      %dma_wait3A_423 = arith.constant 0 : i32
      %dma_wait3A_424 = tpu.memref_slice %arg9[%run_scoped3A_348, %dma_wait3A_422, %dma_wait3A_423] : memref<2x128x128xf32, #tpu.memory_space<vmem>> -> memref<1x128x128xf32, #tpu.memory_space<vmem>>
      %dma_wait3A_425 = tpu.memref_squeeze %dma_wait3A_424 : memref<1x128x128xf32, #tpu.memory_space<vmem>> -> memref<128x128xf32, #tpu.memory_space<vmem>>
      %dma_wait3A_426 = arith.constant 0 : i32
      %dma_wait3A_427 = tpu.memref_slice %arg7[%run_scoped3A_349, %run_scoped3A_350, %dma_wait3A_426] : memref<2x39x128xi32, #tpu.memory_space<vmem>> -> memref<1x1x128xi32, #tpu.memory_space<vmem>>
      %dma_wait3A_428 = tpu.memref_squeeze %dma_wait3A_427 : memref<1x1x128xi32, #tpu.memory_space<vmem>> -> memref<128xi32, #tpu.memory_space<vmem>>
      %dma_wait3A_429 = arith.constant 0 : i32
      %dma_wait3A_430 = arith.constant 0 : i32
      %dma_wait3A_431 = tpu.memref_slice %arg10[%dma_wait3A_429, %dma_wait3A_430] : memref<10000x128xf32, #tpu.memory_space<vmem_shared>> -> memref<10000x128xf32, #tpu.memory_space<vmem_shared>>
      tpu.wait_indirect_dma semaphore(%run_scoped3A_411 : memref<!tpu.dma_semaphore, #tpu.memory_space<semaphore_mem>>) src(%dma_wait3A_425 : memref<128x128xf32, #tpu.memory_space<vmem>>) dst(%dma_wait3A_431 : memref<10000x128xf32, #tpu.memory_space<vmem_shared>>)
      tpu.yield
    }) : () -> ()
    %add3A_351 = arith.constant 4992 : i32
    %add3A_352 = arith.addi %add3A, %add3A_351 : i32
    %run_scoped3A_353 = arith.constant 0 : i32
    "tpu.region"() ({
      %run_scoped3A_411 = tpu.sem_alloc : memref<!tpu.dma_semaphore, #tpu.memory_space<semaphore_mem>>
      %dma_start3A_412 = arith.constant 0 : i32
      %dma_start3A_413 = arith.constant 0 : i32
      %dma_start3A_414 = tpu.memref_slice %arg9[%run_scoped3A_353, %dma_start3A_412, %dma_start3A_413] : memref<2x128x128xf32, #tpu.memory_space<vmem>> -> memref<1x8x128xf32, #tpu.memory_space<vmem>>
      %dma_start3A_415 = tpu.memref_squeeze %dma_start3A_414 : memref<1x8x128xf32, #tpu.memory_space<vmem>> -> memref<8x128xf32, #tpu.memory_space<vmem>>
      %dma_start3A_416 = arith.constant 256 : i32
      %dma_start3A_417 = tpu.memref_slice %arg2[%add3A_352, %dma_start3A_416] : memref<160000x384xf32, #tpu.memory_space<hbm>> -> memref<8x128xf32, #tpu.memory_space<hbm>>
      %dma_start3A_418 = arith.constant 0 : i32
      %dma_start3A_419 = arith.constant 0 : i32
      %dma_start3A_420 = tpu.memref_slice %arg9[%run_scoped3A_353, %dma_start3A_418, %dma_start3A_419] : memref<2x128x128xf32, #tpu.memory_space<vmem>> -> memref<1x8x128xf32, #tpu.memory_space<vmem>>
      %dma_start3A_421 = tpu.memref_squeeze %dma_start3A_420 : memref<1x8x128xf32, #tpu.memory_space<vmem>> -> memref<8x128xf32, #tpu.memory_space<vmem>>
      %dma_start3A_422 = arith.constant 256 : i32
      %dma_start3A_423 = tpu.memref_slice %arg2[%add3A_352, %dma_start3A_422] : memref<160000x384xf32, #tpu.memory_space<hbm>> -> memref<8x128xf32, #tpu.memory_space<hbm>>
      tpu.enqueue_dma source(%dma_start3A_423 : memref<8x128xf32, #tpu.memory_space<hbm>>) target(%dma_start3A_421 : memref<8x128xf32, #tpu.memory_space<vmem>>) target_semaphore(%run_scoped3A_411 : memref<!tpu.dma_semaphore, #tpu.memory_space<semaphore_mem>>)
      %dma_wait3A_424 = arith.constant 0 : i32
      %dma_wait3A_425 = arith.constant 0 : i32
      %dma_wait3A_426 = tpu.memref_slice %arg9[%run_scoped3A_353, %dma_wait3A_424, %dma_wait3A_425] : memref<2x128x128xf32, #tpu.memory_space<vmem>> -> memref<1x8x128xf32, #tpu.memory_space<vmem>>
      %dma_wait3A_427 = tpu.memref_squeeze %dma_wait3A_426 : memref<1x8x128xf32, #tpu.memory_space<vmem>> -> memref<8x128xf32, #tpu.memory_space<vmem>>
      %dma_wait3A_428 = arith.constant 256 : i32
      %dma_wait3A_429 = tpu.memref_slice %arg2[%add3A_352, %dma_wait3A_428] : memref<160000x384xf32, #tpu.memory_space<hbm>> -> memref<8x128xf32, #tpu.memory_space<hbm>>
      %dma_wait3A_430 = arith.constant 0 : i32
      %dma_wait3A_431 = arith.constant 0 : i32
      %dma_wait3A_432 = tpu.memref_slice %arg9[%run_scoped3A_353, %dma_wait3A_430, %dma_wait3A_431] : memref<2x128x128xf32, #tpu.memory_space<vmem>> -> memref<1x8x128xf32, #tpu.memory_space<vmem>>
      %dma_wait3A_433 = tpu.memref_squeeze %dma_wait3A_432 : memref<1x8x128xf32, #tpu.memory_space<vmem>> -> memref<8x128xf32, #tpu.memory_space<vmem>>
      %dma_wait3A_434 = arith.constant 256 : i32
      %dma_wait3A_435 = tpu.memref_slice %arg2[%add3A_352, %dma_wait3A_434] : memref<160000x384xf32, #tpu.memory_space<hbm>> -> memref<8x128xf32, #tpu.memory_space<hbm>>
      tpu.wait_dma2 semaphore(%run_scoped3A_411 : memref<!tpu.dma_semaphore, #tpu.memory_space<semaphore_mem>>) src(%dma_wait3A_435 : memref<8x128xf32, #tpu.memory_space<hbm>>) dst(%dma_wait3A_433 : memref<8x128xf32, #tpu.memory_space<vmem>>)
      tpu.yield
    }) : () -> ()
    %run_scoped3A_354 = arith.constant 0 : i32
    %run_scoped3A_355 = arith.constant 0 : i32
    "tpu.region"() ({
      %run_scoped3A_411 = tpu.sem_alloc : memref<!tpu.dma_semaphore, #tpu.memory_space<semaphore_mem>>
      %dma_start3A_412 = arith.constant 0 : i32
      %dma_start3A_413 = arith.constant 0 : i32
      %dma_start3A_414 = tpu.memref_slice %arg9[%run_scoped3A_354, %dma_start3A_412, %dma_start3A_413] : memref<2x128x128xf32, #tpu.memory_space<vmem>> -> memref<1x8x128xf32, #tpu.memory_space<vmem>>
      %dma_start3A_415 = tpu.memref_squeeze %dma_start3A_414 : memref<1x8x128xf32, #tpu.memory_space<vmem>> -> memref<8x128xf32, #tpu.memory_space<vmem>>
      %dma_start3A_416 = arith.constant 0 : i32
      %dma_start3A_417 = tpu.memref_slice %arg8[%run_scoped3A_355, %dma_start3A_416] : memref<2x8xi32, #tpu.memory_space<vmem>> -> memref<1x8xi32, #tpu.memory_space<vmem>>
      %dma_start3A_418 = tpu.memref_squeeze %dma_start3A_417 : memref<1x8xi32, #tpu.memory_space<vmem>> -> memref<8xi32, #tpu.memory_space<vmem>>
      %dma_start3A_419 = arith.constant 0 : i32
      %dma_start3A_420 = arith.constant 0 : i32
      %dma_start3A_421 = tpu.memref_slice %arg10[%dma_start3A_419, %dma_start3A_420] : memref<10000x128xf32, #tpu.memory_space<vmem_shared>> -> memref<10000x128xf32, #tpu.memory_space<vmem_shared>>
      tpu.enqueue_indirect_dma source(%dma_start3A_415 : memref<8x128xf32, #tpu.memory_space<vmem>>) target(%dma_start3A_421 : memref<10000x128xf32, #tpu.memory_space<vmem_shared>>) offsets(%dma_start3A_418 : memref<8xi32, #tpu.memory_space<vmem>>) semaphore(%run_scoped3A_411 : memref<!tpu.dma_semaphore, #tpu.memory_space<semaphore_mem>>) {add = true}
      %dma_wait3A_422 = arith.constant 0 : i32
      %dma_wait3A_423 = arith.constant 0 : i32
      %dma_wait3A_424 = tpu.memref_slice %arg9[%run_scoped3A_354, %dma_wait3A_422, %dma_wait3A_423] : memref<2x128x128xf32, #tpu.memory_space<vmem>> -> memref<1x8x128xf32, #tpu.memory_space<vmem>>
      %dma_wait3A_425 = tpu.memref_squeeze %dma_wait3A_424 : memref<1x8x128xf32, #tpu.memory_space<vmem>> -> memref<8x128xf32, #tpu.memory_space<vmem>>
      %dma_wait3A_426 = arith.constant 0 : i32
      %dma_wait3A_427 = tpu.memref_slice %arg8[%run_scoped3A_355, %dma_wait3A_426] : memref<2x8xi32, #tpu.memory_space<vmem>> -> memref<1x8xi32, #tpu.memory_space<vmem>>
      %dma_wait3A_428 = tpu.memref_squeeze %dma_wait3A_427 : memref<1x8xi32, #tpu.memory_space<vmem>> -> memref<8xi32, #tpu.memory_space<vmem>>
      %dma_wait3A_429 = arith.constant 0 : i32
      %dma_wait3A_430 = arith.constant 0 : i32
      %dma_wait3A_431 = tpu.memref_slice %arg10[%dma_wait3A_429, %dma_wait3A_430] : memref<10000x128xf32, #tpu.memory_space<vmem_shared>> -> memref<10000x128xf32, #tpu.memory_space<vmem_shared>>
      tpu.wait_indirect_dma semaphore(%run_scoped3A_411 : memref<!tpu.dma_semaphore, #tpu.memory_space<semaphore_mem>>) src(%dma_wait3A_425 : memref<8x128xf32, #tpu.memory_space<vmem>>) dst(%dma_wait3A_431 : memref<10000x128xf32, #tpu.memory_space<vmem_shared>>)
      tpu.yield
    }) : () -> ()
    %add3A_356 = arith.constant 0 : i32
    %add3A_357 = arith.addi %add3A, %add3A_356 : i32
    %dma_start3A_358 = arith.constant 0 : i32
    %dma_start3A_359 = arith.constant 0 : i32
    %dma_start3A_360 = arith.constant 0 : i32
    %dma_start3A_361 = tpu.memref_slice %arg9[%dma_start3A_358, %dma_start3A_359, %dma_start3A_360] : memref<2x128x128xf32, #tpu.memory_space<vmem>> -> memref<1x128x128xf32, #tpu.memory_space<vmem>>
    %dma_start3A_362 = tpu.memref_squeeze %dma_start3A_361 : memref<1x128x128xf32, #tpu.memory_space<vmem>> -> memref<128x128xf32, #tpu.memory_space<vmem>>
    %dma_start3A_363 = arith.constant 256 : i32
    %dma_start3A_364 = tpu.memref_slice %arg3[%add3A_357, %dma_start3A_363] : memref<160000x384xf32, #tpu.memory_space<hbm>> -> memref<128x128xf32, #tpu.memory_space<hbm>>
    %dma_start3A_365 = arith.constant 0 : i32
    %dma_start3A_366 = arith.constant 0 : i32
    %dma_start3A_367 = tpu.memref_slice %arg9[%dma_start3A_358, %dma_start3A_365, %dma_start3A_366] : memref<2x128x128xf32, #tpu.memory_space<vmem>> -> memref<1x128x128xf32, #tpu.memory_space<vmem>>
    %dma_start3A_368 = tpu.memref_squeeze %dma_start3A_367 : memref<1x128x128xf32, #tpu.memory_space<vmem>> -> memref<128x128xf32, #tpu.memory_space<vmem>>
    %dma_start3A_369 = arith.constant 256 : i32
    %dma_start3A_370 = tpu.memref_slice %arg3[%add3A_357, %dma_start3A_369] : memref<160000x384xf32, #tpu.memory_space<hbm>> -> memref<128x128xf32, #tpu.memory_space<hbm>>
    tpu.enqueue_dma source(%dma_start3A_370 : memref<128x128xf32, #tpu.memory_space<hbm>>) target(%dma_start3A_368 : memref<128x128xf32, #tpu.memory_space<vmem>>) target_semaphore(%arg11 : memref<!tpu.dma_semaphore, #tpu.memory_space<semaphore_mem>>)
    %scan3A_371 = arith.constant 0 : i32
    %scan3A_372 = arith.constant 0 : i32
    %scan3A_373 = arith.constant 19 : i32
    %scan3A_374 = arith.addi %scan3A_372, %scan3A_373 : i32
    %scan3A_375 = arith.constant 1 : i32
    scf.for %scan3A_411 = %scan3A_372 to %scan3A_374 step %scan3A_375  : i32 {
      %mul3A_412 = arith.constant 2 : i32
      %mul3A_413 = arith.muli %mul3A_412, %scan3A_411 : i32
      %add3A_414 = arith.constant 1 : i32
      %add3A_415 = arith.addi %mul3A_413, %add3A_414 : i32
      %mul3A_416 = arith.constant 128 : i32
      %mul3A_417 = arith.muli %add3A_415, %mul3A_416 : i32
      %add3A_418 = arith.addi %add3A, %mul3A_417 : i32
      %dma_start3A_419 = arith.constant 1 : i32
      %dma_start3A_420 = arith.constant 0 : i32
      %dma_start3A_421 = arith.constant 0 : i32
      %dma_start3A_422 = tpu.memref_slice %arg9[%dma_start3A_419, %dma_start3A_420, %dma_start3A_421] : memref<2x128x128xf32, #tpu.memory_space<vmem>> -> memref<1x128x128xf32, #tpu.memory_space<vmem>>
      %dma_start3A_423 = tpu.memref_squeeze %dma_start3A_422 : memref<1x128x128xf32, #tpu.memory_space<vmem>> -> memref<128x128xf32, #tpu.memory_space<vmem>>
      %dma_start3A_424 = arith.constant 256 : i32
      %dma_start3A_425 = tpu.memref_slice %arg3[%add3A_418, %dma_start3A_424] : memref<160000x384xf32, #tpu.memory_space<hbm>> -> memref<128x128xf32, #tpu.memory_space<hbm>>
      %dma_start3A_426 = arith.constant 0 : i32
      %dma_start3A_427 = arith.constant 0 : i32
      %dma_start3A_428 = tpu.memref_slice %arg9[%dma_start3A_419, %dma_start3A_426, %dma_start3A_427] : memref<2x128x128xf32, #tpu.memory_space<vmem>> -> memref<1x128x128xf32, #tpu.memory_space<vmem>>
      %dma_start3A_429 = tpu.memref_squeeze %dma_start3A_428 : memref<1x128x128xf32, #tpu.memory_space<vmem>> -> memref<128x128xf32, #tpu.memory_space<vmem>>
      %dma_start3A_430 = arith.constant 256 : i32
      %dma_start3A_431 = tpu.memref_slice %arg3[%add3A_418, %dma_start3A_430] : memref<160000x384xf32, #tpu.memory_space<hbm>> -> memref<128x128xf32, #tpu.memory_space<hbm>>
      tpu.enqueue_dma source(%dma_start3A_431 : memref<128x128xf32, #tpu.memory_space<hbm>>) target(%dma_start3A_429 : memref<128x128xf32, #tpu.memory_space<vmem>>) target_semaphore(%arg12 : memref<!tpu.dma_semaphore, #tpu.memory_space<semaphore_mem>>)
      %mul3A_432 = arith.constant 128 : i32
      %mul3A_433 = arith.muli %mul3A_413, %mul3A_432 : i32
      %add3A_434 = arith.addi %add3A, %mul3A_433 : i32
      %dma_wait3A_435 = arith.constant 0 : i32
      %dma_wait3A_436 = arith.constant 0 : i32
      %dma_wait3A_437 = arith.constant 0 : i32
      %dma_wait3A_438 = tpu.memref_slice %arg9[%dma_wait3A_435, %dma_wait3A_436, %dma_wait3A_437] : memref<2x128x128xf32, #tpu.memory_space<vmem>> -> memref<1x128x128xf32, #tpu.memory_space<vmem>>
      %dma_wait3A_439 = tpu.memref_squeeze %dma_wait3A_438 : memref<1x128x128xf32, #tpu.memory_space<vmem>> -> memref<128x128xf32, #tpu.memory_space<vmem>>
      %dma_wait3A_440 = arith.constant 256 : i32
      %dma_wait3A_441 = tpu.memref_slice %arg3[%add3A_434, %dma_wait3A_440] : memref<160000x384xf32, #tpu.memory_space<hbm>> -> memref<128x128xf32, #tpu.memory_space<hbm>>
      %dma_wait3A_442 = arith.constant 0 : i32
      %dma_wait3A_443 = arith.constant 0 : i32
      %dma_wait3A_444 = tpu.memref_slice %arg9[%dma_wait3A_435, %dma_wait3A_442, %dma_wait3A_443] : memref<2x128x128xf32, #tpu.memory_space<vmem>> -> memref<1x128x128xf32, #tpu.memory_space<vmem>>
      %dma_wait3A_445 = tpu.memref_squeeze %dma_wait3A_444 : memref<1x128x128xf32, #tpu.memory_space<vmem>> -> memref<128x128xf32, #tpu.memory_space<vmem>>
      %dma_wait3A_446 = arith.constant 256 : i32
      %dma_wait3A_447 = tpu.memref_slice %arg3[%add3A_434, %dma_wait3A_446] : memref<160000x384xf32, #tpu.memory_space<hbm>> -> memref<128x128xf32, #tpu.memory_space<hbm>>
      tpu.wait_dma2 semaphore(%arg11 : memref<!tpu.dma_semaphore, #tpu.memory_space<semaphore_mem>>) src(%dma_wait3A_447 : memref<128x128xf32, #tpu.memory_space<hbm>>) dst(%dma_wait3A_445 : memref<128x128xf32, #tpu.memory_space<vmem>>)
      %run_scoped3A_448 = arith.constant 0 : i32
      %run_scoped3A_449 = arith.constant 1 : i32
      "tpu.region"() ({
        %run_scoped3A_490 = tpu.sem_alloc : memref<!tpu.dma_semaphore, #tpu.memory_space<semaphore_mem>>
        %dma_start3A_491 = arith.constant 0 : i32
        %dma_start3A_492 = arith.constant 0 : i32
        %dma_start3A_493 = tpu.memref_slice %arg9[%run_scoped3A_448, %dma_start3A_491, %dma_start3A_492] : memref<2x128x128xf32, #tpu.memory_space<vmem>> -> memref<1x128x128xf32, #tpu.memory_space<vmem>>
        %dma_start3A_494 = tpu.memref_squeeze %dma_start3A_493 : memref<1x128x128xf32, #tpu.memory_space<vmem>> -> memref<128x128xf32, #tpu.memory_space<vmem>>
        %dma_start3A_495 = arith.constant 0 : i32
        %dma_start3A_496 = tpu.memref_slice %arg7[%run_scoped3A_449, %mul3A_413, %dma_start3A_495] : memref<2x39x128xi32, #tpu.memory_space<vmem>> -> memref<1x1x128xi32, #tpu.memory_space<vmem>>
        %dma_start3A_497 = tpu.memref_squeeze %dma_start3A_496 : memref<1x1x128xi32, #tpu.memory_space<vmem>> -> memref<128xi32, #tpu.memory_space<vmem>>
        %dma_start3A_498 = arith.constant 0 : i32
        %dma_start3A_499 = arith.constant 0 : i32
        %dma_start3A_500 = tpu.memref_slice %arg10[%dma_start3A_498, %dma_start3A_499] : memref<10000x128xf32, #tpu.memory_space<vmem_shared>> -> memref<10000x128xf32, #tpu.memory_space<vmem_shared>>
        tpu.enqueue_indirect_dma source(%dma_start3A_494 : memref<128x128xf32, #tpu.memory_space<vmem>>) target(%dma_start3A_500 : memref<10000x128xf32, #tpu.memory_space<vmem_shared>>) offsets(%dma_start3A_497 : memref<128xi32, #tpu.memory_space<vmem>>) semaphore(%run_scoped3A_490 : memref<!tpu.dma_semaphore, #tpu.memory_space<semaphore_mem>>) {add = true}
        %dma_wait3A_501 = arith.constant 0 : i32
        %dma_wait3A_502 = arith.constant 0 : i32
        %dma_wait3A_503 = tpu.memref_slice %arg9[%run_scoped3A_448, %dma_wait3A_501, %dma_wait3A_502] : memref<2x128x128xf32, #tpu.memory_space<vmem>> -> memref<1x128x128xf32, #tpu.memory_space<vmem>>
        %dma_wait3A_504 = tpu.memref_squeeze %dma_wait3A_503 : memref<1x128x128xf32, #tpu.memory_space<vmem>> -> memref<128x128xf32, #tpu.memory_space<vmem>>
        %dma_wait3A_505 = arith.constant 0 : i32
        %dma_wait3A_506 = tpu.memref_slice %arg7[%run_scoped3A_449, %mul3A_413, %dma_wait3A_505] : memref<2x39x128xi32, #tpu.memory_space<vmem>> -> memref<1x1x128xi32, #tpu.memory_space<vmem>>
        %dma_wait3A_507 = tpu.memref_squeeze %dma_wait3A_506 : memref<1x1x128xi32, #tpu.memory_space<vmem>> -> memref<128xi32, #tpu.memory_space<vmem>>
        %dma_wait3A_508 = arith.constant 0 : i32
        %dma_wait3A_509 = arith.constant 0 : i32
        %dma_wait3A_510 = tpu.memref_slice %arg10[%dma_wait3A_508, %dma_wait3A_509] : memref<10000x128xf32, #tpu.memory_space<vmem_shared>> -> memref<10000x128xf32, #tpu.memory_space<vmem_shared>>
        tpu.wait_indirect_dma semaphore(%run_scoped3A_490 : memref<!tpu.dma_semaphore, #tpu.memory_space<semaphore_mem>>) src(%dma_wait3A_504 : memref<128x128xf32, #tpu.memory_space<vmem>>) dst(%dma_wait3A_510 : memref<10000x128xf32, #tpu.memory_space<vmem_shared>>)
        tpu.yield
      }) : () -> ()
      %add3A_450 = arith.constant 2 : i32
      %add3A_451 = arith.addi %mul3A_413, %add3A_450 : i32
      %mul3A_452 = arith.constant 128 : i32
      %mul3A_453 = arith.muli %add3A_451, %mul3A_452 : i32
      %add3A_454 = arith.addi %add3A, %mul3A_453 : i32
      %dma_start3A_455 = arith.constant 0 : i32
      %dma_start3A_456 = arith.constant 0 : i32
      %dma_start3A_457 = arith.constant 0 : i32
      %dma_start3A_458 = tpu.memref_slice %arg9[%dma_start3A_455, %dma_start3A_456, %dma_start3A_457] : memref<2x128x128xf32, #tpu.memory_space<vmem>> -> memref<1x128x128xf32, #tpu.memory_space<vmem>>
      %dma_start3A_459 = tpu.memref_squeeze %dma_start3A_458 : memref<1x128x128xf32, #tpu.memory_space<vmem>> -> memref<128x128xf32, #tpu.memory_space<vmem>>
      %dma_start3A_460 = arith.constant 256 : i32
      %dma_start3A_461 = tpu.memref_slice %arg3[%add3A_454, %dma_start3A_460] : memref<160000x384xf32, #tpu.memory_space<hbm>> -> memref<128x128xf32, #tpu.memory_space<hbm>>
      %dma_start3A_462 = arith.constant 0 : i32
      %dma_start3A_463 = arith.constant 0 : i32
      %dma_start3A_464 = tpu.memref_slice %arg9[%dma_start3A_455, %dma_start3A_462, %dma_start3A_463] : memref<2x128x128xf32, #tpu.memory_space<vmem>> -> memref<1x128x128xf32, #tpu.memory_space<vmem>>
      %dma_start3A_465 = tpu.memref_squeeze %dma_start3A_464 : memref<1x128x128xf32, #tpu.memory_space<vmem>> -> memref<128x128xf32, #tpu.memory_space<vmem>>
      %dma_start3A_466 = arith.constant 256 : i32
      %dma_start3A_467 = tpu.memref_slice %arg3[%add3A_454, %dma_start3A_466] : memref<160000x384xf32, #tpu.memory_space<hbm>> -> memref<128x128xf32, #tpu.memory_space<hbm>>
      tpu.enqueue_dma source(%dma_start3A_467 : memref<128x128xf32, #tpu.memory_space<hbm>>) target(%dma_start3A_465 : memref<128x128xf32, #tpu.memory_space<vmem>>) target_semaphore(%arg11 : memref<!tpu.dma_semaphore, #tpu.memory_space<semaphore_mem>>)
      %add3A_468 = arith.constant 1 : i32
      %add3A_469 = arith.addi %mul3A_413, %add3A_468 : i32
      %mul3A_470 = arith.constant 128 : i32
      %mul3A_471 = arith.muli %add3A_469, %mul3A_470 : i32
      %add3A_472 = arith.addi %add3A, %mul3A_471 : i32
      %dma_wait3A_473 = arith.constant 1 : i32
      %dma_wait3A_474 = arith.constant 0 : i32
      %dma_wait3A_475 = arith.constant 0 : i32
      %dma_wait3A_476 = tpu.memref_slice %arg9[%dma_wait3A_473, %dma_wait3A_474, %dma_wait3A_475] : memref<2x128x128xf32, #tpu.memory_space<vmem>> -> memref<1x128x128xf32, #tpu.memory_space<vmem>>
      %dma_wait3A_477 = tpu.memref_squeeze %dma_wait3A_476 : memref<1x128x128xf32, #tpu.memory_space<vmem>> -> memref<128x128xf32, #tpu.memory_space<vmem>>
      %dma_wait3A_478 = arith.constant 256 : i32
      %dma_wait3A_479 = tpu.memref_slice %arg3[%add3A_472, %dma_wait3A_478] : memref<160000x384xf32, #tpu.memory_space<hbm>> -> memref<128x128xf32, #tpu.memory_space<hbm>>
      %dma_wait3A_480 = arith.constant 0 : i32
      %dma_wait3A_481 = arith.constant 0 : i32
      %dma_wait3A_482 = tpu.memref_slice %arg9[%dma_wait3A_473, %dma_wait3A_480, %dma_wait3A_481] : memref<2x128x128xf32, #tpu.memory_space<vmem>> -> memref<1x128x128xf32, #tpu.memory_space<vmem>>
      %dma_wait3A_483 = tpu.memref_squeeze %dma_wait3A_482 : memref<1x128x128xf32, #tpu.memory_space<vmem>> -> memref<128x128xf32, #tpu.memory_space<vmem>>
      %dma_wait3A_484 = arith.constant 256 : i32
      %dma_wait3A_485 = tpu.memref_slice %arg3[%add3A_472, %dma_wait3A_484] : memref<160000x384xf32, #tpu.memory_space<hbm>> -> memref<128x128xf32, #tpu.memory_space<hbm>>
      tpu.wait_dma2 semaphore(%arg12 : memref<!tpu.dma_semaphore, #tpu.memory_space<semaphore_mem>>) src(%dma_wait3A_485 : memref<128x128xf32, #tpu.memory_space<hbm>>) dst(%dma_wait3A_483 : memref<128x128xf32, #tpu.memory_space<vmem>>)
      %add3A_486 = arith.constant 1 : i32
      %add3A_487 = arith.addi %mul3A_413, %add3A_486 : i32
      %run_scoped3A_488 = arith.constant 1 : i32
      %run_scoped3A_489 = arith.constant 1 : i32
      "tpu.region"() ({
        %run_scoped3A_490 = tpu.sem_alloc : memref<!tpu.dma_semaphore, #tpu.memory_space<semaphore_mem>>
        %dma_start3A_491 = arith.constant 0 : i32
        %dma_start3A_492 = arith.constant 0 : i32
        %dma_start3A_493 = tpu.memref_slice %arg9[%run_scoped3A_488, %dma_start3A_491, %dma_start3A_492] : memref<2x128x128xf32, #tpu.memory_space<vmem>> -> memref<1x128x128xf32, #tpu.memory_space<vmem>>
        %dma_start3A_494 = tpu.memref_squeeze %dma_start3A_493 : memref<1x128x128xf32, #tpu.memory_space<vmem>> -> memref<128x128xf32, #tpu.memory_space<vmem>>
        %dma_start3A_495 = arith.constant 0 : i32
        %dma_start3A_496 = tpu.memref_slice %arg7[%run_scoped3A_489, %add3A_487, %dma_start3A_495] : memref<2x39x128xi32, #tpu.memory_space<vmem>> -> memref<1x1x128xi32, #tpu.memory_space<vmem>>
        %dma_start3A_497 = tpu.memref_squeeze %dma_start3A_496 : memref<1x1x128xi32, #tpu.memory_space<vmem>> -> memref<128xi32, #tpu.memory_space<vmem>>
        %dma_start3A_498 = arith.constant 0 : i32
        %dma_start3A_499 = arith.constant 0 : i32
        %dma_start3A_500 = tpu.memref_slice %arg10[%dma_start3A_498, %dma_start3A_499] : memref<10000x128xf32, #tpu.memory_space<vmem_shared>> -> memref<10000x128xf32, #tpu.memory_space<vmem_shared>>
        tpu.enqueue_indirect_dma source(%dma_start3A_494 : memref<128x128xf32, #tpu.memory_space<vmem>>) target(%dma_start3A_500 : memref<10000x128xf32, #tpu.memory_space<vmem_shared>>) offsets(%dma_start3A_497 : memref<128xi32, #tpu.memory_space<vmem>>) semaphore(%run_scoped3A_490 : memref<!tpu.dma_semaphore, #tpu.memory_space<semaphore_mem>>) {add = true}
        %dma_wait3A_501 = arith.constant 0 : i32
        %dma_wait3A_502 = arith.constant 0 : i32
        %dma_wait3A_503 = tpu.memref_slice %arg9[%run_scoped3A_488, %dma_wait3A_501, %dma_wait3A_502] : memref<2x128x128xf32, #tpu.memory_space<vmem>> -> memref<1x128x128xf32, #tpu.memory_space<vmem>>
        %dma_wait3A_504 = tpu.memref_squeeze %dma_wait3A_503 : memref<1x128x128xf32, #tpu.memory_space<vmem>> -> memref<128x128xf32, #tpu.memory_space<vmem>>
        %dma_wait3A_505 = arith.constant 0 : i32
        %dma_wait3A_506 = tpu.memref_slice %arg7[%run_scoped3A_489, %add3A_487, %dma_wait3A_505] : memref<2x39x128xi32, #tpu.memory_space<vmem>> -> memref<1x1x128xi32, #tpu.memory_space<vmem>>
        %dma_wait3A_507 = tpu.memref_squeeze %dma_wait3A_506 : memref<1x1x128xi32, #tpu.memory_space<vmem>> -> memref<128xi32, #tpu.memory_space<vmem>>
        %dma_wait3A_508 = arith.constant 0 : i32
        %dma_wait3A_509 = arith.constant 0 : i32
        %dma_wait3A_510 = tpu.memref_slice %arg10[%dma_wait3A_508, %dma_wait3A_509] : memref<10000x128xf32, #tpu.memory_space<vmem_shared>> -> memref<10000x128xf32, #tpu.memory_space<vmem_shared>>
        tpu.wait_indirect_dma semaphore(%run_scoped3A_490 : memref<!tpu.dma_semaphore, #tpu.memory_space<semaphore_mem>>) src(%dma_wait3A_504 : memref<128x128xf32, #tpu.memory_space<vmem>>) dst(%dma_wait3A_510 : memref<10000x128xf32, #tpu.memory_space<vmem_shared>>)
        tpu.yield
      }) : () -> ()
    }
    %scan3A_376 = arith.constant 19 : i32
    %add3A_377 = arith.constant 4864 : i32
    %add3A_378 = arith.addi %add3A, %add3A_377 : i32
    %dma_wait3A_379 = arith.constant 0 : i32
    %dma_wait3A_380 = arith.constant 0 : i32
    %dma_wait3A_381 = arith.constant 0 : i32
    %dma_wait3A_382 = tpu.memref_slice %arg9[%dma_wait3A_379, %dma_wait3A_380, %dma_wait3A_381] : memref<2x128x128xf32, #tpu.memory_space<vmem>> -> memref<1x128x128xf32, #tpu.memory_space<vmem>>
    %dma_wait3A_383 = tpu.memref_squeeze %dma_wait3A_382 : memref<1x128x128xf32, #tpu.memory_space<vmem>> -> memref<128x128xf32, #tpu.memory_space<vmem>>
    %dma_wait3A_384 = arith.constant 256 : i32
    %dma_wait3A_385 = tpu.memref_slice %arg3[%add3A_378, %dma_wait3A_384] : memref<160000x384xf32, #tpu.memory_space<hbm>> -> memref<128x128xf32, #tpu.memory_space<hbm>>
    %dma_wait3A_386 = arith.constant 0 : i32
    %dma_wait3A_387 = arith.constant 0 : i32
    %dma_wait3A_388 = tpu.memref_slice %arg9[%dma_wait3A_379, %dma_wait3A_386, %dma_wait3A_387] : memref<2x128x128xf32, #tpu.memory_space<vmem>> -> memref<1x128x128xf32, #tpu.memory_space<vmem>>
    %dma_wait3A_389 = tpu.memref_squeeze %dma_wait3A_388 : memref<1x128x128xf32, #tpu.memory_space<vmem>> -> memref<128x128xf32, #tpu.memory_space<vmem>>
    %dma_wait3A_390 = arith.constant 256 : i32
    %dma_wait3A_391 = tpu.memref_slice %arg3[%add3A_378, %dma_wait3A_390] : memref<160000x384xf32, #tpu.memory_space<hbm>> -> memref<128x128xf32, #tpu.memory_space<hbm>>
    tpu.wait_dma2 semaphore(%arg11 : memref<!tpu.dma_semaphore, #tpu.memory_space<semaphore_mem>>) src(%dma_wait3A_391 : memref<128x128xf32, #tpu.memory_space<hbm>>) dst(%dma_wait3A_389 : memref<128x128xf32, #tpu.memory_space<vmem>>)
    %run_scoped3A_392 = arith.constant 0 : i32
    %run_scoped3A_393 = arith.constant 1 : i32
    %run_scoped3A_394 = arith.constant 38 : i32
    "tpu.region"() ({
      %run_scoped3A_411 = tpu.sem_alloc : memref<!tpu.dma_semaphore, #tpu.memory_space<semaphore_mem>>
      %dma_start3A_412 = arith.constant 0 : i32
      %dma_start3A_413 = arith.constant 0 : i32
      %dma_start3A_414 = tpu.memref_slice %arg9[%run_scoped3A_392, %dma_start3A_412, %dma_start3A_413] : memref<2x128x128xf32, #tpu.memory_space<vmem>> -> memref<1x128x128xf32, #tpu.memory_space<vmem>>
      %dma_start3A_415 = tpu.memref_squeeze %dma_start3A_414 : memref<1x128x128xf32, #tpu.memory_space<vmem>> -> memref<128x128xf32, #tpu.memory_space<vmem>>
      %dma_start3A_416 = arith.constant 0 : i32
      %dma_start3A_417 = tpu.memref_slice %arg7[%run_scoped3A_393, %run_scoped3A_394, %dma_start3A_416] : memref<2x39x128xi32, #tpu.memory_space<vmem>> -> memref<1x1x128xi32, #tpu.memory_space<vmem>>
      %dma_start3A_418 = tpu.memref_squeeze %dma_start3A_417 : memref<1x1x128xi32, #tpu.memory_space<vmem>> -> memref<128xi32, #tpu.memory_space<vmem>>
      %dma_start3A_419 = arith.constant 0 : i32
      %dma_start3A_420 = arith.constant 0 : i32
      %dma_start3A_421 = tpu.memref_slice %arg10[%dma_start3A_419, %dma_start3A_420] : memref<10000x128xf32, #tpu.memory_space<vmem_shared>> -> memref<10000x128xf32, #tpu.memory_space<vmem_shared>>
      tpu.enqueue_indirect_dma source(%dma_start3A_415 : memref<128x128xf32, #tpu.memory_space<vmem>>) target(%dma_start3A_421 : memref<10000x128xf32, #tpu.memory_space<vmem_shared>>) offsets(%dma_start3A_418 : memref<128xi32, #tpu.memory_space<vmem>>) semaphore(%run_scoped3A_411 : memref<!tpu.dma_semaphore, #tpu.memory_space<semaphore_mem>>) {add = true}
      %dma_wait3A_422 = arith.constant 0 : i32
      %dma_wait3A_423 = arith.constant 0 : i32
      %dma_wait3A_424 = tpu.memref_slice %arg9[%run_scoped3A_392, %dma_wait3A_422, %dma_wait3A_423] : memref<2x128x128xf32, #tpu.memory_space<vmem>> -> memref<1x128x128xf32, #tpu.memory_space<vmem>>
      %dma_wait3A_425 = tpu.memref_squeeze %dma_wait3A_424 : memref<1x128x128xf32, #tpu.memory_space<vmem>> -> memref<128x128xf32, #tpu.memory_space<vmem>>
      %dma_wait3A_426 = arith.constant 0 : i32
      %dma_wait3A_427 = tpu.memref_slice %arg7[%run_scoped3A_393, %run_scoped3A_394, %dma_wait3A_426] : memref<2x39x128xi32, #tpu.memory_space<vmem>> -> memref<1x1x128xi32, #tpu.memory_space<vmem>>
      %dma_wait3A_428 = tpu.memref_squeeze %dma_wait3A_427 : memref<1x1x128xi32, #tpu.memory_space<vmem>> -> memref<128xi32, #tpu.memory_space<vmem>>
      %dma_wait3A_429 = arith.constant 0 : i32
      %dma_wait3A_430 = arith.constant 0 : i32
      %dma_wait3A_431 = tpu.memref_slice %arg10[%dma_wait3A_429, %dma_wait3A_430] : memref<10000x128xf32, #tpu.memory_space<vmem_shared>> -> memref<10000x128xf32, #tpu.memory_space<vmem_shared>>
      tpu.wait_indirect_dma semaphore(%run_scoped3A_411 : memref<!tpu.dma_semaphore, #tpu.memory_space<semaphore_mem>>) src(%dma_wait3A_425 : memref<128x128xf32, #tpu.memory_space<vmem>>) dst(%dma_wait3A_431 : memref<10000x128xf32, #tpu.memory_space<vmem_shared>>)
      tpu.yield
    }) : () -> ()
    %add3A_395 = arith.constant 4992 : i32
    %add3A_396 = arith.addi %add3A, %add3A_395 : i32
    %run_scoped3A_397 = arith.constant 0 : i32
    "tpu.region"() ({
      %run_scoped3A_411 = tpu.sem_alloc : memref<!tpu.dma_semaphore, #tpu.memory_space<semaphore_mem>>
      %dma_start3A_412 = arith.constant 0 : i32
      %dma_start3A_413 = arith.constant 0 : i32
      %dma_start3A_414 = tpu.memref_slice %arg9[%run_scoped3A_397, %dma_start3A_412, %dma_start3A_413] : memref<2x128x128xf32, #tpu.memory_space<vmem>> -> memref<1x8x128xf32, #tpu.memory_space<vmem>>
      %dma_start3A_415 = tpu.memref_squeeze %dma_start3A_414 : memref<1x8x128xf32, #tpu.memory_space<vmem>> -> memref<8x128xf32, #tpu.memory_space<vmem>>
      %dma_start3A_416 = arith.constant 256 : i32
      %dma_start3A_417 = tpu.memref_slice %arg3[%add3A_396, %dma_start3A_416] : memref<160000x384xf32, #tpu.memory_space<hbm>> -> memref<8x128xf32, #tpu.memory_space<hbm>>
      %dma_start3A_418 = arith.constant 0 : i32
      %dma_start3A_419 = arith.constant 0 : i32
      %dma_start3A_420 = tpu.memref_slice %arg9[%run_scoped3A_397, %dma_start3A_418, %dma_start3A_419] : memref<2x128x128xf32, #tpu.memory_space<vmem>> -> memref<1x8x128xf32, #tpu.memory_space<vmem>>
      %dma_start3A_421 = tpu.memref_squeeze %dma_start3A_420 : memref<1x8x128xf32, #tpu.memory_space<vmem>> -> memref<8x128xf32, #tpu.memory_space<vmem>>
      %dma_start3A_422 = arith.constant 256 : i32
      %dma_start3A_423 = tpu.memref_slice %arg3[%add3A_396, %dma_start3A_422] : memref<160000x384xf32, #tpu.memory_space<hbm>> -> memref<8x128xf32, #tpu.memory_space<hbm>>
      tpu.enqueue_dma source(%dma_start3A_423 : memref<8x128xf32, #tpu.memory_space<hbm>>) target(%dma_start3A_421 : memref<8x128xf32, #tpu.memory_space<vmem>>) target_semaphore(%run_scoped3A_411 : memref<!tpu.dma_semaphore, #tpu.memory_space<semaphore_mem>>)
      %dma_wait3A_424 = arith.constant 0 : i32
      %dma_wait3A_425 = arith.constant 0 : i32
      %dma_wait3A_426 = tpu.memref_slice %arg9[%run_scoped3A_397, %dma_wait3A_424, %dma_wait3A_425] : memref<2x128x128xf32, #tpu.memory_space<vmem>> -> memref<1x8x128xf32, #tpu.memory_space<vmem>>
      %dma_wait3A_427 = tpu.memref_squeeze %dma_wait3A_426 : memref<1x8x128xf32, #tpu.memory_space<vmem>> -> memref<8x128xf32, #tpu.memory_space<vmem>>
      %dma_wait3A_428 = arith.constant 256 : i32
      %dma_wait3A_429 = tpu.memref_slice %arg3[%add3A_396, %dma_wait3A_428] : memref<160000x384xf32, #tpu.memory_space<hbm>> -> memref<8x128xf32, #tpu.memory_space<hbm>>
      %dma_wait3A_430 = arith.constant 0 : i32
      %dma_wait3A_431 = arith.constant 0 : i32
      %dma_wait3A_432 = tpu.memref_slice %arg9[%run_scoped3A_397, %dma_wait3A_430, %dma_wait3A_431] : memref<2x128x128xf32, #tpu.memory_space<vmem>> -> memref<1x8x128xf32, #tpu.memory_space<vmem>>
      %dma_wait3A_433 = tpu.memref_squeeze %dma_wait3A_432 : memref<1x8x128xf32, #tpu.memory_space<vmem>> -> memref<8x128xf32, #tpu.memory_space<vmem>>
      %dma_wait3A_434 = arith.constant 256 : i32
      %dma_wait3A_435 = tpu.memref_slice %arg3[%add3A_396, %dma_wait3A_434] : memref<160000x384xf32, #tpu.memory_space<hbm>> -> memref<8x128xf32, #tpu.memory_space<hbm>>
      tpu.wait_dma2 semaphore(%run_scoped3A_411 : memref<!tpu.dma_semaphore, #tpu.memory_space<semaphore_mem>>) src(%dma_wait3A_435 : memref<8x128xf32, #tpu.memory_space<hbm>>) dst(%dma_wait3A_433 : memref<8x128xf32, #tpu.memory_space<vmem>>)
      tpu.yield
    }) : () -> ()
    %run_scoped3A_398 = arith.constant 0 : i32
    %run_scoped3A_399 = arith.constant 1 : i32
    "tpu.region"() ({
      %run_scoped3A_411 = tpu.sem_alloc : memref<!tpu.dma_semaphore, #tpu.memory_space<semaphore_mem>>
      %dma_start3A_412 = arith.constant 0 : i32
      %dma_start3A_413 = arith.constant 0 : i32
      %dma_start3A_414 = tpu.memref_slice %arg9[%run_scoped3A_398, %dma_start3A_412, %dma_start3A_413] : memref<2x128x128xf32, #tpu.memory_space<vmem>> -> memref<1x8x128xf32, #tpu.memory_space<vmem>>
      %dma_start3A_415 = tpu.memref_squeeze %dma_start3A_414 : memref<1x8x128xf32, #tpu.memory_space<vmem>> -> memref<8x128xf32, #tpu.memory_space<vmem>>
      %dma_start3A_416 = arith.constant 0 : i32
      %dma_start3A_417 = tpu.memref_slice %arg8[%run_scoped3A_399, %dma_start3A_416] : memref<2x8xi32, #tpu.memory_space<vmem>> -> memref<1x8xi32, #tpu.memory_space<vmem>>
      %dma_start3A_418 = tpu.memref_squeeze %dma_start3A_417 : memref<1x8xi32, #tpu.memory_space<vmem>> -> memref<8xi32, #tpu.memory_space<vmem>>
      %dma_start3A_419 = arith.constant 0 : i32
      %dma_start3A_420 = arith.constant 0 : i32
      %dma_start3A_421 = tpu.memref_slice %arg10[%dma_start3A_419, %dma_start3A_420] : memref<10000x128xf32, #tpu.memory_space<vmem_shared>> -> memref<10000x128xf32, #tpu.memory_space<vmem_shared>>
      tpu.enqueue_indirect_dma source(%dma_start3A_415 : memref<8x128xf32, #tpu.memory_space<vmem>>) target(%dma_start3A_421 : memref<10000x128xf32, #tpu.memory_space<vmem_shared>>) offsets(%dma_start3A_418 : memref<8xi32, #tpu.memory_space<vmem>>) semaphore(%run_scoped3A_411 : memref<!tpu.dma_semaphore, #tpu.memory_space<semaphore_mem>>) {add = true}
      %dma_wait3A_422 = arith.constant 0 : i32
      %dma_wait3A_423 = arith.constant 0 : i32
      %dma_wait3A_424 = tpu.memref_slice %arg9[%run_scoped3A_398, %dma_wait3A_422, %dma_wait3A_423] : memref<2x128x128xf32, #tpu.memory_space<vmem>> -> memref<1x8x128xf32, #tpu.memory_space<vmem>>
      %dma_wait3A_425 = tpu.memref_squeeze %dma_wait3A_424 : memref<1x8x128xf32, #tpu.memory_space<vmem>> -> memref<8x128xf32, #tpu.memory_space<vmem>>
      %dma_wait3A_426 = arith.constant 0 : i32
      %dma_wait3A_427 = tpu.memref_slice %arg8[%run_scoped3A_399, %dma_wait3A_426] : memref<2x8xi32, #tpu.memory_space<vmem>> -> memref<1x8xi32, #tpu.memory_space<vmem>>
      %dma_wait3A_428 = tpu.memref_squeeze %dma_wait3A_427 : memref<1x8xi32, #tpu.memory_space<vmem>> -> memref<8xi32, #tpu.memory_space<vmem>>
      %dma_wait3A_429 = arith.constant 0 : i32
      %dma_wait3A_430 = arith.constant 0 : i32
      %dma_wait3A_431 = tpu.memref_slice %arg10[%dma_wait3A_429, %dma_wait3A_430] : memref<10000x128xf32, #tpu.memory_space<vmem_shared>> -> memref<10000x128xf32, #tpu.memory_space<vmem_shared>>
      tpu.wait_indirect_dma semaphore(%run_scoped3A_411 : memref<!tpu.dma_semaphore, #tpu.memory_space<semaphore_mem>>) src(%dma_wait3A_425 : memref<8x128xf32, #tpu.memory_space<vmem>>) dst(%dma_wait3A_431 : memref<10000x128xf32, #tpu.memory_space<vmem_shared>>)
      tpu.yield
    }) : () -> ()
    %barrier3A_400 = arith.constant 0 : index
    tpu.barrier barrier_id(%barrier3A_400)
    %mul3A_401 = arith.constant 624 : i32
    %mul3A_402 = arith.muli %arg1, %mul3A_401 : i32
    %mul3A_403 = arith.constant 624 : i32
    %mul3A_404 = arith.muli %arg1, %mul3A_403 : i32
    "tpu.region"() ({
      %run_scoped3A_411 = tpu.sem_alloc : memref<!tpu.dma_semaphore, #tpu.memory_space<semaphore_mem>>
      %dma_start3A_412 = arith.constant 256 : i32
      %dma_start3A_413 = tpu.memref_slice %arg6[%arg0, %mul3A_404, %dma_start3A_412] : memref<2x10000x384xf32, #tpu.memory_space<hbm>> -> memref<1x624x128xf32, #tpu.memory_space<hbm>>
      %dma_start3A_414 = tpu.memref_squeeze %dma_start3A_413 : memref<1x624x128xf32, #tpu.memory_space<hbm>> -> memref<624x128xf32, #tpu.memory_space<hbm>>
      %dma_start3A_415 = arith.constant 0 : i32
      %dma_start3A_416 = tpu.memref_slice %arg10[%mul3A_402, %dma_start3A_415] : memref<10000x128xf32, #tpu.memory_space<vmem_shared>> -> memref<624x128xf32, #tpu.memory_space<vmem_shared>>
      tpu.enqueue_dma source(%dma_start3A_416 : memref<624x128xf32, #tpu.memory_space<vmem_shared>>) target(%dma_start3A_414 : memref<624x128xf32, #tpu.memory_space<hbm>>) target_semaphore(%run_scoped3A_411 : memref<!tpu.dma_semaphore, #tpu.memory_space<semaphore_mem>>)
      %dma_wait3A_417 = arith.constant 256 : i32
      %dma_wait3A_418 = tpu.memref_slice %arg6[%arg0, %mul3A_404, %dma_wait3A_417] : memref<2x10000x384xf32, #tpu.memory_space<hbm>> -> memref<1x624x128xf32, #tpu.memory_space<hbm>>
      %dma_wait3A_419 = tpu.memref_squeeze %dma_wait3A_418 : memref<1x624x128xf32, #tpu.memory_space<hbm>> -> memref<624x128xf32, #tpu.memory_space<hbm>>
      %dma_wait3A_420 = arith.constant 0 : i32
      %dma_wait3A_421 = tpu.memref_slice %arg10[%mul3A_402, %dma_wait3A_420] : memref<10000x128xf32, #tpu.memory_space<vmem_shared>> -> memref<624x128xf32, #tpu.memory_space<vmem_shared>>
      tpu.wait_dma2 semaphore(%run_scoped3A_411 : memref<!tpu.dma_semaphore, #tpu.memory_space<semaphore_mem>>) src(%dma_wait3A_421 : memref<624x128xf32, #tpu.memory_space<vmem_shared>>) dst(%dma_wait3A_419 : memref<624x128xf32, #tpu.memory_space<hbm>>)
      tpu.yield
    }) : () -> ()
    %eq3A_405 = arith.constant 15 : i32
    %eq3A_406 = arith.cmpi eq, %arg1, %eq3A_405 : i32
    %convert_element_type3A_407 = arith.extui %eq3A_406 : i1 to i32
    %cond3A_408 = arith.constant 0 : i32
    %cond3A_409 = arith.cmpi ne, %convert_element_type3A_407, %cond3A_408 : i32
    scf.if %cond3A_409 {
      "tpu.region"() ({
        %run_scoped3A_411 = tpu.sem_alloc : memref<!tpu.dma_semaphore, #tpu.memory_space<semaphore_mem>>
        %dma_start3A_412 = arith.constant 9984 : i32
        %dma_start3A_413 = arith.constant 256 : i32
        %dma_start3A_414 = tpu.memref_slice %arg6[%arg0, %dma_start3A_412, %dma_start3A_413] : memref<2x10000x384xf32, #tpu.memory_space<hbm>> -> memref<1x16x128xf32, #tpu.memory_space<hbm>>
        %dma_start3A_415 = tpu.memref_squeeze %dma_start3A_414 : memref<1x16x128xf32, #tpu.memory_space<hbm>> -> memref<16x128xf32, #tpu.memory_space<hbm>>
        %dma_start3A_416 = arith.constant 9984 : i32
        %dma_start3A_417 = arith.constant 0 : i32
        %dma_start3A_418 = tpu.memref_slice %arg10[%dma_start3A_416, %dma_start3A_417] : memref<10000x128xf32, #tpu.memory_space<vmem_shared>> -> memref<16x128xf32, #tpu.memory_space<vmem_shared>>
        tpu.enqueue_dma source(%dma_start3A_418 : memref<16x128xf32, #tpu.memory_space<vmem_shared>>) target(%dma_start3A_415 : memref<16x128xf32, #tpu.memory_space<hbm>>) target_semaphore(%run_scoped3A_411 : memref<!tpu.dma_semaphore, #tpu.memory_space<semaphore_mem>>)
        %dma_wait3A_419 = arith.constant 9984 : i32
        %dma_wait3A_420 = arith.constant 256 : i32
        %dma_wait3A_421 = tpu.memref_slice %arg6[%arg0, %dma_wait3A_419, %dma_wait3A_420] : memref<2x10000x384xf32, #tpu.memory_space<hbm>> -> memref<1x16x128xf32, #tpu.memory_space<hbm>>
        %dma_wait3A_422 = tpu.memref_squeeze %dma_wait3A_421 : memref<1x16x128xf32, #tpu.memory_space<hbm>> -> memref<16x128xf32, #tpu.memory_space<hbm>>
        %dma_wait3A_423 = arith.constant 9984 : i32
        %dma_wait3A_424 = arith.constant 0 : i32
        %dma_wait3A_425 = tpu.memref_slice %arg10[%dma_wait3A_423, %dma_wait3A_424] : memref<10000x128xf32, #tpu.memory_space<vmem_shared>> -> memref<16x128xf32, #tpu.memory_space<vmem_shared>>
        tpu.wait_dma2 semaphore(%run_scoped3A_411 : memref<!tpu.dma_semaphore, #tpu.memory_space<semaphore_mem>>) src(%dma_wait3A_425 : memref<16x128xf32, #tpu.memory_space<vmem_shared>>) dst(%dma_wait3A_422 : memref<16x128xf32, #tpu.memory_space<hbm>>)
        tpu.yield
      }) : () -> ()
    } else {
    }
    %barrier3A_410 = arith.constant 0 : index
    tpu.barrier barrier_id(%barrier3A_410)
    return
  }
}

module attributes {stable_mosaic.version = 14 : i64} {
  func.func @body(%arg0: i32, %arg1: i32, %arg2: memref<1x384x384xf32, #tpu.memory_space<vmem>>, %arg3: memref<1000x384xf32, #tpu.memory_space<vmem>>, %arg4: memref<1000x384xf32, #tpu.memory_space<vmem>>) attributes {dimension_semantics = [#tpu.dimension_semantics<arbitrary>, #tpu.dimension_semantics<arbitrary>], iteration_bounds = array<i64: 2, 10>, scalar_prefetch = 0 : i64, scratch_operands = 0 : i64, tpu.core_type = #tpu.core_type<tc>, window_params = [{transform_indices = @transform_0, window_bounds = array<i64: 1, 384, 384>}, {transform_indices = @transform_1, window_bounds = array<i64: 1000, 384>}, {transform_indices = @transform_2, window_bounds = array<i64: 1000, 384>}]} {
    %get3A = arith.constant 0 : index
    %get3A_0 = arith.constant 0 : index
    %get3A_1 = vector.load %arg3[%get3A, %get3A_0] : memref<1000x384xf32, #tpu.memory_space<vmem>>, vector<1000x384xf32>
    %get3A_2 = arith.constant 0 : index
    %get3A_3 = arith.constant 0 : index
    %get3A_4 = arith.constant 0 : index
    %get3A_5 = vector.load %arg2[%get3A_2, %get3A_3, %get3A_4] : memref<1x384x384xf32, #tpu.memory_space<vmem>>, vector<1x384x384xf32>
    %get3A_6 = vector.shape_cast %get3A_5 : vector<1x384x384xf32> to vector<384x384xf32>
    %dot_general3A = arith.constant dense<0.000000e+00> : vector<1000x384xf32>
    %dot_general3A_7 = tpu.matmul %get3A_1, %get3A_6, %dot_general3A {dimension_numbers = #tpu.dot_dimension_numbers<[1], [0], [0], [1], [0, 0, 1, 1], [], []>, transpose_lhs_hint = false} : vector<1000x384xf32>, vector<384x384xf32>, vector<1000x384xf32> -> vector<1000x384xf32>
    %swap3A = arith.constant 0 : index
    %swap3A_8 = arith.constant 0 : index
    %swap3A_9 = vector.load %arg4[%swap3A, %swap3A_8] : memref<1000x384xf32, #tpu.memory_space<vmem>>, vector<1000x384xf32>
    tpu.vector_store %arg4[%swap3A, %swap3A_8], %dot_general3A_7 {strides = array<i32>} : memref<1000x384xf32, #tpu.memory_space<vmem>>, vector<1000x384xf32>,
    return
  }
  func.func @transform_0(%arg0: i32, %arg1: i32) -> (i32, i32, i32) {
    %mul3A = arith.constant 2 : i32
    %mul3A_0 = arith.muli %mul3A, %arg0 : i32
    %c0_i32 = arith.constant 0 : i32
    %c0_i32_1 = arith.constant 0 : i32
    %c0_i32_2 = arith.constant 0 : i32
    return %mul3A_0, %c0_i32, %c0_i32_1 : i32, i32, i32
  }
  func.func @transform_1(%arg0: i32, %arg1: i32) -> (i32, i32) {
    %c0_i32 = arith.constant 0 : i32
    %c0_i32_0 = arith.constant 0 : i32
    return %arg1, %c0_i32 : i32, i32
  }
  func.func @transform_2(%arg0: i32, %arg1: i32) -> (i32, i32) {
    %mul3A = arith.constant 10 : i32
    %mul3A_0 = arith.muli %arg0, %mul3A : i32
    %add3A = arith.addi %mul3A_0, %arg1 : i32
    %c0_i32 = arith.constant 0 : i32
    %c0_i32_1 = arith.constant 0 : i32
    return %add3A, %c0_i32 : i32, i32
  }
}

module attributes {stable_mosaic.version = 14 : i64} {
  func.func @body(%arg0: i32, %arg1: memref<640x384xf32, #tpu.memory_space<vmem>>, %arg2: memref<640x384xf32, #tpu.memory_space<vmem>>, %arg3: memref<640x384xf32, #tpu.memory_space<vmem>>, %arg4: memref<384x384xbf16, #tpu.memory_space<vmem>>, %arg5: memref<1x384xf32, #tpu.memory_space<vmem>>, %arg6: memref<384x1152xbf16, #tpu.memory_space<vmem>>, %arg7: memref<1x1152xf32, #tpu.memory_space<vmem>>, %arg8: memref<640x384xf32, #tpu.memory_space<vmem>>, %arg9: memref<640x384xf32, #tpu.memory_space<vmem>>, %arg10: memref<640x384xf32, #tpu.memory_space<vmem>>) attributes {dimension_semantics = [#tpu.dimension_semantics<arbitrary>], iteration_bounds = array<i64: 250>, scalar_prefetch = 0 : i64, scratch_operands = 0 : i64, tpu.core_type = #tpu.core_type<tc>, window_params = [{transform_indices = @transform_0, window_bounds = array<i64: 640, 384>}, {transform_indices = @transform_1, window_bounds = array<i64: 640, 384>}, {transform_indices = @transform_2, window_bounds = array<i64: 640, 384>}, {pipeline_mode = #tpu.pipeline_mode<synchronous>, transform_indices = @transform_3, window_bounds = array<i64: 384, 384>}, {pipeline_mode = #tpu.pipeline_mode<synchronous>, transform_indices = @transform_4, window_bounds = array<i64: 1, 384>}, {pipeline_mode = #tpu.pipeline_mode<synchronous>, transform_indices = @transform_5, window_bounds = array<i64: 384, 1152>}, {pipeline_mode = #tpu.pipeline_mode<synchronous>, transform_indices = @transform_6, window_bounds = array<i64: 1, 1152>}, {transform_indices = @transform_7, window_bounds = array<i64: 640, 384>}, {transform_indices = @transform_8, window_bounds = array<i64: 640, 384>}, {transform_indices = @transform_9, window_bounds = array<i64: 640, 384>}]} {
    %get3A = arith.constant 0 : index
    %get3A_0 = arith.constant 0 : index
    %get3A_1 = vector.load %arg1[%get3A, %get3A_0] : memref<640x384xf32, #tpu.memory_space<vmem>>, vector<640x384xf32>
    %get3A_2 = arith.constant 0 : index
    %get3A_3 = arith.constant 0 : index
    %get3A_4 = vector.load %arg2[%get3A_2, %get3A_3] : memref<640x384xf32, #tpu.memory_space<vmem>>, vector<640x384xf32>
    %add3A = arith.addf %get3A_1, %get3A_4 : vector<640x384xf32>
    %get3A_5 = arith.constant 0 : index
    %get3A_6 = arith.constant 0 : index
    %get3A_7 = vector.load %arg5[%get3A_5, %get3A_6] : memref<1x384xf32, #tpu.memory_space<vmem>>, vector<1x384xf32>
    %add3A_8 = vector.broadcast %get3A_7 : vector<1x384xf32> to vector<640x384xf32>
    %add3A_9 = arith.addf %add3A, %add3A_8 : vector<640x384xf32>
    %get3A_10 = arith.constant 0 : index
    %get3A_11 = arith.constant 0 : index
    %get3A_12 = vector.load %arg3[%get3A_10, %get3A_11] : memref<640x384xf32, #tpu.memory_space<vmem>>, vector<640x384xf32>
    %convert_element_type3A = arith.truncf %get3A_12 : vector<640x384xf32> to vector<640x384xbf16>
    %get3A_13 = arith.constant 0 : index
    %get3A_14 = arith.constant 0 : index
    %get3A_15 = vector.load %arg4[%get3A_13, %get3A_14] : memref<384x384xbf16, #tpu.memory_space<vmem>>, vector<384x384xbf16>
    %dot_general3A = arith.constant dense<0.000000e+00> : vector<640x384xf32>
    %dot_general3A_16 = tpu.matmul %convert_element_type3A, %get3A_15, %dot_general3A {dimension_numbers = #tpu.dot_dimension_numbers<[1], [0], [0], [1], [0, 0, 1, 1], [], []>, transpose_lhs_hint = false} : vector<640x384xbf16>, vector<384x384xbf16>, vector<640x384xf32> -> vector<640x384xf32>
    %add3A_17 = arith.addf %add3A_9, %dot_general3A_16 : vector<640x384xf32>
    %max3A = arith.constant 0.000000e+00 : f32
    %max3A_18 = vector.broadcast %max3A : f32 to vector<640x384xf32>
    %max3A_19 = arith.maximumf %add3A_17, %max3A_18 : vector<640x384xf32>
    %convert_element_type3A_20 = arith.truncf %max3A_19 : vector<640x384xf32> to vector<640x384xbf16>
    %get3A_21 = arith.constant 0 : index
    %get3A_22 = arith.constant 0 : index
    %get3A_23 = vector.load %arg6[%get3A_21, %get3A_22] : memref<384x1152xbf16, #tpu.memory_space<vmem>>, vector<384x1152xbf16>
    %dot_general3A_24 = arith.constant dense<0.000000e+00> : vector<640x1152xf32>
    %dot_general3A_25 = tpu.matmul %convert_element_type3A_20, %get3A_23, %dot_general3A_24 {dimension_numbers = #tpu.dot_dimension_numbers<[1], [0], [0], [1], [0, 0, 1, 1], [], []>, transpose_lhs_hint = false} : vector<640x384xbf16>, vector<384x1152xbf16>, vector<640x1152xf32> -> vector<640x1152xf32>
    %get3A_26 = arith.constant 0 : index
    %get3A_27 = arith.constant 0 : index
    %get3A_28 = vector.load %arg7[%get3A_26, %get3A_27] : memref<1x1152xf32, #tpu.memory_space<vmem>>, vector<1x1152xf32>
    %add3A_29 = vector.broadcast %get3A_28 : vector<1x1152xf32> to vector<640x1152xf32>
    %add3A_30 = arith.addf %dot_general3A_25, %add3A_29 : vector<640x1152xf32>
    %max3A_31 = arith.constant 0.000000e+00 : f32
    %max3A_32 = vector.broadcast %max3A_31 : f32 to vector<640x1152xf32>
    %max3A_33 = arith.maximumf %add3A_30, %max3A_32 : vector<640x1152xf32>
    %slice3A = vector.extract_strided_slice %max3A_33 {offsets = [0, 0], sizes = [640, 384], strides = [1, 1]} : vector<640x1152xf32> to vector<640x384xf32>
    %swap3A = arith.constant 0 : index
    %swap3A_34 = arith.constant 0 : index
    %swap3A_35 = vector.load %arg8[%swap3A, %swap3A_34] : memref<640x384xf32, #tpu.memory_space<vmem>>, vector<640x384xf32>
    tpu.vector_store %arg8[%swap3A, %swap3A_34], %slice3A {strides = array<i32>} : memref<640x384xf32, #tpu.memory_space<vmem>>, vector<640x384xf32>,
    %slice3A_36 = vector.extract_strided_slice %max3A_33 {offsets = [0, 384], sizes = [640, 384], strides = [1, 1]} : vector<640x1152xf32> to vector<640x384xf32>
    %swap3A_37 = arith.constant 0 : index
    %swap3A_38 = arith.constant 0 : index
    %swap3A_39 = vector.load %arg9[%swap3A_37, %swap3A_38] : memref<640x384xf32, #tpu.memory_space<vmem>>, vector<640x384xf32>
    tpu.vector_store %arg9[%swap3A_37, %swap3A_38], %slice3A_36 {strides = array<i32>} : memref<640x384xf32, #tpu.memory_space<vmem>>, vector<640x384xf32>,
    %slice3A_40 = vector.extract_strided_slice %max3A_33 {offsets = [0, 768], sizes = [640, 384], strides = [1, 1]} : vector<640x1152xf32> to vector<640x384xf32>
    %swap3A_41 = arith.constant 0 : index
    %swap3A_42 = arith.constant 0 : index
    %swap3A_43 = vector.load %arg10[%swap3A_41, %swap3A_42] : memref<640x384xf32, #tpu.memory_space<vmem>>, vector<640x384xf32>
    tpu.vector_store %arg10[%swap3A_41, %swap3A_42], %slice3A_40 {strides = array<i32>} : memref<640x384xf32, #tpu.memory_space<vmem>>, vector<640x384xf32>,
    return
  }
  func.func @transform_0(%arg0: i32) -> (i32, i32) {
    %c0_i32 = arith.constant 0 : i32
    %c0_i32_0 = arith.constant 0 : i32
    return %arg0, %c0_i32 : i32, i32
  }
  func.func @transform_1(%arg0: i32) -> (i32, i32) {
    %c0_i32 = arith.constant 0 : i32
    %c0_i32_0 = arith.constant 0 : i32
    return %arg0, %c0_i32 : i32, i32
  }
  func.func @transform_2(%arg0: i32) -> (i32, i32) {
    %c0_i32 = arith.constant 0 : i32
    %c0_i32_0 = arith.constant 0 : i32
    return %arg0, %c0_i32 : i32, i32
  }
  func.func @transform_3(%arg0: i32) -> (i32, i32) {
    %c0_i32 = arith.constant 0 : i32
    %c0_i32_0 = arith.constant 0 : i32
    %c0_i32_1 = arith.constant 0 : i32
    return %c0_i32, %c0_i32_0 : i32, i32
  }
  func.func @transform_4(%arg0: i32) -> (i32, i32) {
    %c0_i32 = arith.constant 0 : i32
    %c0_i32_0 = arith.constant 0 : i32
    %c0_i32_1 = arith.constant 0 : i32
    return %c0_i32, %c0_i32_0 : i32, i32
  }
  func.func @transform_5(%arg0: i32) -> (i32, i32) {
    %c0_i32 = arith.constant 0 : i32
    %c0_i32_0 = arith.constant 0 : i32
    %c0_i32_1 = arith.constant 0 : i32
    return %c0_i32, %c0_i32_0 : i32, i32
  }
  func.func @transform_6(%arg0: i32) -> (i32, i32) {
    %c0_i32 = arith.constant 0 : i32
    %c0_i32_0 = arith.constant 0 : i32
    %c0_i32_1 = arith.constant 0 : i32
    return %c0_i32, %c0_i32_0 : i32, i32
  }
  func.func @transform_7(%arg0: i32) -> (i32, i32) {
    %c0_i32 = arith.constant 0 : i32
    %c0_i32_0 = arith.constant 0 : i32
    return %arg0, %c0_i32 : i32, i32
  }
  func.func @transform_8(%arg0: i32) -> (i32, i32) {
    %c0_i32 = arith.constant 0 : i32
    %c0_i32_0 = arith.constant 0 : i32
    return %arg0, %c0_i32 : i32, i32
  }
  func.func @transform_9(%arg0: i32) -> (i32, i32) {
    %c0_i32 = arith.constant 0 : i32
    %c0_i32_0 = arith.constant 0 : i32
    return %arg0, %c0_i32 : i32, i32
  }
}

module attributes {stable_mosaic.version = 14 : i64} {
  func.func @body(%arg0: i32, %arg1: i32, %arg2: memref<2x400x384xf32, #tpu.memory_space<vmem>>, %arg3: memref<384x384xf32, #tpu.memory_space<vmem>>, %arg4: memref<1x384xf32, #tpu.memory_space<vmem>>, %arg5: memref<384x384xf32, #tpu.memory_space<vmem>>, %arg6: memref<1x384xf32, #tpu.memory_space<vmem>>, %arg7: memref<400x384xf32, #tpu.memory_space<vmem>>, %arg8: memref<1xf32, #tpu.memory_space<smem>>) attributes {dimension_semantics = [#tpu.dimension_semantics<arbitrary>, #tpu.dimension_semantics<arbitrary>], iteration_bounds = array<i64: 2, 25>, scalar_prefetch = 0 : i64, scratch_operands = 1 : i64, tpu.core_type = #tpu.core_type<tc>, window_params = [{transform_indices = @transform_0, window_bounds = array<i64: 2, 400, 384>}, {pipeline_mode = #tpu.pipeline_mode<synchronous>, transform_indices = @transform_1, window_bounds = array<i64: 384, 384>}, {pipeline_mode = #tpu.pipeline_mode<synchronous>, transform_indices = @transform_2, window_bounds = array<i64: 1, 384>}, {pipeline_mode = #tpu.pipeline_mode<synchronous>, transform_indices = @transform_3, window_bounds = array<i64: 384, 384>}, {pipeline_mode = #tpu.pipeline_mode<synchronous>, transform_indices = @transform_4, window_bounds = array<i64: 1, 384>}, {transform_indices = @transform_5, window_bounds = array<i64: 400, 384>}]} {
    %eq3A = arith.constant 0 : i32
    %eq3A_0 = arith.cmpi eq, %arg0, %eq3A : i32
    %eq3A_1 = arith.constant 0 : i32
    %eq3A_2 = arith.cmpi eq, %arg1, %eq3A_1 : i32
    %and3A = arith.andi %eq3A_0, %eq3A_2 : i1
    %convert_element_type3A = arith.extui %and3A : i1 to i32
    %cond3A = arith.constant 0 : i32
    %cond3A_3 = arith.cmpi ne, %convert_element_type3A, %cond3A : i32
    scf.if %cond3A_3 {
      %swap3A = arith.constant 0.000000e+00 : f32
      %swap3A_14 = arith.constant 0 : index
      %swap3A_15 = memref.load %arg8[%swap3A_14] : memref<1xf32, #tpu.memory_space<smem>>
      memref.store %swap3A, %arg8[%swap3A_14] : memref<1xf32, #tpu.memory_space<smem>>
    } else {
    }
    %eq3A_4 = arith.constant 0 : i32
    %eq3A_5 = arith.cmpi eq, %arg0, %eq3A_4 : i32
    %convert_element_type3A_6 = arith.extui %eq3A_5 : i1 to i32
    %cond3A_7 = arith.constant 0 : i32
    %cond3A_8 = arith.cmpi ne, %convert_element_type3A_6, %cond3A_7 : i32
    scf.if %cond3A_8 {
      %get3A = arith.constant 0 : index
      %get3A_14 = arith.constant 0 : index
      %get3A_15 = arith.constant 0 : index
      %get3A_16 = vector.load %arg2[%get3A, %get3A_14, %get3A_15] : memref<2x400x384xf32, #tpu.memory_space<vmem>>, vector<1x400x384xf32>
      %get3A_17 = vector.shape_cast %get3A_16 : vector<1x400x384xf32> to vector<400x384xf32>
      %get3A_18 = arith.constant 1 : index
      %get3A_19 = arith.constant 0 : index
      %get3A_20 = arith.constant 0 : index
      %get3A_21 = vector.load %arg2[%get3A_18, %get3A_19, %get3A_20] : memref<2x400x384xf32, #tpu.memory_space<vmem>>, vector<1x400x384xf32>
      %get3A_22 = vector.shape_cast %get3A_21 : vector<1x400x384xf32> to vector<400x384xf32>
      %add3A = arith.addf %get3A_17, %get3A_22 : vector<400x384xf32>
      %get3A_23 = arith.constant 0 : index
      %get3A_24 = memref.load %arg8[%get3A_23] : memref<1xf32, #tpu.memory_space<smem>>
      %mul3A = arith.mulf %add3A, %add3A : vector<400x384xf32>
      %reduce_sum3A = vector.shape_cast %mul3A : vector<400x384xf32> to vector<1x400x384xf32>
      %reduce_sum3A_25 = arith.constant dense<0.000000e+00> : vector<1xf32>
      %reduce_sum3A_26 = vector.multi_reduction <add>, %reduce_sum3A, %reduce_sum3A_25 [1, 2] : vector<1x400x384xf32> to vector<1xf32>
      %reduce_sum3A_27 = vector.shape_cast %reduce_sum3A_26 : vector<1xf32> to vector<1x1x1xf32>
      %reduce_sum3A_28 = vector.extract %reduce_sum3A_27[0, 0, 0] : f32 from vector<1x1x1xf32>
      %add3A_29 = arith.addf %get3A_24, %reduce_sum3A_28 : f32
      %swap3A = arith.constant 0 : index
      %swap3A_30 = memref.load %arg8[%swap3A] : memref<1xf32, #tpu.memory_space<smem>>
      memref.store %add3A_29, %arg8[%swap3A] : memref<1xf32, #tpu.memory_space<smem>>
    } else {
    }
    %eq3A_9 = arith.constant 1 : i32
    %eq3A_10 = arith.cmpi eq, %arg0, %eq3A_9 : i32
    %convert_element_type3A_11 = arith.extui %eq3A_10 : i1 to i32
    %cond3A_12 = arith.constant 0 : i32
    %cond3A_13 = arith.cmpi ne, %convert_element_type3A_11, %cond3A_12 : i32
    scf.if %cond3A_13 {
      %get3A = arith.constant 0 : index
      %get3A_14 = memref.load %arg8[%get3A] : memref<1xf32, #tpu.memory_space<smem>>
      %rsqrt3A = math.rsqrt %get3A_14 : f32
      %get3A_15 = arith.constant 0 : index
      %get3A_16 = arith.constant 0 : index
      %get3A_17 = arith.constant 0 : index
      %get3A_18 = vector.load %arg2[%get3A_15, %get3A_16, %get3A_17] : memref<2x400x384xf32, #tpu.memory_space<vmem>>, vector<1x400x384xf32>
      %get3A_19 = vector.shape_cast %get3A_18 : vector<1x400x384xf32> to vector<400x384xf32>
      %get3A_20 = arith.constant 1 : index
      %get3A_21 = arith.constant 0 : index
      %get3A_22 = arith.constant 0 : index
      %get3A_23 = vector.load %arg2[%get3A_20, %get3A_21, %get3A_22] : memref<2x400x384xf32, #tpu.memory_space<vmem>>, vector<1x400x384xf32>
      %get3A_24 = vector.shape_cast %get3A_23 : vector<1x400x384xf32> to vector<400x384xf32>
      %add3A = arith.addf %get3A_19, %get3A_24 : vector<400x384xf32>
      %mul3A = vector.broadcast %rsqrt3A : f32 to vector<400x384xf32>
      %mul3A_25 = arith.mulf %add3A, %mul3A : vector<400x384xf32>
      %get3A_26 = arith.constant 0 : index
      %get3A_27 = arith.constant 0 : index
      %get3A_28 = vector.load %arg3[%get3A_26, %get3A_27] : memref<384x384xf32, #tpu.memory_space<vmem>>, vector<384x384xf32>
      %dot_general3A = arith.constant dense<0.000000e+00> : vector<400x384xf32>
      %dot_general3A_29 = tpu.matmul %mul3A_25, %get3A_28, %dot_general3A {dimension_numbers = #tpu.dot_dimension_numbers<[1], [0], [0], [1], [0, 0, 1, 1], [], []>, transpose_lhs_hint = false} : vector<400x384xf32>, vector<384x384xf32>, vector<400x384xf32> -> vector<400x384xf32>
      %get3A_30 = arith.constant 0 : index
      %get3A_31 = arith.constant 0 : index
      %get3A_32 = vector.load %arg4[%get3A_30, %get3A_31] : memref<1x384xf32, #tpu.memory_space<vmem>>, vector<1x384xf32>
      %add3A_33 = vector.broadcast %get3A_32 : vector<1x384xf32> to vector<400x384xf32>
      %add3A_34 = arith.addf %dot_general3A_29, %add3A_33 : vector<400x384xf32>
      %max3A = arith.constant 0.000000e+00 : f32
      %max3A_35 = vector.broadcast %max3A : f32 to vector<400x384xf32>
      %max3A_36 = arith.maximumf %add3A_34, %max3A_35 : vector<400x384xf32>
      %get3A_37 = arith.constant 0 : index
      %get3A_38 = arith.constant 0 : index
      %get3A_39 = vector.load %arg5[%get3A_37, %get3A_38] : memref<384x384xf32, #tpu.memory_space<vmem>>, vector<384x384xf32>
      %dot_general3A_40 = arith.constant dense<0.000000e+00> : vector<400x384xf32>
      %dot_general3A_41 = tpu.matmul %max3A_36, %get3A_39, %dot_general3A_40 {dimension_numbers = #tpu.dot_dimension_numbers<[1], [0], [0], [1], [0, 0, 1, 1], [], []>, transpose_lhs_hint = false} : vector<400x384xf32>, vector<384x384xf32>, vector<400x384xf32> -> vector<400x384xf32>
      %get3A_42 = arith.constant 0 : index
      %get3A_43 = arith.constant 0 : index
      %get3A_44 = vector.load %arg6[%get3A_42, %get3A_43] : memref<1x384xf32, #tpu.memory_space<vmem>>, vector<1x384xf32>
      %add3A_45 = vector.broadcast %get3A_44 : vector<1x384xf32> to vector<400x384xf32>
      %add3A_46 = arith.addf %dot_general3A_41, %add3A_45 : vector<400x384xf32>
      %max3A_47 = arith.constant 0.000000e+00 : f32
      %max3A_48 = vector.broadcast %max3A_47 : f32 to vector<400x384xf32>
      %max3A_49 = arith.maximumf %add3A_46, %max3A_48 : vector<400x384xf32>
      %swap3A = arith.constant 0 : index
      %swap3A_50 = arith.constant 0 : index
      %swap3A_51 = vector.load %arg7[%swap3A, %swap3A_50] : memref<400x384xf32, #tpu.memory_space<vmem>>, vector<400x384xf32>
      tpu.vector_store %arg7[%swap3A, %swap3A_50], %max3A_49 {strides = array<i32>} : memref<400x384xf32, #tpu.memory_space<vmem>>, vector<400x384xf32>,
    } else {
    }
    return
  }
  func.func @transform_0(%arg0: i32, %arg1: i32) -> (i32, i32, i32) {
    %c0_i32 = arith.constant 0 : i32
    %c0_i32_0 = arith.constant 0 : i32
    %c0_i32_1 = arith.constant 0 : i32
    return %c0_i32, %arg1, %c0_i32_0 : i32, i32, i32
  }
  func.func @transform_1(%arg0: i32, %arg1: i32) -> (i32, i32) {
    %c0_i32 = arith.constant 0 : i32
    %c0_i32_0 = arith.constant 0 : i32
    %c0_i32_1 = arith.constant 0 : i32
    return %c0_i32, %c0_i32_0 : i32, i32
  }
  func.func @transform_2(%arg0: i32, %arg1: i32) -> (i32, i32) {
    %c0_i32 = arith.constant 0 : i32
    %c0_i32_0 = arith.constant 0 : i32
    %c0_i32_1 = arith.constant 0 : i32
    return %c0_i32, %c0_i32_0 : i32, i32
  }
  func.func @transform_3(%arg0: i32, %arg1: i32) -> (i32, i32) {
    %c0_i32 = arith.constant 0 : i32
    %c0_i32_0 = arith.constant 0 : i32
    %c0_i32_1 = arith.constant 0 : i32
    return %c0_i32, %c0_i32_0 : i32, i32
  }
  func.func @transform_4(%arg0: i32, %arg1: i32) -> (i32, i32) {
    %c0_i32 = arith.constant 0 : i32
    %c0_i32_0 = arith.constant 0 : i32
    %c0_i32_1 = arith.constant 0 : i32
    return %c0_i32, %c0_i32_0 : i32, i32
  }
  func.func @transform_5(%arg0: i32, %arg1: i32) -> (i32, i32) {
    %c0_i32 = arith.constant 0 : i32
    %c0_i32_0 = arith.constant 0 : i32
    return %arg1, %c0_i32 : i32, i32
  }
}

</mosaic_0001>

<sc_bundles>
// kernel: kernel.10.cloned.1.call-start
scs
__scs_entry_jumppad:
0x0: {  	(pc) =	sbr.rel $0x88, $3  }
0x1: {  	(tag) =	ssettag $0x0;
	lr =	simm.s32 $0x1  }
0x2: {  	[smem:$0x3F96] =	sst lr;
	_ =	strace $0xD0000000  }
0x3: {  	_ = 	snop  }
0x4: {  	_ = 	snop  }
0x5: {  	_ = 	snop  }
0x6: {  	_ = 	snop  }
0x7: {  	_ = 	snop  }
__scs_overlays_trampoline_lowered:
0x8: {  	[smem:$0x3FA5] =	sst s0  }
0x9: {  	[smem:$0x3FA6] =	sst s1  }
0xa: {  	[smem:$0x3FA7] =	sst s2  }
0xb: {  	[smem:$0x3FA8] =	sst s3  }
0xc: {  	[smem:$0x3FA9] =	sst s4  }
0xd: {  	[smem:$0x3FAA] =	sst s5  }
0xe: {  	[smem:$0x3FAB] =	sst s6  }
0xf: {  	[smem:$0x3FAC] =	sst s7  }
0x10: {  	[smem:$0x3FAD] =	sst s8  }
0x11: {  	[smem:$0x3FAE] =	sst s9;
	s0 =	simm.s32 @!p0 $0x0  }
0x12: {  	s1 =	sld [smem:$0x3F94];
	s0 =	simm.s32 @p0 $0x1  }
0x13: {  	[smem:$0x3FAF] =	sst s0;
	s0 =	simm.s32 @!p1 $0x0  }
0x14: {  	s2 =	sld [smem:$0x3F93];
	s0 =	simm.s32 @p1 $0x1  }
0x15: {  	[smem:$0x3FB0] =	sst s0;
	s0 =	simm.s32 @!p2 $0x0  }
0x16: {  	s3 =	sld [smem:$0x3FDB];
	s0 =	simm.s32 @p2 $0x1  }
0x17: {  	s4 =	simm.s32 $0x1BF5;
	[smem:$0x3FB2] =	sst s0  }
0x18: {  	s0 =	sld [smem:$0x3F95];
	_ =	swait.ge [sflag:s4], $0x0  }
0x19: {  	s7 =	sld [smem:$0x3F96]  }
0x1a: {  	s8 =	sadd.s32 $0xFFFFE003, lr  }
0x1b: {  	s9 =	sadd.s32 $0xFFFFFEF7, lr;
	s5 =	simm.s32 $0xFFFFFFFF;
	p2 =	slt.u32 s8, $0xFFFFF086  }
0x1c: {  	p1 =	slt.u32 s9, $0xF7A;
	s5 =	simm.s32 @!p2 $0x0  }
0x1d: {  	s5 =	simm.s32 @p1 $0x1;
	p0 =	seq.s32 s7, s2  }
0x1e: {  	s7 =	smul.u32 @!p0 $0xF7A, s2;
	p2 =	seq.s32 @!p0 s5, $0x0  }
0x1f: {  	s9 =	smul.u32 $0xF7A, s1;
	s8 =	simm.s32 @!p0 $0x1BF5;
	p2 =	por !p2, p0  }
0x20: {  	[sflag:s8] =	ssyncset.s32 @!p0 $0xFFFFF086;
	s6 =	sadd.s32 @!p0 s3, s7;
	s7 =	simm.s32 @!p0 $0x108  }
0x21: {  	s3 =	sadd.s32 s3, s9;
	s6 =	sadd.s32 @!p0 $0x88, s6;
	s7 =	simm.s32 @p2 $0x1082  }
0x22: {  	[simem:s7], [sflag:s8] =	dma.local @!p0 [hbm:s6], $0xF7A  }
0x23: {  	s9 =	sor.u32 $0xD0000000, s2;
	s6 =	simm.s32 $0x108;
	_ =	swait.ge @!p0 [sflag:s8], $0x0  }
0x24: {  	s3 =	sadd.s32 $0x88, s3;
	s6 =	simm.s32 @!p1 $0x1082;
	[sflag:s4] =	ssyncset.s32 $0xFFFFF086  }
0x25: {  	[simem:s6], [sflag:s4] =	dma.local [hbm:s3], $0xF7A  }
0x26: {  	[smem:$0x3F96] =	sst s1;
	(tag) =	ssettag s2;
	_ =	strace s9  }
0x27: {  	s1 =	sld [smem:$0x3FA6]  }
0x28: {  	s2 =	sld [smem:$0x3FA7]  }
0x29: {  	s4 =	sld [smem:$0x3FA9]  }
0x2a: {  	p0 =	seq.s32 s5, $0x0;
	s5 =	sld [smem:$0x3FAA]  }
0x2b: {  	s6 =	sld [smem:$0x3FAB]  }
0x2c: {  	s7 =	sld [smem:$0x3FAC]  }
0x2d: {  	s3 =	simm.s32 $0x108;
	s8 =	sld [smem:$0x3FAD]  }
0x2e: {  	s3 =	simm.s32 @!p0 $0x1082;
	s9 =	sld [smem:$0x3FAE]  }
0x2f: {  	lr =	sadd.s32 s0, s3;
	s0 =	sld [smem:$0x3FA5]  }
0x30: {  	s3 =	sld [smem:$0x3FA8]  }
0x31: {  	[smem:$0x3FB1] =	sst s10  }
0x32: {  	s10 =	sld [smem:$0x3FAF];
	_ =	sdelay $0x3  }
0x33: {  	p0 =	seq.s32 s10, $0x1;
	s10 =	sld [smem:$0x3FB1];
	_ =	sdelay $0x3  }
0x34: {  	[smem:$0x3FB1] =	sst s10  }
0x35: {  	s10 =	sld [smem:$0x3FB0];
	_ =	sdelay $0x3  }
0x36: {  	p1 =	seq.s32 s10, $0x1;
	s10 =	sld [smem:$0x3FB1];
	_ =	sdelay $0x3  }
0x37: {  	[smem:$0x3FB1] =	sst s10  }
0x38: {  	s10 =	sld [smem:$0x3FB2]  }
0x39: {  	_ = 	snop;
	(pc) =	sbr.ind lr, $3  }
0x3a: {  	_ = 	snop  }
0x3b: {  	_ = 	snop  }
0x3c: {  	p2 =	seq.s32 s10, $0x1;
	s10 =	sld [smem:$0x3FB1]  }
0x3d: {  	_ =	shalt  }
0x3e: {  	_ =	shalt  }
0x3f: {  	_ =	shalt  }
0x40: {  	_ =	shalt  }
0x41: {  	_ =	shalt  }
0x42: {  	_ =	shalt  }
0x43: {  	_ =	shalt  }
0x44: {  	_ =	shalt  }
0x45: {  	_ =	shalt  }
0x46: {  	_ =	shalt  }
0x47: {  	_ =	shalt  }
0x48: {  	_ =	shalt  }
0x49: {  	_ =	shalt  }
0x4a: {  	_ =	shalt  }
0x4b: {  	_ =	shalt  }
0x4c: {  	_ =	shalt  }
0x4d: {  	_ =	shalt  }
0x4e: {  	_ =	shalt  }
0x4f: {  	_ =	shalt  }
0x50: {  	_ =	shalt  }
0x51: {  	_ =	shalt  }
0x52: {  	_ =	shalt  }
0x53: {  	_ =	shalt  }
0x54: {  	_ =	shalt  }
0x55: {  	_ =	shalt  }
0x56: {  	_ =	shalt  }
0x57: {  	_ =	shalt  }
0x58: {  	_ =	shalt  }
0x59: {  	_ =	shalt  }
0x5a: {  	_ =	shalt  }
0x5b: {  	_ =	shalt  }
0x5c: {  	_ =	shalt  }
0x5d: {  	_ =	shalt  }
0x5e: {  	_ =	shalt  }
0x5f: {  	_ =	shalt  }
0x60: {  	_ =	shalt  }
0x61: {  	_ =	shalt  }
0x62: {  	_ =	shalt  }
0x63: {  	_ =	shalt  }
0x64: {  	_ =	shalt  }
0x65: {  	_ =	shalt  }
0x66: {  	_ =	shalt  }
0x67: {  	_ =	shalt  }
0x68: {  	_ =	shalt  }
0x69: {  	_ =	shalt  }
0x6a: {  	_ =	shalt  }
0x6b: {  	_ =	shalt  }
0x6c: {  	_ =	shalt  }
0x6d: {  	_ =	shalt  }
0x6e: {  	_ =	shalt  }
0x6f: {  	_ =	shalt  }
0x70: {  	_ =	shalt  }
0x71: {  	_ =	shalt  }
0x72: {  	_ =	shalt  }
0x73: {  	_ =	shalt  }
0x74: {  	_ =	shalt  }
0x75: {  	_ =	shalt  }
0x76: {  	_ =	shalt  }
0x77: {  	_ =	shalt  }
0x78: {  	_ =	shalt  }
0x79: {  	_ =	shalt  }
0x7a: {  	_ =	shalt  }
0x7b: {  	_ =	shalt  }
0x7c: {  	_ =	shalt  }
0x7d: {  	_ =	shalt  }
0x7e: {  	_ =	shalt  }
0x7f: {  	_ =	shalt  }
0x80: {  	_ =	shalt  }
0x81: {  	_ =	shalt  }
0x82: {  	_ =	shalt  }
0x83: {  	_ =	shalt  }
0x84: {  	_ =	shalt  }
0x85: {  	_ =	shalt  }
0x86: {  	_ =	shalt  }
0x87: {  	_ =	shalt  }
.Lfunc_end0:
.L_simem_size_0:
called_computation.1_lowered:
.L_overlay_start_0:
0x88: {  	s2 =	sld [smem:$0x3FD9]  }
0x89: {  	s3 =	sld [smem:$0x3FFE];
	_ =	sdelay $0x1  }
0x8a: {  	s1 =	srdreg.scid  }
0x8b: {  	s0 =	sand.u32 $0x1, s1  }
0x8c: {  	s16 =	sshll.u32 s0, $0xA;
	s2 =	sadd.s32 s3, s2  }
0x8d: {  	s2 =	sadd.s32 s2, s16  }
0x8e: {  	[smem:$0x3FBD] =	sst s2  }
0x8f: {  	_ = 	snop  }
0x90: {  	(tm) =	ssettm $0x1  }
0x91: {  	s17 =	sld [smem:$0x3FFB];
	_ =	sdelay $0x3  }
0x92: {  	_ =	strace s17  }
0x93: {  	s2 =	sld [smem:$0x3FFC];
	_ =	sdelay $0x3  }
0x94: {  	_ =	strace s2  }
0x95: {  	s2 =	sld [smem:$0x3FFD];
	_ =	sdelay $0x3  }
0x96: {  	_ =	strace s2  }
0x97: {  	_ =	strace $0x8FFFFFFF  }
0x98: {  	s18 =	sld [smem:$0x3FDB];
	_ =	sdelay $0x1  }
0x99: {  	s19 =	simm.s32 $_scs_section_size  }
0x9a: {  	s4 =	simm.s32 $_size__tile_overlayer_lowered;
	s5 =	simm.s32 $_tile_overlayer_lowered  }
0x9b: {  	s22 =	simm.s32 $0x1BFF;
	s21 =	sshll.u32 s5, $0x1;
	s2 =	sadd.s32 s19, s18  }
0x9c: {  	s6 =	simm.s32 $0x0;
	s20 =	sshll.u32 s4, $0x1;
	s4 =	sadd.s32 s21, s2  }
0x9d: {  	[timem:s6], [sflag:s22] =	dma.local [hbm:s4], s20  }
0x9e: {  	_ =	swait.ge [sflag:s22], s20  }
0x9f: {  	s3 =	ssub.s32 $0x0, s20;
	[sflag:s22] =	ssyncset.done $0x0  }
0xa0: {  	[sflag:s22] =	ssyncadd.s32 s3;
	_ =	sdelay $0x1  }
0xa1: {  	s23 =	simm.s32 $0x1B8B  }
0xa2: {  	_ =	swait.ge [sflag:s23], $0x1  }
0xa3: {  	[sflag:s23] =	ssyncset.done $0x0  }
0xa4: {  	s25 =	simm.s32 $0x1B8E;
	s24 =	sld [smem:$0x3FFE];
	[sflag:s23] =	ssyncadd.s32 $0xFFFFFFFF  }
0xa5: {  	s26 =	simm.s32 $execute0_lowered;
	[smem:$0x3FD2] =	sst s25  }
0xa6: {  	s4 =	sshll.u32 s26, $0x1;
	_ =	strace $0x80000049;
	[dreg:$0x1] =	wrdreg $0xFFFFFFFF  }
0xa7: {  	s28 =	simm.s32 $_size_execute0_lowered;
	s2 =	sadd.s32 s2, s4;
	[dreg:$0x0] =	wrdreg $0x0  }
0xa8: {  	s4 =	sshll.u32 s28, $0x1;
	[dreg:$0x2] =	wrdreg s2  }
0xa9: {  	[dreg:$0x3] =	wrdreg s4  }
0xaa: {  	[dreg:$0x4] =	wrdreg $0xC0  }
0xab: {  	_ =	task [dreg:s6], $0x5FFFF  }
0xac: {  	[dreg:$0x1] =	wrdreg $0xFFFFFFFF  }
0xad: {  	[dreg:$0x0] =	wrdreg $0x60  }
0xae: {  	[dreg:$0x2] =	wrdreg s24  }
0xaf: {  	[dreg:$0x3] =	wrdreg $0xA9000  }
0xb0: {  	[dreg:$0x4] =	wrdreg $0x9  }
0xb1: {  	_ =	task.clear_ibuf [dreg:s6], $0x5FFFF;
	_ =	strace $0x90000049  }
0xb2: {  	s29 =	simm.s32 $0x9;
	_ =	strace $0x8000004B  }
0xb3: {  	_ =	swait.ge [sflag:s29], $0x1  }
0xb4: {  	[sflag:s29] =	ssyncadd.s32 $0xFFFFFFFF  }
0xb5: {  	_ =	strace $0x9000004B  }
0xb6: {  	_ =	sfence  }
0xb7: {  	s30 =	sld [smem:$0x0];
	_ =	sdelay $0x2  }
0xb8: {  	s31 =	sshll.u32 s1, $0xD;
	s1 =	sshrl.u32 s1, $0x2  }
0xb9: {  	s3 =	sand.u32 $0x4000, s31;
	s1 =	sadd.s32 s1, s30  }
0xba: {  	s0 =	sor.u32 s3, s0;
	s1 =	sshll.u32 s1, $0x11  }
0xbb: {  	s0 =	sor.u32 s1, s0  }
0xbc: {  	s0 =	sadd.s32 $0x8F2B, s0  }
0xbd: {  	[sflag:s0] =	ssyncadd.remote.s32 $0x1  }
0xbe: {  	_ =	sfence.sel $0xFFFF  }
0xbf: {  	[dreg:$0x0] =	wrdreg $0xFFFFFFFF;
	(pc) =	sbr.abs _section_cstart, $3  }
0xc0: {  	[dreg:$0x1] =	wrdreg $0xFFFFFFFF  }
0xc1: {  	_ =	task.clear_ibuf [dreg:s6], $0x2FFFF;
	_ =	strace $0x9FFFFFFF  }
0xc2: {  	(tm) =	ssettm $0x7FFFFFFF  }
0xc3: {  	_ =	shalt  }
tec
execute0_lowered:
.L_overlay_start_1:
0x0: {  	(tag) =	ssettag $0x1  }
0x1: {  	s0 =	rddreg [dreg:$0x0];
	s13 =	stileid.u32  }
0x2: {  	s1 =	srdreg.scid;
	s5 =	smul.u32 $0x1400, s13  }
0x3: {  	s2 =	rddreg [dreg:$0x1];
	s3 =	simm.s32 $0x0;
	s10 =	smul.u32 $0x1388, s13  }
0x4: {  	s28 =	simm.s32 $0x2;
	s1 =	sand.u32 $0x1, s1;
	s26 =	smul.u32 $0x4E000, s13  }
0x5: {  	[smem:$0x7FF] =	sst s3;
	s9 =	sshll.u32 s13, $0x4;
	s4 =	smul.u32 $0x14000, s1  }
0x6: {  	_ =	strace $0x8000004A;
	s7 =	smul.u32 $0x13880, s1;
	s8 =	sshll.u32 s1, $0x8  }
0x7: {  	s25 =	ssub.s32 $0x2, s1;
	s1 =	smul.u32 $0x3A9800, s1;
	s24 =	sor.u32 s8, s9  }
0x8: {  	s12 =	sshrl.u32 s25, $0x1;
	s9 =	sshrl.u32 s26, $0x2;
	s5 =	sadd.s32 s5, s4  }
0x9: {  	s4 =	sadd.s32 $0xEB1A00, s0;
	s8 =	sadd.s32 s24, s0;
	s6 =	sshrl.u32 s5, $0x3  }
0xa: {  	s5 =	sadd.s32 $0x1604A00, s0;
	s11 =	sadd.s32 s6, s0;
	s0 =	sadd.s32 $0x1200, s0  }
0xb: {  	s6 =	sadd.s32 s10, s7;
	s7 =	ssub.s32 s25, s12;
	s12 =	sadd.s32 $0xEA7600, s8  }
0xc: {  	s8 =	sadd.s32 $0xEA7800, s8;
	s10 =	sshrl.u32 s6, $0x3;
	[dreg:$0x5] =	wrdreg s12  }
0xd: {  	s14 =	sadd.s32 $0xEA7A00, s11;
	[dreg:$0x6] =	wrdreg s8;
	s10 =	smul.u32 $0xC00, s10  }
0xe: {  	s11 =	sadd.s32 $0xEACA00, s11;
	[dreg:$0x3] =	wrdreg s14;
	s14 =	smul.u32 $0x3A800, s13  }
0xf: {  	[dreg:$0x4] =	wrdreg s11;
	s11 =	sadd.s32 s9, s2;
	s16 =	sshrl.u32 s10, $0x3  }
0x10: {  	s15 =	sadd.s32 $0x1D4000, s10;
	s17 =	sadd.s32 s14, s1;
	s18 =	sadd.s32 s4, s16  }
0x11: {  	s8 =	sshrl.u32 s15, $0x3;
	s20 =	sadd.s32 s5, s16;
	[dreg:$0x7] =	wrdreg s18  }
0x12: {  	s1 =	sshrl.u32 s1, $0x3;
	s19 =	sadd.s32 s4, s8;
	[dreg:$0x9] =	wrdreg s20  }
0x13: {  	s22 =	sadd.s32 $0x80, s16;
	s21 =	sadd.s32 s5, s8;
	[dreg:$0x8] =	wrdreg s19  }
0x14: {  	s10 =	sshrl.u32 s17, $0x3;
	s24 =	sadd.s32 s4, s22;
	[dreg:$0xa] =	wrdreg s21  }
0x15: {  	s12 =	sadd.s32 $0x100, s16;
	s26 =	sadd.s32 s5, s22;
	[dreg:$0xc] =	wrdreg s24  }
0x16: {  	s14 =	sadd.s32 s0, s10;
	s9 =	sadd.s32 s4, s12;
	[dreg:$0xe] =	wrdreg s26  }
0x17: {  	s0 =	sadd.s32 s0, s1;
	s1 =	sadd.s32 s5, s12;
	[dreg:$0x10] =	wrdreg s9  }
0x18: {  	s29 =	simm.s32 $0x0;
	s20 =	smax.u32 s7, $0x1;
	[dreg:$0x11] =	wrdreg s1  }
0x19: {  	p0 =	sne.s32 s13, $0xF;
	s23 =	sadd.s32 $0x80, s8;
	[dreg:$0x17] =	wrdreg s20  }
0x1a: {  	s15 =	sadd.s32 $0x80, s6;
	s25 =	sadd.s32 s4, s23;
	[dreg:$0xb] =	wrdreg s14  }
0x1b: {  	s8 =	sadd.s32 $0x100, s8;
	s10 =	sadd.s32 s5, s23;
	[dreg:$0xd] =	wrdreg s25  }
0x1c: {  	s16 =	sshrl.u32 s15, $0x3;
	s17 =	sadd.s32 s4, s8;
	[dreg:$0xf] =	wrdreg s10  }
0x1d: {  	s7 =	sadd.s32 $0xC000, s11;
	s8 =	sadd.s32 s5, s8;
	[dreg:$0x12] =	wrdreg s17  }
0x1e: {  	s1 =	smul.u32 $0x180, s16;
	s18 =	sadd.s32 $0x75000, s0;
	[dreg:$0x13] =	wrdreg s8  }
0x1f: {  	s19 =	sadd.s32 $0x75080, s0;
	s0 =	sadd.s32 $0x75100, s0;
	[dreg:$0x14] =	wrdreg s18  }
0x20: {  	s9 =	sadd.s32 $0x138000, s2;
	s21 =	sadd.s32 $0x80, s14;
	[dreg:$0x15] =	wrdreg s19  }
0x21: {  	s22 =	sadd.s32 $0x100, s14;
	s20 =	simm.s32 $0x2880;
	[dreg:$0x16] =	wrdreg s0  }
0x22: {  	s0 =	sadd.s32 $0x4000, s11;
	s8 =	sadd.s32 $0x10000, s11;
	[dreg:$0x18] =	wrdreg s21  }
0x23: {  	[dreg:$0x19] =	wrdreg s22;
	s18 =	simm.s32 $0x3;
	s30 =	sadd.s32 s1, s4  }
0x24: {  	s21 =	simm.s32 $0x2900;
	s31 =	sadd.s32 s1, s5;
	s23 =	sadd.s32 $0x80, s30  }
0x25: {  	s22 =	simm.s32 $0x400;
	s24 =	sadd.s32 $0x80, s31;
	[dreg:$0x1a] =	wrdreg s23  }
0x26: {  	s10 =	simm.s32 $0x8;
	s25 =	sadd.s32 $0x100, s30;
	[dreg:$0x1b] =	wrdreg s24  }
0x27: {  	s17 =	simm.s32 $0x2880;
	s26 =	sadd.s32 $0x100, s31;
	[dreg:$0x1c] =	wrdreg s25  }
0x28: {  	s1 =	sadd.s32 $0x8000, s11;
	[dreg:$0x1d] =	wrdreg s26;
	s23 =	simm.s32 $0xC00  }
0x29: {  	v0 =	vimm.f32 $0.0e+00;
	s24 =	simm.s32 $0x6900;
	s25 =	simm.s32 $0x1;
	s26 =	simm.s32 $0x80  }
.LBB2_1:
0x2a: {  	s12 =	rddreg [dreg:$0x3]  }
0x2b: {  	[tilespmem:s3], [sflag:$0x3] =	stream.linear.gather [hbm4b:s12+s3], $0x1380, $0x38;
	[tilespmem:$0x1E180] =	vst v63  }
0x2c: {  	_ =	swait.ge [sflag:s18], $0x1380  }
0x2d: {  	[sflag:s18] =	ssyncset.done $0x0  }
0x2e: {  	s13 =	simm.s32 $0x1400;
	s14 =	rddreg [dreg:$0x4];
	[sflag:s18] =	ssyncadd.s32 $0xFFFFEC80  }
0x2f: {  	[tilespmem:s13], [sflag:$0x3] =	stream.linear.gather [hbm4b:s14+s3], $0x1380, $0x38;
	[tilespmem:$0x1E180] =	vst v63  }
0x30: {  	_ =	swait.ge [sflag:s18], $0x1380  }
0x31: {  	[sflag:s18] =	ssyncset.done $0x0  }
0x32: {  	s16 =	simm.s32 $0x2800;
	s15 =	rddreg [dreg:$0x5];
	[sflag:s18] =	ssyncadd.s32 $0xFFFFEC80  }
0x33: {  	[tilespmem:s16], [sflag:$0x3] =	stream.linear.gather [hbm4b:s15+s3], $0x80, $0x38;
	[tilespmem:$0x1E180] =	vst v63  }
0x34: {  	_ =	swait.ge [sflag:s18], $0x80  }
0x35: {  	[sflag:s18] =	ssyncset.done $0x0  }
0x36: {  	s19 =	rddreg [dreg:$0x6];
	[sflag:s18] =	ssyncadd.s32 $0xFFFFFF80  }
0x37: {  	[tilespmem:s20], [sflag:$0x3] =	stream.linear.gather [hbm4b:s19+s3], $0x80, $0x38;
	[tilespmem:$0x1E180] =	vst v63  }
0x38: {  	_ =	swait.ge [sflag:s18], $0x80  }
0x39: {  	[sflag:s18] =	ssyncset.done $0x0  }
0x3a: {  	s12 =	simm.s32 $0x0;
	s13 =	simm.s32 $0x200;
	[sflag:s18] =	ssyncadd.s32 $0xFFFFFF80  }
.LBB2_2:
0x3b: {  	p1 =	sne.s32 s13, $0xFE00;
	[tilespmem:s12+$0x2970] =	vst v0  }
0x3c: {  	[tilespmem:s12+$0x2900] =	vst v0  }
0x3d: {  	[tilespmem:s12+$0x2910] =	vst v0  }
.Ltmp0:
0x3e: {  	[tilespmem:s12+$0x2920] =	vst v0;
	(pc) =	sbr.rel @p1 .LBB2_2-.Ltmp0, $4  }
0x3f: {  	[tilespmem:s12+$0x2930] =	vst v0  }
0x40: {  	[tilespmem:s12+$0x2940] =	vst v0  }
0x41: {  	[tilespmem:s12+$0x2950] =	vst v0  }
0x42: {  	[tilespmem:s12+$0x2960] =	vst v0;
	s12 =	sshra.s32 s13, $0x2;
	s13 =	sadd.s32 $0x200, s13  }
0x43: {  	[tilespmem:s12+$0x2970] =	vst v0  }
0x44: {  	[tilespmem:s12+$0x2900] =	vst v0  }
0x45: {  	[tilespmem:s12+$0x2910] =	vst v0  }
0x46: {  	[tilespmem:s12+$0x2920] =	vst v0  }
0x47: {  	[tilespmem:s12+$0x2930] =	vst v0  }
0x48: {  	[tilespmem:s12+$0x2940] =	vst v0  }
0x49: {  	[tilespmem:s12+$0x2950] =	vst v0  }
0x4a: {  	[tilespmem:s12+$0x2960] =	vst v0  }
0x4b: {  	[spmem:s11] =	stream.linear.scatter [tilespmem:s21], [sflag:$0x3], $0x4000, $0x38;
	[tilespmem:$0x1E180] =	vst v63  }
0x4c: {  	_ =	swait.ge [sflag:s18], $0x4000  }
0x4d: {  	[sflag:s18] =	ssyncset.done $0x0  }
0x4e: {  	[sflag:s18] =	ssyncadd.s32 $0xFFFFC000  }
0x4f: {  	[spmem:s0] =	stream.linear.scatter [tilespmem:s21], [sflag:$0x3], $0x4000, $0x38;
	[tilespmem:$0x1E180] =	vst v63  }
0x50: {  	_ =	swait.ge [sflag:s18], $0x4000  }
0x51: {  	[sflag:s18] =	ssyncset.done $0x0  }
0x52: {  	[sflag:s18] =	ssyncadd.s32 $0xFFFFC000  }
0x53: {  	[spmem:s1] =	stream.linear.scatter [tilespmem:s21], [sflag:$0x3], $0x4000, $0x38;
	[tilespmem:$0x1E180] =	vst v63  }
0x54: {  	_ =	swait.ge [sflag:s18], $0x4000  }
0x55: {  	[sflag:s18] =	ssyncset.done $0x0  }
0x56: {  	[sflag:s18] =	ssyncadd.s32 $0xFFFFC000  }
0x57: {  	[spmem:s7] =	stream.linear.scatter [tilespmem:s21], [sflag:$0x3], $0x4000, $0x38;
	[tilespmem:$0x1E180] =	vst v63  }
0x58: {  	_ =	swait.ge [sflag:s18], $0x4000  }
0x59: {  	[sflag:s18] =	ssyncset.done $0x0  }
0x5a: {  	[sflag:s18] =	ssyncadd.s32 $0xFFFFC000  }
0x5b: {  	[spmem:s8] =	stream.linear.scatter [tilespmem:s21], [sflag:$0x3], $0x3800, $0x38;
	[tilespmem:$0x1E180] =	vst v63  }
0x5c: {  	_ =	swait.ge [sflag:s18], $0x3800  }
0x5d: {  	[sflag:s18] =	ssyncset.done $0x0  }
0x5e: {  	s12 =	simm.s32 @!p0 $0x2900;
	[sflag:s18] =	ssyncadd.s32 $0xFFFFC800  }
0x5f: {  	[spmem:s9] =	stream.linear.scatter @!p0 [tilespmem:s12], [sflag:$0x3], $0x800, $0x38;
	[tilespmem:$0x1E180] =	vst v63  }
0x60: {  	s12 =	simm.s32 @!p0 $0x3  }
0x61: {  	_ =	swait.ge @!p0 [sflag:s12], $0x800  }
0x62: {  	[sflag:s12] =	ssyncset.done @!p0 $0x0  }
0x63: {  	[sflag:s12] =	ssyncadd.s32 @!p0 $0xFFFFF800  }
0x64: {  	[bflag:$0x0] =	sbarrier.arrive $0xFFFF  }
0x65: {  	s16 =	rddreg [dreg:$0x7]  }
0x66: {  	[tilespmem:s21], [sflag:$0x1] =	stream.strided.gather [hbm4b:s16+s22], $0x4000, s23, s22, $0x38;
	[tilespmem:$0x1E180] =	vst v63  }
0x67: {  	_ = 	snop  }
0x68: {  	[tilespmem:s24], [sflag:$0x2] =	stream.strided.gather [hbm4b:s30+s22], $0x4000, s23, s22, $0x38;
	[tilespmem:$0x1E180] =	vst v63  }
0x69: {  	_ =	swait.ge [sflag:s25], $0x4000  }
0x6a: {  	s13 =	sadd.s32 $0x100, s6;
	[sflag:s25] =	ssyncset.done $0x0  }
0x6b: {  	s13 =	sshrl.u32 s13, $0x3;
	s12 =	simm.s32 $0x0;
	[sflag:s25] =	ssyncadd.s32 $0xFFFFC000  }
0x6c: {  	[spmem:s2] =	stream.indirect.scatter.add.f32 [tilespmem:s21], [sflag:$0x3], $0x80, s12, s26, $0xb8;
	[tilespmem:$0x1E180] =	vst v63  }
0x6d: {  	s13 =	smul.u32 $0x180, s13;
	_ =	swait.ge [sflag:s18], $0x4000  }
0x6e: {  	[sflag:s18] =	ssyncset.done $0x0  }
0x6f: {  	s13 =	sadd.s32 s4, s13;
	[sflag:s18] =	ssyncadd.s32 $0xFFFFC000  }
0x70: {  	[tilespmem:s21], [sflag:$0x1] =	stream.strided.gather [hbm4b:s13+s22], $0x4000, s23, s22, $0x38;
	[tilespmem:$0x1E180] =	vst v63  }
0x71: {  	_ =	swait.ge [sflag:s28], $0x4000  }
0x72: {  	[sflag:s28] =	ssyncset.done $0x0  }
0x73: {  	s19 =	simm.s32 $0x80;
	[sflag:s28] =	ssyncadd.s32 $0xFFFFC000  }
0x74: {  	[spmem:s2] =	stream.indirect.scatter.add.f32 [tilespmem:s24], [sflag:$0x3], $0x80, s19, s26, $0xb8;
	[tilespmem:$0x1E180] =	vst v63  }
0x75: {  	s16 =	simm.s32 $0x200;
	s13 =	smov.u32 s30;
	_ =	swait.ge [sflag:s18], $0x4000  }
.LBB2_4:
0x76: {  	[sflag:s18] =	ssyncset.done $0x0  }
0x77: {  	s12 =	sadd.s32 $0x100, s12;
	s13 =	sadd.s32 $0x3000, s13;
	s14 =	smov.u32 s16  }
0x78: {  	p1 =	sne.s32 s16, $0x1300;
	s16 =	sadd.s32 $0x100, s16;
	[sflag:s18] =	ssyncadd.s32 $0xFFFFC000  }
0x79: {  	[tilespmem:s24], [sflag:$0x2] =	stream.strided.gather [hbm4b:s13+s22], $0x4000, s23, s22, $0x38;
	[tilespmem:$0x1E180] =	vst v63  }
0x7a: {  	_ =	swait.ge [sflag:s25], $0x4000  }
0x7b: {  	[sflag:s25] =	ssyncset.done $0x0  }
0x7c: {  	s14 =	sadd.s32 s14, s6;
	[sflag:s25] =	ssyncadd.s32 $0xFFFFC000  }
0x7d: {  	[spmem:s2] =	stream.indirect.scatter.add.f32 [tilespmem:s21], [sflag:$0x3], $0x80, s12, s26, $0xb8;
	[tilespmem:$0x1E180] =	vst v63  }
0x7e: {  	s14 =	sshrl.u32 s14, $0x3;
	_ =	swait.ge [sflag:s18], $0x4000  }
0x7f: {  	s14 =	smul.u32 $0x180, s14;
	[sflag:s18] =	ssyncset.done $0x0  }
0x80: {  	[sflag:s18] =	ssyncadd.s32 $0xFFFFC000  }
0x81: {  	s14 =	sadd.s32 s4, s14  }
0x82: {  	[tilespmem:s21], [sflag:$0x1] =	stream.strided.gather [hbm4b:s14+s22], $0x4000, s23, s22, $0x38;
	[tilespmem:$0x1E180] =	vst v63  }
.Ltmp1:
0x83: {  	_ =	swait.ge [sflag:s28], $0x4000;
	(pc) =	sbr.rel @p1 .LBB2_4-.Ltmp1, $4  }
0x84: {  	s14 =	sadd.s32 $0x80, s12;
	[sflag:s28] =	ssyncset.done $0x0  }
0x85: {  	[sflag:s28] =	ssyncadd.s32 $0xFFFFC000  }
0x86: {  	[spmem:s2] =	stream.indirect.scatter.add.f32 [tilespmem:s24], [sflag:$0x3], $0x80, s14, s26, $0xb8;
	[tilespmem:$0x1E180] =	vst v63  }
0x87: {  	_ =	swait.ge [sflag:s18], $0x4000  }
0x88: {  	[sflag:s18] =	ssyncset.done $0x0  }
0x89: {  	[sflag:s18] =	ssyncadd.s32 $0xFFFFC000  }
0x8a: {  	_ =	swait.ge [sflag:s25], $0x4000  }
0x8b: {  	[sflag:s25] =	ssyncset.done $0x0  }
0x8c: {  	s12 =	simm.s32 $0x1300;
	[sflag:s25] =	ssyncadd.s32 $0xFFFFC000  }
0x8d: {  	[spmem:s2] =	stream.indirect.scatter.add.f32 [tilespmem:s21], [sflag:$0x3], $0x80, s12, s26, $0xb8;
	[tilespmem:$0x1E180] =	vst v63  }
0x8e: {  	_ =	swait.ge [sflag:s18], $0x4000  }
0x8f: {  	[sflag:s18] =	ssyncset.done $0x0  }
0x90: {  	s14 =	rddreg [dreg:$0x8];
	[sflag:s18] =	ssyncadd.s32 $0xFFFFC000  }
0x91: {  	[tilespmem:s21], [sflag:$0x3] =	stream.linear.gather [hbm4b:s14+s3], $0x400, $0x38;
	[tilespmem:$0x1E180] =	vst v63  }
0x92: {  	_ =	swait.ge [sflag:s18], $0x400  }
0x93: {  	[sflag:s18] =	ssyncset.done $0x0  }
0x94: {  	s15 =	simm.s32 $0x2800;
	[sflag:s18] =	ssyncadd.s32 $0xFFFFFC00  }
0x95: {  	[spmem:s2] =	stream.indirect.scatter.add.f32 [tilespmem:s21], [sflag:$0x3], $0x80, s15, s10, $0xb8;
	[tilespmem:$0x1E180] =	vst v63  }
0x96: {  	_ =	swait.ge [sflag:s18], $0x400  }
0x97: {  	[sflag:s18] =	ssyncset.done $0x0  }
0x98: {  	s16 =	rddreg [dreg:$0x9];
	[sflag:s18] =	ssyncadd.s32 $0xFFFFFC00  }
0x99: {  	[tilespmem:s21], [sflag:$0x1] =	stream.strided.gather [hbm4b:s16+s22], $0x4000, s23, s22, $0x38;
	[tilespmem:$0x1E180] =	vst v63  }
0x9a: {  	_ = 	snop  }
0x9b: {  	[tilespmem:s24], [sflag:$0x2] =	stream.strided.gather [hbm4b:s31+s22], $0x4000, s23, s22, $0x38;
	[tilespmem:$0x1E180] =	vst v63  }
0x9c: {  	_ =	swait.ge [sflag:s25], $0x4000  }
0x9d: {  	s13 =	sadd.s32 $0x100, s6;
	[sflag:s25] =	ssyncset.done $0x0  }
0x9e: {  	s13 =	sshrl.u32 s13, $0x3;
	s12 =	simm.s32 $0x1400;
	[sflag:s25] =	ssyncadd.s32 $0xFFFFC000  }
0x9f: {  	[spmem:s2] =	stream.indirect.scatter.add.f32 [tilespmem:s21], [sflag:$0x3], $0x80, s12, s26, $0xb8;
	[tilespmem:$0x1E180] =	vst v63  }
0xa0: {  	s13 =	smul.u32 $0x180, s13;
	_ =	swait.ge [sflag:s18], $0x4000  }
0xa1: {  	[sflag:s18] =	ssyncset.done $0x0  }
0xa2: {  	s13 =	sadd.s32 s5, s13;
	[sflag:s18] =	ssyncadd.s32 $0xFFFFC000  }
0xa3: {  	[tilespmem:s21], [sflag:$0x1] =	stream.strided.gather [hbm4b:s13+s22], $0x4000, s23, s22, $0x38;
	[tilespmem:$0x1E180] =	vst v63  }
0xa4: {  	_ =	swait.ge [sflag:s28], $0x4000  }
0xa5: {  	[sflag:s28] =	ssyncset.done $0x0  }
0xa6: {  	s19 =	simm.s32 $0x1480;
	[sflag:s28] =	ssyncadd.s32 $0xFFFFC000  }
0xa7: {  	[spmem:s2] =	stream.indirect.scatter.add.f32 [tilespmem:s24], [sflag:$0x3], $0x80, s19, s26, $0xb8;
	[tilespmem:$0x1E180] =	vst v63  }
0xa8: {  	s16 =	simm.s32 $0x200;
	s13 =	smov.u32 s31;
	_ =	swait.ge [sflag:s18], $0x4000  }
.LBB2_6:
0xa9: {  	[sflag:s18] =	ssyncset.done $0x0  }
0xaa: {  	s12 =	sadd.s32 $0x100, s12;
	s13 =	sadd.s32 $0x3000, s13;
	s14 =	smov.u32 s16  }
0xab: {  	p1 =	sne.s32 s16, $0x1300;
	s16 =	sadd.s32 $0x100, s16;
	[sflag:s18] =	ssyncadd.s32 $0xFFFFC000  }
0xac: {  	[tilespmem:s24], [sflag:$0x2] =	stream.strided.gather [hbm4b:s13+s22], $0x4000, s23, s22, $0x38;
	[tilespmem:$0x1E180] =	vst v63  }
0xad: {  	_ =	swait.ge [sflag:s25], $0x4000  }
0xae: {  	[sflag:s25] =	ssyncset.done $0x0  }
0xaf: {  	s14 =	sadd.s32 s14, s6;
	[sflag:s25] =	ssyncadd.s32 $0xFFFFC000  }
0xb0: {  	[spmem:s2] =	stream.indirect.scatter.add.f32 [tilespmem:s21], [sflag:$0x3], $0x80, s12, s26, $0xb8;
	[tilespmem:$0x1E180] =	vst v63  }
0xb1: {  	s14 =	sshrl.u32 s14, $0x3;
	_ =	swait.ge [sflag:s18], $0x4000  }
0xb2: {  	s14 =	smul.u32 $0x180, s14;
	[sflag:s18] =	ssyncset.done $0x0  }
0xb3: {  	[sflag:s18] =	ssyncadd.s32 $0xFFFFC000  }
0xb4: {  	s14 =	sadd.s32 s5, s14  }
0xb5: {  	[tilespmem:s21], [sflag:$0x1] =	stream.strided.gather [hbm4b:s14+s22], $0x4000, s23, s22, $0x38;
	[tilespmem:$0x1E180] =	vst v63  }
.Ltmp2:
0xb6: {  	_ =	swait.ge [sflag:s28], $0x4000;
	(pc) =	sbr.rel @p1 .LBB2_6-.Ltmp2, $4  }
0xb7: {  	s14 =	sadd.s32 $0x80, s12;
	[sflag:s28] =	ssyncset.done $0x0  }
0xb8: {  	[sflag:s28] =	ssyncadd.s32 $0xFFFFC000  }
0xb9: {  	[spmem:s2] =	stream.indirect.scatter.add.f32 [tilespmem:s24], [sflag:$0x3], $0x80, s14, s26, $0xb8;
	[tilespmem:$0x1E180] =	vst v63  }
0xba: {  	_ =	swait.ge [sflag:s18], $0x4000  }
0xbb: {  	[sflag:s18] =	ssyncset.done $0x0  }
0xbc: {  	[sflag:s18] =	ssyncadd.s32 $0xFFFFC000  }
0xbd: {  	_ =	swait.ge [sflag:s25], $0x4000  }
0xbe: {  	[sflag:s25] =	ssyncset.done $0x0  }
0xbf: {  	s12 =	simm.s32 $0x2700;
	[sflag:s25] =	ssyncadd.s32 $0xFFFFC000  }
0xc0: {  	[spmem:s2] =	stream.indirect.scatter.add.f32 [tilespmem:s21], [sflag:$0x3], $0x80, s12, s26, $0xb8;
	[tilespmem:$0x1E180] =	vst v63  }
0xc1: {  	_ =	swait.ge [sflag:s18], $0x4000  }
0xc2: {  	[sflag:s18] =	ssyncset.done $0x0  }
0xc3: {  	s19 =	rddreg [dreg:$0xa];
	[sflag:s18] =	ssyncadd.s32 $0xFFFFC000  }
0xc4: {  	[tilespmem:s21], [sflag:$0x3] =	stream.linear.gather [hbm4b:s19+s3], $0x400, $0x38;
	[tilespmem:$0x1E180] =	vst v63  }
0xc5: {  	_ =	swait.ge [sflag:s18], $0x400  }
0xc6: {  	[sflag:s18] =	ssyncset.done $0x0  }
0xc7: {  	[sflag:s18] =	ssyncadd.s32 $0xFFFFFC00  }
0xc8: {  	[spmem:s2] =	stream.indirect.scatter.add.f32 [tilespmem:s21], [sflag:$0x3], $0x80, s20, s10, $0xb8;
	[tilespmem:$0x1E180] =	vst v63  }
0xc9: {  	_ =	swait.ge [sflag:s18], $0x400  }
0xca: {  	[sflag:s18] =	ssyncset.done $0x0  }
0xcb: {  	s20 =	stileid.u32;
	[sflag:s18] =	ssyncadd.s32 $0xFFFFFC00  }
0xcc: {  	s14 =	simm.s32 $0x180;
	s12 =	sshll.u32 s20, $0x6;
	[bflag:$0x0] =	sbarrier.arrive $0xFFFF  }
0xcd: {  	s19 =	sshrl.u32 s11, $0x3;
	s12 =	sor.u32 $0x1C03, s12;
	s13 =	rddreg [dreg:$0xb]  }
0xce: {  	[hbm:s13@s14], [sflag:s12] =	dma.strided [spmem:s19@s26], $0x2700, s10, $0x10   }
0xcf: {  	s16 =	sshrl.u32 @!p0 s9, $0x3;
	_ =	swait.ge [sflag:s18], $0x2700  }
0xd0: {  	s20 =	simm.s32 @!p0 $0x80;
	s13 =	simm.s32 @!p0 $0x8;
	[sflag:s18] =	ssyncset.done $0x0  }
0xd1: {  	s14 =	simm.s32 @!p0 $0x180;
	s15 =	rddreg [dreg:$0x14];
	[sflag:s18] =	ssyncadd.s32 $0xFFFFD900  }
0xd2: {  	[hbm:s15@s14], [sflag:s12] =	dma.strided @!p0 [spmem:s16@s20], $0x100, s13, $0x10   }
0xd3: {  	s13 =	simm.s32 @!p0 $0x3  }
0xd4: {  	_ =	swait.ge @!p0 [sflag:s13], $0x100  }
0xd5: {  	[sflag:s13] =	ssyncset.done @!p0 $0x0  }
0xd6: {  	[sflag:s13] =	ssyncadd.s32 @!p0 $0xFFFFFF00  }
0xd7: {  	s14 =	simm.s32 $0x200;
	s13 =	simm.s32 $0x0;
	[bflag:$0x0] =	sbarrier.arrive $0xFFFF  }
.LBB2_8:
0xd8: {  	p1 =	sne.s32 s14, $0xFE00;
	[tilespmem:s13+$0x2970] =	vst v0  }
0xd9: {  	[tilespmem:s13+$0x2900] =	vst v0  }
0xda: {  	[tilespmem:s13+$0x2910] =	vst v0  }
.Ltmp3:
0xdb: {  	[tilespmem:s13+$0x2920] =	vst v0;
	(pc) =	sbr.rel @p1 .LBB2_8-.Ltmp3, $4  }
0xdc: {  	[tilespmem:s13+$0x2930] =	vst v0  }
0xdd: {  	[tilespmem:s13+$0x2940] =	vst v0  }
0xde: {  	[tilespmem:s13+$0x2950] =	vst v0  }
0xdf: {  	[tilespmem:s13+$0x2960] =	vst v0;
	s13 =	sshra.s32 s14, $0x2;
	s14 =	sadd.s32 $0x200, s14  }
0xe0: {  	[tilespmem:s13+$0x2970] =	vst v0  }
0xe1: {  	[tilespmem:s13+$0x2900] =	vst v0  }
0xe2: {  	[tilespmem:s13+$0x2910] =	vst v0  }
0xe3: {  	[tilespmem:s13+$0x2920] =	vst v0  }
0xe4: {  	[tilespmem:s13+$0x2930] =	vst v0  }
0xe5: {  	[tilespmem:s13+$0x2940] =	vst v0  }
0xe6: {  	[tilespmem:s13+$0x2950] =	vst v0  }
0xe7: {  	[tilespmem:s13+$0x2960] =	vst v0  }
0xe8: {  	[spmem:s11] =	stream.linear.scatter [tilespmem:s21], [sflag:$0x3], $0x4000, $0x38;
	[tilespmem:$0x1E180] =	vst v63  }
0xe9: {  	_ =	swait.ge [sflag:s18], $0x4000  }
0xea: {  	[sflag:s18] =	ssyncset.done $0x0  }
0xeb: {  	[sflag:s18] =	ssyncadd.s32 $0xFFFFC000  }
0xec: {  	[spmem:s0] =	stream.linear.scatter [tilespmem:s21], [sflag:$0x3], $0x4000, $0x38;
	[tilespmem:$0x1E180] =	vst v63  }
0xed: {  	_ =	swait.ge [sflag:s18], $0x4000  }
0xee: {  	[sflag:s18] =	ssyncset.done $0x0  }
0xef: {  	[sflag:s18] =	ssyncadd.s32 $0xFFFFC000  }
0xf0: {  	[spmem:s1] =	stream.linear.scatter [tilespmem:s21], [sflag:$0x3], $0x4000, $0x38;
	[tilespmem:$0x1E180] =	vst v63  }
0xf1: {  	_ =	swait.ge [sflag:s18], $0x4000  }
0xf2: {  	[sflag:s18] =	ssyncset.done $0x0  }
0xf3: {  	[sflag:s18] =	ssyncadd.s32 $0xFFFFC000  }
0xf4: {  	[spmem:s7] =	stream.linear.scatter [tilespmem:s21], [sflag:$0x3], $0x4000, $0x38;
	[tilespmem:$0x1E180] =	vst v63  }
0xf5: {  	_ =	swait.ge [sflag:s18], $0x4000  }
0xf6: {  	[sflag:s18] =	ssyncset.done $0x0  }
0xf7: {  	[sflag:s18] =	ssyncadd.s32 $0xFFFFC000  }
0xf8: {  	[spmem:s8] =	stream.linear.scatter [tilespmem:s21], [sflag:$0x3], $0x3800, $0x38;
	[tilespmem:$0x1E180] =	vst v63  }
0xf9: {  	_ =	swait.ge [sflag:s18], $0x3800  }
0xfa: {  	[sflag:s18] =	ssyncset.done $0x0  }
0xfb: {  	s13 =	simm.s32 @!p0 $0x2900;
	[sflag:s18] =	ssyncadd.s32 $0xFFFFC800  }
0xfc: {  	[spmem:s9] =	stream.linear.scatter @!p0 [tilespmem:s13], [sflag:$0x3], $0x800, $0x38;
	[tilespmem:$0x1E180] =	vst v63  }
0xfd: {  	s13 =	simm.s32 @!p0 $0x3  }
0xfe: {  	_ =	swait.ge @!p0 [sflag:s13], $0x800  }
0xff: {  	[sflag:s13] =	ssyncset.done @!p0 $0x0  }
0x100: {  	[sflag:s13] =	ssyncadd.s32 @!p0 $0xFFFFF800  }
0x101: {  	[bflag:$0x0] =	sbarrier.arrive $0xFFFF  }
0x102: {  	s15 =	rddreg [dreg:$0xc]  }
0x103: {  	[tilespmem:s21], [sflag:$0x1] =	stream.strided.gather [hbm4b:s15+s22], $0x4000, s23, s22, $0x38;
	[tilespmem:$0x1E180] =	vst v63  }
0x104: {  	s14 =	rddreg [dreg:$0x1a]  }
0x105: {  	[tilespmem:s24], [sflag:$0x2] =	stream.strided.gather [hbm4b:s14+s22], $0x4000, s23, s22, $0x38;
	[tilespmem:$0x1E180] =	vst v63  }
0x106: {  	s20 =	sadd.s32 $0x100, s6;
	_ =	swait.ge [sflag:s25], $0x4000  }
0x107: {  	s13 =	sshrl.u32 s20, $0x3;
	[sflag:s25] =	ssyncset.done $0x0  }
0x108: {  	s20 =	simm.s32 $0x0;
	s13 =	smul.u32 $0xC00, s13;
	[sflag:s25] =	ssyncadd.s32 $0xFFFFC000  }
0x109: {  	[spmem:s2] =	stream.indirect.scatter.add.f32 [tilespmem:s21], [sflag:$0x3], $0x80, s20, s26, $0xb8;
	[tilespmem:$0x1E180] =	vst v63  }
0x10a: {  	s13 =	sshrl.u32 s13, $0x3;
	_ =	swait.ge [sflag:s18], $0x4000  }
0x10b: {  	s13 =	sadd.s32 s4, s13;
	[sflag:s18] =	ssyncset.done $0x0  }
0x10c: {  	s13 =	sadd.s32 $0x80, s13;
	[sflag:s18] =	ssyncadd.s32 $0xFFFFC000  }
0x10d: {  	[tilespmem:s21], [sflag:$0x1] =	stream.strided.gather [hbm4b:s13+s22], $0x4000, s23, s22, $0x38;
	[tilespmem:$0x1E180] =	vst v63  }
0x10e: {  	_ =	swait.ge [sflag:s28], $0x4000  }
0x10f: {  	[sflag:s28] =	ssyncset.done $0x0  }
0x110: {  	s15 =	simm.s32 $0x80;
	[sflag:s28] =	ssyncadd.s32 $0xFFFFC000  }
0x111: {  	[spmem:s2] =	stream.indirect.scatter.add.f32 [tilespmem:s24], [sflag:$0x3], $0x80, s15, s26, $0xb8;
	[tilespmem:$0x1E180] =	vst v63  }
0x112: {  	_ =	swait.ge [sflag:s18], $0x4000  }
0x113: {  	s13 =	simm.s32 $0x200;
	[sflag:s18] =	ssyncset.done $0x0  }
.LBB2_10:
0x114: {  	[sflag:s18] =	ssyncadd.s32 $0xFFFFC000;
	s20 =	sadd.s32 $0x100, s20;
	s14 =	sadd.s32 $0x3000, s14  }
0x115: {  	[tilespmem:s24], [sflag:$0x2] =	stream.strided.gather [hbm4b:s14+s22], $0x4000, s23, s22, $0x38;
	[tilespmem:$0x1E180] =	vst v63  }
0x116: {  	s15 =	sadd.s32 s13, s6;
	p1 =	sne.s32 s13, $0x1300;
	_ =	swait.ge [sflag:s25], $0x4000  }
0x117: {  	s13 =	sadd.s32 $0x100, s13;
	s15 =	sshrl.u32 s15, $0x3;
	[sflag:s25] =	ssyncset.done $0x0  }
0x118: {  	s15 =	smul.u32 $0xC00, s15;
	[sflag:s25] =	ssyncadd.s32 $0xFFFFC000  }
0x119: {  	[spmem:s2] =	stream.indirect.scatter.add.f32 [tilespmem:s21], [sflag:$0x3], $0x80, s20, s26, $0xb8;
	[tilespmem:$0x1E180] =	vst v63  }
0x11a: {  	s15 =	sshrl.u32 s15, $0x3;
	_ =	swait.ge [sflag:s18], $0x4000  }
0x11b: {  	s15 =	sadd.s32 s4, s15;
	[sflag:s18] =	ssyncset.done $0x0  }
0x11c: {  	s15 =	sadd.s32 $0x80, s15;
	[sflag:s18] =	ssyncadd.s32 $0xFFFFC000  }
0x11d: {  	[tilespmem:s21], [sflag:$0x1] =	stream.strided.gather [hbm4b:s15+s22], $0x4000, s23, s22, $0x38;
	[tilespmem:$0x1E180] =	vst v63  }
0x11e: {  	_ =	swait.ge [sflag:s28], $0x4000  }
.Ltmp4:
0x11f: {  	[sflag:s28] =	ssyncset.done $0x0;
	(pc) =	sbr.rel @p1 .LBB2_10-.Ltmp4, $4  }
0x120: {  	s15 =	sadd.s32 $0x80, s20;
	[sflag:s28] =	ssyncadd.s32 $0xFFFFC000  }
0x121: {  	[spmem:s2] =	stream.indirect.scatter.add.f32 [tilespmem:s24], [sflag:$0x3], $0x80, s15, s26, $0xb8;
	[tilespmem:$0x1E180] =	vst v63  }
0x122: {  	_ =	swait.ge [sflag:s18], $0x4000  }
0x123: {  	[sflag:s18] =	ssyncset.done $0x0  }
0x124: {  	[sflag:s18] =	ssyncadd.s32 $0xFFFFC000  }
0x125: {  	_ =	swait.ge [sflag:s25], $0x4000  }
0x126: {  	[sflag:s25] =	ssyncset.done $0x0  }
0x127: {  	s13 =	simm.s32 $0x1300;
	[sflag:s25] =	ssyncadd.s32 $0xFFFFC000  }
0x128: {  	[spmem:s2] =	stream.indirect.scatter.add.f32 [tilespmem:s21], [sflag:$0x3], $0x80, s13, s26, $0xb8;
	[tilespmem:$0x1E180] =	vst v63  }
0x129: {  	_ =	swait.ge [sflag:s18], $0x4000  }
0x12a: {  	[sflag:s18] =	ssyncset.done $0x0  }
0x12b: {  	s20 =	rddreg [dreg:$0xd];
	[sflag:s18] =	ssyncadd.s32 $0xFFFFC000  }
0x12c: {  	[tilespmem:s21], [sflag:$0x3] =	stream.linear.gather [hbm4b:s20+s3], $0x400, $0x38;
	[tilespmem:$0x1E180] =	vst v63  }
0x12d: {  	_ =	swait.ge [sflag:s18], $0x400  }
0x12e: {  	[sflag:s18] =	ssyncset.done $0x0  }
0x12f: {  	s14 =	simm.s32 $0x2800;
	[sflag:s18] =	ssyncadd.s32 $0xFFFFFC00  }
0x130: {  	[spmem:s2] =	stream.indirect.scatter.add.f32 [tilespmem:s21], [sflag:$0x3], $0x80, s14, s10, $0xb8;
	[tilespmem:$0x1E180] =	vst v63  }
0x131: {  	_ =	swait.ge [sflag:s18], $0x400  }
0x132: {  	[sflag:s18] =	ssyncset.done $0x0  }
0x133: {  	s15 =	rddreg [dreg:$0xe];
	[sflag:s18] =	ssyncadd.s32 $0xFFFFFC00  }
0x134: {  	[tilespmem:s21], [sflag:$0x1] =	stream.strided.gather [hbm4b:s15+s22], $0x4000, s23, s22, $0x38;
	[tilespmem:$0x1E180] =	vst v63  }
0x135: {  	s14 =	rddreg [dreg:$0x1b]  }
0x136: {  	[tilespmem:s24], [sflag:$0x2] =	stream.strided.gather [hbm4b:s14+s22], $0x4000, s23, s22, $0x38;
	[tilespmem:$0x1E180] =	vst v63  }
0x137: {  	s20 =	sadd.s32 $0x100, s6;
	_ =	swait.ge [sflag:s25], $0x4000  }
0x138: {  	s13 =	sshrl.u32 s20, $0x3;
	[sflag:s25] =	ssyncset.done $0x0  }
0x139: {  	s20 =	simm.s32 $0x1400;
	s13 =	smul.u32 $0xC00, s13;
	[sflag:s25] =	ssyncadd.s32 $0xFFFFC000  }
0x13a: {  	[spmem:s2] =	stream.indirect.scatter.add.f32 [tilespmem:s21], [sflag:$0x3], $0x80, s20, s26, $0xb8;
	[tilespmem:$0x1E180] =	vst v63  }
0x13b: {  	s13 =	sshrl.u32 s13, $0x3;
	_ =	swait.ge [sflag:s18], $0x4000  }
0x13c: {  	s13 =	sadd.s32 s5, s13;
	[sflag:s18] =	ssyncset.done $0x0  }
0x13d: {  	s13 =	sadd.s32 $0x80, s13;
	[sflag:s18] =	ssyncadd.s32 $0xFFFFC000  }
0x13e: {  	[tilespmem:s21], [sflag:$0x1] =	stream.strided.gather [hbm4b:s13+s22], $0x4000, s23, s22, $0x38;
	[tilespmem:$0x1E180] =	vst v63  }
0x13f: {  	_ =	swait.ge [sflag:s28], $0x4000  }
0x140: {  	[sflag:s28] =	ssyncset.done $0x0  }
0x141: {  	s15 =	simm.s32 $0x1480;
	[sflag:s28] =	ssyncadd.s32 $0xFFFFC000  }
0x142: {  	[spmem:s2] =	stream.indirect.scatter.add.f32 [tilespmem:s24], [sflag:$0x3], $0x80, s15, s26, $0xb8;
	[tilespmem:$0x1E180] =	vst v63  }
0x143: {  	_ =	swait.ge [sflag:s18], $0x4000  }
0x144: {  	s13 =	simm.s32 $0x200;
	[sflag:s18] =	ssyncset.done $0x0  }
.LBB2_12:
0x145: {  	[sflag:s18] =	ssyncadd.s32 $0xFFFFC000;
	s20 =	sadd.s32 $0x100, s20;
	s14 =	sadd.s32 $0x3000, s14  }
0x146: {  	[tilespmem:s24], [sflag:$0x2] =	stream.strided.gather [hbm4b:s14+s22], $0x4000, s23, s22, $0x38;
	[tilespmem:$0x1E180] =	vst v63  }
0x147: {  	s15 =	sadd.s32 s13, s6;
	p1 =	sne.s32 s13, $0x1300;
	_ =	swait.ge [sflag:s25], $0x4000  }
0x148: {  	s13 =	sadd.s32 $0x100, s13;
	s15 =	sshrl.u32 s15, $0x3;
	[sflag:s25] =	ssyncset.done $0x0  }
0x149: {  	s15 =	smul.u32 $0xC00, s15;
	[sflag:s25] =	ssyncadd.s32 $0xFFFFC000  }
0x14a: {  	[spmem:s2] =	stream.indirect.scatter.add.f32 [tilespmem:s21], [sflag:$0x3], $0x80, s20, s26, $0xb8;
	[tilespmem:$0x1E180] =	vst v63  }
0x14b: {  	s15 =	sshrl.u32 s15, $0x3;
	_ =	swait.ge [sflag:s18], $0x4000  }
0x14c: {  	s15 =	sadd.s32 s5, s15;
	[sflag:s18] =	ssyncset.done $0x0  }
0x14d: {  	s15 =	sadd.s32 $0x80, s15;
	[sflag:s18] =	ssyncadd.s32 $0xFFFFC000  }
0x14e: {  	[tilespmem:s21], [sflag:$0x1] =	stream.strided.gather [hbm4b:s15+s22], $0x4000, s23, s22, $0x38;
	[tilespmem:$0x1E180] =	vst v63  }
0x14f: {  	_ =	swait.ge [sflag:s28], $0x4000  }
.Ltmp5:
0x150: {  	[sflag:s28] =	ssyncset.done $0x0;
	(pc) =	sbr.rel @p1 .LBB2_12-.Ltmp5, $4  }
0x151: {  	s15 =	sadd.s32 $0x80, s20;
	[sflag:s28] =	ssyncadd.s32 $0xFFFFC000  }
0x152: {  	[spmem:s2] =	stream.indirect.scatter.add.f32 [tilespmem:s24], [sflag:$0x3], $0x80, s15, s26, $0xb8;
	[tilespmem:$0x1E180] =	vst v63  }
0x153: {  	_ =	swait.ge [sflag:s18], $0x4000  }
0x154: {  	[sflag:s18] =	ssyncset.done $0x0  }
0x155: {  	[sflag:s18] =	ssyncadd.s32 $0xFFFFC000  }
0x156: {  	_ =	swait.ge [sflag:s25], $0x4000  }
0x157: {  	[sflag:s25] =	ssyncset.done $0x0  }
0x158: {  	s13 =	simm.s32 $0x2700;
	[sflag:s25] =	ssyncadd.s32 $0xFFFFC000  }
0x159: {  	[spmem:s2] =	stream.indirect.scatter.add.f32 [tilespmem:s21], [sflag:$0x3], $0x80, s13, s26, $0xb8;
	[tilespmem:$0x1E180] =	vst v63  }
0x15a: {  	_ =	swait.ge [sflag:s18], $0x4000  }
0x15b: {  	[sflag:s18] =	ssyncset.done $0x0  }
0x15c: {  	s15 =	rddreg [dreg:$0xf];
	[sflag:s18] =	ssyncadd.s32 $0xFFFFC000  }
0x15d: {  	[tilespmem:s21], [sflag:$0x3] =	stream.linear.gather [hbm4b:s15+s3], $0x400, $0x38;
	[tilespmem:$0x1E180] =	vst v63  }
0x15e: {  	_ =	swait.ge [sflag:s18], $0x400  }
0x15f: {  	[sflag:s18] =	ssyncset.done $0x0  }
0x160: {  	[sflag:s18] =	ssyncadd.s32 $0xFFFFFC00  }
0x161: {  	[spmem:s2] =	stream.indirect.scatter.add.f32 [tilespmem:s21], [sflag:$0x3], $0x80, s17, s10, $0xb8;
	[tilespmem:$0x1E180] =	vst v63  }
0x162: {  	_ =	swait.ge [sflag:s18], $0x400  }
0x163: {  	[sflag:s18] =	ssyncset.done $0x0  }
0x164: {  	[sflag:s18] =	ssyncadd.s32 $0xFFFFFC00  }
0x165: {  	[bflag:$0x0] =	sbarrier.arrive $0xFFFF  }
0x166: {  	s14 =	simm.s32 $0x180;
	s20 =	rddreg [dreg:$0x18]  }
0x167: {  	[hbm:s20@s14], [sflag:s12] =	dma.strided [spmem:s19@s26], $0x2700, s10, $0x10   }
0x168: {  	_ =	swait.ge [sflag:s18], $0x2700  }
0x169: {  	s13 =	simm.s32 @!p0 $0x8;
	s15 =	simm.s32 @!p0 $0x80;
	[sflag:s18] =	ssyncset.done $0x0  }
0x16a: {  	s14 =	simm.s32 @!p0 $0x180;
	s20 =	rddreg [dreg:$0x15];
	[sflag:s18] =	ssyncadd.s32 $0xFFFFD900  }
0x16b: {  	[hbm:s20@s14], [sflag:s12] =	dma.strided @!p0 [spmem:s16@s15], $0x100, s13, $0x10   }
0x16c: {  	s13 =	simm.s32 @!p0 $0x3  }
0x16d: {  	_ =	swait.ge @!p0 [sflag:s13], $0x100  }
0x16e: {  	[sflag:s13] =	ssyncset.done @!p0 $0x0  }
0x16f: {  	[sflag:s13] =	ssyncadd.s32 @!p0 $0xFFFFFF00  }
0x170: {  	s14 =	simm.s32 $0x200;
	s13 =	simm.s32 $0x0;
	[bflag:$0x0] =	sbarrier.arrive $0xFFFF  }
.LBB2_14:
0x171: {  	p1 =	sne.s32 s14, $0xFE00;
	[tilespmem:s13+$0x2970] =	vst v0  }
0x172: {  	[tilespmem:s13+$0x2900] =	vst v0  }
0x173: {  	[tilespmem:s13+$0x2910] =	vst v0  }
.Ltmp6:
0x174: {  	[tilespmem:s13+$0x2920] =	vst v0;
	(pc) =	sbr.rel @p1 .LBB2_14-.Ltmp6, $4  }
0x175: {  	[tilespmem:s13+$0x2930] =	vst v0  }
0x176: {  	[tilespmem:s13+$0x2940] =	vst v0  }
0x177: {  	[tilespmem:s13+$0x2950] =	vst v0  }
0x178: {  	[tilespmem:s13+$0x2960] =	vst v0;
	s13 =	sshra.s32 s14, $0x2;
	s14 =	sadd.s32 $0x200, s14  }
0x179: {  	[tilespmem:s13+$0x2970] =	vst v0  }
0x17a: {  	[tilespmem:s13+$0x2900] =	vst v0  }
0x17b: {  	[tilespmem:s13+$0x2910] =	vst v0  }
0x17c: {  	[tilespmem:s13+$0x2920] =	vst v0  }
0x17d: {  	[tilespmem:s13+$0x2930] =	vst v0  }
0x17e: {  	[tilespmem:s13+$0x2940] =	vst v0  }
0x17f: {  	[tilespmem:s13+$0x2950] =	vst v0  }
0x180: {  	[tilespmem:s13+$0x2960] =	vst v0  }
0x181: {  	[spmem:s11] =	stream.linear.scatter [tilespmem:s21], [sflag:$0x3], $0x4000, $0x38;
	[tilespmem:$0x1E180] =	vst v63  }
0x182: {  	_ =	swait.ge [sflag:s18], $0x4000  }
0x183: {  	[sflag:s18] =	ssyncset.done $0x0  }
0x184: {  	[sflag:s18] =	ssyncadd.s32 $0xFFFFC000  }
0x185: {  	[spmem:s0] =	stream.linear.scatter [tilespmem:s21], [sflag:$0x3], $0x4000, $0x38;
	[tilespmem:$0x1E180] =	vst v63  }
0x186: {  	_ =	swait.ge [sflag:s18], $0x4000  }
0x187: {  	[sflag:s18] =	ssyncset.done $0x0  }
0x188: {  	[sflag:s18] =	ssyncadd.s32 $0xFFFFC000  }
0x189: {  	[spmem:s1] =	stream.linear.scatter [tilespmem:s21], [sflag:$0x3], $0x4000, $0x38;
	[tilespmem:$0x1E180] =	vst v63  }
0x18a: {  	_ =	swait.ge [sflag:s18], $0x4000  }
0x18b: {  	[sflag:s18] =	ssyncset.done $0x0  }
0x18c: {  	[sflag:s18] =	ssyncadd.s32 $0xFFFFC000  }
0x18d: {  	[spmem:s7] =	stream.linear.scatter [tilespmem:s21], [sflag:$0x3], $0x4000, $0x38;
	[tilespmem:$0x1E180] =	vst v63  }
0x18e: {  	_ =	swait.ge [sflag:s18], $0x4000  }
0x18f: {  	[sflag:s18] =	ssyncset.done $0x0  }
0x190: {  	[sflag:s18] =	ssyncadd.s32 $0xFFFFC000  }
0x191: {  	[spmem:s8] =	stream.linear.scatter [tilespmem:s21], [sflag:$0x3], $0x3800, $0x38;
	[tilespmem:$0x1E180] =	vst v63  }
0x192: {  	_ =	swait.ge [sflag:s18], $0x3800  }
0x193: {  	[sflag:s18] =	ssyncset.done $0x0  }
0x194: {  	s13 =	simm.s32 @!p0 $0x2900;
	[sflag:s18] =	ssyncadd.s32 $0xFFFFC800  }
0x195: {  	[spmem:s9] =	stream.linear.scatter @!p0 [tilespmem:s13], [sflag:$0x3], $0x800, $0x38;
	[tilespmem:$0x1E180] =	vst v63  }
0x196: {  	s13 =	simm.s32 @!p0 $0x3  }
0x197: {  	_ =	swait.ge @!p0 [sflag:s13], $0x800  }
0x198: {  	[sflag:s13] =	ssyncset.done @!p0 $0x0  }
0x199: {  	[sflag:s13] =	ssyncadd.s32 @!p0 $0xFFFFF800  }
0x19a: {  	[bflag:$0x0] =	sbarrier.arrive $0xFFFF  }
0x19b: {  	s15 =	rddreg [dreg:$0x10]  }
0x19c: {  	[tilespmem:s21], [sflag:$0x1] =	stream.strided.gather [hbm4b:s15+s22], $0x4000, s23, s22, $0x38;
	[tilespmem:$0x1E180] =	vst v63  }
0x19d: {  	s14 =	rddreg [dreg:$0x1c]  }
0x19e: {  	[tilespmem:s24], [sflag:$0x2] =	stream.strided.gather [hbm4b:s14+s22], $0x4000, s23, s22, $0x38;
	[tilespmem:$0x1E180] =	vst v63  }
0x19f: {  	s20 =	sadd.s32 $0x100, s6;
	_ =	swait.ge [sflag:s25], $0x4000  }
0x1a0: {  	s13 =	sshrl.u32 s20, $0x3;
	[sflag:s25] =	ssyncset.done $0x0  }
0x1a1: {  	s20 =	simm.s32 $0x0;
	s13 =	smul.u32 $0xC00, s13;
	[sflag:s25] =	ssyncadd.s32 $0xFFFFC000  }
0x1a2: {  	[spmem:s2] =	stream.indirect.scatter.add.f32 [tilespmem:s21], [sflag:$0x3], $0x80, s20, s26, $0xb8;
	[tilespmem:$0x1E180] =	vst v63  }
0x1a3: {  	s13 =	sshrl.u32 s13, $0x3;
	_ =	swait.ge [sflag:s18], $0x4000  }
0x1a4: {  	s13 =	sadd.s32 s4, s13;
	[sflag:s18] =	ssyncset.done $0x0  }
0x1a5: {  	s13 =	sadd.s32 $0x100, s13;
	[sflag:s18] =	ssyncadd.s32 $0xFFFFC000  }
0x1a6: {  	[tilespmem:s21], [sflag:$0x1] =	stream.strided.gather [hbm4b:s13+s22], $0x4000, s23, s22, $0x38;
	[tilespmem:$0x1E180] =	vst v63  }
0x1a7: {  	_ =	swait.ge [sflag:s28], $0x4000  }
0x1a8: {  	[sflag:s28] =	ssyncset.done $0x0  }
0x1a9: {  	s15 =	simm.s32 $0x80;
	[sflag:s28] =	ssyncadd.s32 $0xFFFFC000  }
0x1aa: {  	[spmem:s2] =	stream.indirect.scatter.add.f32 [tilespmem:s24], [sflag:$0x3], $0x80, s15, s26, $0xb8;
	[tilespmem:$0x1E180] =	vst v63  }
0x1ab: {  	_ =	swait.ge [sflag:s18], $0x4000  }
0x1ac: {  	s13 =	simm.s32 $0x200;
	[sflag:s18] =	ssyncset.done $0x0  }
.LBB2_16:
0x1ad: {  	[sflag:s18] =	ssyncadd.s32 $0xFFFFC000;
	s20 =	sadd.s32 $0x100, s20;
	s14 =	sadd.s32 $0x3000, s14  }
0x1ae: {  	[tilespmem:s24], [sflag:$0x2] =	stream.strided.gather [hbm4b:s14+s22], $0x4000, s23, s22, $0x38;
	[tilespmem:$0x1E180] =	vst v63  }
0x1af: {  	s15 =	sadd.s32 s13, s6;
	p1 =	sne.s32 s13, $0x1300;
	_ =	swait.ge [sflag:s25], $0x4000  }
0x1b0: {  	s13 =	sadd.s32 $0x100, s13;
	s15 =	sshrl.u32 s15, $0x3;
	[sflag:s25] =	ssyncset.done $0x0  }
0x1b1: {  	s15 =	smul.u32 $0xC00, s15;
	[sflag:s25] =	ssyncadd.s32 $0xFFFFC000  }
0x1b2: {  	[spmem:s2] =	stream.indirect.scatter.add.f32 [tilespmem:s21], [sflag:$0x3], $0x80, s20, s26, $0xb8;
	[tilespmem:$0x1E180] =	vst v63  }
0x1b3: {  	s15 =	sshrl.u32 s15, $0x3;
	_ =	swait.ge [sflag:s18], $0x4000  }
0x1b4: {  	s15 =	sadd.s32 s4, s15;
	[sflag:s18] =	ssyncset.done $0x0  }
0x1b5: {  	s15 =	sadd.s32 $0x100, s15;
	[sflag:s18] =	ssyncadd.s32 $0xFFFFC000  }
0x1b6: {  	[tilespmem:s21], [sflag:$0x1] =	stream.strided.gather [hbm4b:s15+s22], $0x4000, s23, s22, $0x38;
	[tilespmem:$0x1E180] =	vst v63  }
0x1b7: {  	_ =	swait.ge [sflag:s28], $0x4000  }
.Ltmp7:
0x1b8: {  	[sflag:s28] =	ssyncset.done $0x0;
	(pc) =	sbr.rel @p1 .LBB2_16-.Ltmp7, $4  }
0x1b9: {  	s15 =	sadd.s32 $0x80, s20;
	[sflag:s28] =	ssyncadd.s32 $0xFFFFC000  }
0x1ba: {  	[spmem:s2] =	stream.indirect.scatter.add.f32 [tilespmem:s24], [sflag:$0x3], $0x80, s15, s26, $0xb8;
	[tilespmem:$0x1E180] =	vst v63  }
0x1bb: {  	_ =	swait.ge [sflag:s18], $0x4000  }
0x1bc: {  	[sflag:s18] =	ssyncset.done $0x0  }
0x1bd: {  	[sflag:s18] =	ssyncadd.s32 $0xFFFFC000  }
0x1be: {  	_ =	swait.ge [sflag:s25], $0x4000  }
0x1bf: {  	[sflag:s25] =	ssyncset.done $0x0  }
0x1c0: {  	s13 =	simm.s32 $0x1300;
	[sflag:s25] =	ssyncadd.s32 $0xFFFFC000  }
0x1c1: {  	[spmem:s2] =	stream.indirect.scatter.add.f32 [tilespmem:s21], [sflag:$0x3], $0x80, s13, s26, $0xb8;
	[tilespmem:$0x1E180] =	vst v63  }
0x1c2: {  	_ =	swait.ge [sflag:s18], $0x4000  }
0x1c3: {  	[sflag:s18] =	ssyncset.done $0x0  }
0x1c4: {  	s20 =	rddreg [dreg:$0x12];
	[sflag:s18] =	ssyncadd.s32 $0xFFFFC000  }
0x1c5: {  	[tilespmem:s21], [sflag:$0x3] =	stream.linear.gather [hbm4b:s20+s3], $0x400, $0x38;
	[tilespmem:$0x1E180] =	vst v63  }
0x1c6: {  	_ =	swait.ge [sflag:s18], $0x400  }
0x1c7: {  	[sflag:s18] =	ssyncset.done $0x0  }
0x1c8: {  	s14 =	simm.s32 $0x2800;
	[sflag:s18] =	ssyncadd.s32 $0xFFFFFC00  }
0x1c9: {  	[spmem:s2] =	stream.indirect.scatter.add.f32 [tilespmem:s21], [sflag:$0x3], $0x80, s14, s10, $0xb8;
	[tilespmem:$0x1E180] =	vst v63  }
0x1ca: {  	_ =	swait.ge [sflag:s18], $0x400  }
0x1cb: {  	[sflag:s18] =	ssyncset.done $0x0  }
0x1cc: {  	s15 =	rddreg [dreg:$0x11];
	[sflag:s18] =	ssyncadd.s32 $0xFFFFFC00  }
0x1cd: {  	[tilespmem:s21], [sflag:$0x1] =	stream.strided.gather [hbm4b:s15+s22], $0x4000, s23, s22, $0x38;
	[tilespmem:$0x1E180] =	vst v63  }
0x1ce: {  	s14 =	rddreg [dreg:$0x1d]  }
0x1cf: {  	[tilespmem:s24], [sflag:$0x2] =	stream.strided.gather [hbm4b:s14+s22], $0x4000, s23, s22, $0x38;
	[tilespmem:$0x1E180] =	vst v63  }
0x1d0: {  	s20 =	sadd.s32 $0x100, s6;
	_ =	swait.ge [sflag:s25], $0x4000  }
0x1d1: {  	s13 =	sshrl.u32 s20, $0x3;
	[sflag:s25] =	ssyncset.done $0x0  }
0x1d2: {  	s20 =	simm.s32 $0x1400;
	s13 =	smul.u32 $0xC00, s13;
	[sflag:s25] =	ssyncadd.s32 $0xFFFFC000  }
0x1d3: {  	[spmem:s2] =	stream.indirect.scatter.add.f32 [tilespmem:s21], [sflag:$0x3], $0x80, s20, s26, $0xb8;
	[tilespmem:$0x1E180] =	vst v63  }
0x1d4: {  	s13 =	sshrl.u32 s13, $0x3;
	_ =	swait.ge [sflag:s18], $0x4000  }
0x1d5: {  	s13 =	sadd.s32 s5, s13;
	[sflag:s18] =	ssyncset.done $0x0  }
0x1d6: {  	s13 =	sadd.s32 $0x100, s13;
	[sflag:s18] =	ssyncadd.s32 $0xFFFFC000  }
0x1d7: {  	[tilespmem:s21], [sflag:$0x1] =	stream.strided.gather [hbm4b:s13+s22], $0x4000, s23, s22, $0x38;
	[tilespmem:$0x1E180] =	vst v63  }
0x1d8: {  	_ =	swait.ge [sflag:s28], $0x4000  }
0x1d9: {  	[sflag:s28] =	ssyncset.done $0x0  }
0x1da: {  	s15 =	simm.s32 $0x1480;
	[sflag:s28] =	ssyncadd.s32 $0xFFFFC000  }
0x1db: {  	[spmem:s2] =	stream.indirect.scatter.add.f32 [tilespmem:s24], [sflag:$0x3], $0x80, s15, s26, $0xb8;
	[tilespmem:$0x1E180] =	vst v63  }
0x1dc: {  	_ =	swait.ge [sflag:s18], $0x4000  }
0x1dd: {  	s13 =	simm.s32 $0x200;
	[sflag:s18] =	ssyncset.done $0x0  }
.LBB2_18:
0x1de: {  	[sflag:s18] =	ssyncadd.s32 $0xFFFFC000;
	s20 =	sadd.s32 $0x100, s20;
	s14 =	sadd.s32 $0x3000, s14  }
0x1df: {  	[tilespmem:s24], [sflag:$0x2] =	stream.strided.gather [hbm4b:s14+s22], $0x4000, s23, s22, $0x38;
	[tilespmem:$0x1E180] =	vst v63  }
0x1e0: {  	s15 =	sadd.s32 s13, s6;
	p1 =	sne.s32 s13, $0x1300;
	_ =	swait.ge [sflag:s25], $0x4000  }
0x1e1: {  	s13 =	sadd.s32 $0x100, s13;
	s15 =	sshrl.u32 s15, $0x3;
	[sflag:s25] =	ssyncset.done $0x0  }
0x1e2: {  	s15 =	smul.u32 $0xC00, s15;
	[sflag:s25] =	ssyncadd.s32 $0xFFFFC000  }
0x1e3: {  	[spmem:s2] =	stream.indirect.scatter.add.f32 [tilespmem:s21], [sflag:$0x3], $0x80, s20, s26, $0xb8;
	[tilespmem:$0x1E180] =	vst v63  }
0x1e4: {  	s15 =	sshrl.u32 s15, $0x3;
	_ =	swait.ge [sflag:s18], $0x4000  }
0x1e5: {  	s15 =	sadd.s32 s5, s15;
	[sflag:s18] =	ssyncset.done $0x0  }
0x1e6: {  	s15 =	sadd.s32 $0x100, s15;
	[sflag:s18] =	ssyncadd.s32 $0xFFFFC000  }
0x1e7: {  	[tilespmem:s21], [sflag:$0x1] =	stream.strided.gather [hbm4b:s15+s22], $0x4000, s23, s22, $0x38;
	[tilespmem:$0x1E180] =	vst v63  }
0x1e8: {  	_ =	swait.ge [sflag:s28], $0x4000  }
.Ltmp8:
0x1e9: {  	[sflag:s28] =	ssyncset.done $0x0;
	(pc) =	sbr.rel @p1 .LBB2_18-.Ltmp8, $4  }
0x1ea: {  	s15 =	sadd.s32 $0x80, s20;
	[sflag:s28] =	ssyncadd.s32 $0xFFFFC000  }
0x1eb: {  	[spmem:s2] =	stream.indirect.scatter.add.f32 [tilespmem:s24], [sflag:$0x3], $0x80, s15, s26, $0xb8;
	[tilespmem:$0x1E180] =	vst v63  }
0x1ec: {  	_ =	swait.ge [sflag:s18], $0x4000  }
0x1ed: {  	[sflag:s18] =	ssyncset.done $0x0  }
0x1ee: {  	[sflag:s18] =	ssyncadd.s32 $0xFFFFC000  }
0x1ef: {  	_ =	swait.ge [sflag:s25], $0x4000  }
0x1f0: {  	[sflag:s25] =	ssyncset.done $0x0  }
0x1f1: {  	s13 =	simm.s32 $0x2700;
	[sflag:s25] =	ssyncadd.s32 $0xFFFFC000  }
0x1f2: {  	[spmem:s2] =	stream.indirect.scatter.add.f32 [tilespmem:s21], [sflag:$0x3], $0x80, s13, s26, $0xb8;
	[tilespmem:$0x1E180] =	vst v63  }
0x1f3: {  	_ =	swait.ge [sflag:s18], $0x4000  }
0x1f4: {  	[sflag:s18] =	ssyncset.done $0x0  }
0x1f5: {  	s14 =	rddreg [dreg:$0x13];
	[sflag:s18] =	ssyncadd.s32 $0xFFFFC000  }
0x1f6: {  	[tilespmem:s21], [sflag:$0x3] =	stream.linear.gather [hbm4b:s14+s3], $0x400, $0x38;
	[tilespmem:$0x1E180] =	vst v63  }
0x1f7: {  	_ =	swait.ge [sflag:s18], $0x400  }
0x1f8: {  	[sflag:s18] =	ssyncset.done $0x0  }
0x1f9: {  	s20 =	simm.s32 $0x2880;
	[sflag:s18] =	ssyncadd.s32 $0xFFFFFC00  }
0x1fa: {  	[spmem:s2] =	stream.indirect.scatter.add.f32 [tilespmem:s21], [sflag:$0x3], $0x80, s20, s10, $0xb8;
	[tilespmem:$0x1E180] =	vst v63  }
0x1fb: {  	_ =	swait.ge [sflag:s18], $0x400  }
0x1fc: {  	[sflag:s18] =	ssyncset.done $0x0  }
0x1fd: {  	[sflag:s18] =	ssyncadd.s32 $0xFFFFFC00  }
0x1fe: {  	[bflag:$0x0] =	sbarrier.arrive $0xFFFF  }
0x1ff: {  	s14 =	simm.s32 $0x180;
	s15 =	rddreg [dreg:$0x19]  }
0x200: {  	[hbm:s15@s14], [sflag:s12] =	dma.strided [spmem:s19@s26], $0x2700, s10, $0x10   }
0x201: {  	_ =	swait.ge [sflag:s18], $0x2700  }
0x202: {  	s13 =	simm.s32 @!p0 $0x8;
	s14 =	simm.s32 @!p0 $0x180;
	[sflag:s18] =	ssyncset.done $0x0  }
0x203: {  	s15 =	simm.s32 @!p0 $0x80;
	s19 =	rddreg [dreg:$0x16];
	[sflag:s18] =	ssyncadd.s32 $0xFFFFD900  }
0x204: {  	[hbm:s19@s14], [sflag:s12] =	dma.strided @!p0 [spmem:s16@s15], $0x100, s13, $0x10   }
0x205: {  	s12 =	simm.s32 @!p0 $0x3  }
0x206: {  	_ =	swait.ge @!p0 [sflag:s12], $0x100  }
0x207: {  	s29 =	sadd.s32 $0x1, s29;
	s19 =	rddreg [dreg:$0x17]  }
0x208: {  	p1 =	sne.s32 s29, s19  }
.Ltmp9:
0x209: {  	_ = 	snop;
	(pc) =	sbr.rel @p1 .LBB2_1-.Ltmp9, $3  }
0x20a: {  	[sflag:s12] =	ssyncset.done @!p0 $0x0  }
0x20b: {  	[sflag:s12] =	ssyncadd.s32 @!p0 $0xFFFFFF00  }
0x20c: {  	[bflag:$0x0] =	sbarrier.arrive $0xFFFF;
	_ =	sdelay $0x1  }
0x20d: {  	_ =	sfence.sel $0x180000  }
0x20e: {  	[bflag:$0x0] =	sbarrier.arrive $0xFFFF  }
0x20f: {  	_ =	strace $0x9000004A  }
0x210: {  	s0 =	stileid.u32;
	[bflag:$0x2] =	sbarrier.arrive $0xFFFF  }
0x211: {  	p0 =	sne.s32 s0, $0x0;
	s0 =	rddreg [dreg:$0x2]  }
0x212: {  	s0 =	sadd.s32 @!p0 $0x100000, s0  }
0x213: {  	[sflag:s0] =	ssyncadd.tile.s32 @!p0 $0x1;
	_ =	shalt  }
.Lfunc_end2:
_tile_overlayer_lowered:
.L_overlay_start_2:
0x214: {  	(tag) =	ssettag $0x2  }
0x215: {  	s0 =	rddreg [dreg:$0x0];
	s2 =	stileid.u32  }
0x216: {  	s1 =	rddreg [dreg:$0x1];
	p0 =	sne.s32 s2, $0x0  }
0x217: {  	s3 =	rddreg [dreg:$0x2];
	[bflag:$0x3] =	sbarrier.arrive $0xFFFF;
	s2 =	simm.s32 @!p0 $0x1C03  }
0x218: {  	[timem:s3], [sflag:s2] =	dma.local @!p0 [hbm:s0], s1  }
0x219: {  	s0 =	simm.s32 @!p0 $0x3  }
0x21a: {  	_ =	swait.ge @!p0 [sflag:s0], s1  }
0x21b: {  	s1 =	ssub.s32 @!p0 $0x0, s1;
	[sflag:s0] =	ssyncset.done @!p0 $0x0  }
0x21c: {  	[sflag:s0] =	ssyncadd.s32 @!p0 s1  }
0x21d: {  	[bflag:$0x3] =	sbarrier.arrive $0xFFFF  }
0x21e: {  	_ =	shalt  }

// kernel: kernel.7.cloned.1.call-start
scs
__scs_entry_jumppad:
0x0: {  	(pc) =	sbr.rel $0x88, $3  }
0x1: {  	(tag) =	ssettag $0x0;
	lr =	simm.s32 $0x1  }
0x2: {  	[smem:$0x3F96] =	sst lr;
	_ =	strace $0xD0000000  }
0x3: {  	_ = 	snop  }
0x4: {  	_ = 	snop  }
0x5: {  	_ = 	snop  }
0x6: {  	_ = 	snop  }
0x7: {  	_ = 	snop  }
__scs_overlays_trampoline_lowered:
0x8: {  	[smem:$0x3FA5] =	sst s0  }
0x9: {  	[smem:$0x3FA6] =	sst s1  }
0xa: {  	[smem:$0x3FA7] =	sst s2  }
0xb: {  	[smem:$0x3FA8] =	sst s3  }
0xc: {  	[smem:$0x3FA9] =	sst s4  }
0xd: {  	[smem:$0x3FAA] =	sst s5  }
0xe: {  	[smem:$0x3FAB] =	sst s6  }
0xf: {  	[smem:$0x3FAC] =	sst s7  }
0x10: {  	[smem:$0x3FAD] =	sst s8  }
0x11: {  	[smem:$0x3FAE] =	sst s9;
	s0 =	simm.s32 @!p0 $0x0  }
0x12: {  	s1 =	sld [smem:$0x3F94];
	s0 =	simm.s32 @p0 $0x1  }
0x13: {  	[smem:$0x3FAF] =	sst s0;
	s0 =	simm.s32 @!p1 $0x0  }
0x14: {  	s2 =	sld [smem:$0x3F93];
	s0 =	simm.s32 @p1 $0x1  }
0x15: {  	[smem:$0x3FB0] =	sst s0;
	s0 =	simm.s32 @!p2 $0x0  }
0x16: {  	s3 =	sld [smem:$0x3FDB];
	s0 =	simm.s32 @p2 $0x1  }
0x17: {  	s4 =	simm.s32 $0x1BF5;
	[smem:$0x3FB2] =	sst s0  }
0x18: {  	s0 =	sld [smem:$0x3F95];
	_ =	swait.ge [sflag:s4], $0x0  }
0x19: {  	s7 =	sld [smem:$0x3F96]  }
0x1a: {  	s8 =	sadd.s32 $0xFFFFE003, lr  }
0x1b: {  	s9 =	sadd.s32 $0xFFFFFEF7, lr;
	s5 =	simm.s32 $0xFFFFFFFF;
	p2 =	slt.u32 s8, $0xFFFFF086  }
0x1c: {  	p1 =	slt.u32 s9, $0xF7A;
	s5 =	simm.s32 @!p2 $0x0  }
0x1d: {  	s5 =	simm.s32 @p1 $0x1;
	p0 =	seq.s32 s7, s2  }
0x1e: {  	s7 =	smul.u32 @!p0 $0xF7A, s2;
	p2 =	seq.s32 @!p0 s5, $0x0  }
0x1f: {  	s9 =	smul.u32 $0xF7A, s1;
	s8 =	simm.s32 @!p0 $0x1BF5;
	p2 =	por !p2, p0  }
0x20: {  	[sflag:s8] =	ssyncset.s32 @!p0 $0xFFFFF086;
	s6 =	sadd.s32 @!p0 s3, s7;
	s7 =	simm.s32 @!p0 $0x108  }
0x21: {  	s3 =	sadd.s32 s3, s9;
	s6 =	sadd.s32 @!p0 $0x88, s6;
	s7 =	simm.s32 @p2 $0x1082  }
0x22: {  	[simem:s7], [sflag:s8] =	dma.local @!p0 [hbm:s6], $0xF7A  }
0x23: {  	s9 =	sor.u32 $0xD0000000, s2;
	s6 =	simm.s32 $0x108;
	_ =	swait.ge @!p0 [sflag:s8], $0x0  }
0x24: {  	s3 =	sadd.s32 $0x88, s3;
	s6 =	simm.s32 @!p1 $0x1082;
	[sflag:s4] =	ssyncset.s32 $0xFFFFF086  }
0x25: {  	[simem:s6], [sflag:s4] =	dma.local [hbm:s3], $0xF7A  }
0x26: {  	[smem:$0x3F96] =	sst s1;
	(tag) =	ssettag s2;
	_ =	strace s9  }
0x27: {  	s1 =	sld [smem:$0x3FA6]  }
0x28: {  	s2 =	sld [smem:$0x3FA7]  }
0x29: {  	s4 =	sld [smem:$0x3FA9]  }
0x2a: {  	p0 =	seq.s32 s5, $0x0;
	s5 =	sld [smem:$0x3FAA]  }
0x2b: {  	s6 =	sld [smem:$0x3FAB]  }
0x2c: {  	s7 =	sld [smem:$0x3FAC]  }
0x2d: {  	s3 =	simm.s32 $0x108;
	s8 =	sld [smem:$0x3FAD]  }
0x2e: {  	s3 =	simm.s32 @!p0 $0x1082;
	s9 =	sld [smem:$0x3FAE]  }
0x2f: {  	lr =	sadd.s32 s0, s3;
	s0 =	sld [smem:$0x3FA5]  }
0x30: {  	s3 =	sld [smem:$0x3FA8]  }
0x31: {  	[smem:$0x3FB1] =	sst s10  }
0x32: {  	s10 =	sld [smem:$0x3FAF];
	_ =	sdelay $0x3  }
0x33: {  	p0 =	seq.s32 s10, $0x1;
	s10 =	sld [smem:$0x3FB1];
	_ =	sdelay $0x3  }
0x34: {  	[smem:$0x3FB1] =	sst s10  }
0x35: {  	s10 =	sld [smem:$0x3FB0];
	_ =	sdelay $0x3  }
0x36: {  	p1 =	seq.s32 s10, $0x1;
	s10 =	sld [smem:$0x3FB1];
	_ =	sdelay $0x3  }
0x37: {  	[smem:$0x3FB1] =	sst s10  }
0x38: {  	s10 =	sld [smem:$0x3FB2]  }
0x39: {  	_ = 	snop;
	(pc) =	sbr.ind lr, $3  }
0x3a: {  	_ = 	snop  }
0x3b: {  	_ = 	snop  }
0x3c: {  	p2 =	seq.s32 s10, $0x1;
	s10 =	sld [smem:$0x3FB1]  }
0x3d: {  	_ =	shalt  }
0x3e: {  	_ =	shalt  }
0x3f: {  	_ =	shalt  }
0x40: {  	_ =	shalt  }
0x41: {  	_ =	shalt  }
0x42: {  	_ =	shalt  }
0x43: {  	_ =	shalt  }
0x44: {  	_ =	shalt  }
0x45: {  	_ =	shalt  }
0x46: {  	_ =	shalt  }
0x47: {  	_ =	shalt  }
0x48: {  	_ =	shalt  }
0x49: {  	_ =	shalt  }
0x4a: {  	_ =	shalt  }
0x4b: {  	_ =	shalt  }
0x4c: {  	_ =	shalt  }
0x4d: {  	_ =	shalt  }
0x4e: {  	_ =	shalt  }
0x4f: {  	_ =	shalt  }
0x50: {  	_ =	shalt  }
0x51: {  	_ =	shalt  }
0x52: {  	_ =	shalt  }
0x53: {  	_ =	shalt  }
0x54: {  	_ =	shalt  }
0x55: {  	_ =	shalt  }
0x56: {  	_ =	shalt  }
0x57: {  	_ =	shalt  }
0x58: {  	_ =	shalt  }
0x59: {  	_ =	shalt  }
0x5a: {  	_ =	shalt  }
0x5b: {  	_ =	shalt  }
0x5c: {  	_ =	shalt  }
0x5d: {  	_ =	shalt  }
0x5e: {  	_ =	shalt  }
0x5f: {  	_ =	shalt  }
0x60: {  	_ =	shalt  }
0x61: {  	_ =	shalt  }
0x62: {  	_ =	shalt  }
0x63: {  	_ =	shalt  }
0x64: {  	_ =	shalt  }
0x65: {  	_ =	shalt  }
0x66: {  	_ =	shalt  }
0x67: {  	_ =	shalt  }
0x68: {  	_ =	shalt  }
0x69: {  	_ =	shalt  }
0x6a: {  	_ =	shalt  }
0x6b: {  	_ =	shalt  }
0x6c: {  	_ =	shalt  }
0x6d: {  	_ =	shalt  }
0x6e: {  	_ =	shalt  }
0x6f: {  	_ =	shalt  }
0x70: {  	_ =	shalt  }
0x71: {  	_ =	shalt  }
0x72: {  	_ =	shalt  }
0x73: {  	_ =	shalt  }
0x74: {  	_ =	shalt  }
0x75: {  	_ =	shalt  }
0x76: {  	_ =	shalt  }
0x77: {  	_ =	shalt  }
0x78: {  	_ =	shalt  }
0x79: {  	_ =	shalt  }
0x7a: {  	_ =	shalt  }
0x7b: {  	_ =	shalt  }
0x7c: {  	_ =	shalt  }
0x7d: {  	_ =	shalt  }
0x7e: {  	_ =	shalt  }
0x7f: {  	_ =	shalt  }
0x80: {  	_ =	shalt  }
0x81: {  	_ =	shalt  }
0x82: {  	_ =	shalt  }
0x83: {  	_ =	shalt  }
0x84: {  	_ =	shalt  }
0x85: {  	_ =	shalt  }
0x86: {  	_ =	shalt  }
0x87: {  	_ =	shalt  }
.Lfunc_end0:
.L_simem_size_0:
called_computation_lowered:
.L_overlay_start_0:
0x88: {  	s2 =	sld [smem:$0x3FD9]  }
0x89: {  	s3 =	sld [smem:$0x3FFE];
	_ =	sdelay $0x1  }
0x8a: {  	s1 =	srdreg.scid  }
0x8b: {  	s0 =	sand.u32 $0x1, s1  }
0x8c: {  	s14 =	sshll.u32 s0, $0xA;
	s2 =	sadd.s32 s3, s2  }
0x8d: {  	s2 =	sadd.s32 s2, s14  }
0x8e: {  	[smem:$0x3FBD] =	sst s2  }
0x8f: {  	_ = 	snop  }
0x90: {  	s2 =	sld [smem:$0x3FD0];
	_ =	sdelay $0x2  }
0x91: {  	s15 =	simm.s32 $0xA;
	s4 =	simm.s32 $0x10  }
0x92: {  	[smem:s4], [sflag:s15] =	dma.local [hbm:s2], $0x1  }
0x93: {  	_ =	swait.eq [sflag:s15], $0x1  }
0x94: {  	[sflag:s15] =	ssyncset.done $0x0  }
0x95: {  	s16 =	sld [smem:$0x10];
	[sflag:s15] =	ssyncadd.s32 $0xFFFFFFFF  }
0x96: {  	s17 =	sld [smem:$0x11];
	(tm) =	ssettm $0x1  }
0x97: {  	s18 =	sld [smem:$0x3FFB];
	_ =	sdelay $0x3  }
0x98: {  	_ =	strace s18  }
0x99: {  	s4 =	sld [smem:$0x3FFC];
	_ =	sdelay $0x3  }
0x9a: {  	_ =	strace s4  }
0x9b: {  	s4 =	sld [smem:$0x3FFD];
	_ =	sdelay $0x3  }
0x9c: {  	_ =	strace s4  }
0x9d: {  	_ =	strace $0x8FFFFFFF  }
0x9e: {  	s19 =	sld [smem:$0x3FDB];
	_ =	sdelay $0x1  }
0x9f: {  	s5 =	simm.s32 $_scs_section_size  }
0xa0: {  	s6 =	simm.s32 $_size__tile_overlayer_lowered;
	s7 =	simm.s32 $_tile_overlayer_lowered  }
0xa1: {  	s22 =	simm.s32 $0x1BFF;
	s21 =	sshll.u32 s7, $0x1;
	s4 =	sadd.s32 s5, s19  }
0xa2: {  	s8 =	simm.s32 $0x0;
	s20 =	sshll.u32 s6, $0x1;
	s6 =	sadd.s32 s21, s4  }
0xa3: {  	[timem:s8], [sflag:s22] =	dma.local [hbm:s6], s20  }
0xa4: {  	_ =	swait.ge [sflag:s22], s20  }
0xa5: {  	s5 =	ssub.s32 $0x0, s20;
	[sflag:s22] =	ssyncset.done $0x0  }
0xa6: {  	[sflag:s22] =	ssyncadd.s32 s5;
	_ =	sdelay $0x1  }
0xa7: {  	s23 =	simm.s32 $0x1B8B  }
0xa8: {  	_ =	swait.ge [sflag:s23], $0x1  }
0xa9: {  	[sflag:s23] =	ssyncset.done $0x0  }
0xaa: {  	s25 =	simm.s32 $0x1B8E;
	s24 =	sld [smem:$0x3FFE];
	[sflag:s23] =	ssyncadd.s32 $0xFFFFFFFF  }
0xab: {  	s26 =	simm.s32 $execute0_lowered;
	[smem:$0x3FD2] =	sst s25  }
0xac: {  	s6 =	sshll.u32 s26, $0x1;
	_ =	strace $0x80000046;
	[dreg:$0x1] =	wrdreg $0xFFFFFFFF  }
0xad: {  	s28 =	simm.s32 $_size_execute0_lowered;
	s4 =	sadd.s32 s4, s6;
	[dreg:$0x0] =	wrdreg $0x0  }
0xae: {  	s6 =	sshll.u32 s28, $0x1;
	[dreg:$0x2] =	wrdreg s4  }
0xaf: {  	[dreg:$0x3] =	wrdreg s6  }
0xb0: {  	[dreg:$0x4] =	wrdreg $0xC0  }
0xb1: {  	_ =	task [dreg:s8], $0x5FFFF  }
0xb2: {  	[dreg:$0x1] =	wrdreg $0xFFFFFFFF  }
0xb3: {  	[dreg:$0x0] =	wrdreg $0x60  }
0xb4: {  	[dreg:$0x2] =	wrdreg s17  }
0xb5: {  	[dreg:$0x3] =	wrdreg s16  }
0xb6: {  	[dreg:$0x4] =	wrdreg s24  }
0xb7: {  	[dreg:$0x5] =	wrdreg $0x9  }
0xb8: {  	_ =	task.clear_ibuf [dreg:s8], $0x6FFFF;
	_ =	strace $0x90000046  }
0xb9: {  	s29 =	simm.s32 $0x9;
	_ =	strace $0x80000048  }
0xba: {  	_ =	swait.ge [sflag:s29], $0x1  }
0xbb: {  	[sflag:s29] =	ssyncadd.s32 $0xFFFFFFFF  }
0xbc: {  	_ =	strace $0x90000048  }
0xbd: {  	_ =	sfence  }
0xbe: {  	s30 =	sld [smem:$0x0];
	_ =	sdelay $0x2  }
0xbf: {  	s31 =	sshll.u32 s1, $0xD;
	s1 =	sshrl.u32 s1, $0x2  }
0xc0: {  	s3 =	sand.u32 $0x4000, s31;
	s1 =	sadd.s32 s1, s30  }
0xc1: {  	s0 =	sor.u32 s3, s0;
	s1 =	sshll.u32 s1, $0x11  }
0xc2: {  	s0 =	sor.u32 s1, s0  }
0xc3: {  	s0 =	sadd.s32 $0x8F2B, s0  }
0xc4: {  	[sflag:s0] =	ssyncadd.remote.s32 $0x1  }
0xc5: {  	_ =	sfence.sel $0xFFFF  }
0xc6: {  	[dreg:$0x0] =	wrdreg $0xFFFFFFFF;
	(pc) =	sbr.abs _section_cstart, $3  }
0xc7: {  	[dreg:$0x1] =	wrdreg $0xFFFFFFFF  }
0xc8: {  	_ =	task.clear_ibuf [dreg:s8], $0x2FFFF;
	_ =	strace $0x9FFFFFFF  }
0xc9: {  	(tm) =	ssettm $0x7FFFFFFF  }
tec
execute0_lowered:
.L_overlay_start_1:
0x0: {  	(tag) =	ssettag $0x1  }
0x1: {  	s1 =	rddreg [dreg:$0x0]  }
0x2: {  	s0 =	rddreg [dreg:$0x1]  }
0x3: {  	s2 =	rddreg [dreg:$0x2]  }
0x4: {  	s4 =	srdreg.scid;
	s10 =	stileid.u32  }
0x5: {  	s3 =	simm.s32 $0x0;
	s20 =	simm.s32 $0x5100;
	s30 =	simm.s32 $0x5900  }
0x6: {  	s31 =	simm.s32 $0xB100;
	s19 =	simm.s32 $0x1AD00;
	s16 =	simm.s32 $0x2  }
0x7: {  	s28 =	simm.s32 $0x7;
	s29 =	simm.s32 $0x8;
	s18 =	simm.s32 $0x11900  }
0x8: {  	s4 =	sand.u32 $0x1, s4;
	s5 =	sshll.u32 s10, $0x1;
	s10 =	smul.u32 $0x2710, s10  }
0x9: {  	[smem:$0x7FF] =	sst s3;
	s5 =	sor.u32 s4, s5;
	s21 =	smul.u32 $0x1388, s4  }
0xa: {  	s9 =	sadd.s32 $0x1600, s2;
	_ =	strace $0x80000047;
	s7 =	smul.u32 $0x2800, s5  }
0xb: {  	s8 =	ssub.s32 $0x2, s4;
	s6 =	sshll.u32 s5, $0x4;
	s5 =	smul.u32 $0x1388, s5  }
0xc: {  	s11 =	sshrl.u32 s8, $0x1;
	s6 =	sadd.s32 s6, s2;
	s2 =	sadd.s32 $0x754600, s2  }
0xd: {  	s22 =	ssub.s32 s8, s11;
	s8 =	sadd.s32 $0x100, s1;
	s11 =	simm.s32 $0x1CD00  }
0xe: {  	s7 =	sshrl.u32 s7, $0x3;
	s23 =	sadd.s32 $0x1200, s6;
	s5 =	sshrl.u32 s5, $0x3  }
0xf: {  	s6 =	sadd.s32 $0x1400, s6;
	s4 =	smax.u32 s22, $0x1;
	[dreg:$0x6] =	wrdreg s23  }
0x10: {  	s22 =	simm.s32 $0x3;
	s7 =	sadd.s32 s0, s7;
	[dreg:$0x7] =	wrdreg s6  }
0x11: {  	s0 =	sadd.s32 s21, s10;
	s5 =	smul.u32 $0x180, s5;
	[dreg:$0xa] =	wrdreg s4  }
0x12: {  	s21 =	simm.s32 $0x1C100;
	s10 =	simm.s32 $0x1C500;
	s4 =	simm.s32 $0x1  }
0x13: {  	s23 =	simm.s32 $0x4;
	s6 =	simm.s32 $0x0;
	[dreg:$0x4] =	wrdreg s7  }
0x14: {  	s7 =	sadd.s32 $0xA000, s7;
	s24 =	sshrl.u32 s0, $0x3;
	s0 =	sadd.s32 $0x40, s0  }
0x15: {  	[dreg:$0x5] =	wrdreg s7;
	s25 =	smul.u32 $0x180, s24;
	s5 =	sadd.s32 $0x3A800, s5  }
0x16: {  	s0 =	sshrl.u32 s0, $0x3;
	s7 =	simm.s32 $0x1B500;
	s26 =	sadd.s32 s9, s5  }
.Ltmp0:
0x17: {  	s5 =	sadd.s32 s2, s5;
	[dreg:$0x8] =	wrdreg s26;
	(pc) =	sbr.rel .LBB2_1-.Ltmp0, $4  }
0x18: {  	s24 =	simm.s32 $0x5;
	s0 =	smul.u32 $0x180, s0;
	[dreg:$0x9] =	wrdreg s5  }
0x19: {  	v2 =	vlaneseq.u32;
	s12 =	sadd.s32 s25, s2;
	s13 =	sadd.s32 s25, s9;
	s5 =	simm.s32 $0x11100  }
0x1a: {  	vm0 =	vmmov $0xffff;
	vm1 =	vmmov $0xff;
	v1 =	vshrl.u32 v2, $0x3;
	s25 =	simm.s32 $0x17100;
	s26 =	simm.s32 $0x6;
	s14 =	sadd.s32 s0, s2  }
0x1b: {  	v0 =	vand.u32 $0x7, v2;
	v2 =	vor.u32 $0x8, v2;
	v1 =	vmul.u32 $0x8, v1;
	s15 =	sadd.s32 s0, s9;
	s2 =	simm.s32 $0x9;
	s9 =	simm.s32 $0x1B900  }
.LBB2_4:
0x1c: {  	_ =	swait.ge [sflag:s26], $0x6000  }
0x1d: {  	[sflag:s26] =	ssyncset.done $0x0  }
0x1e: {  	[sflag:s26] =	ssyncadd.s32 $0xFFFFA000  }
0x1f: {  	_ =	swait.ge [sflag:s28], $0x6000  }
0x20: {  	[sflag:s28] =	ssyncset.done $0x0  }
0x21: {  	[sflag:s28] =	ssyncadd.s32 $0xFFFFA000  }
0x22: {  	_ =	swait.ge [sflag:s29], $0x6000  }
0x23: {  	[sflag:s29] =	ssyncset.done $0x0  }
0x24: {  	[sflag:s29] =	ssyncadd.s32 $0xFFFFA000  }
0x25: {  	v3 =	vld.msk [tilespmem:$0x5000], $0xff;
	_ =	sdelay $0x4  }
0x26: {  	v4 =	vshrl.u32 v3, $0x3  }
0x27: {  	v4 =	vmul.u32 $0x18, v4  }
0x28: {  	v3 =	vand.u32 $0x7, v3  }
0x29: {  	v3 =	vor.u32 v3, v4  }
0x2a: {  	v3 =	vperm.xlane v3, v0;
	_ =	sdelay $0x1  }
0x2b: {  	v3 =	vadd.s32 v1, v3;
	_ =	sdelay $0x4  }
0x2c: {  	[tilespmem:s20], [sflag:$0x1] =	stream.indirect_vreg.gather [hbm4b:s1+s3], $0x80, v3, vm0, $0xb8;
	[tilespmem:$0x1D100] =	vst v63  }
0x2d: {  	s30 =	simm.s32 $0x5900  }
0x2e: {  	[tilespmem:s30], [sflag:$0x1] =	stream.indirect_vreg.gather [hbm4b:s8+s3], $0x80, v3, vm1, $0xb8;
	[tilespmem:$0x1D100] =	vst v63  }
0x2f: {  	v3 =	vld.msk [tilespmem:$0x5080], $0xff;
	_ =	sdelay $0x4  }
0x30: {  	v63 =	vshrl.u32 v3, $0x3  }
0x31: {  	v4 =	vmul.u32 $0x18, v63  }
0x32: {  	v3 =	vand.u32 $0x7, v3  }
0x33: {  	v3 =	vor.u32 v3, v4  }
0x34: {  	v3 =	vperm.xlane v3, v0;
	_ =	sdelay $0x1  }
0x35: {  	v3 =	vadd.s32 v1, v3;
	_ =	sdelay $0x4  }
0x36: {  	[tilespmem:s5], [sflag:$0x2] =	stream.indirect_vreg.gather [hbm4b:s1+s3], $0x80, v3, vm0, $0xb8;
	[tilespmem:$0x1D100] =	vst v63  }
0x37: {  	s0 =	simm.s32 $0x11900  }
0x38: {  	[tilespmem:s0], [sflag:$0x2] =	stream.indirect_vreg.gather [hbm4b:s8+s3], $0x80, v3, vm1, $0xb8;
	[tilespmem:$0x1D100] =	vst v63  }
0x39: {  	_ =	swait.ge [sflag:s4], $0xC00  }
0x3a: {  	[sflag:s4] =	ssyncset.done $0x0  }
0x3b: {  	s2 =	rddreg [dreg:$0x8];
	[sflag:s4] =	ssyncadd.s32 $0xFFFFF400  }
0x3c: {  	[hbm4b:s2+s3] =	stream.linear.scatter [tilespmem:s20], [sflag:$0x9], $0xC00, $0x38;
	[tilespmem:$0x1D100] =	vst v63  }
0x3d: {  	s2 =	simm.s32 $0x9  }
0x3e: {  	_ =	swait.ge [sflag:s2], $0xC00  }
0x3f: {  	[sflag:s2] =	ssyncset.done $0x0  }
0x40: {  	[sflag:s2] =	ssyncadd.s32 $0xFFFFF400  }
0x41: {  	_ =	swait.ge [sflag:s16], $0xC00  }
0x42: {  	[sflag:s16] =	ssyncset.done $0x0  }
0x43: {  	s6 =	rddreg [dreg:$0x9];
	[sflag:s16] =	ssyncadd.s32 $0xFFFFF400  }
0x44: {  	[hbm4b:s6+s3] =	stream.linear.scatter [tilespmem:s5], [sflag:$0x9], $0xC00, $0x38;
	[tilespmem:$0x1D100] =	vst v63  }
0x45: {  	_ =	swait.ge [sflag:s2], $0xC00  }
0x46: {  	s6 =	rddreg [dreg:$0xb]  }
0x47: {  	s17 =	rddreg [dreg:$0xa];
	s6 =	sadd.s32 $0x1, s6  }
0x48: {  	p0 =	sne.s32 s6, s17  }
.Ltmp1:
0x49: {  	_ = 	snop;
	(pc) =	sbr.rel @!p0 .LBB2_5-.Ltmp1, $3  }
0x4a: {  	_ =	sdelay $0x1  }
0x4b: {  	[sflag:s2] =	ssyncset.done $0x0  }
0x4c: {  	[sflag:s2] =	ssyncadd.s32 $0xFFFFF400  }
.LBB2_1:
0x4d: {  	[dreg:$0xb] =	wrdreg s6  }
0x4e: {  	s0 =	rddreg [dreg:$0x4]  }
0x4f: {  	[tilespmem:s3], [sflag:$0x9] =	stream.linear.gather [hbm4b:s0+s3], $0x2700, $0x38;
	[tilespmem:$0x1D100] =	vst v63  }
0x50: {  	_ =	swait.ge [sflag:s2], $0x2700  }
0x51: {  	[sflag:s2] =	ssyncset.done $0x0  }
0x52: {  	s17 =	simm.s32 $0x2800;
	s6 =	rddreg [dreg:$0x5];
	[sflag:s2] =	ssyncadd.s32 $0xFFFFD900  }
0x53: {  	[tilespmem:s17], [sflag:$0x9] =	stream.linear.gather [hbm4b:s6+s3], $0x2700, $0x38;
	[tilespmem:$0x1D100] =	vst v63  }
0x54: {  	_ =	swait.ge [sflag:s2], $0x2700  }
0x55: {  	[sflag:s2] =	ssyncset.done $0x0  }
0x56: {  	s6 =	simm.s32 $0x5000;
	s17 =	rddreg [dreg:$0x6];
	[sflag:s2] =	ssyncadd.s32 $0xFFFFD900  }
0x57: {  	[tilespmem:s6], [sflag:$0x9] =	stream.linear.gather [hbm4b:s17+s3], $0x80, $0x38;
	[tilespmem:$0x1D100] =	vst v63  }
0x58: {  	_ =	swait.ge [sflag:s2], $0x80  }
0x59: {  	[sflag:s2] =	ssyncset.done $0x0  }
0x5a: {  	s6 =	simm.s32 $0x5080;
	s17 =	rddreg [dreg:$0x7];
	[sflag:s2] =	ssyncadd.s32 $0xFFFFFF80  }
0x5b: {  	[tilespmem:s6], [sflag:$0x9] =	stream.linear.gather [hbm4b:s17+s3], $0x80, $0x38;
	[tilespmem:$0x1D100] =	vst v63  }
0x5c: {  	_ =	swait.ge [sflag:s2], $0x80  }
0x5d: {  	[sflag:s2] =	ssyncset.done $0x0  }
0x5e: {  	[sflag:s2] =	ssyncadd.s32 $0xFFFFFF80  }
0x5f: {  	v3 =	vld [tilespmem:$0x0];
	_ =	sdelay $0x4  }
0x60: {  	v4 =	vshrl.u32 v3, $0x3  }
0x61: {  	v4 =	vmul.u32 $0x18, v4  }
0x62: {  	v3 =	vand.u32 $0x7, v3  }
0x63: {  	v3 =	vor.u32 v3, v4  }
0x64: {  	v4 =	vperm.xlane v3, v0;
	_ =	sdelay $0x1  }
0x65: {  	v4 =	vadd.s32 v1, v4;
	_ =	sdelay $0x1  }
0x66: {  	v3 =	vperm.xlane v3, v2;
	_ =	sdelay $0x1  }
0x67: {  	v3 =	vadd.s32 v1, v3  }
0x68: {  	[tilespmem:s20], [sflag:$0x1] =	stream.indirect_vreg.gather [hbm4b:s1+s3], $0x80, v4, vm0, $0xb8;
	[tilespmem:$0x1D100] =	vst v63  }
0x69: {  	_ = 	snop  }
0x6a: {  	[tilespmem:s30], [sflag:$0x1] =	stream.indirect_vreg.gather [hbm4b:s8+s3], $0x80, v4, vm1, $0xb8;
	[tilespmem:$0x1D100] =	vst v63  }
0x6b: {  	s17 =	simm.s32 $0x5D00  }
0x6c: {  	[tilespmem:s17], [sflag:$0x1] =	stream.indirect_vreg.gather [hbm4b:s1+s3], $0x80, v3, vm0, $0xb8;
	[tilespmem:$0x1D100] =	vst v63  }
0x6d: {  	s17 =	simm.s32 $0x6500  }
0x6e: {  	[tilespmem:s17], [sflag:$0x1] =	stream.indirect_vreg.gather [hbm4b:s8+s3], $0x80, v3, vm1, $0xb8;
	[tilespmem:$0x1D100] =	vst v63  }
0x6f: {  	v3 =	vld [tilespmem:$0x10];
	_ =	sdelay $0x4  }
0x70: {  	v49 =	vshrl.u32 v3, $0x3  }
0x71: {  	v4 =	vmul.u32 $0x18, v49  }
0x72: {  	v3 =	vand.u32 $0x7, v3  }
0x73: {  	v3 =	vor.u32 v3, v4  }
0x74: {  	v4 =	vperm.xlane v3, v0;
	_ =	sdelay $0x1  }
0x75: {  	v4 =	vadd.s32 v1, v4;
	_ =	sdelay $0x1  }
0x76: {  	v3 =	vperm.xlane v3, v2;
	_ =	sdelay $0x1  }
0x77: {  	s17 =	simm.s32 $0x6900;
	v3 =	vadd.s32 v1, v3  }
0x78: {  	[tilespmem:s17], [sflag:$0x1] =	stream.indirect_vreg.gather [hbm4b:s1+s3], $0x80, v4, vm0, $0xb8;
	[tilespmem:$0x1D100] =	vst v63  }
0x79: {  	s17 =	simm.s32 $0x7100  }
0x7a: {  	[tilespmem:s17], [sflag:$0x1] =	stream.indirect_vreg.gather [hbm4b:s8+s3], $0x80, v4, vm1, $0xb8;
	[tilespmem:$0x1D100] =	vst v63  }
0x7b: {  	s17 =	simm.s32 $0x7500  }
0x7c: {  	[tilespmem:s17], [sflag:$0x1] =	stream.indirect_vreg.gather [hbm4b:s1+s3], $0x80, v3, vm0, $0xb8;
	[tilespmem:$0x1D100] =	vst v63  }
0x7d: {  	s17 =	simm.s32 $0x7D00  }
0x7e: {  	[tilespmem:s17], [sflag:$0x1] =	stream.indirect_vreg.gather [hbm4b:s8+s3], $0x80, v3, vm1, $0xb8;
	[tilespmem:$0x1D100] =	vst v63  }
0x7f: {  	v3 =	vld [tilespmem:$0x20];
	_ =	sdelay $0x4  }
0x80: {  	v50 =	vshrl.u32 v3, $0x3  }
0x81: {  	v4 =	vmul.u32 $0x18, v50  }
0x82: {  	v3 =	vand.u32 $0x7, v3  }
0x83: {  	v3 =	vor.u32 v3, v4  }
0x84: {  	v4 =	vperm.xlane v3, v0;
	_ =	sdelay $0x1  }
0x85: {  	v4 =	vadd.s32 v1, v4;
	_ =	sdelay $0x1  }
0x86: {  	v3 =	vperm.xlane v3, v2;
	_ =	sdelay $0x1  }
0x87: {  	s17 =	simm.s32 $0x8100;
	v3 =	vadd.s32 v1, v3  }
0x88: {  	[tilespmem:s17], [sflag:$0x1] =	stream.indirect_vreg.gather [hbm4b:s1+s3], $0x80, v4, vm0, $0xb8;
	[tilespmem:$0x1D100] =	vst v63  }
0x89: {  	s17 =	simm.s32 $0x8900  }
0x8a: {  	[tilespmem:s17], [sflag:$0x1] =	stream.indirect_vreg.gather [hbm4b:s8+s3], $0x80, v4, vm1, $0xb8;
	[tilespmem:$0x1D100] =	vst v63  }
0x8b: {  	s17 =	simm.s32 $0x8D00  }
0x8c: {  	[tilespmem:s17], [sflag:$0x1] =	stream.indirect_vreg.gather [hbm4b:s1+s3], $0x80, v3, vm0, $0xb8;
	[tilespmem:$0x1D100] =	vst v63  }
0x8d: {  	s17 =	simm.s32 $0x9500  }
0x8e: {  	[tilespmem:s17], [sflag:$0x1] =	stream.indirect_vreg.gather [hbm4b:s8+s3], $0x80, v3, vm1, $0xb8;
	[tilespmem:$0x1D100] =	vst v63  }
0x8f: {  	v3 =	vld [tilespmem:$0x30];
	_ =	sdelay $0x4  }
0x90: {  	v51 =	vshrl.u32 v3, $0x3  }
0x91: {  	v4 =	vmul.u32 $0x18, v51  }
0x92: {  	v3 =	vand.u32 $0x7, v3  }
0x93: {  	v3 =	vor.u32 v3, v4  }
0x94: {  	v4 =	vperm.xlane v3, v0;
	_ =	sdelay $0x1  }
0x95: {  	v4 =	vadd.s32 v1, v4;
	_ =	sdelay $0x1  }
0x96: {  	v3 =	vperm.xlane v3, v2;
	_ =	sdelay $0x1  }
0x97: {  	s17 =	simm.s32 $0x9900;
	v3 =	vadd.s32 v1, v3  }
0x98: {  	[tilespmem:s17], [sflag:$0x1] =	stream.indirect_vreg.gather [hbm4b:s1+s3], $0x80, v4, vm0, $0xb8;
	[tilespmem:$0x1D100] =	vst v63  }
0x99: {  	s17 =	simm.s32 $0xA100  }
0x9a: {  	[tilespmem:s17], [sflag:$0x1] =	stream.indirect_vreg.gather [hbm4b:s8+s3], $0x80, v4, vm1, $0xb8;
	[tilespmem:$0x1D100] =	vst v63  }
0x9b: {  	s17 =	simm.s32 $0xA500  }
0x9c: {  	[tilespmem:s17], [sflag:$0x1] =	stream.indirect_vreg.gather [hbm4b:s1+s3], $0x80, v3, vm0, $0xb8;
	[tilespmem:$0x1D100] =	vst v63  }
0x9d: {  	s17 =	simm.s32 $0xAD00  }
0x9e: {  	[tilespmem:s17], [sflag:$0x1] =	stream.indirect_vreg.gather [hbm4b:s8+s3], $0x80, v3, vm1, $0xb8;
	[tilespmem:$0x1D100] =	vst v63  }
0x9f: {  	v3 =	vld [tilespmem:$0x2800];
	_ =	sdelay $0x4  }
0xa0: {  	v52 =	vshrl.u32 v3, $0x3  }
0xa1: {  	v4 =	vmul.u32 $0x18, v52  }
0xa2: {  	v3 =	vand.u32 $0x7, v3  }
0xa3: {  	v3 =	vor.u32 v3, v4  }
0xa4: {  	v4 =	vperm.xlane v3, v0;
	_ =	sdelay $0x1  }
0xa5: {  	v4 =	vadd.s32 v1, v4;
	_ =	sdelay $0x1  }
0xa6: {  	v3 =	vperm.xlane v3, v2;
	_ =	sdelay $0x1  }
0xa7: {  	v3 =	vadd.s32 v1, v3  }
0xa8: {  	[tilespmem:s5], [sflag:$0x2] =	stream.indirect_vreg.gather [hbm4b:s1+s3], $0x80, v4, vm0, $0xb8;
	[tilespmem:$0x1D100] =	vst v63  }
0xa9: {  	s2 =	simm.s32 $0x11900  }
0xaa: {  	[tilespmem:s2], [sflag:$0x2] =	stream.indirect_vreg.gather [hbm4b:s8+s3], $0x80, v4, vm1, $0xb8;
	[tilespmem:$0x1D100] =	vst v63  }
0xab: {  	s2 =	simm.s32 $0x11D00  }
0xac: {  	[tilespmem:s2], [sflag:$0x2] =	stream.indirect_vreg.gather [hbm4b:s1+s3], $0x80, v3, vm0, $0xb8;
	[tilespmem:$0x1D100] =	vst v63  }
0xad: {  	s17 =	simm.s32 $0x12500  }
0xae: {  	[tilespmem:s17], [sflag:$0x2] =	stream.indirect_vreg.gather [hbm4b:s8+s3], $0x80, v3, vm1, $0xb8;
	[tilespmem:$0x1D100] =	vst v63  }
0xaf: {  	v3 =	vld [tilespmem:$0x2810];
	_ =	sdelay $0x4  }
0xb0: {  	v53 =	vshrl.u32 v3, $0x3  }
0xb1: {  	v4 =	vmul.u32 $0x18, v53  }
0xb2: {  	v3 =	vand.u32 $0x7, v3  }
0xb3: {  	v3 =	vor.u32 v3, v4  }
0xb4: {  	v4 =	vperm.xlane v3, v0;
	_ =	sdelay $0x1  }
0xb5: {  	v4 =	vadd.s32 v1, v4;
	_ =	sdelay $0x1  }
0xb6: {  	v3 =	vperm.xlane v3, v2;
	_ =	sdelay $0x1  }
0xb7: {  	s2 =	simm.s32 $0x12900;
	v3 =	vadd.s32 v1, v3  }
0xb8: {  	[tilespmem:s2], [sflag:$0x2] =	stream.indirect_vreg.gather [hbm4b:s1+s3], $0x80, v4, vm0, $0xb8;
	[tilespmem:$0x1D100] =	vst v63  }
0xb9: {  	s17 =	simm.s32 $0x13100  }
0xba: {  	[tilespmem:s17], [sflag:$0x2] =	stream.indirect_vreg.gather [hbm4b:s8+s3], $0x80, v4, vm1, $0xb8;
	[tilespmem:$0x1D100] =	vst v63  }
0xbb: {  	s2 =	simm.s32 $0x13500  }
0xbc: {  	[tilespmem:s2], [sflag:$0x2] =	stream.indirect_vreg.gather [hbm4b:s1+s3], $0x80, v3, vm0, $0xb8;
	[tilespmem:$0x1D100] =	vst v63  }
0xbd: {  	s17 =	simm.s32 $0x13D00  }
0xbe: {  	[tilespmem:s17], [sflag:$0x2] =	stream.indirect_vreg.gather [hbm4b:s8+s3], $0x80, v3, vm1, $0xb8;
	[tilespmem:$0x1D100] =	vst v63  }
0xbf: {  	v3 =	vld [tilespmem:$0x2820];
	_ =	sdelay $0x4  }
0xc0: {  	v54 =	vshrl.u32 v3, $0x3  }
0xc1: {  	v4 =	vmul.u32 $0x18, v54  }
0xc2: {  	v3 =	vand.u32 $0x7, v3  }
0xc3: {  	v3 =	vor.u32 v3, v4  }
0xc4: {  	v4 =	vperm.xlane v3, v0;
	_ =	sdelay $0x1  }
0xc5: {  	v4 =	vadd.s32 v1, v4;
	_ =	sdelay $0x1  }
0xc6: {  	v3 =	vperm.xlane v3, v2;
	_ =	sdelay $0x1  }
0xc7: {  	s2 =	simm.s32 $0x14100;
	v3 =	vadd.s32 v1, v3  }
0xc8: {  	[tilespmem:s2], [sflag:$0x2] =	stream.indirect_vreg.gather [hbm4b:s1+s3], $0x80, v4, vm0, $0xb8;
	[tilespmem:$0x1D100] =	vst v63  }
0xc9: {  	s17 =	simm.s32 $0x14900  }
0xca: {  	[tilespmem:s17], [sflag:$0x2] =	stream.indirect_vreg.gather [hbm4b:s8+s3], $0x80, v4, vm1, $0xb8;
	[tilespmem:$0x1D100] =	vst v63  }
0xcb: {  	s2 =	simm.s32 $0x14D00  }
0xcc: {  	[tilespmem:s2], [sflag:$0x2] =	stream.indirect_vreg.gather [hbm4b:s1+s3], $0x80, v3, vm0, $0xb8;
	[tilespmem:$0x1D100] =	vst v63  }
0xcd: {  	s17 =	simm.s32 $0x15500  }
0xce: {  	[tilespmem:s17], [sflag:$0x2] =	stream.indirect_vreg.gather [hbm4b:s8+s3], $0x80, v3, vm1, $0xb8;
	[tilespmem:$0x1D100] =	vst v63  }
0xcf: {  	v3 =	vld [tilespmem:$0x2830];
	_ =	sdelay $0x4  }
0xd0: {  	v55 =	vshrl.u32 v3, $0x3  }
0xd1: {  	v4 =	vmul.u32 $0x18, v55  }
0xd2: {  	v3 =	vand.u32 $0x7, v3  }
0xd3: {  	v3 =	vor.u32 v3, v4  }
0xd4: {  	v4 =	vperm.xlane v3, v0;
	_ =	sdelay $0x1  }
0xd5: {  	v4 =	vadd.s32 v1, v4;
	_ =	sdelay $0x1  }
0xd6: {  	v3 =	vperm.xlane v3, v2;
	_ =	sdelay $0x1  }
0xd7: {  	s2 =	simm.s32 $0x15900;
	v3 =	vadd.s32 v1, v3  }
0xd8: {  	[tilespmem:s2], [sflag:$0x2] =	stream.indirect_vreg.gather [hbm4b:s1+s3], $0x80, v4, vm0, $0xb8;
	[tilespmem:$0x1D100] =	vst v63  }
0xd9: {  	s17 =	simm.s32 $0x16100  }
0xda: {  	[tilespmem:s17], [sflag:$0x2] =	stream.indirect_vreg.gather [hbm4b:s8+s3], $0x80, v4, vm1, $0xb8;
	[tilespmem:$0x1D100] =	vst v63  }
0xdb: {  	s2 =	simm.s32 $0x16500  }
0xdc: {  	[tilespmem:s2], [sflag:$0x2] =	stream.indirect_vreg.gather [hbm4b:s1+s3], $0x80, v3, vm0, $0xb8;
	[tilespmem:$0x1D100] =	vst v63  }
0xdd: {  	s17 =	simm.s32 $0x16D00  }
0xde: {  	[tilespmem:s17], [sflag:$0x2] =	stream.indirect_vreg.gather [hbm4b:s8+s3], $0x80, v3, vm1, $0xb8;
	[tilespmem:$0x1D100] =	vst v63  }
0xdf: {  	v3 =	vld [tilespmem:$0x80];
	_ =	sdelay $0x4  }
0xe0: {  	v56 =	vshrl.u32 v3, $0x3  }
0xe1: {  	v4 =	vmul.u32 $0x18, v56  }
0xe2: {  	v3 =	vand.u32 $0x7, v3  }
0xe3: {  	v3 =	vor.u32 v3, v4  }
0xe4: {  	v4 =	vperm.xlane v3, v0;
	_ =	sdelay $0x1  }
0xe5: {  	v4 =	vadd.s32 v1, v4;
	_ =	sdelay $0x1  }
0xe6: {  	v3 =	vperm.xlane v3, v2;
	_ =	sdelay $0x1  }
0xe7: {  	v3 =	vadd.s32 v1, v3  }
0xe8: {  	[tilespmem:s31], [sflag:$0x3] =	stream.indirect_vreg.gather [hbm4b:s1+s3], $0x80, v4, vm0, $0xb8;
	[tilespmem:$0x1D100] =	vst v63  }
0xe9: {  	s2 =	simm.s32 $0xB900  }
0xea: {  	[tilespmem:s2], [sflag:$0x3] =	stream.indirect_vreg.gather [hbm4b:s8+s3], $0x80, v4, vm1, $0xb8;
	[tilespmem:$0x1D100] =	vst v63  }
0xeb: {  	s17 =	simm.s32 $0xBD00  }
0xec: {  	[tilespmem:s17], [sflag:$0x3] =	stream.indirect_vreg.gather [hbm4b:s1+s3], $0x80, v3, vm0, $0xb8;
	[tilespmem:$0x1D100] =	vst v63  }
0xed: {  	s2 =	simm.s32 $0xC500  }
0xee: {  	[tilespmem:s2], [sflag:$0x3] =	stream.indirect_vreg.gather [hbm4b:s8+s3], $0x80, v3, vm1, $0xb8;
	[tilespmem:$0x1D100] =	vst v63  }
0xef: {  	v3 =	vld [tilespmem:$0x90];
	_ =	sdelay $0x4  }
0xf0: {  	v57 =	vshrl.u32 v3, $0x3  }
0xf1: {  	v4 =	vmul.u32 $0x18, v57  }
0xf2: {  	v3 =	vand.u32 $0x7, v3  }
0xf3: {  	v3 =	vor.u32 v3, v4  }
0xf4: {  	v4 =	vperm.xlane v3, v0;
	_ =	sdelay $0x1  }
0xf5: {  	v4 =	vadd.s32 v1, v4;
	_ =	sdelay $0x1  }
0xf6: {  	v3 =	vperm.xlane v3, v2;
	_ =	sdelay $0x1  }
0xf7: {  	s17 =	simm.s32 $0xC900;
	v3 =	vadd.s32 v1, v3  }
0xf8: {  	[tilespmem:s17], [sflag:$0x3] =	stream.indirect_vreg.gather [hbm4b:s1+s3], $0x80, v4, vm0, $0xb8;
	[tilespmem:$0x1D100] =	vst v63  }
0xf9: {  	s2 =	simm.s32 $0xD100  }
0xfa: {  	[tilespmem:s2], [sflag:$0x3] =	stream.indirect_vreg.gather [hbm4b:s8+s3], $0x80, v4, vm1, $0xb8;
	[tilespmem:$0x1D100] =	vst v63  }
0xfb: {  	s17 =	simm.s32 $0xD500  }
0xfc: {  	[tilespmem:s17], [sflag:$0x3] =	stream.indirect_vreg.gather [hbm4b:s1+s3], $0x80, v3, vm0, $0xb8;
	[tilespmem:$0x1D100] =	vst v63  }
0xfd: {  	s2 =	simm.s32 $0xDD00  }
0xfe: {  	[tilespmem:s2], [sflag:$0x3] =	stream.indirect_vreg.gather [hbm4b:s8+s3], $0x80, v3, vm1, $0xb8;
	[tilespmem:$0x1D100] =	vst v63  }
0xff: {  	v3 =	vld [tilespmem:$0xA0];
	_ =	sdelay $0x4  }
0x100: {  	v58 =	vshrl.u32 v3, $0x3  }
0x101: {  	v4 =	vmul.u32 $0x18, v58  }
0x102: {  	v3 =	vand.u32 $0x7, v3  }
0x103: {  	v3 =	vor.u32 v3, v4  }
0x104: {  	v4 =	vperm.xlane v3, v0;
	_ =	sdelay $0x1  }
0x105: {  	v4 =	vadd.s32 v1, v4;
	_ =	sdelay $0x1  }
0x106: {  	v3 =	vperm.xlane v3, v2;
	_ =	sdelay $0x1  }
0x107: {  	s17 =	simm.s32 $0xE100;
	v3 =	vadd.s32 v1, v3  }
0x108: {  	[tilespmem:s17], [sflag:$0x3] =	stream.indirect_vreg.gather [hbm4b:s1+s3], $0x80, v4, vm0, $0xb8;
	[tilespmem:$0x1D100] =	vst v63  }
0x109: {  	s2 =	simm.s32 $0xE900  }
0x10a: {  	[tilespmem:s2], [sflag:$0x3] =	stream.indirect_vreg.gather [hbm4b:s8+s3], $0x80, v4, vm1, $0xb8;
	[tilespmem:$0x1D100] =	vst v63  }
0x10b: {  	s17 =	simm.s32 $0xED00  }
0x10c: {  	[tilespmem:s17], [sflag:$0x3] =	stream.indirect_vreg.gather [hbm4b:s1+s3], $0x80, v3, vm0, $0xb8;
	[tilespmem:$0x1D100] =	vst v63  }
0x10d: {  	s2 =	simm.s32 $0xF500  }
0x10e: {  	[tilespmem:s2], [sflag:$0x3] =	stream.indirect_vreg.gather [hbm4b:s8+s3], $0x80, v3, vm1, $0xb8;
	[tilespmem:$0x1D100] =	vst v63  }
0x10f: {  	v3 =	vld [tilespmem:$0xB0];
	_ =	sdelay $0x4  }
0x110: {  	v59 =	vshrl.u32 v3, $0x3  }
0x111: {  	v4 =	vmul.u32 $0x18, v59  }
0x112: {  	v3 =	vand.u32 $0x7, v3  }
0x113: {  	v3 =	vor.u32 v3, v4  }
0x114: {  	v4 =	vperm.xlane v3, v0;
	_ =	sdelay $0x1  }
0x115: {  	v4 =	vadd.s32 v1, v4;
	_ =	sdelay $0x1  }
0x116: {  	v3 =	vperm.xlane v3, v2;
	_ =	sdelay $0x1  }
0x117: {  	s17 =	simm.s32 $0xF900;
	v3 =	vadd.s32 v1, v3  }
0x118: {  	[tilespmem:s17], [sflag:$0x3] =	stream.indirect_vreg.gather [hbm4b:s1+s3], $0x80, v4, vm0, $0xb8;
	[tilespmem:$0x1D100] =	vst v63  }
0x119: {  	s2 =	simm.s32 $0x10100  }
0x11a: {  	[tilespmem:s2], [sflag:$0x3] =	stream.indirect_vreg.gather [hbm4b:s8+s3], $0x80, v4, vm1, $0xb8;
	[tilespmem:$0x1D100] =	vst v63  }
0x11b: {  	s17 =	simm.s32 $0x10500  }
0x11c: {  	[tilespmem:s17], [sflag:$0x3] =	stream.indirect_vreg.gather [hbm4b:s1+s3], $0x80, v3, vm0, $0xb8;
	[tilespmem:$0x1D100] =	vst v63  }
0x11d: {  	s2 =	simm.s32 $0x10D00  }
0x11e: {  	[tilespmem:s2], [sflag:$0x3] =	stream.indirect_vreg.gather [hbm4b:s8+s3], $0x80, v3, vm1, $0xb8;
	[tilespmem:$0x1D100] =	vst v63  }
0x11f: {  	v3 =	vld [tilespmem:$0x2880];
	_ =	sdelay $0x4  }
0x120: {  	v60 =	vshrl.u32 v3, $0x3  }
0x121: {  	v4 =	vmul.u32 $0x18, v60  }
0x122: {  	v3 =	vand.u32 $0x7, v3  }
0x123: {  	v3 =	vor.u32 v3, v4  }
0x124: {  	v4 =	vperm.xlane v3, v0;
	_ =	sdelay $0x1  }
0x125: {  	v4 =	vadd.s32 v1, v4;
	_ =	sdelay $0x1  }
0x126: {  	v3 =	vperm.xlane v3, v2;
	_ =	sdelay $0x1  }
0x127: {  	v3 =	vadd.s32 v1, v3  }
0x128: {  	[tilespmem:s25], [sflag:$0x4] =	stream.indirect_vreg.gather [hbm4b:s1+s3], $0x80, v4, vm0, $0xb8;
	[tilespmem:$0x1D100] =	vst v63  }
0x129: {  	s17 =	simm.s32 $0x17900  }
0x12a: {  	[tilespmem:s17], [sflag:$0x4] =	stream.indirect_vreg.gather [hbm4b:s8+s3], $0x80, v4, vm1, $0xb8;
	[tilespmem:$0x1D100] =	vst v63  }
0x12b: {  	s2 =	simm.s32 $0x17D00  }
0x12c: {  	[tilespmem:s2], [sflag:$0x4] =	stream.indirect_vreg.gather [hbm4b:s1+s3], $0x80, v3, vm0, $0xb8;
	[tilespmem:$0x1D100] =	vst v63  }
0x12d: {  	s17 =	simm.s32 $0x18500  }
0x12e: {  	[tilespmem:s17], [sflag:$0x4] =	stream.indirect_vreg.gather [hbm4b:s8+s3], $0x80, v3, vm1, $0xb8;
	[tilespmem:$0x1D100] =	vst v63  }
0x12f: {  	v3 =	vld [tilespmem:$0x2890];
	_ =	sdelay $0x4  }
0x130: {  	v61 =	vshrl.u32 v3, $0x3  }
0x131: {  	v4 =	vmul.u32 $0x18, v61  }
0x132: {  	v3 =	vand.u32 $0x7, v3  }
0x133: {  	v3 =	vor.u32 v3, v4  }
0x134: {  	v4 =	vperm.xlane v3, v0;
	_ =	sdelay $0x1  }
0x135: {  	v4 =	vadd.s32 v1, v4;
	_ =	sdelay $0x1  }
0x136: {  	v3 =	vperm.xlane v3, v2;
	_ =	sdelay $0x1  }
0x137: {  	s2 =	simm.s32 $0x18900;
	v3 =	vadd.s32 v1, v3  }
0x138: {  	[tilespmem:s2], [sflag:$0x4] =	stream.indirect_vreg.gather [hbm4b:s1+s3], $0x80, v4, vm0, $0xb8;
	[tilespmem:$0x1D100] =	vst v63  }
0x139: {  	s17 =	simm.s32 $0x19100  }
0x13a: {  	[tilespmem:s17], [sflag:$0x4] =	stream.indirect_vreg.gather [hbm4b:s8+s3], $0x80, v4, vm1, $0xb8;
	[tilespmem:$0x1D100] =	vst v63  }
0x13b: {  	s2 =	simm.s32 $0x19500  }
0x13c: {  	[tilespmem:s2], [sflag:$0x4] =	stream.indirect_vreg.gather [hbm4b:s1+s3], $0x80, v3, vm0, $0xb8;
	[tilespmem:$0x1D100] =	vst v63  }
0x13d: {  	s17 =	simm.s32 $0x19D00  }
0x13e: {  	[tilespmem:s17], [sflag:$0x4] =	stream.indirect_vreg.gather [hbm4b:s8+s3], $0x80, v3, vm1, $0xb8;
	[tilespmem:$0x1D100] =	vst v63  }
0x13f: {  	v3 =	vld [tilespmem:$0x28A0];
	_ =	sdelay $0x4  }
0x140: {  	v62 =	vshrl.u32 v3, $0x3  }
0x141: {  	v4 =	vmul.u32 $0x18, v62  }
0x142: {  	v3 =	vand.u32 $0x7, v3  }
0x143: {  	v3 =	vor.u32 v3, v4  }
0x144: {  	v4 =	vperm.xlane v3, v0;
	_ =	sdelay $0x1  }
0x145: {  	v4 =	vadd.s32 v1, v4;
	_ =	sdelay $0x1  }
0x146: {  	v3 =	vperm.xlane v3, v2;
	_ =	sdelay $0x1  }
0x147: {  	s2 =	simm.s32 $0x1A100;
	v3 =	vadd.s32 v1, v3  }
0x148: {  	[tilespmem:s2], [sflag:$0x4] =	stream.indirect_vreg.gather [hbm4b:s1+s3], $0x80, v4, vm0, $0xb8;
	[tilespmem:$0x1D100] =	vst v63  }
0x149: {  	s17 =	simm.s32 $0x1A900  }
0x14a: {  	[tilespmem:s17], [sflag:$0x4] =	stream.indirect_vreg.gather [hbm4b:s8+s3], $0x80, v4, vm1, $0xb8;
	[tilespmem:$0x1D100] =	vst v63  }
0x14b: {  	_ = 	snop  }
0x14c: {  	[tilespmem:s19], [sflag:$0x4] =	stream.indirect_vreg.gather [hbm4b:s1+s3], $0x80, v3, vm0, $0xb8;
	[tilespmem:$0x1D100] =	vst v63  }
0x14d: {  	_ = 	snop  }
0x14e: {  	[tilespmem:s7], [sflag:$0x4] =	stream.indirect_vreg.gather [hbm4b:s8+s3], $0x80, v3, vm1, $0xb8;
	[tilespmem:$0x1D100] =	vst v63  }
0x14f: {  	v3 =	vld [tilespmem:$0x28B0];
	_ =	sdelay $0x4  }
0x150: {  	v63 =	vshrl.u32 v3, $0x3  }
0x151: {  	v4 =	vmul.u32 $0x18, v63  }
0x152: {  	v3 =	vand.u32 $0x7, v3  }
0x153: {  	v3 =	vor.u32 v3, v4  }
0x154: {  	v4 =	vperm.xlane v3, v0;
	_ =	sdelay $0x1  }
0x155: {  	v4 =	vadd.s32 v1, v4;
	_ =	sdelay $0x1  }
0x156: {  	v3 =	vperm.xlane v3, v2;
	_ =	sdelay $0x1  }
0x157: {  	v3 =	vadd.s32 v1, v3  }
0x158: {  	[tilespmem:s9], [sflag:$0x4] =	stream.indirect_vreg.gather [hbm4b:s1+s3], $0x80, v4, vm0, $0xb8;
	[tilespmem:$0x1D100] =	vst v63  }
0x159: {  	_ = 	snop  }
0x15a: {  	[tilespmem:s21], [sflag:$0x4] =	stream.indirect_vreg.gather [hbm4b:s8+s3], $0x80, v4, vm1, $0xb8;
	[tilespmem:$0x1D100] =	vst v63  }
0x15b: {  	s0 =	simm.s32 $0x1B0  }
0x15c: {  	[tilespmem:s10], [sflag:$0x4] =	stream.indirect_vreg.gather [hbm4b:s1+s3], $0x80, v3, vm0, $0xb8;
	[tilespmem:$0x1D100] =	vst v63  }
0x15d: {  	s6 =	simm.s32 $0x5900;
	s30 =	simm.s32 $0x29B0;
	s2 =	simm.s32 $0x0  }
0x15e: {  	[tilespmem:s11], [sflag:$0x4] =	stream.indirect_vreg.gather [hbm4b:s8+s3], $0x80, v3, vm1, $0xb8;
	[tilespmem:$0x1D100] =	vst v63  }
.LBB2_2:
0x15f: {  	_ =	swait.ge [sflag:s4], $0x6000  }
0x160: {  	[sflag:s4] =	ssyncset.done $0x0  }
0x161: {  	s17 =	sadd.s32 s2, s13;
	[sflag:s4] =	ssyncadd.s32 $0xFFFFA000  }
0x162: {  	[hbm4b:s17+s3] =	stream.linear.scatter [tilespmem:s20], [sflag:$0x5], $0x6000, $0x38;
	[tilespmem:$0x1D100] =	vst v63  }
0x163: {  	_ =	swait.ge [sflag:s16], $0x6000  }
0x164: {  	[sflag:s16] =	ssyncset.done $0x0  }
0x165: {  	s17 =	sadd.s32 s2, s12;
	[sflag:s16] =	ssyncadd.s32 $0xFFFFA000  }
0x166: {  	[hbm4b:s17+s3] =	stream.linear.scatter [tilespmem:s5], [sflag:$0x6], $0x6000, $0x38;
	[tilespmem:$0x1D100] =	vst v63  }
0x167: {  	_ =	swait.ge [sflag:s22], $0x6000  }
0x168: {  	[sflag:s22] =	ssyncset.done $0x0  }
0x169: {  	s17 =	sadd.s32 s2, s15;
	[sflag:s22] =	ssyncadd.s32 $0xFFFFA000  }
0x16a: {  	[hbm4b:s17+s3] =	stream.linear.scatter [tilespmem:s31], [sflag:$0x7], $0x6000, $0x38;
	[tilespmem:$0x1D100] =	vst v63  }
0x16b: {  	_ =	swait.ge [sflag:s23], $0x6000  }
0x16c: {  	p0 =	seq.s32 s2, $0x39000;
	[sflag:s23] =	ssyncset.done $0x0  }
.Ltmp2:
0x16d: {  	s17 =	sadd.s32 s2, s14;
	[sflag:s23] =	ssyncadd.s32 $0xFFFFA000;
	(pc) =	sbr.rel @p0 .LBB2_4-.Ltmp2, $4  }
0x16e: {  	[hbm4b:s17+s3] =	stream.linear.scatter [tilespmem:s25], [sflag:$0x8], $0x6000, $0x38;
	[tilespmem:$0x1D100] =	vst v63  }
0x16f: {  	_ =	swait.ge [sflag:s24], $0x6000  }
0x170: {  	[sflag:s24] =	ssyncset.done $0x0  }
0x171: {  	[sflag:s24] =	ssyncadd.s32 $0xFFFFA000  }
0x172: {  	v3 =	vld [tilespmem:s0+$0xFFFFFF50];
	_ =	sdelay $0x4  }
0x173: {  	v4 =	vshrl.u32 v3, $0x3  }
0x174: {  	v4 =	vmul.u32 $0x18, v4  }
0x175: {  	v3 =	vand.u32 $0x7, v3  }
0x176: {  	v3 =	vor.u32 v3, v4  }
0x177: {  	v4 =	vperm.xlane v3, v0;
	_ =	sdelay $0x1  }
0x178: {  	v4 =	vadd.s32 v1, v4;
	_ =	sdelay $0x1  }
0x179: {  	v3 =	vperm.xlane v3, v2;
	_ =	sdelay $0x1  }
0x17a: {  	v3 =	vadd.s32 v1, v3  }
0x17b: {  	[tilespmem:s20], [sflag:$0x1] =	stream.indirect_vreg.gather [hbm4b:s1+s3], $0x80, v4, vm0, $0xb8;
	[tilespmem:$0x1D100] =	vst v63  }
0x17c: {  	_ = 	snop  }
0x17d: {  	[tilespmem:s6], [sflag:$0x1] =	stream.indirect_vreg.gather [hbm4b:s8+s3], $0x80, v4, vm1, $0xb8;
	[tilespmem:$0x1D100] =	vst v63  }
0x17e: {  	s17 =	simm.s32 $0x5D00  }
0x17f: {  	[tilespmem:s17], [sflag:$0x1] =	stream.indirect_vreg.gather [hbm4b:s1+s3], $0x80, v3, vm0, $0xb8;
	[tilespmem:$0x1D100] =	vst v63  }
0x180: {  	s17 =	simm.s32 $0x6500  }
0x181: {  	[tilespmem:s17], [sflag:$0x1] =	stream.indirect_vreg.gather [hbm4b:s8+s3], $0x80, v3, vm1, $0xb8;
	[tilespmem:$0x1D100] =	vst v63  }
0x182: {  	v3 =	vld [tilespmem:s0+$0xFFFFFF60];
	_ =	sdelay $0x4  }
0x183: {  	v49 =	vshrl.u32 v3, $0x3  }
0x184: {  	v4 =	vmul.u32 $0x18, v49  }
0x185: {  	v3 =	vand.u32 $0x7, v3  }
0x186: {  	v3 =	vor.u32 v3, v4  }
0x187: {  	v4 =	vperm.xlane v3, v0;
	_ =	sdelay $0x1  }
0x188: {  	v4 =	vadd.s32 v1, v4;
	_ =	sdelay $0x1  }
0x189: {  	v3 =	vperm.xlane v3, v2;
	_ =	sdelay $0x1  }
0x18a: {  	s17 =	simm.s32 $0x6900;
	v3 =	vadd.s32 v1, v3  }
0x18b: {  	[tilespmem:s17], [sflag:$0x1] =	stream.indirect_vreg.gather [hbm4b:s1+s3], $0x80, v4, vm0, $0xb8;
	[tilespmem:$0x1D100] =	vst v63  }
0x18c: {  	s17 =	simm.s32 $0x7100  }
0x18d: {  	[tilespmem:s17], [sflag:$0x1] =	stream.indirect_vreg.gather [hbm4b:s8+s3], $0x80, v4, vm1, $0xb8;
	[tilespmem:$0x1D100] =	vst v63  }
0x18e: {  	s17 =	simm.s32 $0x7500  }
0x18f: {  	[tilespmem:s17], [sflag:$0x1] =	stream.indirect_vreg.gather [hbm4b:s1+s3], $0x80, v3, vm0, $0xb8;
	[tilespmem:$0x1D100] =	vst v63  }
0x190: {  	s17 =	simm.s32 $0x7D00  }
0x191: {  	[tilespmem:s17], [sflag:$0x1] =	stream.indirect_vreg.gather [hbm4b:s8+s3], $0x80, v3, vm1, $0xb8;
	[tilespmem:$0x1D100] =	vst v63  }
0x192: {  	v3 =	vld [tilespmem:s0+$0xFFFFFF70];
	_ =	sdelay $0x4  }
0x193: {  	v50 =	vshrl.u32 v3, $0x3  }
0x194: {  	v4 =	vmul.u32 $0x18, v50  }
0x195: {  	v3 =	vand.u32 $0x7, v3  }
0x196: {  	v3 =	vor.u32 v3, v4  }
0x197: {  	v4 =	vperm.xlane v3, v0;
	_ =	sdelay $0x1  }
0x198: {  	v4 =	vadd.s32 v1, v4;
	_ =	sdelay $0x1  }
0x199: {  	v3 =	vperm.xlane v3, v2;
	_ =	sdelay $0x1  }
0x19a: {  	s17 =	simm.s32 $0x8100;
	v3 =	vadd.s32 v1, v3  }
0x19b: {  	[tilespmem:s17], [sflag:$0x1] =	stream.indirect_vreg.gather [hbm4b:s1+s3], $0x80, v4, vm0, $0xb8;
	[tilespmem:$0x1D100] =	vst v63  }
0x19c: {  	s17 =	simm.s32 $0x8900  }
0x19d: {  	[tilespmem:s17], [sflag:$0x1] =	stream.indirect_vreg.gather [hbm4b:s8+s3], $0x80, v4, vm1, $0xb8;
	[tilespmem:$0x1D100] =	vst v63  }
0x19e: {  	s17 =	simm.s32 $0x8D00  }
0x19f: {  	[tilespmem:s17], [sflag:$0x1] =	stream.indirect_vreg.gather [hbm4b:s1+s3], $0x80, v3, vm0, $0xb8;
	[tilespmem:$0x1D100] =	vst v63  }
0x1a0: {  	s17 =	simm.s32 $0x9500  }
0x1a1: {  	[tilespmem:s17], [sflag:$0x1] =	stream.indirect_vreg.gather [hbm4b:s8+s3], $0x80, v3, vm1, $0xb8;
	[tilespmem:$0x1D100] =	vst v63  }
0x1a2: {  	v3 =	vld [tilespmem:s0+$0xFFFFFF80];
	_ =	sdelay $0x4  }
0x1a3: {  	v51 =	vshrl.u32 v3, $0x3  }
0x1a4: {  	v4 =	vmul.u32 $0x18, v51  }
0x1a5: {  	v3 =	vand.u32 $0x7, v3  }
0x1a6: {  	v3 =	vor.u32 v3, v4  }
0x1a7: {  	v4 =	vperm.xlane v3, v0;
	_ =	sdelay $0x1  }
0x1a8: {  	v4 =	vadd.s32 v1, v4;
	_ =	sdelay $0x1  }
0x1a9: {  	v3 =	vperm.xlane v3, v2;
	_ =	sdelay $0x1  }
0x1aa: {  	s17 =	simm.s32 $0x9900;
	v3 =	vadd.s32 v1, v3  }
0x1ab: {  	[tilespmem:s17], [sflag:$0x1] =	stream.indirect_vreg.gather [hbm4b:s1+s3], $0x80, v4, vm0, $0xb8;
	[tilespmem:$0x1D100] =	vst v63  }
0x1ac: {  	s17 =	simm.s32 $0xA100  }
0x1ad: {  	[tilespmem:s17], [sflag:$0x1] =	stream.indirect_vreg.gather [hbm4b:s8+s3], $0x80, v4, vm1, $0xb8;
	[tilespmem:$0x1D100] =	vst v63  }
0x1ae: {  	s17 =	simm.s32 $0xA500  }
0x1af: {  	[tilespmem:s17], [sflag:$0x1] =	stream.indirect_vreg.gather [hbm4b:s1+s3], $0x80, v3, vm0, $0xb8;
	[tilespmem:$0x1D100] =	vst v63  }
0x1b0: {  	s17 =	simm.s32 $0xAD00  }
0x1b1: {  	[tilespmem:s17], [sflag:$0x1] =	stream.indirect_vreg.gather [hbm4b:s8+s3], $0x80, v3, vm1, $0xb8;
	[tilespmem:$0x1D100] =	vst v63  }
0x1b2: {  	_ =	swait.ge [sflag:s26], $0x6000  }
0x1b3: {  	[sflag:s26] =	ssyncset.done $0x0  }
0x1b4: {  	[sflag:s26] =	ssyncadd.s32 $0xFFFFA000  }
0x1b5: {  	v3 =	vld [tilespmem:s30+$0xFFFFFF50];
	_ =	sdelay $0x4  }
0x1b6: {  	v52 =	vshrl.u32 v3, $0x3  }
0x1b7: {  	v4 =	vmul.u32 $0x18, v52  }
0x1b8: {  	v3 =	vand.u32 $0x7, v3  }
0x1b9: {  	v3 =	vor.u32 v3, v4  }
0x1ba: {  	v4 =	vperm.xlane v3, v0;
	_ =	sdelay $0x1  }
0x1bb: {  	v4 =	vadd.s32 v1, v4;
	_ =	sdelay $0x1  }
0x1bc: {  	v3 =	vperm.xlane v3, v2;
	_ =	sdelay $0x1  }
0x1bd: {  	v3 =	vadd.s32 v1, v3  }
0x1be: {  	[tilespmem:s5], [sflag:$0x2] =	stream.indirect_vreg.gather [hbm4b:s1+s3], $0x80, v4, vm0, $0xb8;
	[tilespmem:$0x1D100] =	vst v63  }
0x1bf: {  	_ = 	snop  }
0x1c0: {  	[tilespmem:s18], [sflag:$0x2] =	stream.indirect_vreg.gather [hbm4b:s8+s3], $0x80, v4, vm1, $0xb8;
	[tilespmem:$0x1D100] =	vst v63  }
0x1c1: {  	s17 =	simm.s32 $0x11D00  }
0x1c2: {  	[tilespmem:s17], [sflag:$0x2] =	stream.indirect_vreg.gather [hbm4b:s1+s3], $0x80, v3, vm0, $0xb8;
	[tilespmem:$0x1D100] =	vst v63  }
0x1c3: {  	s17 =	simm.s32 $0x12500  }
0x1c4: {  	[tilespmem:s17], [sflag:$0x2] =	stream.indirect_vreg.gather [hbm4b:s8+s3], $0x80, v3, vm1, $0xb8;
	[tilespmem:$0x1D100] =	vst v63  }
0x1c5: {  	v3 =	vld [tilespmem:s30+$0xFFFFFF60];
	_ =	sdelay $0x4  }
0x1c6: {  	v53 =	vshrl.u32 v3, $0x3  }
0x1c7: {  	v4 =	vmul.u32 $0x18, v53  }
0x1c8: {  	v3 =	vand.u32 $0x7, v3  }
0x1c9: {  	v3 =	vor.u32 v3, v4  }
0x1ca: {  	v4 =	vperm.xlane v3, v0;
	_ =	sdelay $0x1  }
0x1cb: {  	v4 =	vadd.s32 v1, v4;
	_ =	sdelay $0x1  }
0x1cc: {  	v3 =	vperm.xlane v3, v2;
	_ =	sdelay $0x1  }
0x1cd: {  	s17 =	simm.s32 $0x12900;
	v3 =	vadd.s32 v1, v3  }
0x1ce: {  	[tilespmem:s17], [sflag:$0x2] =	stream.indirect_vreg.gather [hbm4b:s1+s3], $0x80, v4, vm0, $0xb8;
	[tilespmem:$0x1D100] =	vst v63  }
0x1cf: {  	s17 =	simm.s32 $0x13100  }
0x1d0: {  	[tilespmem:s17], [sflag:$0x2] =	stream.indirect_vreg.gather [hbm4b:s8+s3], $0x80, v4, vm1, $0xb8;
	[tilespmem:$0x1D100] =	vst v63  }
0x1d1: {  	s17 =	simm.s32 $0x13500  }
0x1d2: {  	[tilespmem:s17], [sflag:$0x2] =	stream.indirect_vreg.gather [hbm4b:s1+s3], $0x80, v3, vm0, $0xb8;
	[tilespmem:$0x1D100] =	vst v63  }
0x1d3: {  	s17 =	simm.s32 $0x13D00  }
0x1d4: {  	[tilespmem:s17], [sflag:$0x2] =	stream.indirect_vreg.gather [hbm4b:s8+s3], $0x80, v3, vm1, $0xb8;
	[tilespmem:$0x1D100] =	vst v63  }
0x1d5: {  	v3 =	vld [tilespmem:s30+$0xFFFFFF70];
	_ =	sdelay $0x4  }
0x1d6: {  	v54 =	vshrl.u32 v3, $0x3  }
0x1d7: {  	v4 =	vmul.u32 $0x18, v54  }
0x1d8: {  	v3 =	vand.u32 $0x7, v3  }
0x1d9: {  	v3 =	vor.u32 v3, v4  }
0x1da: {  	v4 =	vperm.xlane v3, v0;
	_ =	sdelay $0x1  }
0x1db: {  	v4 =	vadd.s32 v1, v4;
	_ =	sdelay $0x1  }
0x1dc: {  	v3 =	vperm.xlane v3, v2;
	_ =	sdelay $0x1  }
0x1dd: {  	s17 =	simm.s32 $0x14100;
	v3 =	vadd.s32 v1, v3  }
0x1de: {  	[tilespmem:s17], [sflag:$0x2] =	stream.indirect_vreg.gather [hbm4b:s1+s3], $0x80, v4, vm0, $0xb8;
	[tilespmem:$0x1D100] =	vst v63  }
0x1df: {  	s17 =	simm.s32 $0x14900  }
0x1e0: {  	[tilespmem:s17], [sflag:$0x2] =	stream.indirect_vreg.gather [hbm4b:s8+s3], $0x80, v4, vm1, $0xb8;
	[tilespmem:$0x1D100] =	vst v63  }
0x1e1: {  	s17 =	simm.s32 $0x14D00  }
0x1e2: {  	[tilespmem:s17], [sflag:$0x2] =	stream.indirect_vreg.gather [hbm4b:s1+s3], $0x80, v3, vm0, $0xb8;
	[tilespmem:$0x1D100] =	vst v63  }
0x1e3: {  	s17 =	simm.s32 $0x15500  }
0x1e4: {  	[tilespmem:s17], [sflag:$0x2] =	stream.indirect_vreg.gather [hbm4b:s8+s3], $0x80, v3, vm1, $0xb8;
	[tilespmem:$0x1D100] =	vst v63  }
0x1e5: {  	v3 =	vld [tilespmem:s30+$0xFFFFFF80];
	_ =	sdelay $0x4  }
0x1e6: {  	v55 =	vshrl.u32 v3, $0x3  }
0x1e7: {  	v4 =	vmul.u32 $0x18, v55  }
0x1e8: {  	v3 =	vand.u32 $0x7, v3  }
0x1e9: {  	v3 =	vor.u32 v3, v4  }
0x1ea: {  	v4 =	vperm.xlane v3, v0;
	_ =	sdelay $0x1  }
0x1eb: {  	v4 =	vadd.s32 v1, v4;
	_ =	sdelay $0x1  }
0x1ec: {  	v3 =	vperm.xlane v3, v2;
	_ =	sdelay $0x1  }
0x1ed: {  	s17 =	simm.s32 $0x15900;
	v3 =	vadd.s32 v1, v3  }
0x1ee: {  	[tilespmem:s17], [sflag:$0x2] =	stream.indirect_vreg.gather [hbm4b:s1+s3], $0x80, v4, vm0, $0xb8;
	[tilespmem:$0x1D100] =	vst v63  }
0x1ef: {  	s17 =	simm.s32 $0x16100  }
0x1f0: {  	[tilespmem:s17], [sflag:$0x2] =	stream.indirect_vreg.gather [hbm4b:s8+s3], $0x80, v4, vm1, $0xb8;
	[tilespmem:$0x1D100] =	vst v63  }
0x1f1: {  	s17 =	simm.s32 $0x16500  }
0x1f2: {  	[tilespmem:s17], [sflag:$0x2] =	stream.indirect_vreg.gather [hbm4b:s1+s3], $0x80, v3, vm0, $0xb8;
	[tilespmem:$0x1D100] =	vst v63  }
0x1f3: {  	s17 =	simm.s32 $0x16D00  }
0x1f4: {  	[tilespmem:s17], [sflag:$0x2] =	stream.indirect_vreg.gather [hbm4b:s8+s3], $0x80, v3, vm1, $0xb8;
	[tilespmem:$0x1D100] =	vst v63  }
0x1f5: {  	_ =	swait.ge [sflag:s28], $0x6000  }
0x1f6: {  	[sflag:s28] =	ssyncset.done $0x0  }
0x1f7: {  	[sflag:s28] =	ssyncadd.s32 $0xFFFFA000  }
0x1f8: {  	v3 =	vld [tilespmem:s0+$0xFFFFFFD0];
	_ =	sdelay $0x4  }
0x1f9: {  	v56 =	vshrl.u32 v3, $0x3  }
0x1fa: {  	v4 =	vmul.u32 $0x18, v56  }
0x1fb: {  	v3 =	vand.u32 $0x7, v3  }
0x1fc: {  	v3 =	vor.u32 v3, v4  }
0x1fd: {  	v4 =	vperm.xlane v3, v0;
	_ =	sdelay $0x1  }
0x1fe: {  	v4 =	vadd.s32 v1, v4;
	_ =	sdelay $0x1  }
0x1ff: {  	v3 =	vperm.xlane v3, v2;
	_ =	sdelay $0x1  }
0x200: {  	v3 =	vadd.s32 v1, v3  }
0x201: {  	[tilespmem:s31], [sflag:$0x3] =	stream.indirect_vreg.gather [hbm4b:s1+s3], $0x80, v4, vm0, $0xb8;
	[tilespmem:$0x1D100] =	vst v63  }
0x202: {  	s17 =	simm.s32 $0xB900  }
0x203: {  	[tilespmem:s17], [sflag:$0x3] =	stream.indirect_vreg.gather [hbm4b:s8+s3], $0x80, v4, vm1, $0xb8;
	[tilespmem:$0x1D100] =	vst v63  }
0x204: {  	s17 =	simm.s32 $0xBD00  }
0x205: {  	[tilespmem:s17], [sflag:$0x3] =	stream.indirect_vreg.gather [hbm4b:s1+s3], $0x80, v3, vm0, $0xb8;
	[tilespmem:$0x1D100] =	vst v63  }
0x206: {  	s17 =	simm.s32 $0xC500  }
0x207: {  	[tilespmem:s17], [sflag:$0x3] =	stream.indirect_vreg.gather [hbm4b:s8+s3], $0x80, v3, vm1, $0xb8;
	[tilespmem:$0x1D100] =	vst v63  }
0x208: {  	v3 =	vld [tilespmem:s0+$0xFFFFFFE0];
	_ =	sdelay $0x4  }
0x209: {  	v57 =	vshrl.u32 v3, $0x3  }
0x20a: {  	v4 =	vmul.u32 $0x18, v57  }
0x20b: {  	v3 =	vand.u32 $0x7, v3  }
0x20c: {  	v3 =	vor.u32 v3, v4  }
0x20d: {  	v4 =	vperm.xlane v3, v0;
	_ =	sdelay $0x1  }
0x20e: {  	v4 =	vadd.s32 v1, v4;
	_ =	sdelay $0x1  }
0x20f: {  	v3 =	vperm.xlane v3, v2;
	_ =	sdelay $0x1  }
0x210: {  	s17 =	simm.s32 $0xC900;
	v3 =	vadd.s32 v1, v3  }
0x211: {  	[tilespmem:s17], [sflag:$0x3] =	stream.indirect_vreg.gather [hbm4b:s1+s3], $0x80, v4, vm0, $0xb8;
	[tilespmem:$0x1D100] =	vst v63  }
0x212: {  	s17 =	simm.s32 $0xD100  }
0x213: {  	[tilespmem:s17], [sflag:$0x3] =	stream.indirect_vreg.gather [hbm4b:s8+s3], $0x80, v4, vm1, $0xb8;
	[tilespmem:$0x1D100] =	vst v63  }
0x214: {  	s17 =	simm.s32 $0xD500  }
0x215: {  	[tilespmem:s17], [sflag:$0x3] =	stream.indirect_vreg.gather [hbm4b:s1+s3], $0x80, v3, vm0, $0xb8;
	[tilespmem:$0x1D100] =	vst v63  }
0x216: {  	s17 =	simm.s32 $0xDD00  }
0x217: {  	[tilespmem:s17], [sflag:$0x3] =	stream.indirect_vreg.gather [hbm4b:s8+s3], $0x80, v3, vm1, $0xb8;
	[tilespmem:$0x1D100] =	vst v63  }
0x218: {  	v3 =	vld [tilespmem:s0+$0xFFFFFFF0];
	_ =	sdelay $0x4  }
0x219: {  	v58 =	vshrl.u32 v3, $0x3  }
0x21a: {  	v4 =	vmul.u32 $0x18, v58  }
0x21b: {  	v3 =	vand.u32 $0x7, v3  }
0x21c: {  	v3 =	vor.u32 v3, v4  }
0x21d: {  	v4 =	vperm.xlane v3, v0;
	_ =	sdelay $0x1  }
0x21e: {  	v4 =	vadd.s32 v1, v4;
	_ =	sdelay $0x1  }
0x21f: {  	v3 =	vperm.xlane v3, v2;
	_ =	sdelay $0x1  }
0x220: {  	s17 =	simm.s32 $0xE100;
	v3 =	vadd.s32 v1, v3  }
0x221: {  	[tilespmem:s17], [sflag:$0x3] =	stream.indirect_vreg.gather [hbm4b:s1+s3], $0x80, v4, vm0, $0xb8;
	[tilespmem:$0x1D100] =	vst v63  }
0x222: {  	s17 =	simm.s32 $0xE900  }
0x223: {  	[tilespmem:s17], [sflag:$0x3] =	stream.indirect_vreg.gather [hbm4b:s8+s3], $0x80, v4, vm1, $0xb8;
	[tilespmem:$0x1D100] =	vst v63  }
0x224: {  	s17 =	simm.s32 $0xED00  }
0x225: {  	[tilespmem:s17], [sflag:$0x3] =	stream.indirect_vreg.gather [hbm4b:s1+s3], $0x80, v3, vm0, $0xb8;
	[tilespmem:$0x1D100] =	vst v63  }
0x226: {  	s17 =	simm.s32 $0xF500  }
0x227: {  	[tilespmem:s17], [sflag:$0x3] =	stream.indirect_vreg.gather [hbm4b:s8+s3], $0x80, v3, vm1, $0xb8;
	[tilespmem:$0x1D100] =	vst v63  }
0x228: {  	v3 =	vld [tilespmem:s0+$0x0];
	_ =	sdelay $0x4  }
0x229: {  	v59 =	vshrl.u32 v3, $0x3  }
0x22a: {  	v4 =	vmul.u32 $0x18, v59  }
0x22b: {  	v3 =	vand.u32 $0x7, v3  }
0x22c: {  	v3 =	vor.u32 v3, v4  }
0x22d: {  	v4 =	vperm.xlane v3, v0;
	_ =	sdelay $0x1  }
0x22e: {  	v4 =	vadd.s32 v1, v4;
	_ =	sdelay $0x1  }
0x22f: {  	v3 =	vperm.xlane v3, v2;
	_ =	sdelay $0x1  }
0x230: {  	s17 =	simm.s32 $0xF900;
	v3 =	vadd.s32 v1, v3  }
0x231: {  	[tilespmem:s17], [sflag:$0x3] =	stream.indirect_vreg.gather [hbm4b:s1+s3], $0x80, v4, vm0, $0xb8;
	[tilespmem:$0x1D100] =	vst v63  }
0x232: {  	s17 =	simm.s32 $0x10100  }
0x233: {  	[tilespmem:s17], [sflag:$0x3] =	stream.indirect_vreg.gather [hbm4b:s8+s3], $0x80, v4, vm1, $0xb8;
	[tilespmem:$0x1D100] =	vst v63  }
0x234: {  	s17 =	simm.s32 $0x10500  }
0x235: {  	[tilespmem:s17], [sflag:$0x3] =	stream.indirect_vreg.gather [hbm4b:s1+s3], $0x80, v3, vm0, $0xb8;
	[tilespmem:$0x1D100] =	vst v63  }
0x236: {  	s17 =	simm.s32 $0x10D00  }
0x237: {  	[tilespmem:s17], [sflag:$0x3] =	stream.indirect_vreg.gather [hbm4b:s8+s3], $0x80, v3, vm1, $0xb8;
	[tilespmem:$0x1D100] =	vst v63  }
0x238: {  	_ =	swait.ge [sflag:s29], $0x6000  }
0x239: {  	[sflag:s29] =	ssyncset.done $0x0  }
0x23a: {  	[sflag:s29] =	ssyncadd.s32 $0xFFFFA000  }
0x23b: {  	v3 =	vld [tilespmem:s30+$0xFFFFFFD0];
	_ =	sdelay $0x4  }
0x23c: {  	v60 =	vshrl.u32 v3, $0x3  }
0x23d: {  	v4 =	vmul.u32 $0x18, v60  }
0x23e: {  	v3 =	vand.u32 $0x7, v3  }
0x23f: {  	v3 =	vor.u32 v3, v4  }
0x240: {  	v4 =	vperm.xlane v3, v0;
	_ =	sdelay $0x1  }
0x241: {  	v4 =	vadd.s32 v1, v4;
	_ =	sdelay $0x1  }
0x242: {  	v3 =	vperm.xlane v3, v2;
	_ =	sdelay $0x1  }
0x243: {  	v3 =	vadd.s32 v1, v3  }
0x244: {  	[tilespmem:s25], [sflag:$0x4] =	stream.indirect_vreg.gather [hbm4b:s1+s3], $0x80, v4, vm0, $0xb8;
	[tilespmem:$0x1D100] =	vst v63  }
0x245: {  	s17 =	simm.s32 $0x17900  }
0x246: {  	[tilespmem:s17], [sflag:$0x4] =	stream.indirect_vreg.gather [hbm4b:s8+s3], $0x80, v4, vm1, $0xb8;
	[tilespmem:$0x1D100] =	vst v63  }
0x247: {  	s17 =	simm.s32 $0x17D00  }
0x248: {  	[tilespmem:s17], [sflag:$0x4] =	stream.indirect_vreg.gather [hbm4b:s1+s3], $0x80, v3, vm0, $0xb8;
	[tilespmem:$0x1D100] =	vst v63  }
0x249: {  	s17 =	simm.s32 $0x18500  }
0x24a: {  	[tilespmem:s17], [sflag:$0x4] =	stream.indirect_vreg.gather [hbm4b:s8+s3], $0x80, v3, vm1, $0xb8;
	[tilespmem:$0x1D100] =	vst v63  }
0x24b: {  	v3 =	vld [tilespmem:s30+$0xFFFFFFE0];
	_ =	sdelay $0x4  }
0x24c: {  	v61 =	vshrl.u32 v3, $0x3  }
0x24d: {  	v4 =	vmul.u32 $0x18, v61  }
0x24e: {  	v3 =	vand.u32 $0x7, v3  }
0x24f: {  	v3 =	vor.u32 v3, v4  }
0x250: {  	v4 =	vperm.xlane v3, v0;
	_ =	sdelay $0x1  }
0x251: {  	v4 =	vadd.s32 v1, v4;
	_ =	sdelay $0x1  }
0x252: {  	v3 =	vperm.xlane v3, v2;
	_ =	sdelay $0x1  }
0x253: {  	s17 =	simm.s32 $0x18900;
	v3 =	vadd.s32 v1, v3  }
0x254: {  	[tilespmem:s17], [sflag:$0x4] =	stream.indirect_vreg.gather [hbm4b:s1+s3], $0x80, v4, vm0, $0xb8;
	[tilespmem:$0x1D100] =	vst v63  }
0x255: {  	s17 =	simm.s32 $0x19100  }
0x256: {  	[tilespmem:s17], [sflag:$0x4] =	stream.indirect_vreg.gather [hbm4b:s8+s3], $0x80, v4, vm1, $0xb8;
	[tilespmem:$0x1D100] =	vst v63  }
0x257: {  	s17 =	simm.s32 $0x19500  }
0x258: {  	[tilespmem:s17], [sflag:$0x4] =	stream.indirect_vreg.gather [hbm4b:s1+s3], $0x80, v3, vm0, $0xb8;
	[tilespmem:$0x1D100] =	vst v63  }
0x259: {  	s17 =	simm.s32 $0x19D00  }
0x25a: {  	[tilespmem:s17], [sflag:$0x4] =	stream.indirect_vreg.gather [hbm4b:s8+s3], $0x80, v3, vm1, $0xb8;
	[tilespmem:$0x1D100] =	vst v63  }
0x25b: {  	v3 =	vld [tilespmem:s30+$0xFFFFFFF0];
	_ =	sdelay $0x4  }
0x25c: {  	v62 =	vshrl.u32 v3, $0x3  }
0x25d: {  	v4 =	vmul.u32 $0x18, v62  }
0x25e: {  	v3 =	vand.u32 $0x7, v3  }
0x25f: {  	v3 =	vor.u32 v3, v4  }
0x260: {  	v4 =	vperm.xlane v3, v0;
	_ =	sdelay $0x1  }
0x261: {  	v4 =	vadd.s32 v1, v4;
	_ =	sdelay $0x1  }
0x262: {  	v3 =	vperm.xlane v3, v2;
	_ =	sdelay $0x1  }
0x263: {  	s17 =	simm.s32 $0x1A100;
	v3 =	vadd.s32 v1, v3  }
0x264: {  	[tilespmem:s17], [sflag:$0x4] =	stream.indirect_vreg.gather [hbm4b:s1+s3], $0x80, v4, vm0, $0xb8;
	[tilespmem:$0x1D100] =	vst v63  }
0x265: {  	s17 =	simm.s32 $0x1A900  }
0x266: {  	[tilespmem:s17], [sflag:$0x4] =	stream.indirect_vreg.gather [hbm4b:s8+s3], $0x80, v4, vm1, $0xb8;
	[tilespmem:$0x1D100] =	vst v63  }
0x267: {  	_ = 	snop  }
0x268: {  	[tilespmem:s19], [sflag:$0x4] =	stream.indirect_vreg.gather [hbm4b:s1+s3], $0x80, v3, vm0, $0xb8;
	[tilespmem:$0x1D100] =	vst v63  }
0x269: {  	_ = 	snop  }
0x26a: {  	[tilespmem:s7], [sflag:$0x4] =	stream.indirect_vreg.gather [hbm4b:s8+s3], $0x80, v3, vm1, $0xb8;
	[tilespmem:$0x1D100] =	vst v63  }
0x26b: {  	v3 =	vld [tilespmem:s30+$0x0];
	_ =	sdelay $0x4  }
0x26c: {  	v63 =	vshrl.u32 v3, $0x3  }
0x26d: {  	v4 =	vmul.u32 $0x18, v63  }
0x26e: {  	v3 =	vand.u32 $0x7, v3  }
0x26f: {  	v3 =	vor.u32 v3, v4  }
0x270: {  	v4 =	vperm.xlane v3, v0;
	_ =	sdelay $0x1  }
0x271: {  	v4 =	vadd.s32 v1, v4;
	_ =	sdelay $0x2  }
0x272: {  	v3 =	vperm.xlane v3, v2;
	_ =	sdelay $0x1  }
0x273: {  	v3 =	vadd.s32 v1, v3;
	[tilespmem:s9], [sflag:$0x4] =	stream.indirect_vreg.gather [hbm4b:s1+s3], $0x80, v4, vm0, $0xb8;
	[tilespmem:$0x1D100] =	vst v63  }
0x274: {  	_ = 	snop  }
0x275: {  	[tilespmem:s21], [sflag:$0x4] =	stream.indirect_vreg.gather [hbm4b:s8+s3], $0x80, v4, vm1, $0xb8;
	[tilespmem:$0x1D100] =	vst v63  }
.Ltmp3:
0x276: {  	_ = 	snop;
	(pc) =	sbr.rel .LBB2_2-.Ltmp3, $4  }
0x277: {  	_ = 	snop  }
0x278: {  	[tilespmem:s10], [sflag:$0x4] =	stream.indirect_vreg.gather [hbm4b:s1+s3], $0x80, v3, vm0, $0xb8;
	[tilespmem:$0x1D100] =	vst v63  }
0x279: {  	s2 =	sadd.s32 $0x1800, s2;
	s0 =	sadd.s32 $0x100, s0;
	s30 =	sadd.s32 $0x100, s30  }
0x27a: {  	[tilespmem:s11], [sflag:$0x4] =	stream.indirect_vreg.gather [hbm4b:s8+s3], $0x80, v3, vm1, $0xb8;
	[tilespmem:$0x1D100] =	vst v63  }
.LBB2_5:
0x27b: {  	_ =	sfence.sel $0x180000  }
0x27c: {  	[bflag:$0x0] =	sbarrier.arrive $0xFFFF  }
0x27d: {  	_ =	strace $0x90000047  }
0x27e: {  	s0 =	stileid.u32;
	[bflag:$0x2] =	sbarrier.arrive $0xFFFF  }
0x27f: {  	p0 =	sne.s32 s0, $0x0;
	s0 =	rddreg [dreg:$0x3]  }
0x280: {  	s0 =	sadd.s32 @!p0 $0x100000, s0  }
0x281: {  	[sflag:s0] =	ssyncadd.tile.s32 @!p0 $0x1;
	_ =	shalt  }
.Lfunc_end2:
_tile_overlayer_lowered:
.L_overlay_start_2:
0x282: {  	(tag) =	ssettag $0x2  }
0x283: {  	s0 =	rddreg [dreg:$0x0];
	s2 =	stileid.u32  }
0x284: {  	s1 =	rddreg [dreg:$0x1];
	p0 =	sne.s32 s2, $0x0  }
0x285: {  	s3 =	rddreg [dreg:$0x2];
	[bflag:$0x3] =	sbarrier.arrive $0xFFFF;
	s2 =	simm.s32 @!p0 $0x1C09  }
0x286: {  	[timem:s3], [sflag:s2] =	dma.local @!p0 [hbm:s0], s1  }
0x287: {  	s0 =	simm.s32 @!p0 $0x9  }
0x288: {  	_ =	swait.ge @!p0 [sflag:s0], s1  }
0x289: {  	s1 =	ssub.s32 @!p0 $0x0, s1;
	[sflag:s0] =	ssyncset.done @!p0 $0x0  }
0x28a: {  	[sflag:s0] =	ssyncadd.s32 @!p0 s1  }
0x28b: {  	[bflag:$0x3] =	sbarrier.arrive $0xFFFF  }
0x28c: {  	_ =	shalt  }

</sc_bundles>
